<compile_context>
chip_gen: v7x
topology: tpu7x:2x2x1
jax: 0.10.2.dev20260603
libtpu: 0.0.44.dev20260713+nightly
codegen_flags: <defaults>
</compile_context>

<pallas_src>
import functools

import jax
import jax.numpy as jnp
from jax import lax
from jax.experimental import pallas as pl
from jax.experimental.pallas import tpu as pltpu
from jax.experimental.pallas import tpu_sc as plsc

_N = 10000
_E = 320000
_H = 128
_L = 3

_NC = 2
_NS = 16
_NW = _NC * _NS
_EPT = _E // _NW
_K = 125
_NCHUNK = _EPT // _K
_ZR = 16
_NZCH = _N // _ZR


def _sc_agg_body(pe_hbm, h_hbm, out_hbm,
                 pi0, pi1, s0_v, d0_v, s1_v, d1_v, rows0, rows1, zbuf,
                 semi0, semi1, sem0, sem1, acc_sh):
    c = lax.axis_index("c")
    s = lax.axis_index("s")
    wid = s * _NC + c

    def _unp(pi, sv, dv):
        for g in range(-(-_K // 16)):
            lo = min(g * 16, _K - 16)
            sl = pl.ds(lo, 16)
            v = pi[sl]
            sv[sl] = lax.bitwise_and(v, 0xFFFF)
            dv[sl] = lax.shift_right_logical(v, 16)

    def _zrow(r, carry):
        for j in range(_H // 16):
            zbuf[r, pl.ds(j * 16, 16)] = jnp.zeros((16,), jnp.float32)
        return carry
    lax.fori_loop(0, _ZR, _zrow, 0)

    nj = jnp.where(s < _NZCH % _NS, _NZCH // _NS + 1, _NZCH // _NS)

    def _zchunk(j, carry):
        off = (s + _NS * j) * _ZR
        pltpu.sync_copy(zbuf, acc_sh.at[pl.ds(off, _ZR)])
        return carry
    lax.fori_loop(0, nj, _zchunk, 0)
    plsc.subcore_barrier()

    pltpu.sync_copy(pe_hbm.at[wid].at[0], pi0)
    _unp(pi0, s0_v, d0_v)
    pltpu.async_copy(h_hbm.at[s0_v], rows0, sem0)
    pltpu.async_copy(pe_hbm.at[wid].at[1], pi1, semi1)

    def _pair(i, carry):
        b = i * 2
        pltpu.make_async_copy(pe_hbm.at[wid].at[0], pi1, semi1).wait()
        _unp(pi1, s1_v, d1_v)
        pltpu.async_copy(h_hbm.at[s1_v], rows1, sem1)
        pltpu.async_copy(pe_hbm.at[wid].at[b + 2], pi0, semi0)
        pltpu.make_async_copy(h_hbm.at[s0_v], rows0, sem0).wait()
        pltpu.sync_copy(rows0, acc_sh.at[d0_v], add=True)
        pltpu.make_async_copy(pe_hbm.at[wid].at[0], pi0, semi0).wait()
        _unp(pi0, s0_v, d0_v)
        pltpu.async_copy(h_hbm.at[s0_v], rows0, sem0)
        pltpu.async_copy(pe_hbm.at[wid].at[b + 3], pi1, semi1)
        pltpu.make_async_copy(h_hbm.at[s1_v], rows1, sem1).wait()
        pltpu.sync_copy(rows1, acc_sh.at[d1_v], add=True)
        return carry
    lax.fori_loop(0, _NCHUNK // 2 - 1, _pair, 0)

    pltpu.make_async_copy(pe_hbm.at[wid].at[0], pi1, semi1).wait()
    _unp(pi1, s1_v, d1_v)
    pltpu.async_copy(h_hbm.at[s1_v], rows1, sem1)
    pltpu.make_async_copy(h_hbm.at[s0_v], rows0, sem0).wait()
    pltpu.sync_copy(rows0, acc_sh.at[d0_v], add=True)
    pltpu.make_async_copy(h_hbm.at[s1_v], rows1, sem1).wait()
    pltpu.sync_copy(rows1, acc_sh.at[d1_v], add=True)

    plsc.subcore_barrier()

    def _wchunk(j, carry):
        off = (s + _NS * j) * _ZR
        pltpu.sync_copy(acc_sh.at[pl.ds(off, _ZR)],
                        out_hbm.at[c].at[pl.ds(off, _ZR)])
        return carry
    lax.fori_loop(0, nj, _wchunk, 0)


@functools.cache
def _make_sc_agg():
    return pl.kernel(
        _sc_agg_body,
        out_type=jax.ShapeDtypeStruct((_NC, _N, _H), jnp.float32),
        mesh=plsc.VectorSubcoreMesh(
            core_axis_name="c", subcore_axis_name="s",
            num_cores=_NC, num_subcores=_NS),
        scratch_types=[
            pltpu.VMEM((_K,), jnp.int32),
            pltpu.VMEM((_K,), jnp.int32),
            pltpu.VMEM((_K,), jnp.int32),
            pltpu.VMEM((_K,), jnp.int32),
            pltpu.VMEM((_K,), jnp.int32),
            pltpu.VMEM((_K,), jnp.int32),
            pltpu.VMEM((_K, _H), jnp.float32),
            pltpu.VMEM((_K, _H), jnp.float32),
            pltpu.VMEM((_ZR, _H), jnp.float32),
            pltpu.SemaphoreType.DMA,
            pltpu.SemaphoreType.DMA,
            pltpu.SemaphoreType.DMA,
            pltpu.SemaphoreType.DMA,
            pltpu.VMEM_SHARED((_N, _H), jnp.float32),
        ],
    )


def _sc_agg(pe, h):
    return _make_sc_agg()(pe, h)


def _emb_body(x_ref, emb_ref, o_ref):
    xv = x_ref[...]
    e0 = emb_ref[0:1, :]
    e1 = emb_ref[1:2, :]
    o_ref[...] = jnp.where(xv == 1, e1, e0)


def _emb_lookup(x2d, emb):
    return pl.pallas_call(
        _emb_body,
        out_shape=jax.ShapeDtypeStruct((_N, _H), jnp.float32),
    )(x2d, emb)


def _layer_body(h_ref, a_ref, w1_ref, w2_ref, g1_ref, b1_ref, g2_ref, b2_ref,
                o_ref):
    z = h_ref[...] + a_ref[0] + a_ref[1]
    z = jnp.dot(z, w1_ref[...], preferred_element_type=jnp.float32)
    mu = jnp.mean(z, axis=0, keepdims=True)
    var = jnp.mean((z - mu) * (z - mu), axis=0, keepdims=True)
    z = (z - mu) / jnp.sqrt(var + 1e-5) * g1_ref[...] + b1_ref[...]
    z = jnp.maximum(z, 0.0)
    z = jnp.dot(z, w2_ref[...], preferred_element_type=jnp.float32)
    mu = jnp.mean(z, axis=0, keepdims=True)
    var = jnp.mean((z - mu) * (z - mu), axis=0, keepdims=True)
    z = (z - mu) / jnp.sqrt(var + 1e-5) * g2_ref[...] + b2_ref[...]
    o_ref[...] = jnp.where(z > 0.0, z, jnp.exp(jnp.minimum(z, 0.0)) - 1.0)


def _layer(h, agg, w1, w2, g1, b1, g2, b2):
    return pl.pallas_call(
        _layer_body,
        out_shape=jax.ShapeDtypeStruct((_N, _H), jnp.float32),
    )(h, agg, w1, w2, g1, b1, g2, b2)


def _readout_body(h0_ref, h1_ref, h2_ref, h3_ref, wr1_ref, br1_ref, wr2_ref,
                  br2_ref, o_ref):
    acc = jnp.dot(h0_ref[...], wr1_ref[0], preferred_element_type=jnp.float32)
    acc += jnp.dot(h1_ref[...], wr1_ref[1], preferred_element_type=jnp.float32)
    acc += jnp.dot(h2_ref[...], wr1_ref[2], preferred_element_type=jnp.float32)
    acc += jnp.dot(h3_ref[...], wr1_ref[3], preferred_element_type=jnp.float32)
    acc = jnp.maximum(acc + br1_ref[...], 0.0)
    o_ref[...] = jnp.dot(acc, wr2_ref[...], preferred_element_type=jnp.float32) + br2_ref[...]


def _readout(h0, h1, h2, h3, wr1, br1, wr2, br2):
    blk = _N // 10
    row_spec = pl.BlockSpec((blk, _H), lambda i: (i, 0))
    return pl.pallas_call(
        _readout_body,
        grid=(10,),
        in_specs=[row_spec, row_spec, row_spec, row_spec,
                  pl.BlockSpec((_L + 1, _H, _H), lambda i: (0, 0, 0)),
                  pl.BlockSpec((1, _H), lambda i: (0, 0)),
                  pl.BlockSpec((_H, 1), lambda i: (0, 0)),
                  pl.BlockSpec((1, 1), lambda i: (0, 0))],
        out_specs=pl.BlockSpec((blk, 1), lambda i: (i, 0)),
        out_shape=jax.ShapeDtypeStruct((_N, 1), jnp.float32),
    )(h0, h1, h2, h3, wr1, br1, wr2, br2)


def kernel(x, edge_index, emb, W1, W2, bn1_g, bn1_b, bn2_g, bn2_b,
           Wr1, br1, Wr2, br2):
    x2d = x.astype(jnp.int32).reshape(_N, 1)
    src = edge_index[0].astype(jnp.int32)
    dst = edge_index[1].astype(jnp.int32)
    pe = (src | (dst << 16)).reshape(_NW, _NCHUNK, _K)

    h = _emb_lookup(x2d, emb)
    hidden = [h]
    for i in range(_L):
        agg = _sc_agg(pe, h)
        h = _layer(h, agg, W1[i], W2[i],
                   bn1_g[i:i + 1], bn1_b[i:i + 1],
                   bn2_g[i:i + 1], bn2_b[i:i + 1])
        hidden.append(h)

    wr1 = Wr1.reshape(_L + 1, _H, _H)
    return _readout(hidden[0], hidden[1], hidden[2], hidden[3],
                    wr1, br1.reshape(1, _H), Wr2, br2.reshape(1, 1))

# --- scband reference (transcript-rebuilt; emitter-appended) ---
"""Pipeline reference for scband-gnnmodel-1623497638198 (READ-ONLY COPY).

The authoritative reference and input builder live on the scoring server;
editing this copy changes nothing except your own understanding.
"""

import jax, jax.numpy as jnp
import numpy as np

N = 10000
E = 320000
H = 128
L = 3
VOCAB = 2

def setup_inputs(seed: int = 0):
    key = jax.random.key(seed)
    ks = jax.random.split(key, 16)
    x = jax.random.randint(ks[0], (N,), 0, VOCAB)
    edge_index = jax.random.randint(ks[1], (2, E), 0, N)
    emb = jax.random.normal(ks[2], (VOCAB, H), dtype=jnp.float32) * 0.05
    W1 = jax.random.normal(ks[3], (L, H, H), dtype=jnp.float32) * 0.05
    W2 = jax.random.normal(ks[4], (L, H, H), dtype=jnp.float32) * 0.05
    bn1_g = jnp.ones((L, H), jnp.float32)
    bn1_b = jnp.zeros((L, H), jnp.float32)
    bn2_g = jnp.ones((L, H), jnp.float32)
    bn2_b = jnp.zeros((L, H), jnp.float32)
    Wr1 = jax.random.normal(ks[5], ((L + 1) * H, H), dtype=jnp.float32) * 0.05
    br1 = jnp.zeros((H,), jnp.float32)
    Wr2 = jax.random.normal(ks[6], (H, 1), dtype=jnp.float32) * 0.05
    br2 = jnp.zeros((1,), jnp.float32)
    return {"x": x, "edge_index": edge_index, "emb": emb, "W1": W1, "W2": W2, "bn1_g": bn1_g, "bn1_b": bn1_b, "bn2_g": bn2_g, "bn2_b": bn2_b, "Wr1": Wr1, "br1": br1, "Wr2": Wr2, "br2": br2}

def _bn(h, g, b):
    mu = jnp.mean(h, axis=0)
    var = jnp.var(h, axis=0)
    return (h - mu) / jnp.sqrt(var + 1e-5) * g + b

def reference(x, edge_index, emb, W1, W2, bn1_g, bn1_b, bn2_g, bn2_b, Wr1, br1, Wr2, br2):
    src = edge_index[0]
    dst = edge_index[1]
    h = emb[x]
    hidden_rep = [h]
    for i in range(L):
        agg = jnp.zeros_like(h).at[dst].add(h[src])
        z = h + agg  # GINConv with eps=0: (1+eps)*x + sum_neighbors
        z = z @ W1[i]
        z = jax.nn.relu(_bn(z, bn1_g[i], bn1_b[i]))
        z = z @ W2[i]
        z = _bn(z, bn2_g[i], bn2_b[i])
        h = jax.nn.elu(z)
        hidden_rep.append(h)
    cat = jnp.concatenate(hidden_rep, axis=-1)
    out = jax.nn.relu(cat @ Wr1 + br1) @ Wr2 + br2
    return out

if __name__ == "__main__":
    import jax
    _d = setup_inputs()
    print(jax.jit(kernel)(*tuple(_d.values())))

</pallas_src>

<mosaic_0001>
#map = affine_map<(d0, d1) -> (0, 0, 0)>
#map1 = affine_map<(d0, d1) -> (0, 0)>
module attributes {stable_mosaic.version = 14 : i64} {
  func.func @_sc_agg_body(%arg0: i32, %arg1: i32, %arg2: memref<32x80x125xi32, #tpu.memory_space<hbm>>, %arg3: memref<10000x128xf32, #tpu.memory_space<hbm>>, %arg4: memref<2x10000x128xf32, #tpu.memory_space<hbm>>, %arg5: memref<125xi32, #tpu.memory_space<vmem>>, %arg6: memref<125xi32, #tpu.memory_space<vmem>>, %arg7: memref<125xi32, #tpu.memory_space<vmem>>, %arg8: memref<125xi32, #tpu.memory_space<vmem>>, %arg9: memref<125xi32, #tpu.memory_space<vmem>>, %arg10: memref<125xi32, #tpu.memory_space<vmem>>, %arg11: memref<125x128xf32, #tpu.memory_space<vmem>>, %arg12: memref<125x128xf32, #tpu.memory_space<vmem>>, %arg13: memref<16x128xf32, #tpu.memory_space<vmem>>, %arg14: memref<!tpu.dma_semaphore, #tpu.memory_space<semaphore_mem>>, %arg15: memref<!tpu.dma_semaphore, #tpu.memory_space<semaphore_mem>>, %arg16: memref<!tpu.dma_semaphore, #tpu.memory_space<semaphore_mem>>, %arg17: memref<!tpu.dma_semaphore, #tpu.memory_space<semaphore_mem>>, %arg18: memref<10000x128xf32, #tpu.memory_space<vmem_shared>>) attributes {dimension_semantics = [#tpu.dimension_semantics<core_parallel>, #tpu.dimension_semantics<subcore_parallel>], iteration_bounds = array<i64: 2, 16>, scalar_prefetch = 0 : i64, scratch_operands = 14 : i64, tpu.core_type = #tpu.core_type<sc_vector_subcore>, window_params = [{transform_indices = #map}, {transform_indices = #map1}, {transform_indices = #map}]} {
    %mul3A = arith.constant 2 : i32
    %mul3A_0 = arith.muli %arg1, %mul3A : i32
    %add3A = arith.addi %mul3A_0, %arg0 : i32
    %scan3A = arith.constant 0 : i32
    %scan3A_1 = arith.constant 0 : i32
    %scan3A_2 = arith.constant 16 : i32
    %scan3A_3 = arith.addi %scan3A_1, %scan3A_2 : i32
    %scan3A_4 = arith.constant 1 : i32
    scf.for %scan3A_342 = %scan3A_1 to %scan3A_3 step %scan3A_4  : i32 {
      %broadcast_in_dim3A = arith.constant 0.000000e+00 : f32
      %broadcast_in_dim3A_343 = vector.broadcast %broadcast_in_dim3A : f32 to vector<16xf32>
      %swap3A_344 = arith.index_cast %scan3A_342 : i32 to index
      %swap3A_345 = arith.constant 0 : index
      %swap3A_346 = tpu.vector_load %arg13[%swap3A_344, %swap3A_345] {strides = array<i32>} : memref<16x128xf32, #tpu.memory_space<vmem>>, vector<1x16xf32>,
      %swap3A_347 = vector.shape_cast %swap3A_346 : vector<1x16xf32> to vector<16xf32>
      %swap3A_348 = vector.shape_cast %broadcast_in_dim3A_343 : vector<16xf32> to vector<1x16xf32>
      tpu.vector_store %arg13[%swap3A_344, %swap3A_345], %swap3A_348 {strides = array<i32>} : memref<16x128xf32, #tpu.memory_space<vmem>>, vector<1x16xf32>,
      %broadcast_in_dim3A_349 = arith.constant 0.000000e+00 : f32
      %broadcast_in_dim3A_350 = vector.broadcast %broadcast_in_dim3A_349 : f32 to vector<16xf32>
      %swap3A_351 = arith.index_cast %scan3A_342 : i32 to index
      %swap3A_352 = arith.constant 16 : index
      %swap3A_353 = tpu.vector_load %arg13[%swap3A_351, %swap3A_352] {strides = array<i32>} : memref<16x128xf32, #tpu.memory_space<vmem>>, vector<1x16xf32>,
      %swap3A_354 = vector.shape_cast %swap3A_353 : vector<1x16xf32> to vector<16xf32>
      %swap3A_355 = vector.shape_cast %broadcast_in_dim3A_350 : vector<16xf32> to vector<1x16xf32>
      tpu.vector_store %arg13[%swap3A_351, %swap3A_352], %swap3A_355 {strides = array<i32>} : memref<16x128xf32, #tpu.memory_space<vmem>>, vector<1x16xf32>,
      %broadcast_in_dim3A_356 = arith.constant 0.000000e+00 : f32
      %broadcast_in_dim3A_357 = vector.broadcast %broadcast_in_dim3A_356 : f32 to vector<16xf32>
      %swap3A_358 = arith.index_cast %scan3A_342 : i32 to index
      %swap3A_359 = arith.constant 32 : index
      %swap3A_360 = tpu.vector_load %arg13[%swap3A_358, %swap3A_359] {strides = array<i32>} : memref<16x128xf32, #tpu.memory_space<vmem>>, vector<1x16xf32>,
      %swap3A_361 = vector.shape_cast %swap3A_360 : vector<1x16xf32> to vector<16xf32>
      %swap3A_362 = vector.shape_cast %broadcast_in_dim3A_357 : vector<16xf32> to vector<1x16xf32>
      tpu.vector_store %arg13[%swap3A_358, %swap3A_359], %swap3A_362 {strides = array<i32>} : memref<16x128xf32, #tpu.memory_space<vmem>>, vector<1x16xf32>,
      %broadcast_in_dim3A_363 = arith.constant 0.000000e+00 : f32
      %broadcast_in_dim3A_364 = vector.broadcast %broadcast_in_dim3A_363 : f32 to vector<16xf32>
      %swap3A_365 = arith.index_cast %scan3A_342 : i32 to index
      %swap3A_366 = arith.constant 48 : index
      %swap3A_367 = tpu.vector_load %arg13[%swap3A_365, %swap3A_366] {strides = array<i32>} : memref<16x128xf32, #tpu.memory_space<vmem>>, vector<1x16xf32>,
      %swap3A_368 = vector.shape_cast %swap3A_367 : vector<1x16xf32> to vector<16xf32>
      %swap3A_369 = vector.shape_cast %broadcast_in_dim3A_364 : vector<16xf32> to vector<1x16xf32>
      tpu.vector_store %arg13[%swap3A_365, %swap3A_366], %swap3A_369 {strides = array<i32>} : memref<16x128xf32, #tpu.memory_space<vmem>>, vector<1x16xf32>,
      %broadcast_in_dim3A_370 = arith.constant 0.000000e+00 : f32
      %broadcast_in_dim3A_371 = vector.broadcast %broadcast_in_dim3A_370 : f32 to vector<16xf32>
      %swap3A_372 = arith.index_cast %scan3A_342 : i32 to index
      %swap3A_373 = arith.constant 64 : index
      %swap3A_374 = tpu.vector_load %arg13[%swap3A_372, %swap3A_373] {strides = array<i32>} : memref<16x128xf32, #tpu.memory_space<vmem>>, vector<1x16xf32>,
      %swap3A_375 = vector.shape_cast %swap3A_374 : vector<1x16xf32> to vector<16xf32>
      %swap3A_376 = vector.shape_cast %broadcast_in_dim3A_371 : vector<16xf32> to vector<1x16xf32>
      tpu.vector_store %arg13[%swap3A_372, %swap3A_373], %swap3A_376 {strides = array<i32>} : memref<16x128xf32, #tpu.memory_space<vmem>>, vector<1x16xf32>,
      %broadcast_in_dim3A_377 = arith.constant 0.000000e+00 : f32
      %broadcast_in_dim3A_378 = vector.broadcast %broadcast_in_dim3A_377 : f32 to vector<16xf32>
      %swap3A_379 = arith.index_cast %scan3A_342 : i32 to index
      %swap3A_380 = arith.constant 80 : index
      %swap3A_381 = tpu.vector_load %arg13[%swap3A_379, %swap3A_380] {strides = array<i32>} : memref<16x128xf32, #tpu.memory_space<vmem>>, vector<1x16xf32>,
      %swap3A_382 = vector.shape_cast %swap3A_381 : vector<1x16xf32> to vector<16xf32>
      %swap3A_383 = vector.shape_cast %broadcast_in_dim3A_378 : vector<16xf32> to vector<1x16xf32>
      tpu.vector_store %arg13[%swap3A_379, %swap3A_380], %swap3A_383 {strides = array<i32>} : memref<16x128xf32, #tpu.memory_space<vmem>>, vector<1x16xf32>,
      %broadcast_in_dim3A_384 = arith.constant 0.000000e+00 : f32
      %broadcast_in_dim3A_385 = vector.broadcast %broadcast_in_dim3A_384 : f32 to vector<16xf32>
      %swap3A_386 = arith.index_cast %scan3A_342 : i32 to index
      %swap3A_387 = arith.constant 96 : index
      %swap3A_388 = tpu.vector_load %arg13[%swap3A_386, %swap3A_387] {strides = array<i32>} : memref<16x128xf32, #tpu.memory_space<vmem>>, vector<1x16xf32>,
      %swap3A_389 = vector.shape_cast %swap3A_388 : vector<1x16xf32> to vector<16xf32>
      %swap3A_390 = vector.shape_cast %broadcast_in_dim3A_385 : vector<16xf32> to vector<1x16xf32>
      tpu.vector_store %arg13[%swap3A_386, %swap3A_387], %swap3A_390 {strides = array<i32>} : memref<16x128xf32, #tpu.memory_space<vmem>>, vector<1x16xf32>,
      %broadcast_in_dim3A_391 = arith.constant 0.000000e+00 : f32
      %broadcast_in_dim3A_392 = vector.broadcast %broadcast_in_dim3A_391 : f32 to vector<16xf32>
      %swap3A_393 = arith.index_cast %scan3A_342 : i32 to index
      %swap3A_394 = arith.constant 112 : index
      %swap3A_395 = tpu.vector_load %arg13[%swap3A_393, %swap3A_394] {strides = array<i32>} : memref<16x128xf32, #tpu.memory_space<vmem>>, vector<1x16xf32>,
      %swap3A_396 = vector.shape_cast %swap3A_395 : vector<1x16xf32> to vector<16xf32>
      %swap3A_397 = vector.shape_cast %broadcast_in_dim3A_392 : vector<16xf32> to vector<1x16xf32>
      tpu.vector_store %arg13[%swap3A_393, %swap3A_394], %swap3A_397 {strides = array<i32>} : memref<16x128xf32, #tpu.memory_space<vmem>>, vector<1x16xf32>,
    }
    %scan3A_5 = arith.constant 16 : i32
    %lt3A = arith.constant 1 : i32
    %lt3A_6 = arith.cmpi slt, %arg1, %lt3A : i32
    %jit3A = arith.constant 40 : i32
    %jit3A_7 = arith.constant 39 : i32
    %select_n3A = arith.select %lt3A_6, %jit3A, %jit3A_7 : i32
    %while3A = arith.constant 0 : i32
    %while3A_8 = arith.constant 0 : i32
    %while3A_9 = arith.subi %select_n3A, %while3A_8 : i32
    %while3A_10 = arith.addi %while3A_8, %while3A_9 : i32
    %while3A_11 = arith.constant 1 : i32
    %while3A_12 = arith.divsi %while3A_9, %while3A_11 : i32
    %while3A_13 = arith.muli %while3A_12, %while3A_11 : i32
    %while3A_14 = arith.addi %while3A_8, %while3A_13 : i32
    %while3A_15 = arith.constant 1 : i32
    scf.for %while3A_342 = %while3A_8 to %while3A_14 step %while3A_15  : i32 {
      %mul3A_343 = arith.constant 16 : i32
      %mul3A_344 = arith.muli %mul3A_343, %while3A_342 : i32
      %add3A_345 = arith.addi %arg1, %mul3A_344 : i32
      %mul3A_346 = arith.constant 16 : i32
      %mul3A_347 = arith.muli %add3A_345, %mul3A_346 : i32
      "tpu.region"() ({
        %run_scoped3A_348 = tpu.sem_alloc : memref<!tpu.dma_semaphore, #tpu.memory_space<semaphore_mem>>
        %dma_start3A_349 = arith.constant 0 : i32
        %dma_start3A_350 = tpu.memref_slice %arg18[%mul3A_347, %dma_start3A_349] : memref<10000x128xf32, #tpu.memory_space<vmem_shared>> -> memref<16x128xf32, #tpu.memory_space<vmem_shared>>
        %dma_start3A_351 = arith.constant 0 : i32
        %dma_start3A_352 = tpu.memref_slice %arg18[%mul3A_347, %dma_start3A_351] : memref<10000x128xf32, #tpu.memory_space<vmem_shared>> -> memref<16x128xf32, #tpu.memory_space<vmem_shared>>
        tpu.enqueue_dma source(%arg13 : memref<16x128xf32, #tpu.memory_space<vmem>>) target(%dma_start3A_352 : memref<16x128xf32, #tpu.memory_space<vmem_shared>>) target_semaphore(%run_scoped3A_348 : memref<!tpu.dma_semaphore, #tpu.memory_space<semaphore_mem>>)
        %dma_wait3A_353 = arith.constant 0 : i32
        %dma_wait3A_354 = tpu.memref_slice %arg18[%mul3A_347, %dma_wait3A_353] : memref<10000x128xf32, #tpu.memory_space<vmem_shared>> -> memref<16x128xf32, #tpu.memory_space<vmem_shared>>
        %dma_wait3A_355 = arith.constant 0 : i32
        %dma_wait3A_356 = tpu.memref_slice %arg18[%mul3A_347, %dma_wait3A_355] : memref<10000x128xf32, #tpu.memory_space<vmem_shared>> -> memref<16x128xf32, #tpu.memory_space<vmem_shared>>
        tpu.wait_dma2 semaphore(%run_scoped3A_348 : memref<!tpu.dma_semaphore, #tpu.memory_space<semaphore_mem>>) src(%arg13 : memref<16x128xf32, #tpu.memory_space<vmem>>) dst(%dma_wait3A_356 : memref<16x128xf32, #tpu.memory_space<vmem_shared>>)
        tpu.yield
      }) : () -> ()
    }
    %while3A_16 = arith.constant 1 : i32
    scf.for %while3A_342 = %while3A_14 to %while3A_10 step %while3A_16  : i32 {
      %mul3A_343 = arith.constant 16 : i32
      %mul3A_344 = arith.muli %mul3A_343, %while3A_342 : i32
      %add3A_345 = arith.addi %arg1, %mul3A_344 : i32
      %mul3A_346 = arith.constant 16 : i32
      %mul3A_347 = arith.muli %add3A_345, %mul3A_346 : i32
      "tpu.region"() ({
        %run_scoped3A_348 = tpu.sem_alloc : memref<!tpu.dma_semaphore, #tpu.memory_space<semaphore_mem>>
        %dma_start3A_349 = arith.constant 0 : i32
        %dma_start3A_350 = tpu.memref_slice %arg18[%mul3A_347, %dma_start3A_349] : memref<10000x128xf32, #tpu.memory_space<vmem_shared>> -> memref<16x128xf32, #tpu.memory_space<vmem_shared>>
        %dma_start3A_351 = arith.constant 0 : i32
        %dma_start3A_352 = tpu.memref_slice %arg18[%mul3A_347, %dma_start3A_351] : memref<10000x128xf32, #tpu.memory_space<vmem_shared>> -> memref<16x128xf32, #tpu.memory_space<vmem_shared>>
        tpu.enqueue_dma source(%arg13 : memref<16x128xf32, #tpu.memory_space<vmem>>) target(%dma_start3A_352 : memref<16x128xf32, #tpu.memory_space<vmem_shared>>) target_semaphore(%run_scoped3A_348 : memref<!tpu.dma_semaphore, #tpu.memory_space<semaphore_mem>>)
        %dma_wait3A_353 = arith.constant 0 : i32
        %dma_wait3A_354 = tpu.memref_slice %arg18[%mul3A_347, %dma_wait3A_353] : memref<10000x128xf32, #tpu.memory_space<vmem_shared>> -> memref<16x128xf32, #tpu.memory_space<vmem_shared>>
        %dma_wait3A_355 = arith.constant 0 : i32
        %dma_wait3A_356 = tpu.memref_slice %arg18[%mul3A_347, %dma_wait3A_355] : memref<10000x128xf32, #tpu.memory_space<vmem_shared>> -> memref<16x128xf32, #tpu.memory_space<vmem_shared>>
        tpu.wait_dma2 semaphore(%run_scoped3A_348 : memref<!tpu.dma_semaphore, #tpu.memory_space<semaphore_mem>>) src(%arg13 : memref<16x128xf32, #tpu.memory_space<vmem>>) dst(%dma_wait3A_356 : memref<16x128xf32, #tpu.memory_space<vmem_shared>>)
        tpu.yield
      }) : () -> ()
    }
    %barrier3A = arith.constant 0 : index
    tpu.barrier barrier_id(%barrier3A)
    %run_scoped3A = arith.constant 0 : i32
    "tpu.region"() ({
      %run_scoped3A_342 = tpu.sem_alloc : memref<!tpu.dma_semaphore, #tpu.memory_space<semaphore_mem>>
      %dma_start3A_343 = arith.constant 0 : i32
      %dma_start3A_344 = arith.constant 0 : i32
      %dma_start3A_345 = tpu.memref_slice %arg2[%add3A, %dma_start3A_343, %dma_start3A_344] : memref<32x80x125xi32, #tpu.memory_space<hbm>> -> memref<1x80x125xi32, #tpu.memory_space<hbm>>
      %dma_start3A_346 = tpu.memref_squeeze %dma_start3A_345 : memref<1x80x125xi32, #tpu.memory_space<hbm>> -> memref<80x125xi32, #tpu.memory_space<hbm>>
      %dma_start3A_347 = arith.constant 0 : i32
      %dma_start3A_348 = tpu.memref_slice %dma_start3A_346[%run_scoped3A, %dma_start3A_347] : memref<80x125xi32, #tpu.memory_space<hbm>> -> memref<1x125xi32, #tpu.memory_space<hbm>>
      %dma_start3A_349 = tpu.memref_squeeze %dma_start3A_348 : memref<1x125xi32, #tpu.memory_space<hbm>> -> memref<125xi32, #tpu.memory_space<hbm>>
      %dma_start3A_350 = arith.constant 0 : i32
      %dma_start3A_351 = arith.constant 0 : i32
      %dma_start3A_352 = tpu.memref_slice %arg2[%add3A, %dma_start3A_350, %dma_start3A_351] : memref<32x80x125xi32, #tpu.memory_space<hbm>> -> memref<1x80x125xi32, #tpu.memory_space<hbm>>
      %dma_start3A_353 = tpu.memref_squeeze %dma_start3A_352 : memref<1x80x125xi32, #tpu.memory_space<hbm>> -> memref<80x125xi32, #tpu.memory_space<hbm>>
      %dma_start3A_354 = arith.constant 0 : i32
      %dma_start3A_355 = tpu.memref_slice %dma_start3A_353[%run_scoped3A, %dma_start3A_354] : memref<80x125xi32, #tpu.memory_space<hbm>> -> memref<1x125xi32, #tpu.memory_space<hbm>>
      %dma_start3A_356 = tpu.memref_squeeze %dma_start3A_355 : memref<1x125xi32, #tpu.memory_space<hbm>> -> memref<125xi32, #tpu.memory_space<hbm>>
      tpu.enqueue_dma source(%dma_start3A_356 : memref<125xi32, #tpu.memory_space<hbm>>) target(%arg5 : memref<125xi32, #tpu.memory_space<vmem>>) target_semaphore(%run_scoped3A_342 : memref<!tpu.dma_semaphore, #tpu.memory_space<semaphore_mem>>)
      %dma_wait3A_357 = arith.constant 0 : i32
      %dma_wait3A_358 = arith.constant 0 : i32
      %dma_wait3A_359 = tpu.memref_slice %arg2[%add3A, %dma_wait3A_357, %dma_wait3A_358] : memref<32x80x125xi32, #tpu.memory_space<hbm>> -> memref<1x80x125xi32, #tpu.memory_space<hbm>>
      %dma_wait3A_360 = tpu.memref_squeeze %dma_wait3A_359 : memref<1x80x125xi32, #tpu.memory_space<hbm>> -> memref<80x125xi32, #tpu.memory_space<hbm>>
      %dma_wait3A_361 = arith.constant 0 : i32
      %dma_wait3A_362 = tpu.memref_slice %dma_wait3A_360[%run_scoped3A, %dma_wait3A_361] : memref<80x125xi32, #tpu.memory_space<hbm>> -> memref<1x125xi32, #tpu.memory_space<hbm>>
      %dma_wait3A_363 = tpu.memref_squeeze %dma_wait3A_362 : memref<1x125xi32, #tpu.memory_space<hbm>> -> memref<125xi32, #tpu.memory_space<hbm>>
      %dma_wait3A_364 = arith.constant 0 : i32
      %dma_wait3A_365 = arith.constant 0 : i32
      %dma_wait3A_366 = tpu.memref_slice %arg2[%add3A, %dma_wait3A_364, %dma_wait3A_365] : memref<32x80x125xi32, #tpu.memory_space<hbm>> -> memref<1x80x125xi32, #tpu.memory_space<hbm>>
      %dma_wait3A_367 = tpu.memref_squeeze %dma_wait3A_366 : memref<1x80x125xi32, #tpu.memory_space<hbm>> -> memref<80x125xi32, #tpu.memory_space<hbm>>
      %dma_wait3A_368 = arith.constant 0 : i32
      %dma_wait3A_369 = tpu.memref_slice %dma_wait3A_367[%run_scoped3A, %dma_wait3A_368] : memref<80x125xi32, #tpu.memory_space<hbm>> -> memref<1x125xi32, #tpu.memory_space<hbm>>
      %dma_wait3A_370 = tpu.memref_squeeze %dma_wait3A_369 : memref<1x125xi32, #tpu.memory_space<hbm>> -> memref<125xi32, #tpu.memory_space<hbm>>
      tpu.wait_dma2 semaphore(%run_scoped3A_342 : memref<!tpu.dma_semaphore, #tpu.memory_space<semaphore_mem>>) src(%dma_wait3A_370 : memref<125xi32, #tpu.memory_space<hbm>>) dst(%arg5 : memref<125xi32, #tpu.memory_space<vmem>>)
      tpu.yield
    }) : () -> ()
    %get3A = arith.constant 0 : index
    %get3A_17 = tpu.vector_load %arg5[%get3A] {strides = array<i32>} : memref<125xi32, #tpu.memory_space<vmem>>, vector<16xi32>,
    %get3A_18 = vector.shape_cast %get3A_17 : vector<16xi32> to vector<16xi32>
    %and3A = arith.constant 65535 : i32
    %and3A_19 = vector.broadcast %and3A : i32 to vector<16xi32>
    %and3A_20 = arith.andi %get3A_18, %and3A_19 : vector<16xi32>
    %swap3A = arith.constant 0 : index
    %swap3A_21 = tpu.vector_load %arg7[%swap3A] {strides = array<i32>} : memref<125xi32, #tpu.memory_space<vmem>>, vector<16xi32>,
    %swap3A_22 = vector.shape_cast %swap3A_21 : vector<16xi32> to vector<16xi32>
    %swap3A_23 = vector.shape_cast %and3A_20 : vector<16xi32> to vector<16xi32>
    tpu.vector_store %arg7[%swap3A], %swap3A_23 {strides = array<i32>} : memref<125xi32, #tpu.memory_space<vmem>>, vector<16xi32>,
    %shift_right_logical3A = arith.constant 16 : i32
    %shift_right_logical3A_24 = vector.broadcast %shift_right_logical3A : i32 to vector<16xi32>
    %shift_right_logical3A_25 = arith.shrui %get3A_18, %shift_right_logical3A_24 : vector<16xi32>
    %swap3A_26 = arith.constant 0 : index
    %swap3A_27 = tpu.vector_load %arg8[%swap3A_26] {strides = array<i32>} : memref<125xi32, #tpu.memory_space<vmem>>, vector<16xi32>,
    %swap3A_28 = vector.shape_cast %swap3A_27 : vector<16xi32> to vector<16xi32>
    %swap3A_29 = vector.shape_cast %shift_right_logical3A_25 : vector<16xi32> to vector<16xi32>
    tpu.vector_store %arg8[%swap3A_26], %swap3A_29 {strides = array<i32>} : memref<125xi32, #tpu.memory_space<vmem>>, vector<16xi32>,
    %get3A_30 = arith.constant 16 : index
    %get3A_31 = tpu.vector_load %arg5[%get3A_30] {strides = array<i32>} : memref<125xi32, #tpu.memory_space<vmem>>, vector<16xi32>,
    %get3A_32 = vector.shape_cast %get3A_31 : vector<16xi32> to vector<16xi32>
    %and3A_33 = arith.constant 65535 : i32
    %and3A_34 = vector.broadcast %and3A_33 : i32 to vector<16xi32>
    %and3A_35 = arith.andi %get3A_32, %and3A_34 : vector<16xi32>
    %swap3A_36 = arith.constant 16 : index
    %swap3A_37 = tpu.vector_load %arg7[%swap3A_36] {strides = array<i32>} : memref<125xi32, #tpu.memory_space<vmem>>, vector<16xi32>,
    %swap3A_38 = vector.shape_cast %swap3A_37 : vector<16xi32> to vector<16xi32>
    %swap3A_39 = vector.shape_cast %and3A_35 : vector<16xi32> to vector<16xi32>
    tpu.vector_store %arg7[%swap3A_36], %swap3A_39 {strides = array<i32>} : memref<125xi32, #tpu.memory_space<vmem>>, vector<16xi32>,
    %shift_right_logical3A_40 = arith.constant 16 : i32
    %shift_right_logical3A_41 = vector.broadcast %shift_right_logical3A_40 : i32 to vector<16xi32>
    %shift_right_logical3A_42 = arith.shrui %get3A_32, %shift_right_logical3A_41 : vector<16xi32>
    %swap3A_43 = arith.constant 16 : index
    %swap3A_44 = tpu.vector_load %arg8[%swap3A_43] {strides = array<i32>} : memref<125xi32, #tpu.memory_space<vmem>>, vector<16xi32>,
    %swap3A_45 = vector.shape_cast %swap3A_44 : vector<16xi32> to vector<16xi32>
    %swap3A_46 = vector.shape_cast %shift_right_logical3A_42 : vector<16xi32> to vector<16xi32>
    tpu.vector_store %arg8[%swap3A_43], %swap3A_46 {strides = array<i32>} : memref<125xi32, #tpu.memory_space<vmem>>, vector<16xi32>,
    %get3A_47 = arith.constant 32 : index
    %get3A_48 = tpu.vector_load %arg5[%get3A_47] {strides = array<i32>} : memref<125xi32, #tpu.memory_space<vmem>>, vector<16xi32>,
    %get3A_49 = vector.shape_cast %get3A_48 : vector<16xi32> to vector<16xi32>
    %and3A_50 = arith.constant 65535 : i32
    %and3A_51 = vector.broadcast %and3A_50 : i32 to vector<16xi32>
    %and3A_52 = arith.andi %get3A_49, %and3A_51 : vector<16xi32>
    %swap3A_53 = arith.constant 32 : index
    %swap3A_54 = tpu.vector_load %arg7[%swap3A_53] {strides = array<i32>} : memref<125xi32, #tpu.memory_space<vmem>>, vector<16xi32>,
    %swap3A_55 = vector.shape_cast %swap3A_54 : vector<16xi32> to vector<16xi32>
    %swap3A_56 = vector.shape_cast %and3A_52 : vector<16xi32> to vector<16xi32>
    tpu.vector_store %arg7[%swap3A_53], %swap3A_56 {strides = array<i32>} : memref<125xi32, #tpu.memory_space<vmem>>, vector<16xi32>,
    %shift_right_logical3A_57 = arith.constant 16 : i32
    %shift_right_logical3A_58 = vector.broadcast %shift_right_logical3A_57 : i32 to vector<16xi32>
    %shift_right_logical3A_59 = arith.shrui %get3A_49, %shift_right_logical3A_58 : vector<16xi32>
    %swap3A_60 = arith.constant 32 : index
    %swap3A_61 = tpu.vector_load %arg8[%swap3A_60] {strides = array<i32>} : memref<125xi32, #tpu.memory_space<vmem>>, vector<16xi32>,
    %swap3A_62 = vector.shape_cast %swap3A_61 : vector<16xi32> to vector<16xi32>
    %swap3A_63 = vector.shape_cast %shift_right_logical3A_59 : vector<16xi32> to vector<16xi32>
    tpu.vector_store %arg8[%swap3A_60], %swap3A_63 {strides = array<i32>} : memref<125xi32, #tpu.memory_space<vmem>>, vector<16xi32>,
    %get3A_64 = arith.constant 48 : index
    %get3A_65 = tpu.vector_load %arg5[%get3A_64] {strides = array<i32>} : memref<125xi32, #tpu.memory_space<vmem>>, vector<16xi32>,
    %get3A_66 = vector.shape_cast %get3A_65 : vector<16xi32> to vector<16xi32>
    %and3A_67 = arith.constant 65535 : i32
    %and3A_68 = vector.broadcast %and3A_67 : i32 to vector<16xi32>
    %and3A_69 = arith.andi %get3A_66, %and3A_68 : vector<16xi32>
    %swap3A_70 = arith.constant 48 : index
    %swap3A_71 = tpu.vector_load %arg7[%swap3A_70] {strides = array<i32>} : memref<125xi32, #tpu.memory_space<vmem>>, vector<16xi32>,
    %swap3A_72 = vector.shape_cast %swap3A_71 : vector<16xi32> to vector<16xi32>
    %swap3A_73 = vector.shape_cast %and3A_69 : vector<16xi32> to vector<16xi32>
    tpu.vector_store %arg7[%swap3A_70], %swap3A_73 {strides = array<i32>} : memref<125xi32, #tpu.memory_space<vmem>>, vector<16xi32>,
    %shift_right_logical3A_74 = arith.constant 16 : i32
    %shift_right_logical3A_75 = vector.broadcast %shift_right_logical3A_74 : i32 to vector<16xi32>
    %shift_right_logical3A_76 = arith.shrui %get3A_66, %shift_right_logical3A_75 : vector<16xi32>
    %swap3A_77 = arith.constant 48 : index
    %swap3A_78 = tpu.vector_load %arg8[%swap3A_77] {strides = array<i32>} : memref<125xi32, #tpu.memory_space<vmem>>, vector<16xi32>,
    %swap3A_79 = vector.shape_cast %swap3A_78 : vector<16xi32> to vector<16xi32>
    %swap3A_80 = vector.shape_cast %shift_right_logical3A_76 : vector<16xi32> to vector<16xi32>
    tpu.vector_store %arg8[%swap3A_77], %swap3A_80 {strides = array<i32>} : memref<125xi32, #tpu.memory_space<vmem>>, vector<16xi32>,
    %get3A_81 = arith.constant 64 : index
    %get3A_82 = tpu.vector_load %arg5[%get3A_81] {strides = array<i32>} : memref<125xi32, #tpu.memory_space<vmem>>, vector<16xi32>,
    %get3A_83 = vector.shape_cast %get3A_82 : vector<16xi32> to vector<16xi32>
    %and3A_84 = arith.constant 65535 : i32
    %and3A_85 = vector.broadcast %and3A_84 : i32 to vector<16xi32>
    %and3A_86 = arith.andi %get3A_83, %and3A_85 : vector<16xi32>
    %swap3A_87 = arith.constant 64 : index
    %swap3A_88 = tpu.vector_load %arg7[%swap3A_87] {strides = array<i32>} : memref<125xi32, #tpu.memory_space<vmem>>, vector<16xi32>,
    %swap3A_89 = vector.shape_cast %swap3A_88 : vector<16xi32> to vector<16xi32>
    %swap3A_90 = vector.shape_cast %and3A_86 : vector<16xi32> to vector<16xi32>
    tpu.vector_store %arg7[%swap3A_87], %swap3A_90 {strides = array<i32>} : memref<125xi32, #tpu.memory_space<vmem>>, vector<16xi32>,
    %shift_right_logical3A_91 = arith.constant 16 : i32
    %shift_right_logical3A_92 = vector.broadcast %shift_right_logical3A_91 : i32 to vector<16xi32>
    %shift_right_logical3A_93 = arith.shrui %get3A_83, %shift_right_logical3A_92 : vector<16xi32>
    %swap3A_94 = arith.constant 64 : index
    %swap3A_95 = tpu.vector_load %arg8[%swap3A_94] {strides = array<i32>} : memref<125xi32, #tpu.memory_space<vmem>>, vector<16xi32>,
    %swap3A_96 = vector.shape_cast %swap3A_95 : vector<16xi32> to vector<16xi32>
    %swap3A_97 = vector.shape_cast %shift_right_logical3A_93 : vector<16xi32> to vector<16xi32>
    tpu.vector_store %arg8[%swap3A_94], %swap3A_97 {strides = array<i32>} : memref<125xi32, #tpu.memory_space<vmem>>, vector<16xi32>,
    %get3A_98 = arith.constant 80 : index
    %get3A_99 = tpu.vector_load %arg5[%get3A_98] {strides = array<i32>} : memref<125xi32, #tpu.memory_space<vmem>>, vector<16xi32>,
    %get3A_100 = vector.shape_cast %get3A_99 : vector<16xi32> to vector<16xi32>
    %and3A_101 = arith.constant 65535 : i32
    %and3A_102 = vector.broadcast %and3A_101 : i32 to vector<16xi32>
    %and3A_103 = arith.andi %get3A_100, %and3A_102 : vector<16xi32>
    %swap3A_104 = arith.constant 80 : index
    %swap3A_105 = tpu.vector_load %arg7[%swap3A_104] {strides = array<i32>} : memref<125xi32, #tpu.memory_space<vmem>>, vector<16xi32>,
    %swap3A_106 = vector.shape_cast %swap3A_105 : vector<16xi32> to vector<16xi32>
    %swap3A_107 = vector.shape_cast %and3A_103 : vector<16xi32> to vector<16xi32>
    tpu.vector_store %arg7[%swap3A_104], %swap3A_107 {strides = array<i32>} : memref<125xi32, #tpu.memory_space<vmem>>, vector<16xi32>,
    %shift_right_logical3A_108 = arith.constant 16 : i32
    %shift_right_logical3A_109 = vector.broadcast %shift_right_logical3A_108 : i32 to vector<16xi32>
    %shift_right_logical3A_110 = arith.shrui %get3A_100, %shift_right_logical3A_109 : vector<16xi32>
    %swap3A_111 = arith.constant 80 : index
    %swap3A_112 = tpu.vector_load %arg8[%swap3A_111] {strides = array<i32>} : memref<125xi32, #tpu.memory_space<vmem>>, vector<16xi32>,
    %swap3A_113 = vector.shape_cast %swap3A_112 : vector<16xi32> to vector<16xi32>
    %swap3A_114 = vector.shape_cast %shift_right_logical3A_110 : vector<16xi32> to vector<16xi32>
    tpu.vector_store %arg8[%swap3A_111], %swap3A_114 {strides = array<i32>} : memref<125xi32, #tpu.memory_space<vmem>>, vector<16xi32>,
    %get3A_115 = arith.constant 96 : index
    %get3A_116 = tpu.vector_load %arg5[%get3A_115] {strides = array<i32>} : memref<125xi32, #tpu.memory_space<vmem>>, vector<16xi32>,
    %get3A_117 = vector.shape_cast %get3A_116 : vector<16xi32> to vector<16xi32>
    %and3A_118 = arith.constant 65535 : i32
    %and3A_119 = vector.broadcast %and3A_118 : i32 to vector<16xi32>
    %and3A_120 = arith.andi %get3A_117, %and3A_119 : vector<16xi32>
    %swap3A_121 = arith.constant 96 : index
    %swap3A_122 = tpu.vector_load %arg7[%swap3A_121] {strides = array<i32>} : memref<125xi32, #tpu.memory_space<vmem>>, vector<16xi32>,
    %swap3A_123 = vector.shape_cast %swap3A_122 : vector<16xi32> to vector<16xi32>
    %swap3A_124 = vector.shape_cast %and3A_120 : vector<16xi32> to vector<16xi32>
    tpu.vector_store %arg7[%swap3A_121], %swap3A_124 {strides = array<i32>} : memref<125xi32, #tpu.memory_space<vmem>>, vector<16xi32>,
    %shift_right_logical3A_125 = arith.constant 16 : i32
    %shift_right_logical3A_126 = vector.broadcast %shift_right_logical3A_125 : i32 to vector<16xi32>
    %shift_right_logical3A_127 = arith.shrui %get3A_117, %shift_right_logical3A_126 : vector<16xi32>
    %swap3A_128 = arith.constant 96 : index
    %swap3A_129 = tpu.vector_load %arg8[%swap3A_128] {strides = array<i32>} : memref<125xi32, #tpu.memory_space<vmem>>, vector<16xi32>,
    %swap3A_130 = vector.shape_cast %swap3A_129 : vector<16xi32> to vector<16xi32>
    %swap3A_131 = vector.shape_cast %shift_right_logical3A_127 : vector<16xi32> to vector<16xi32>
    tpu.vector_store %arg8[%swap3A_128], %swap3A_131 {strides = array<i32>} : memref<125xi32, #tpu.memory_space<vmem>>, vector<16xi32>,
    %get3A_132 = arith.constant 109 : index
    %get3A_133 = tpu.vector_load %arg5[%get3A_132] {strides = array<i32>} : memref<125xi32, #tpu.memory_space<vmem>>, vector<16xi32>,
    %get3A_134 = vector.shape_cast %get3A_133 : vector<16xi32> to vector<16xi32>
    %and3A_135 = arith.constant 65535 : i32
    %and3A_136 = vector.broadcast %and3A_135 : i32 to vector<16xi32>
    %and3A_137 = arith.andi %get3A_134, %and3A_136 : vector<16xi32>
    %swap3A_138 = arith.constant 109 : index
    %swap3A_139 = tpu.vector_load %arg7[%swap3A_138] {strides = array<i32>} : memref<125xi32, #tpu.memory_space<vmem>>, vector<16xi32>,
    %swap3A_140 = vector.shape_cast %swap3A_139 : vector<16xi32> to vector<16xi32>
    %swap3A_141 = vector.shape_cast %and3A_137 : vector<16xi32> to vector<16xi32>
    tpu.vector_store %arg7[%swap3A_138], %swap3A_141 {strides = array<i32>} : memref<125xi32, #tpu.memory_space<vmem>>, vector<16xi32>,
    %shift_right_logical3A_142 = arith.constant 16 : i32
    %shift_right_logical3A_143 = vector.broadcast %shift_right_logical3A_142 : i32 to vector<16xi32>
    %shift_right_logical3A_144 = arith.shrui %get3A_134, %shift_right_logical3A_143 : vector<16xi32>
    %swap3A_145 = arith.constant 109 : index
    %swap3A_146 = tpu.vector_load %arg8[%swap3A_145] {strides = array<i32>} : memref<125xi32, #tpu.memory_space<vmem>>, vector<16xi32>,
    %swap3A_147 = vector.shape_cast %swap3A_146 : vector<16xi32> to vector<16xi32>
    %swap3A_148 = vector.shape_cast %shift_right_logical3A_144 : vector<16xi32> to vector<16xi32>
    tpu.vector_store %arg8[%swap3A_145], %swap3A_148 {strides = array<i32>} : memref<125xi32, #tpu.memory_space<vmem>>, vector<16xi32>,
    %dma_start3A = arith.constant 0 : i32
    %dma_start3A_149 = arith.constant 0 : i32
    %dma_start3A_150 = tpu.memref_slice %arg3[%dma_start3A, %dma_start3A_149] : memref<10000x128xf32, #tpu.memory_space<hbm>> -> memref<10000x128xf32, #tpu.memory_space<hbm>>
    tpu.enqueue_indirect_dma source(%dma_start3A_150 : memref<10000x128xf32, #tpu.memory_space<hbm>>) target(%arg11 : memref<125x128xf32, #tpu.memory_space<vmem>>) offsets(%arg7 : memref<125xi32, #tpu.memory_space<vmem>>) semaphore(%arg16 : memref<!tpu.dma_semaphore, #tpu.memory_space<semaphore_mem>>)
    %dma_start3A_151 = arith.constant 1 : i32
    %dma_start3A_152 = arith.constant 0 : i32
    %dma_start3A_153 = arith.constant 0 : i32
    %dma_start3A_154 = tpu.memref_slice %arg2[%add3A, %dma_start3A_152, %dma_start3A_153] : memref<32x80x125xi32, #tpu.memory_space<hbm>> -> memref<1x80x125xi32, #tpu.memory_space<hbm>>
    %dma_start3A_155 = tpu.memref_squeeze %dma_start3A_154 : memref<1x80x125xi32, #tpu.memory_space<hbm>> -> memref<80x125xi32, #tpu.memory_space<hbm>>
    %dma_start3A_156 = arith.constant 0 : i32
    %dma_start3A_157 = tpu.memref_slice %dma_start3A_155[%dma_start3A_151, %dma_start3A_156] : memref<80x125xi32, #tpu.memory_space<hbm>> -> memref<1x125xi32, #tpu.memory_space<hbm>>
    %dma_start3A_158 = tpu.memref_squeeze %dma_start3A_157 : memref<1x125xi32, #tpu.memory_space<hbm>> -> memref<125xi32, #tpu.memory_space<hbm>>
    %dma_start3A_159 = arith.constant 0 : i32
    %dma_start3A_160 = arith.constant 0 : i32
    %dma_start3A_161 = tpu.memref_slice %arg2[%add3A, %dma_start3A_159, %dma_start3A_160] : memref<32x80x125xi32, #tpu.memory_space<hbm>> -> memref<1x80x125xi32, #tpu.memory_space<hbm>>
    %dma_start3A_162 = tpu.memref_squeeze %dma_start3A_161 : memref<1x80x125xi32, #tpu.memory_space<hbm>> -> memref<80x125xi32, #tpu.memory_space<hbm>>
    %dma_start3A_163 = arith.constant 0 : i32
    %dma_start3A_164 = tpu.memref_slice %dma_start3A_162[%dma_start3A_151, %dma_start3A_163] : memref<80x125xi32, #tpu.memory_space<hbm>> -> memref<1x125xi32, #tpu.memory_space<hbm>>
    %dma_start3A_165 = tpu.memref_squeeze %dma_start3A_164 : memref<1x125xi32, #tpu.memory_space<hbm>> -> memref<125xi32, #tpu.memory_space<hbm>>
    tpu.enqueue_dma source(%dma_start3A_165 : memref<125xi32, #tpu.memory_space<hbm>>) target(%arg6 : memref<125xi32, #tpu.memory_space<vmem>>) target_semaphore(%arg15 : memref<!tpu.dma_semaphore, #tpu.memory_space<semaphore_mem>>)
    %scan3A_166 = arith.constant 0 : i32
    %scan3A_167 = arith.constant 0 : i32
    %scan3A_168 = arith.constant 39 : i32
    %scan3A_169 = arith.addi %scan3A_167, %scan3A_168 : i32
    %scan3A_170 = arith.constant 1 : i32
    scf.for %scan3A_342 = %scan3A_167 to %scan3A_169 step %scan3A_170  : i32 {
      %mul3A_343 = arith.constant 2 : i32
      %mul3A_344 = arith.muli %scan3A_342, %mul3A_343 : i32
      %dma_wait3A_345 = arith.constant 0 : i32
      %dma_wait3A_346 = arith.constant 0 : i32
      %dma_wait3A_347 = arith.constant 0 : i32
      %dma_wait3A_348 = tpu.memref_slice %arg2[%add3A, %dma_wait3A_346, %dma_wait3A_347] : memref<32x80x125xi32, #tpu.memory_space<hbm>> -> memref<1x80x125xi32, #tpu.memory_space<hbm>>
      %dma_wait3A_349 = tpu.memref_squeeze %dma_wait3A_348 : memref<1x80x125xi32, #tpu.memory_space<hbm>> -> memref<80x125xi32, #tpu.memory_space<hbm>>
      %dma_wait3A_350 = arith.constant 0 : i32
      %dma_wait3A_351 = tpu.memref_slice %dma_wait3A_349[%dma_wait3A_345, %dma_wait3A_350] : memref<80x125xi32, #tpu.memory_space<hbm>> -> memref<1x125xi32, #tpu.memory_space<hbm>>
      %dma_wait3A_352 = tpu.memref_squeeze %dma_wait3A_351 : memref<1x125xi32, #tpu.memory_space<hbm>> -> memref<125xi32, #tpu.memory_space<hbm>>
      %dma_wait3A_353 = arith.constant 0 : i32
      %dma_wait3A_354 = arith.constant 0 : i32
      %dma_wait3A_355 = tpu.memref_slice %arg2[%add3A, %dma_wait3A_353, %dma_wait3A_354] : memref<32x80x125xi32, #tpu.memory_space<hbm>> -> memref<1x80x125xi32, #tpu.memory_space<hbm>>
      %dma_wait3A_356 = tpu.memref_squeeze %dma_wait3A_355 : memref<1x80x125xi32, #tpu.memory_space<hbm>> -> memref<80x125xi32, #tpu.memory_space<hbm>>
      %dma_wait3A_357 = arith.constant 0 : i32
      %dma_wait3A_358 = tpu.memref_slice %dma_wait3A_356[%dma_wait3A_345, %dma_wait3A_357] : memref<80x125xi32, #tpu.memory_space<hbm>> -> memref<1x125xi32, #tpu.memory_space<hbm>>
      %dma_wait3A_359 = tpu.memref_squeeze %dma_wait3A_358 : memref<1x125xi32, #tpu.memory_space<hbm>> -> memref<125xi32, #tpu.memory_space<hbm>>
      tpu.wait_dma2 semaphore(%arg15 : memref<!tpu.dma_semaphore, #tpu.memory_space<semaphore_mem>>) src(%dma_wait3A_359 : memref<125xi32, #tpu.memory_space<hbm>>) dst(%arg6 : memref<125xi32, #tpu.memory_space<vmem>>)
      %get3A_360 = arith.constant 0 : index
      %get3A_361 = tpu.vector_load %arg6[%get3A_360] {strides = array<i32>} : memref<125xi32, #tpu.memory_space<vmem>>, vector<16xi32>,
      %get3A_362 = vector.shape_cast %get3A_361 : vector<16xi32> to vector<16xi32>
      %and3A_363 = arith.constant 65535 : i32
      %and3A_364 = vector.broadcast %and3A_363 : i32 to vector<16xi32>
      %and3A_365 = arith.andi %get3A_362, %and3A_364 : vector<16xi32>
      %swap3A_366 = arith.constant 0 : index
      %swap3A_367 = tpu.vector_load %arg9[%swap3A_366] {strides = array<i32>} : memref<125xi32, #tpu.memory_space<vmem>>, vector<16xi32>,
      %swap3A_368 = vector.shape_cast %swap3A_367 : vector<16xi32> to vector<16xi32>
      %swap3A_369 = vector.shape_cast %and3A_365 : vector<16xi32> to vector<16xi32>
      tpu.vector_store %arg9[%swap3A_366], %swap3A_369 {strides = array<i32>} : memref<125xi32, #tpu.memory_space<vmem>>, vector<16xi32>,
      %shift_right_logical3A_370 = arith.constant 16 : i32
      %shift_right_logical3A_371 = vector.broadcast %shift_right_logical3A_370 : i32 to vector<16xi32>
      %shift_right_logical3A_372 = arith.shrui %get3A_362, %shift_right_logical3A_371 : vector<16xi32>
      %swap3A_373 = arith.constant 0 : index
      %swap3A_374 = tpu.vector_load %arg10[%swap3A_373] {strides = array<i32>} : memref<125xi32, #tpu.memory_space<vmem>>, vector<16xi32>,
      %swap3A_375 = vector.shape_cast %swap3A_374 : vector<16xi32> to vector<16xi32>
      %swap3A_376 = vector.shape_cast %shift_right_logical3A_372 : vector<16xi32> to vector<16xi32>
      tpu.vector_store %arg10[%swap3A_373], %swap3A_376 {strides = array<i32>} : memref<125xi32, #tpu.memory_space<vmem>>, vector<16xi32>,
      %get3A_377 = arith.constant 16 : index
      %get3A_378 = tpu.vector_load %arg6[%get3A_377] {strides = array<i32>} : memref<125xi32, #tpu.memory_space<vmem>>, vector<16xi32>,
      %get3A_379 = vector.shape_cast %get3A_378 : vector<16xi32> to vector<16xi32>
      %and3A_380 = arith.constant 65535 : i32
      %and3A_381 = vector.broadcast %and3A_380 : i32 to vector<16xi32>
      %and3A_382 = arith.andi %get3A_379, %and3A_381 : vector<16xi32>
      %swap3A_383 = arith.constant 16 : index
      %swap3A_384 = tpu.vector_load %arg9[%swap3A_383] {strides = array<i32>} : memref<125xi32, #tpu.memory_space<vmem>>, vector<16xi32>,
      %swap3A_385 = vector.shape_cast %swap3A_384 : vector<16xi32> to vector<16xi32>
      %swap3A_386 = vector.shape_cast %and3A_382 : vector<16xi32> to vector<16xi32>
      tpu.vector_store %arg9[%swap3A_383], %swap3A_386 {strides = array<i32>} : memref<125xi32, #tpu.memory_space<vmem>>, vector<16xi32>,
      %shift_right_logical3A_387 = arith.constant 16 : i32
      %shift_right_logical3A_388 = vector.broadcast %shift_right_logical3A_387 : i32 to vector<16xi32>
      %shift_right_logical3A_389 = arith.shrui %get3A_379, %shift_right_logical3A_388 : vector<16xi32>
      %swap3A_390 = arith.constant 16 : index
      %swap3A_391 = tpu.vector_load %arg10[%swap3A_390] {strides = array<i32>} : memref<125xi32, #tpu.memory_space<vmem>>, vector<16xi32>,
      %swap3A_392 = vector.shape_cast %swap3A_391 : vector<16xi32> to vector<16xi32>
      %swap3A_393 = vector.shape_cast %shift_right_logical3A_389 : vector<16xi32> to vector<16xi32>
      tpu.vector_store %arg10[%swap3A_390], %swap3A_393 {strides = array<i32>} : memref<125xi32, #tpu.memory_space<vmem>>, vector<16xi32>,
      %get3A_394 = arith.constant 32 : index
      %get3A_395 = tpu.vector_load %arg6[%get3A_394] {strides = array<i32>} : memref<125xi32, #tpu.memory_space<vmem>>, vector<16xi32>,
      %get3A_396 = vector.shape_cast %get3A_395 : vector<16xi32> to vector<16xi32>
      %and3A_397 = arith.constant 65535 : i32
      %and3A_398 = vector.broadcast %and3A_397 : i32 to vector<16xi32>
      %and3A_399 = arith.andi %get3A_396, %and3A_398 : vector<16xi32>
      %swap3A_400 = arith.constant 32 : index
      %swap3A_401 = tpu.vector_load %arg9[%swap3A_400] {strides = array<i32>} : memref<125xi32, #tpu.memory_space<vmem>>, vector<16xi32>,
      %swap3A_402 = vector.shape_cast %swap3A_401 : vector<16xi32> to vector<16xi32>
      %swap3A_403 = vector.shape_cast %and3A_399 : vector<16xi32> to vector<16xi32>
      tpu.vector_store %arg9[%swap3A_400], %swap3A_403 {strides = array<i32>} : memref<125xi32, #tpu.memory_space<vmem>>, vector<16xi32>,
      %shift_right_logical3A_404 = arith.constant 16 : i32
      %shift_right_logical3A_405 = vector.broadcast %shift_right_logical3A_404 : i32 to vector<16xi32>
      %shift_right_logical3A_406 = arith.shrui %get3A_396, %shift_right_logical3A_405 : vector<16xi32>
      %swap3A_407 = arith.constant 32 : index
      %swap3A_408 = tpu.vector_load %arg10[%swap3A_407] {strides = array<i32>} : memref<125xi32, #tpu.memory_space<vmem>>, vector<16xi32>,
      %swap3A_409 = vector.shape_cast %swap3A_408 : vector<16xi32> to vector<16xi32>
      %swap3A_410 = vector.shape_cast %shift_right_logical3A_406 : vector<16xi32> to vector<16xi32>
      tpu.vector_store %arg10[%swap3A_407], %swap3A_410 {strides = array<i32>} : memref<125xi32, #tpu.memory_space<vmem>>, vector<16xi32>,
      %get3A_411 = arith.constant 48 : index
      %get3A_412 = tpu.vector_load %arg6[%get3A_411] {strides = array<i32>} : memref<125xi32, #tpu.memory_space<vmem>>, vector<16xi32>,
      %get3A_413 = vector.shape_cast %get3A_412 : vector<16xi32> to vector<16xi32>
      %and3A_414 = arith.constant 65535 : i32
      %and3A_415 = vector.broadcast %and3A_414 : i32 to vector<16xi32>
      %and3A_416 = arith.andi %get3A_413, %and3A_415 : vector<16xi32>
      %swap3A_417 = arith.constant 48 : index
      %swap3A_418 = tpu.vector_load %arg9[%swap3A_417] {strides = array<i32>} : memref<125xi32, #tpu.memory_space<vmem>>, vector<16xi32>,
      %swap3A_419 = vector.shape_cast %swap3A_418 : vector<16xi32> to vector<16xi32>
      %swap3A_420 = vector.shape_cast %and3A_416 : vector<16xi32> to vector<16xi32>
      tpu.vector_store %arg9[%swap3A_417], %swap3A_420 {strides = array<i32>} : memref<125xi32, #tpu.memory_space<vmem>>, vector<16xi32>,
      %shift_right_logical3A_421 = arith.constant 16 : i32
      %shift_right_logical3A_422 = vector.broadcast %shift_right_logical3A_421 : i32 to vector<16xi32>
      %shift_right_logical3A_423 = arith.shrui %get3A_413, %shift_right_logical3A_422 : vector<16xi32>
      %swap3A_424 = arith.constant 48 : index
      %swap3A_425 = tpu.vector_load %arg10[%swap3A_424] {strides = array<i32>} : memref<125xi32, #tpu.memory_space<vmem>>, vector<16xi32>,
      %swap3A_426 = vector.shape_cast %swap3A_425 : vector<16xi32> to vector<16xi32>
      %swap3A_427 = vector.shape_cast %shift_right_logical3A_423 : vector<16xi32> to vector<16xi32>
      tpu.vector_store %arg10[%swap3A_424], %swap3A_427 {strides = array<i32>} : memref<125xi32, #tpu.memory_space<vmem>>, vector<16xi32>,
      %get3A_428 = arith.constant 64 : index
      %get3A_429 = tpu.vector_load %arg6[%get3A_428] {strides = array<i32>} : memref<125xi32, #tpu.memory_space<vmem>>, vector<16xi32>,
      %get3A_430 = vector.shape_cast %get3A_429 : vector<16xi32> to vector<16xi32>
      %and3A_431 = arith.constant 65535 : i32
      %and3A_432 = vector.broadcast %and3A_431 : i32 to vector<16xi32>
      %and3A_433 = arith.andi %get3A_430, %and3A_432 : vector<16xi32>
      %swap3A_434 = arith.constant 64 : index
      %swap3A_435 = tpu.vector_load %arg9[%swap3A_434] {strides = array<i32>} : memref<125xi32, #tpu.memory_space<vmem>>, vector<16xi32>,
      %swap3A_436 = vector.shape_cast %swap3A_435 : vector<16xi32> to vector<16xi32>
      %swap3A_437 = vector.shape_cast %and3A_433 : vector<16xi32> to vector<16xi32>
      tpu.vector_store %arg9[%swap3A_434], %swap3A_437 {strides = array<i32>} : memref<125xi32, #tpu.memory_space<vmem>>, vector<16xi32>,
      %shift_right_logical3A_438 = arith.constant 16 : i32
      %shift_right_logical3A_439 = vector.broadcast %shift_right_logical3A_438 : i32 to vector<16xi32>
      %shift_right_logical3A_440 = arith.shrui %get3A_430, %shift_right_logical3A_439 : vector<16xi32>
      %swap3A_441 = arith.constant 64 : index
      %swap3A_442 = tpu.vector_load %arg10[%swap3A_441] {strides = array<i32>} : memref<125xi32, #tpu.memory_space<vmem>>, vector<16xi32>,
      %swap3A_443 = vector.shape_cast %swap3A_442 : vector<16xi32> to vector<16xi32>
      %swap3A_444 = vector.shape_cast %shift_right_logical3A_440 : vector<16xi32> to vector<16xi32>
      tpu.vector_store %arg10[%swap3A_441], %swap3A_444 {strides = array<i32>} : memref<125xi32, #tpu.memory_space<vmem>>, vector<16xi32>,
      %get3A_445 = arith.constant 80 : index
      %get3A_446 = tpu.vector_load %arg6[%get3A_445] {strides = array<i32>} : memref<125xi32, #tpu.memory_space<vmem>>, vector<16xi32>,
      %get3A_447 = vector.shape_cast %get3A_446 : vector<16xi32> to vector<16xi32>
      %and3A_448 = arith.constant 65535 : i32
      %and3A_449 = vector.broadcast %and3A_448 : i32 to vector<16xi32>
      %and3A_450 = arith.andi %get3A_447, %and3A_449 : vector<16xi32>
      %swap3A_451 = arith.constant 80 : index
      %swap3A_452 = tpu.vector_load %arg9[%swap3A_451] {strides = array<i32>} : memref<125xi32, #tpu.memory_space<vmem>>, vector<16xi32>,
      %swap3A_453 = vector.shape_cast %swap3A_452 : vector<16xi32> to vector<16xi32>
      %swap3A_454 = vector.shape_cast %and3A_450 : vector<16xi32> to vector<16xi32>
      tpu.vector_store %arg9[%swap3A_451], %swap3A_454 {strides = array<i32>} : memref<125xi32, #tpu.memory_space<vmem>>, vector<16xi32>,
      %shift_right_logical3A_455 = arith.constant 16 : i32
      %shift_right_logical3A_456 = vector.broadcast %shift_right_logical3A_455 : i32 to vector<16xi32>
      %shift_right_logical3A_457 = arith.shrui %get3A_447, %shift_right_logical3A_456 : vector<16xi32>
      %swap3A_458 = arith.constant 80 : index
      %swap3A_459 = tpu.vector_load %arg10[%swap3A_458] {strides = array<i32>} : memref<125xi32, #tpu.memory_space<vmem>>, vector<16xi32>,
      %swap3A_460 = vector.shape_cast %swap3A_459 : vector<16xi32> to vector<16xi32>
      %swap3A_461 = vector.shape_cast %shift_right_logical3A_457 : vector<16xi32> to vector<16xi32>
      tpu.vector_store %arg10[%swap3A_458], %swap3A_461 {strides = array<i32>} : memref<125xi32, #tpu.memory_space<vmem>>, vector<16xi32>,
      %get3A_462 = arith.constant 96 : index
      %get3A_463 = tpu.vector_load %arg6[%get3A_462] {strides = array<i32>} : memref<125xi32, #tpu.memory_space<vmem>>, vector<16xi32>,
      %get3A_464 = vector.shape_cast %get3A_463 : vector<16xi32> to vector<16xi32>
      %and3A_465 = arith.constant 65535 : i32
      %and3A_466 = vector.broadcast %and3A_465 : i32 to vector<16xi32>
      %and3A_467 = arith.andi %get3A_464, %and3A_466 : vector<16xi32>
      %swap3A_468 = arith.constant 96 : index
      %swap3A_469 = tpu.vector_load %arg9[%swap3A_468] {strides = array<i32>} : memref<125xi32, #tpu.memory_space<vmem>>, vector<16xi32>,
      %swap3A_470 = vector.shape_cast %swap3A_469 : vector<16xi32> to vector<16xi32>
      %swap3A_471 = vector.shape_cast %and3A_467 : vector<16xi32> to vector<16xi32>
      tpu.vector_store %arg9[%swap3A_468], %swap3A_471 {strides = array<i32>} : memref<125xi32, #tpu.memory_space<vmem>>, vector<16xi32>,
      %shift_right_logical3A_472 = arith.constant 16 : i32
      %shift_right_logical3A_473 = vector.broadcast %shift_right_logical3A_472 : i32 to vector<16xi32>
      %shift_right_logical3A_474 = arith.shrui %get3A_464, %shift_right_logical3A_473 : vector<16xi32>
      %swap3A_475 = arith.constant 96 : index
      %swap3A_476 = tpu.vector_load %arg10[%swap3A_475] {strides = array<i32>} : memref<125xi32, #tpu.memory_space<vmem>>, vector<16xi32>,
      %swap3A_477 = vector.shape_cast %swap3A_476 : vector<16xi32> to vector<16xi32>
      %swap3A_478 = vector.shape_cast %shift_right_logical3A_474 : vector<16xi32> to vector<16xi32>
      tpu.vector_store %arg10[%swap3A_475], %swap3A_478 {strides = array<i32>} : memref<125xi32, #tpu.memory_space<vmem>>, vector<16xi32>,
      %get3A_479 = arith.constant 109 : index
      %get3A_480 = tpu.vector_load %arg6[%get3A_479] {strides = array<i32>} : memref<125xi32, #tpu.memory_space<vmem>>, vector<16xi32>,
      %get3A_481 = vector.shape_cast %get3A_480 : vector<16xi32> to vector<16xi32>
      %and3A_482 = arith.constant 65535 : i32
      %and3A_483 = vector.broadcast %and3A_482 : i32 to vector<16xi32>
      %and3A_484 = arith.andi %get3A_481, %and3A_483 : vector<16xi32>
      %swap3A_485 = arith.constant 109 : index
      %swap3A_486 = tpu.vector_load %arg9[%swap3A_485] {strides = array<i32>} : memref<125xi32, #tpu.memory_space<vmem>>, vector<16xi32>,
      %swap3A_487 = vector.shape_cast %swap3A_486 : vector<16xi32> to vector<16xi32>
      %swap3A_488 = vector.shape_cast %and3A_484 : vector<16xi32> to vector<16xi32>
      tpu.vector_store %arg9[%swap3A_485], %swap3A_488 {strides = array<i32>} : memref<125xi32, #tpu.memory_space<vmem>>, vector<16xi32>,
      %shift_right_logical3A_489 = arith.constant 16 : i32
      %shift_right_logical3A_490 = vector.broadcast %shift_right_logical3A_489 : i32 to vector<16xi32>
      %shift_right_logical3A_491 = arith.shrui %get3A_481, %shift_right_logical3A_490 : vector<16xi32>
      %swap3A_492 = arith.constant 109 : index
      %swap3A_493 = tpu.vector_load %arg10[%swap3A_492] {strides = array<i32>} : memref<125xi32, #tpu.memory_space<vmem>>, vector<16xi32>,
      %swap3A_494 = vector.shape_cast %swap3A_493 : vector<16xi32> to vector<16xi32>
      %swap3A_495 = vector.shape_cast %shift_right_logical3A_491 : vector<16xi32> to vector<16xi32>
      tpu.vector_store %arg10[%swap3A_492], %swap3A_495 {strides = array<i32>} : memref<125xi32, #tpu.memory_space<vmem>>, vector<16xi32>,
      %dma_start3A_496 = arith.constant 0 : i32
      %dma_start3A_497 = arith.constant 0 : i32
      %dma_start3A_498 = tpu.memref_slice %arg3[%dma_start3A_496, %dma_start3A_497] : memref<10000x128xf32, #tpu.memory_space<hbm>> -> memref<10000x128xf32, #tpu.memory_space<hbm>>
      tpu.enqueue_indirect_dma source(%dma_start3A_498 : memref<10000x128xf32, #tpu.memory_space<hbm>>) target(%arg12 : memref<125x128xf32, #tpu.memory_space<vmem>>) offsets(%arg9 : memref<125xi32, #tpu.memory_space<vmem>>) semaphore(%arg17 : memref<!tpu.dma_semaphore, #tpu.memory_space<semaphore_mem>>)
      %add3A_499 = arith.constant 2 : i32
      %add3A_500 = arith.addi %mul3A_344, %add3A_499 : i32
      %dma_start3A_501 = arith.constant 0 : i32
      %dma_start3A_502 = arith.constant 0 : i32
      %dma_start3A_503 = tpu.memref_slice %arg2[%add3A, %dma_start3A_501, %dma_start3A_502] : memref<32x80x125xi32, #tpu.memory_space<hbm>> -> memref<1x80x125xi32, #tpu.memory_space<hbm>>
      %dma_start3A_504 = tpu.memref_squeeze %dma_start3A_503 : memref<1x80x125xi32, #tpu.memory_space<hbm>> -> memref<80x125xi32, #tpu.memory_space<hbm>>
      %dma_start3A_505 = arith.constant 0 : i32
      %dma_start3A_506 = tpu.memref_slice %dma_start3A_504[%add3A_500, %dma_start3A_505] : memref<80x125xi32, #tpu.memory_space<hbm>> -> memref<1x125xi32, #tpu.memory_space<hbm>>
      %dma_start3A_507 = tpu.memref_squeeze %dma_start3A_506 : memref<1x125xi32, #tpu.memory_space<hbm>> -> memref<125xi32, #tpu.memory_space<hbm>>
      %dma_start3A_508 = arith.constant 0 : i32
      %dma_start3A_509 = arith.constant 0 : i32
      %dma_start3A_510 = tpu.memref_slice %arg2[%add3A, %dma_start3A_508, %dma_start3A_509] : memref<32x80x125xi32, #tpu.memory_space<hbm>> -> memref<1x80x125xi32, #tpu.memory_space<hbm>>
      %dma_start3A_511 = tpu.memref_squeeze %dma_start3A_510 : memref<1x80x125xi32, #tpu.memory_space<hbm>> -> memref<80x125xi32, #tpu.memory_space<hbm>>
      %dma_start3A_512 = arith.constant 0 : i32
      %dma_start3A_513 = tpu.memref_slice %dma_start3A_511[%add3A_500, %dma_start3A_512] : memref<80x125xi32, #tpu.memory_space<hbm>> -> memref<1x125xi32, #tpu.memory_space<hbm>>
      %dma_start3A_514 = tpu.memref_squeeze %dma_start3A_513 : memref<1x125xi32, #tpu.memory_space<hbm>> -> memref<125xi32, #tpu.memory_space<hbm>>
      tpu.enqueue_dma source(%dma_start3A_514 : memref<125xi32, #tpu.memory_space<hbm>>) target(%arg5 : memref<125xi32, #tpu.memory_space<vmem>>) target_semaphore(%arg14 : memref<!tpu.dma_semaphore, #tpu.memory_space<semaphore_mem>>)
      %dma_wait3A_515 = arith.constant 0 : i32
      %dma_wait3A_516 = arith.constant 0 : i32
      %dma_wait3A_517 = tpu.memref_slice %arg3[%dma_wait3A_515, %dma_wait3A_516] : memref<10000x128xf32, #tpu.memory_space<hbm>> -> memref<10000x128xf32, #tpu.memory_space<hbm>>
      tpu.wait_indirect_dma semaphore(%arg16 : memref<!tpu.dma_semaphore, #tpu.memory_space<semaphore_mem>>) src(%dma_wait3A_517 : memref<10000x128xf32, #tpu.memory_space<hbm>>) dst(%arg11 : memref<125x128xf32, #tpu.memory_space<vmem>>)
      "tpu.region"() ({
        %run_scoped3A_691 = tpu.sem_alloc : memref<!tpu.dma_semaphore, #tpu.memory_space<semaphore_mem>>
        %dma_start3A_692 = arith.constant 0 : i32
        %dma_start3A_693 = arith.constant 0 : i32
        %dma_start3A_694 = tpu.memref_slice %arg18[%dma_start3A_692, %dma_start3A_693] : memref<10000x128xf32, #tpu.memory_space<vmem_shared>> -> memref<10000x128xf32, #tpu.memory_space<vmem_shared>>
        tpu.enqueue_indirect_dma source(%arg11 : memref<125x128xf32, #tpu.memory_space<vmem>>) target(%dma_start3A_694 : memref<10000x128xf32, #tpu.memory_space<vmem_shared>>) offsets(%arg8 : memref<125xi32, #tpu.memory_space<vmem>>) semaphore(%run_scoped3A_691 : memref<!tpu.dma_semaphore, #tpu.memory_space<semaphore_mem>>) {add = true}
        %dma_wait3A_695 = arith.constant 0 : i32
        %dma_wait3A_696 = arith.constant 0 : i32
        %dma_wait3A_697 = tpu.memref_slice %arg18[%dma_wait3A_695, %dma_wait3A_696] : memref<10000x128xf32, #tpu.memory_space<vmem_shared>> -> memref<10000x128xf32, #tpu.memory_space<vmem_shared>>
        tpu.wait_indirect_dma semaphore(%run_scoped3A_691 : memref<!tpu.dma_semaphore, #tpu.memory_space<semaphore_mem>>) src(%arg11 : memref<125x128xf32, #tpu.memory_space<vmem>>) dst(%dma_wait3A_697 : memref<10000x128xf32, #tpu.memory_space<vmem_shared>>)
        tpu.yield
      }) : () -> ()
      %dma_wait3A_518 = arith.constant 0 : i32
      %dma_wait3A_519 = arith.constant 0 : i32
      %dma_wait3A_520 = arith.constant 0 : i32
      %dma_wait3A_521 = tpu.memref_slice %arg2[%add3A, %dma_wait3A_519, %dma_wait3A_520] : memref<32x80x125xi32, #tpu.memory_space<hbm>> -> memref<1x80x125xi32, #tpu.memory_space<hbm>>
      %dma_wait3A_522 = tpu.memref_squeeze %dma_wait3A_521 : memref<1x80x125xi32, #tpu.memory_space<hbm>> -> memref<80x125xi32, #tpu.memory_space<hbm>>
      %dma_wait3A_523 = arith.constant 0 : i32
      %dma_wait3A_524 = tpu.memref_slice %dma_wait3A_522[%dma_wait3A_518, %dma_wait3A_523] : memref<80x125xi32, #tpu.memory_space<hbm>> -> memref<1x125xi32, #tpu.memory_space<hbm>>
      %dma_wait3A_525 = tpu.memref_squeeze %dma_wait3A_524 : memref<1x125xi32, #tpu.memory_space<hbm>> -> memref<125xi32, #tpu.memory_space<hbm>>
      %dma_wait3A_526 = arith.constant 0 : i32
      %dma_wait3A_527 = arith.constant 0 : i32
      %dma_wait3A_528 = tpu.memref_slice %arg2[%add3A, %dma_wait3A_526, %dma_wait3A_527] : memref<32x80x125xi32, #tpu.memory_space<hbm>> -> memref<1x80x125xi32, #tpu.memory_space<hbm>>
      %dma_wait3A_529 = tpu.memref_squeeze %dma_wait3A_528 : memref<1x80x125xi32, #tpu.memory_space<hbm>> -> memref<80x125xi32, #tpu.memory_space<hbm>>
      %dma_wait3A_530 = arith.constant 0 : i32
      %dma_wait3A_531 = tpu.memref_slice %dma_wait3A_529[%dma_wait3A_518, %dma_wait3A_530] : memref<80x125xi32, #tpu.memory_space<hbm>> -> memref<1x125xi32, #tpu.memory_space<hbm>>
      %dma_wait3A_532 = tpu.memref_squeeze %dma_wait3A_531 : memref<1x125xi32, #tpu.memory_space<hbm>> -> memref<125xi32, #tpu.memory_space<hbm>>
      tpu.wait_dma2 semaphore(%arg14 : memref<!tpu.dma_semaphore, #tpu.memory_space<semaphore_mem>>) src(%dma_wait3A_532 : memref<125xi32, #tpu.memory_space<hbm>>) dst(%arg5 : memref<125xi32, #tpu.memory_space<vmem>>)
      %get3A_533 = arith.constant 0 : index
      %get3A_534 = tpu.vector_load %arg5[%get3A_533] {strides = array<i32>} : memref<125xi32, #tpu.memory_space<vmem>>, vector<16xi32>,
      %get3A_535 = vector.shape_cast %get3A_534 : vector<16xi32> to vector<16xi32>
      %and3A_536 = arith.constant 65535 : i32
      %and3A_537 = vector.broadcast %and3A_536 : i32 to vector<16xi32>
      %and3A_538 = arith.andi %get3A_535, %and3A_537 : vector<16xi32>
      %swap3A_539 = arith.constant 0 : index
      %swap3A_540 = tpu.vector_load %arg7[%swap3A_539] {strides = array<i32>} : memref<125xi32, #tpu.memory_space<vmem>>, vector<16xi32>,
      %swap3A_541 = vector.shape_cast %swap3A_540 : vector<16xi32> to vector<16xi32>
      %swap3A_542 = vector.shape_cast %and3A_538 : vector<16xi32> to vector<16xi32>
      tpu.vector_store %arg7[%swap3A_539], %swap3A_542 {strides = array<i32>} : memref<125xi32, #tpu.memory_space<vmem>>, vector<16xi32>,
      %shift_right_logical3A_543 = arith.constant 16 : i32
      %shift_right_logical3A_544 = vector.broadcast %shift_right_logical3A_543 : i32 to vector<16xi32>
      %shift_right_logical3A_545 = arith.shrui %get3A_535, %shift_right_logical3A_544 : vector<16xi32>
      %swap3A_546 = arith.constant 0 : index
      %swap3A_547 = tpu.vector_load %arg8[%swap3A_546] {strides = array<i32>} : memref<125xi32, #tpu.memory_space<vmem>>, vector<16xi32>,
      %swap3A_548 = vector.shape_cast %swap3A_547 : vector<16xi32> to vector<16xi32>
      %swap3A_549 = vector.shape_cast %shift_right_logical3A_545 : vector<16xi32> to vector<16xi32>
      tpu.vector_store %arg8[%swap3A_546], %swap3A_549 {strides = array<i32>} : memref<125xi32, #tpu.memory_space<vmem>>, vector<16xi32>,
      %get3A_550 = arith.constant 16 : index
      %get3A_551 = tpu.vector_load %arg5[%get3A_550] {strides = array<i32>} : memref<125xi32, #tpu.memory_space<vmem>>, vector<16xi32>,
      %get3A_552 = vector.shape_cast %get3A_551 : vector<16xi32> to vector<16xi32>
      %and3A_553 = arith.constant 65535 : i32
      %and3A_554 = vector.broadcast %and3A_553 : i32 to vector<16xi32>
      %and3A_555 = arith.andi %get3A_552, %and3A_554 : vector<16xi32>
      %swap3A_556 = arith.constant 16 : index
      %swap3A_557 = tpu.vector_load %arg7[%swap3A_556] {strides = array<i32>} : memref<125xi32, #tpu.memory_space<vmem>>, vector<16xi32>,
      %swap3A_558 = vector.shape_cast %swap3A_557 : vector<16xi32> to vector<16xi32>
      %swap3A_559 = vector.shape_cast %and3A_555 : vector<16xi32> to vector<16xi32>
      tpu.vector_store %arg7[%swap3A_556], %swap3A_559 {strides = array<i32>} : memref<125xi32, #tpu.memory_space<vmem>>, vector<16xi32>,
      %shift_right_logical3A_560 = arith.constant 16 : i32
      %shift_right_logical3A_561 = vector.broadcast %shift_right_logical3A_560 : i32 to vector<16xi32>
      %shift_right_logical3A_562 = arith.shrui %get3A_552, %shift_right_logical3A_561 : vector<16xi32>
      %swap3A_563 = arith.constant 16 : index
      %swap3A_564 = tpu.vector_load %arg8[%swap3A_563] {strides = array<i32>} : memref<125xi32, #tpu.memory_space<vmem>>, vector<16xi32>,
      %swap3A_565 = vector.shape_cast %swap3A_564 : vector<16xi32> to vector<16xi32>
      %swap3A_566 = vector.shape_cast %shift_right_logical3A_562 : vector<16xi32> to vector<16xi32>
      tpu.vector_store %arg8[%swap3A_563], %swap3A_566 {strides = array<i32>} : memref<125xi32, #tpu.memory_space<vmem>>, vector<16xi32>,
      %get3A_567 = arith.constant 32 : index
      %get3A_568 = tpu.vector_load %arg5[%get3A_567] {strides = array<i32>} : memref<125xi32, #tpu.memory_space<vmem>>, vector<16xi32>,
      %get3A_569 = vector.shape_cast %get3A_568 : vector<16xi32> to vector<16xi32>
      %and3A_570 = arith.constant 65535 : i32
      %and3A_571 = vector.broadcast %and3A_570 : i32 to vector<16xi32>
      %and3A_572 = arith.andi %get3A_569, %and3A_571 : vector<16xi32>
      %swap3A_573 = arith.constant 32 : index
      %swap3A_574 = tpu.vector_load %arg7[%swap3A_573] {strides = array<i32>} : memref<125xi32, #tpu.memory_space<vmem>>, vector<16xi32>,
      %swap3A_575 = vector.shape_cast %swap3A_574 : vector<16xi32> to vector<16xi32>
      %swap3A_576 = vector.shape_cast %and3A_572 : vector<16xi32> to vector<16xi32>
      tpu.vector_store %arg7[%swap3A_573], %swap3A_576 {strides = array<i32>} : memref<125xi32, #tpu.memory_space<vmem>>, vector<16xi32>,
      %shift_right_logical3A_577 = arith.constant 16 : i32
      %shift_right_logical3A_578 = vector.broadcast %shift_right_logical3A_577 : i32 to vector<16xi32>
      %shift_right_logical3A_579 = arith.shrui %get3A_569, %shift_right_logical3A_578 : vector<16xi32>
      %swap3A_580 = arith.constant 32 : index
      %swap3A_581 = tpu.vector_load %arg8[%swap3A_580] {strides = array<i32>} : memref<125xi32, #tpu.memory_space<vmem>>, vector<16xi32>,
      %swap3A_582 = vector.shape_cast %swap3A_581 : vector<16xi32> to vector<16xi32>
      %swap3A_583 = vector.shape_cast %shift_right_logical3A_579 : vector<16xi32> to vector<16xi32>
      tpu.vector_store %arg8[%swap3A_580], %swap3A_583 {strides = array<i32>} : memref<125xi32, #tpu.memory_space<vmem>>, vector<16xi32>,
      %get3A_584 = arith.constant 48 : index
      %get3A_585 = tpu.vector_load %arg5[%get3A_584] {strides = array<i32>} : memref<125xi32, #tpu.memory_space<vmem>>, vector<16xi32>,
      %get3A_586 = vector.shape_cast %get3A_585 : vector<16xi32> to vector<16xi32>
      %and3A_587 = arith.constant 65535 : i32
      %and3A_588 = vector.broadcast %and3A_587 : i32 to vector<16xi32>
      %and3A_589 = arith.andi %get3A_586, %and3A_588 : vector<16xi32>
      %swap3A_590 = arith.constant 48 : index
      %swap3A_591 = tpu.vector_load %arg7[%swap3A_590] {strides = array<i32>} : memref<125xi32, #tpu.memory_space<vmem>>, vector<16xi32>,
      %swap3A_592 = vector.shape_cast %swap3A_591 : vector<16xi32> to vector<16xi32>
      %swap3A_593 = vector.shape_cast %and3A_589 : vector<16xi32> to vector<16xi32>
      tpu.vector_store %arg7[%swap3A_590], %swap3A_593 {strides = array<i32>} : memref<125xi32, #tpu.memory_space<vmem>>, vector<16xi32>,
      %shift_right_logical3A_594 = arith.constant 16 : i32
      %shift_right_logical3A_595 = vector.broadcast %shift_right_logical3A_594 : i32 to vector<16xi32>
      %shift_right_logical3A_596 = arith.shrui %get3A_586, %shift_right_logical3A_595 : vector<16xi32>
      %swap3A_597 = arith.constant 48 : index
      %swap3A_598 = tpu.vector_load %arg8[%swap3A_597] {strides = array<i32>} : memref<125xi32, #tpu.memory_space<vmem>>, vector<16xi32>,
      %swap3A_599 = vector.shape_cast %swap3A_598 : vector<16xi32> to vector<16xi32>
      %swap3A_600 = vector.shape_cast %shift_right_logical3A_596 : vector<16xi32> to vector<16xi32>
      tpu.vector_store %arg8[%swap3A_597], %swap3A_600 {strides = array<i32>} : memref<125xi32, #tpu.memory_space<vmem>>, vector<16xi32>,
      %get3A_601 = arith.constant 64 : index
      %get3A_602 = tpu.vector_load %arg5[%get3A_601] {strides = array<i32>} : memref<125xi32, #tpu.memory_space<vmem>>, vector<16xi32>,
      %get3A_603 = vector.shape_cast %get3A_602 : vector<16xi32> to vector<16xi32>
      %and3A_604 = arith.constant 65535 : i32
      %and3A_605 = vector.broadcast %and3A_604 : i32 to vector<16xi32>
      %and3A_606 = arith.andi %get3A_603, %and3A_605 : vector<16xi32>
      %swap3A_607 = arith.constant 64 : index
      %swap3A_608 = tpu.vector_load %arg7[%swap3A_607] {strides = array<i32>} : memref<125xi32, #tpu.memory_space<vmem>>, vector<16xi32>,
      %swap3A_609 = vector.shape_cast %swap3A_608 : vector<16xi32> to vector<16xi32>
      %swap3A_610 = vector.shape_cast %and3A_606 : vector<16xi32> to vector<16xi32>
      tpu.vector_store %arg7[%swap3A_607], %swap3A_610 {strides = array<i32>} : memref<125xi32, #tpu.memory_space<vmem>>, vector<16xi32>,
      %shift_right_logical3A_611 = arith.constant 16 : i32
      %shift_right_logical3A_612 = vector.broadcast %shift_right_logical3A_611 : i32 to vector<16xi32>
      %shift_right_logical3A_613 = arith.shrui %get3A_603, %shift_right_logical3A_612 : vector<16xi32>
      %swap3A_614 = arith.constant 64 : index
      %swap3A_615 = tpu.vector_load %arg8[%swap3A_614] {strides = array<i32>} : memref<125xi32, #tpu.memory_space<vmem>>, vector<16xi32>,
      %swap3A_616 = vector.shape_cast %swap3A_615 : vector<16xi32> to vector<16xi32>
      %swap3A_617 = vector.shape_cast %shift_right_logical3A_613 : vector<16xi32> to vector<16xi32>
      tpu.vector_store %arg8[%swap3A_614], %swap3A_617 {strides = array<i32>} : memref<125xi32, #tpu.memory_space<vmem>>, vector<16xi32>,
      %get3A_618 = arith.constant 80 : index
      %get3A_619 = tpu.vector_load %arg5[%get3A_618] {strides = array<i32>} : memref<125xi32, #tpu.memory_space<vmem>>, vector<16xi32>,
      %get3A_620 = vector.shape_cast %get3A_619 : vector<16xi32> to vector<16xi32>
      %and3A_621 = arith.constant 65535 : i32
      %and3A_622 = vector.broadcast %and3A_621 : i32 to vector<16xi32>
      %and3A_623 = arith.andi %get3A_620, %and3A_622 : vector<16xi32>
      %swap3A_624 = arith.constant 80 : index
      %swap3A_625 = tpu.vector_load %arg7[%swap3A_624] {strides = array<i32>} : memref<125xi32, #tpu.memory_space<vmem>>, vector<16xi32>,
      %swap3A_626 = vector.shape_cast %swap3A_625 : vector<16xi32> to vector<16xi32>
      %swap3A_627 = vector.shape_cast %and3A_623 : vector<16xi32> to vector<16xi32>
      tpu.vector_store %arg7[%swap3A_624], %swap3A_627 {strides = array<i32>} : memref<125xi32, #tpu.memory_space<vmem>>, vector<16xi32>,
      %shift_right_logical3A_628 = arith.constant 16 : i32
      %shift_right_logical3A_629 = vector.broadcast %shift_right_logical3A_628 : i32 to vector<16xi32>
      %shift_right_logical3A_630 = arith.shrui %get3A_620, %shift_right_logical3A_629 : vector<16xi32>
      %swap3A_631 = arith.constant 80 : index
      %swap3A_632 = tpu.vector_load %arg8[%swap3A_631] {strides = array<i32>} : memref<125xi32, #tpu.memory_space<vmem>>, vector<16xi32>,
      %swap3A_633 = vector.shape_cast %swap3A_632 : vector<16xi32> to vector<16xi32>
      %swap3A_634 = vector.shape_cast %shift_right_logical3A_630 : vector<16xi32> to vector<16xi32>
      tpu.vector_store %arg8[%swap3A_631], %swap3A_634 {strides = array<i32>} : memref<125xi32, #tpu.memory_space<vmem>>, vector<16xi32>,
      %get3A_635 = arith.constant 96 : index
      %get3A_636 = tpu.vector_load %arg5[%get3A_635] {strides = array<i32>} : memref<125xi32, #tpu.memory_space<vmem>>, vector<16xi32>,
      %get3A_637 = vector.shape_cast %get3A_636 : vector<16xi32> to vector<16xi32>
      %and3A_638 = arith.constant 65535 : i32
      %and3A_639 = vector.broadcast %and3A_638 : i32 to vector<16xi32>
      %and3A_640 = arith.andi %get3A_637, %and3A_639 : vector<16xi32>
      %swap3A_641 = arith.constant 96 : index
      %swap3A_642 = tpu.vector_load %arg7[%swap3A_641] {strides = array<i32>} : memref<125xi32, #tpu.memory_space<vmem>>, vector<16xi32>,
      %swap3A_643 = vector.shape_cast %swap3A_642 : vector<16xi32> to vector<16xi32>
      %swap3A_644 = vector.shape_cast %and3A_640 : vector<16xi32> to vector<16xi32>
      tpu.vector_store %arg7[%swap3A_641], %swap3A_644 {strides = array<i32>} : memref<125xi32, #tpu.memory_space<vmem>>, vector<16xi32>,
      %shift_right_logical3A_645 = arith.constant 16 : i32
      %shift_right_logical3A_646 = vector.broadcast %shift_right_logical3A_645 : i32 to vector<16xi32>
      %shift_right_logical3A_647 = arith.shrui %get3A_637, %shift_right_logical3A_646 : vector<16xi32>
      %swap3A_648 = arith.constant 96 : index
      %swap3A_649 = tpu.vector_load %arg8[%swap3A_648] {strides = array<i32>} : memref<125xi32, #tpu.memory_space<vmem>>, vector<16xi32>,
      %swap3A_650 = vector.shape_cast %swap3A_649 : vector<16xi32> to vector<16xi32>
      %swap3A_651 = vector.shape_cast %shift_right_logical3A_647 : vector<16xi32> to vector<16xi32>
      tpu.vector_store %arg8[%swap3A_648], %swap3A_651 {strides = array<i32>} : memref<125xi32, #tpu.memory_space<vmem>>, vector<16xi32>,
      %get3A_652 = arith.constant 109 : index
      %get3A_653 = tpu.vector_load %arg5[%get3A_652] {strides = array<i32>} : memref<125xi32, #tpu.memory_space<vmem>>, vector<16xi32>,
      %get3A_654 = vector.shape_cast %get3A_653 : vector<16xi32> to vector<16xi32>
      %and3A_655 = arith.constant 65535 : i32
      %and3A_656 = vector.broadcast %and3A_655 : i32 to vector<16xi32>
      %and3A_657 = arith.andi %get3A_654, %and3A_656 : vector<16xi32>
      %swap3A_658 = arith.constant 109 : index
      %swap3A_659 = tpu.vector_load %arg7[%swap3A_658] {strides = array<i32>} : memref<125xi32, #tpu.memory_space<vmem>>, vector<16xi32>,
      %swap3A_660 = vector.shape_cast %swap3A_659 : vector<16xi32> to vector<16xi32>
      %swap3A_661 = vector.shape_cast %and3A_657 : vector<16xi32> to vector<16xi32>
      tpu.vector_store %arg7[%swap3A_658], %swap3A_661 {strides = array<i32>} : memref<125xi32, #tpu.memory_space<vmem>>, vector<16xi32>,
      %shift_right_logical3A_662 = arith.constant 16 : i32
      %shift_right_logical3A_663 = vector.broadcast %shift_right_logical3A_662 : i32 to vector<16xi32>
      %shift_right_logical3A_664 = arith.shrui %get3A_654, %shift_right_logical3A_663 : vector<16xi32>
      %swap3A_665 = arith.constant 109 : index
      %swap3A_666 = tpu.vector_load %arg8[%swap3A_665] {strides = array<i32>} : memref<125xi32, #tpu.memory_space<vmem>>, vector<16xi32>,
      %swap3A_667 = vector.shape_cast %swap3A_666 : vector<16xi32> to vector<16xi32>
      %swap3A_668 = vector.shape_cast %shift_right_logical3A_664 : vector<16xi32> to vector<16xi32>
      tpu.vector_store %arg8[%swap3A_665], %swap3A_668 {strides = array<i32>} : memref<125xi32, #tpu.memory_space<vmem>>, vector<16xi32>,
      %dma_start3A_669 = arith.constant 0 : i32
      %dma_start3A_670 = arith.constant 0 : i32
      %dma_start3A_671 = tpu.memref_slice %arg3[%dma_start3A_669, %dma_start3A_670] : memref<10000x128xf32, #tpu.memory_space<hbm>> -> memref<10000x128xf32, #tpu.memory_space<hbm>>
      tpu.enqueue_indirect_dma source(%dma_start3A_671 : memref<10000x128xf32, #tpu.memory_space<hbm>>) target(%arg11 : memref<125x128xf32, #tpu.memory_space<vmem>>) offsets(%arg7 : memref<125xi32, #tpu.memory_space<vmem>>) semaphore(%arg16 : memref<!tpu.dma_semaphore, #tpu.memory_space<semaphore_mem>>)
      %add3A_672 = arith.constant 3 : i32
      %add3A_673 = arith.addi %mul3A_344, %add3A_672 : i32
      %dma_start3A_674 = arith.constant 0 : i32
      %dma_start3A_675 = arith.constant 0 : i32
      %dma_start3A_676 = tpu.memref_slice %arg2[%add3A, %dma_start3A_674, %dma_start3A_675] : memref<32x80x125xi32, #tpu.memory_space<hbm>> -> memref<1x80x125xi32, #tpu.memory_space<hbm>>
      %dma_start3A_677 = tpu.memref_squeeze %dma_start3A_676 : memref<1x80x125xi32, #tpu.memory_space<hbm>> -> memref<80x125xi32, #tpu.memory_space<hbm>>
      %dma_start3A_678 = arith.constant 0 : i32
      %dma_start3A_679 = tpu.memref_slice %dma_start3A_677[%add3A_673, %dma_start3A_678] : memref<80x125xi32, #tpu.memory_space<hbm>> -> memref<1x125xi32, #tpu.memory_space<hbm>>
      %dma_start3A_680 = tpu.memref_squeeze %dma_start3A_679 : memref<1x125xi32, #tpu.memory_space<hbm>> -> memref<125xi32, #tpu.memory_space<hbm>>
      %dma_start3A_681 = arith.constant 0 : i32
      %dma_start3A_682 = arith.constant 0 : i32
      %dma_start3A_683 = tpu.memref_slice %arg2[%add3A, %dma_start3A_681, %dma_start3A_682] : memref<32x80x125xi32, #tpu.memory_space<hbm>> -> memref<1x80x125xi32, #tpu.memory_space<hbm>>
      %dma_start3A_684 = tpu.memref_squeeze %dma_start3A_683 : memref<1x80x125xi32, #tpu.memory_space<hbm>> -> memref<80x125xi32, #tpu.memory_space<hbm>>
      %dma_start3A_685 = arith.constant 0 : i32
      %dma_start3A_686 = tpu.memref_slice %dma_start3A_684[%add3A_673, %dma_start3A_685] : memref<80x125xi32, #tpu.memory_space<hbm>> -> memref<1x125xi32, #tpu.memory_space<hbm>>
      %dma_start3A_687 = tpu.memref_squeeze %dma_start3A_686 : memref<1x125xi32, #tpu.memory_space<hbm>> -> memref<125xi32, #tpu.memory_space<hbm>>
      tpu.enqueue_dma source(%dma_start3A_687 : memref<125xi32, #tpu.memory_space<hbm>>) target(%arg6 : memref<125xi32, #tpu.memory_space<vmem>>) target_semaphore(%arg15 : memref<!tpu.dma_semaphore, #tpu.memory_space<semaphore_mem>>)
      %dma_wait3A_688 = arith.constant 0 : i32
      %dma_wait3A_689 = arith.constant 0 : i32
      %dma_wait3A_690 = tpu.memref_slice %arg3[%dma_wait3A_688, %dma_wait3A_689] : memref<10000x128xf32, #tpu.memory_space<hbm>> -> memref<10000x128xf32, #tpu.memory_space<hbm>>
      tpu.wait_indirect_dma semaphore(%arg17 : memref<!tpu.dma_semaphore, #tpu.memory_space<semaphore_mem>>) src(%dma_wait3A_690 : memref<10000x128xf32, #tpu.memory_space<hbm>>) dst(%arg12 : memref<125x128xf32, #tpu.memory_space<vmem>>)
      "tpu.region"() ({
        %run_scoped3A_691 = tpu.sem_alloc : memref<!tpu.dma_semaphore, #tpu.memory_space<semaphore_mem>>
        %dma_start3A_692 = arith.constant 0 : i32
        %dma_start3A_693 = arith.constant 0 : i32
        %dma_start3A_694 = tpu.memref_slice %arg18[%dma_start3A_692, %dma_start3A_693] : memref<10000x128xf32, #tpu.memory_space<vmem_shared>> -> memref<10000x128xf32, #tpu.memory_space<vmem_shared>>
        tpu.enqueue_indirect_dma source(%arg12 : memref<125x128xf32, #tpu.memory_space<vmem>>) target(%dma_start3A_694 : memref<10000x128xf32, #tpu.memory_space<vmem_shared>>) offsets(%arg10 : memref<125xi32, #tpu.memory_space<vmem>>) semaphore(%run_scoped3A_691 : memref<!tpu.dma_semaphore, #tpu.memory_space<semaphore_mem>>) {add = true}
        %dma_wait3A_695 = arith.constant 0 : i32
        %dma_wait3A_696 = arith.constant 0 : i32
        %dma_wait3A_697 = tpu.memref_slice %arg18[%dma_wait3A_695, %dma_wait3A_696] : memref<10000x128xf32, #tpu.memory_space<vmem_shared>> -> memref<10000x128xf32, #tpu.memory_space<vmem_shared>>
        tpu.wait_indirect_dma semaphore(%run_scoped3A_691 : memref<!tpu.dma_semaphore, #tpu.memory_space<semaphore_mem>>) src(%arg12 : memref<125x128xf32, #tpu.memory_space<vmem>>) dst(%dma_wait3A_697 : memref<10000x128xf32, #tpu.memory_space<vmem_shared>>)
        tpu.yield
      }) : () -> ()
    }
    %scan3A_171 = arith.constant 39 : i32
    %dma_wait3A = arith.constant 0 : i32
    %dma_wait3A_172 = arith.constant 0 : i32
    %dma_wait3A_173 = arith.constant 0 : i32
    %dma_wait3A_174 = tpu.memref_slice %arg2[%add3A, %dma_wait3A_172, %dma_wait3A_173] : memref<32x80x125xi32, #tpu.memory_space<hbm>> -> memref<1x80x125xi32, #tpu.memory_space<hbm>>
    %dma_wait3A_175 = tpu.memref_squeeze %dma_wait3A_174 : memref<1x80x125xi32, #tpu.memory_space<hbm>> -> memref<80x125xi32, #tpu.memory_space<hbm>>
    %dma_wait3A_176 = arith.constant 0 : i32
    %dma_wait3A_177 = tpu.memref_slice %dma_wait3A_175[%dma_wait3A, %dma_wait3A_176] : memref<80x125xi32, #tpu.memory_space<hbm>> -> memref<1x125xi32, #tpu.memory_space<hbm>>
    %dma_wait3A_178 = tpu.memref_squeeze %dma_wait3A_177 : memref<1x125xi32, #tpu.memory_space<hbm>> -> memref<125xi32, #tpu.memory_space<hbm>>
    %dma_wait3A_179 = arith.constant 0 : i32
    %dma_wait3A_180 = arith.constant 0 : i32
    %dma_wait3A_181 = tpu.memref_slice %arg2[%add3A, %dma_wait3A_179, %dma_wait3A_180] : memref<32x80x125xi32, #tpu.memory_space<hbm>> -> memref<1x80x125xi32, #tpu.memory_space<hbm>>
    %dma_wait3A_182 = tpu.memref_squeeze %dma_wait3A_181 : memref<1x80x125xi32, #tpu.memory_space<hbm>> -> memref<80x125xi32, #tpu.memory_space<hbm>>
    %dma_wait3A_183 = arith.constant 0 : i32
    %dma_wait3A_184 = tpu.memref_slice %dma_wait3A_182[%dma_wait3A, %dma_wait3A_183] : memref<80x125xi32, #tpu.memory_space<hbm>> -> memref<1x125xi32, #tpu.memory_space<hbm>>
    %dma_wait3A_185 = tpu.memref_squeeze %dma_wait3A_184 : memref<1x125xi32, #tpu.memory_space<hbm>> -> memref<125xi32, #tpu.memory_space<hbm>>
    tpu.wait_dma2 semaphore(%arg15 : memref<!tpu.dma_semaphore, #tpu.memory_space<semaphore_mem>>) src(%dma_wait3A_185 : memref<125xi32, #tpu.memory_space<hbm>>) dst(%arg6 : memref<125xi32, #tpu.memory_space<vmem>>)
    %get3A_186 = arith.constant 0 : index
    %get3A_187 = tpu.vector_load %arg6[%get3A_186] {strides = array<i32>} : memref<125xi32, #tpu.memory_space<vmem>>, vector<16xi32>,
    %get3A_188 = vector.shape_cast %get3A_187 : vector<16xi32> to vector<16xi32>
    %and3A_189 = arith.constant 65535 : i32
    %and3A_190 = vector.broadcast %and3A_189 : i32 to vector<16xi32>
    %and3A_191 = arith.andi %get3A_188, %and3A_190 : vector<16xi32>
    %swap3A_192 = arith.constant 0 : index
    %swap3A_193 = tpu.vector_load %arg9[%swap3A_192] {strides = array<i32>} : memref<125xi32, #tpu.memory_space<vmem>>, vector<16xi32>,
    %swap3A_194 = vector.shape_cast %swap3A_193 : vector<16xi32> to vector<16xi32>
    %swap3A_195 = vector.shape_cast %and3A_191 : vector<16xi32> to vector<16xi32>
    tpu.vector_store %arg9[%swap3A_192], %swap3A_195 {strides = array<i32>} : memref<125xi32, #tpu.memory_space<vmem>>, vector<16xi32>,
    %shift_right_logical3A_196 = arith.constant 16 : i32
    %shift_right_logical3A_197 = vector.broadcast %shift_right_logical3A_196 : i32 to vector<16xi32>
    %shift_right_logical3A_198 = arith.shrui %get3A_188, %shift_right_logical3A_197 : vector<16xi32>
    %swap3A_199 = arith.constant 0 : index
    %swap3A_200 = tpu.vector_load %arg10[%swap3A_199] {strides = array<i32>} : memref<125xi32, #tpu.memory_space<vmem>>, vector<16xi32>,
    %swap3A_201 = vector.shape_cast %swap3A_200 : vector<16xi32> to vector<16xi32>
    %swap3A_202 = vector.shape_cast %shift_right_logical3A_198 : vector<16xi32> to vector<16xi32>
    tpu.vector_store %arg10[%swap3A_199], %swap3A_202 {strides = array<i32>} : memref<125xi32, #tpu.memory_space<vmem>>, vector<16xi32>,
    %get3A_203 = arith.constant 16 : index
    %get3A_204 = tpu.vector_load %arg6[%get3A_203] {strides = array<i32>} : memref<125xi32, #tpu.memory_space<vmem>>, vector<16xi32>,
    %get3A_205 = vector.shape_cast %get3A_204 : vector<16xi32> to vector<16xi32>
    %and3A_206 = arith.constant 65535 : i32
    %and3A_207 = vector.broadcast %and3A_206 : i32 to vector<16xi32>
    %and3A_208 = arith.andi %get3A_205, %and3A_207 : vector<16xi32>
    %swap3A_209 = arith.constant 16 : index
    %swap3A_210 = tpu.vector_load %arg9[%swap3A_209] {strides = array<i32>} : memref<125xi32, #tpu.memory_space<vmem>>, vector<16xi32>,
    %swap3A_211 = vector.shape_cast %swap3A_210 : vector<16xi32> to vector<16xi32>
    %swap3A_212 = vector.shape_cast %and3A_208 : vector<16xi32> to vector<16xi32>
    tpu.vector_store %arg9[%swap3A_209], %swap3A_212 {strides = array<i32>} : memref<125xi32, #tpu.memory_space<vmem>>, vector<16xi32>,
    %shift_right_logical3A_213 = arith.constant 16 : i32
    %shift_right_logical3A_214 = vector.broadcast %shift_right_logical3A_213 : i32 to vector<16xi32>
    %shift_right_logical3A_215 = arith.shrui %get3A_205, %shift_right_logical3A_214 : vector<16xi32>
    %swap3A_216 = arith.constant 16 : index
    %swap3A_217 = tpu.vector_load %arg10[%swap3A_216] {strides = array<i32>} : memref<125xi32, #tpu.memory_space<vmem>>, vector<16xi32>,
    %swap3A_218 = vector.shape_cast %swap3A_217 : vector<16xi32> to vector<16xi32>
    %swap3A_219 = vector.shape_cast %shift_right_logical3A_215 : vector<16xi32> to vector<16xi32>
    tpu.vector_store %arg10[%swap3A_216], %swap3A_219 {strides = array<i32>} : memref<125xi32, #tpu.memory_space<vmem>>, vector<16xi32>,
    %get3A_220 = arith.constant 32 : index
    %get3A_221 = tpu.vector_load %arg6[%get3A_220] {strides = array<i32>} : memref<125xi32, #tpu.memory_space<vmem>>, vector<16xi32>,
    %get3A_222 = vector.shape_cast %get3A_221 : vector<16xi32> to vector<16xi32>
    %and3A_223 = arith.constant 65535 : i32
    %and3A_224 = vector.broadcast %and3A_223 : i32 to vector<16xi32>
    %and3A_225 = arith.andi %get3A_222, %and3A_224 : vector<16xi32>
    %swap3A_226 = arith.constant 32 : index
    %swap3A_227 = tpu.vector_load %arg9[%swap3A_226] {strides = array<i32>} : memref<125xi32, #tpu.memory_space<vmem>>, vector<16xi32>,
    %swap3A_228 = vector.shape_cast %swap3A_227 : vector<16xi32> to vector<16xi32>
    %swap3A_229 = vector.shape_cast %and3A_225 : vector<16xi32> to vector<16xi32>
    tpu.vector_store %arg9[%swap3A_226], %swap3A_229 {strides = array<i32>} : memref<125xi32, #tpu.memory_space<vmem>>, vector<16xi32>,
    %shift_right_logical3A_230 = arith.constant 16 : i32
    %shift_right_logical3A_231 = vector.broadcast %shift_right_logical3A_230 : i32 to vector<16xi32>
    %shift_right_logical3A_232 = arith.shrui %get3A_222, %shift_right_logical3A_231 : vector<16xi32>
    %swap3A_233 = arith.constant 32 : index
    %swap3A_234 = tpu.vector_load %arg10[%swap3A_233] {strides = array<i32>} : memref<125xi32, #tpu.memory_space<vmem>>, vector<16xi32>,
    %swap3A_235 = vector.shape_cast %swap3A_234 : vector<16xi32> to vector<16xi32>
    %swap3A_236 = vector.shape_cast %shift_right_logical3A_232 : vector<16xi32> to vector<16xi32>
    tpu.vector_store %arg10[%swap3A_233], %swap3A_236 {strides = array<i32>} : memref<125xi32, #tpu.memory_space<vmem>>, vector<16xi32>,
    %get3A_237 = arith.constant 48 : index
    %get3A_238 = tpu.vector_load %arg6[%get3A_237] {strides = array<i32>} : memref<125xi32, #tpu.memory_space<vmem>>, vector<16xi32>,
    %get3A_239 = vector.shape_cast %get3A_238 : vector<16xi32> to vector<16xi32>
    %and3A_240 = arith.constant 65535 : i32
    %and3A_241 = vector.broadcast %and3A_240 : i32 to vector<16xi32>
    %and3A_242 = arith.andi %get3A_239, %and3A_241 : vector<16xi32>
    %swap3A_243 = arith.constant 48 : index
    %swap3A_244 = tpu.vector_load %arg9[%swap3A_243] {strides = array<i32>} : memref<125xi32, #tpu.memory_space<vmem>>, vector<16xi32>,
    %swap3A_245 = vector.shape_cast %swap3A_244 : vector<16xi32> to vector<16xi32>
    %swap3A_246 = vector.shape_cast %and3A_242 : vector<16xi32> to vector<16xi32>
    tpu.vector_store %arg9[%swap3A_243], %swap3A_246 {strides = array<i32>} : memref<125xi32, #tpu.memory_space<vmem>>, vector<16xi32>,
    %shift_right_logical3A_247 = arith.constant 16 : i32
    %shift_right_logical3A_248 = vector.broadcast %shift_right_logical3A_247 : i32 to vector<16xi32>
    %shift_right_logical3A_249 = arith.shrui %get3A_239, %shift_right_logical3A_248 : vector<16xi32>
    %swap3A_250 = arith.constant 48 : index
    %swap3A_251 = tpu.vector_load %arg10[%swap3A_250] {strides = array<i32>} : memref<125xi32, #tpu.memory_space<vmem>>, vector<16xi32>,
    %swap3A_252 = vector.shape_cast %swap3A_251 : vector<16xi32> to vector<16xi32>
    %swap3A_253 = vector.shape_cast %shift_right_logical3A_249 : vector<16xi32> to vector<16xi32>
    tpu.vector_store %arg10[%swap3A_250], %swap3A_253 {strides = array<i32>} : memref<125xi32, #tpu.memory_space<vmem>>, vector<16xi32>,
    %get3A_254 = arith.constant 64 : index
    %get3A_255 = tpu.vector_load %arg6[%get3A_254] {strides = array<i32>} : memref<125xi32, #tpu.memory_space<vmem>>, vector<16xi32>,
    %get3A_256 = vector.shape_cast %get3A_255 : vector<16xi32> to vector<16xi32>
    %and3A_257 = arith.constant 65535 : i32
    %and3A_258 = vector.broadcast %and3A_257 : i32 to vector<16xi32>
    %and3A_259 = arith.andi %get3A_256, %and3A_258 : vector<16xi32>
    %swap3A_260 = arith.constant 64 : index
    %swap3A_261 = tpu.vector_load %arg9[%swap3A_260] {strides = array<i32>} : memref<125xi32, #tpu.memory_space<vmem>>, vector<16xi32>,
    %swap3A_262 = vector.shape_cast %swap3A_261 : vector<16xi32> to vector<16xi32>
    %swap3A_263 = vector.shape_cast %and3A_259 : vector<16xi32> to vector<16xi32>
    tpu.vector_store %arg9[%swap3A_260], %swap3A_263 {strides = array<i32>} : memref<125xi32, #tpu.memory_space<vmem>>, vector<16xi32>,
    %shift_right_logical3A_264 = arith.constant 16 : i32
    %shift_right_logical3A_265 = vector.broadcast %shift_right_logical3A_264 : i32 to vector<16xi32>
    %shift_right_logical3A_266 = arith.shrui %get3A_256, %shift_right_logical3A_265 : vector<16xi32>
    %swap3A_267 = arith.constant 64 : index
    %swap3A_268 = tpu.vector_load %arg10[%swap3A_267] {strides = array<i32>} : memref<125xi32, #tpu.memory_space<vmem>>, vector<16xi32>,
    %swap3A_269 = vector.shape_cast %swap3A_268 : vector<16xi32> to vector<16xi32>
    %swap3A_270 = vector.shape_cast %shift_right_logical3A_266 : vector<16xi32> to vector<16xi32>
    tpu.vector_store %arg10[%swap3A_267], %swap3A_270 {strides = array<i32>} : memref<125xi32, #tpu.memory_space<vmem>>, vector<16xi32>,
    %get3A_271 = arith.constant 80 : index
    %get3A_272 = tpu.vector_load %arg6[%get3A_271] {strides = array<i32>} : memref<125xi32, #tpu.memory_space<vmem>>, vector<16xi32>,
    %get3A_273 = vector.shape_cast %get3A_272 : vector<16xi32> to vector<16xi32>
    %and3A_274 = arith.constant 65535 : i32
    %and3A_275 = vector.broadcast %and3A_274 : i32 to vector<16xi32>
    %and3A_276 = arith.andi %get3A_273, %and3A_275 : vector<16xi32>
    %swap3A_277 = arith.constant 80 : index
    %swap3A_278 = tpu.vector_load %arg9[%swap3A_277] {strides = array<i32>} : memref<125xi32, #tpu.memory_space<vmem>>, vector<16xi32>,
    %swap3A_279 = vector.shape_cast %swap3A_278 : vector<16xi32> to vector<16xi32>
    %swap3A_280 = vector.shape_cast %and3A_276 : vector<16xi32> to vector<16xi32>
    tpu.vector_store %arg9[%swap3A_277], %swap3A_280 {strides = array<i32>} : memref<125xi32, #tpu.memory_space<vmem>>, vector<16xi32>,
    %shift_right_logical3A_281 = arith.constant 16 : i32
    %shift_right_logical3A_282 = vector.broadcast %shift_right_logical3A_281 : i32 to vector<16xi32>
    %shift_right_logical3A_283 = arith.shrui %get3A_273, %shift_right_logical3A_282 : vector<16xi32>
    %swap3A_284 = arith.constant 80 : index
    %swap3A_285 = tpu.vector_load %arg10[%swap3A_284] {strides = array<i32>} : memref<125xi32, #tpu.memory_space<vmem>>, vector<16xi32>,
    %swap3A_286 = vector.shape_cast %swap3A_285 : vector<16xi32> to vector<16xi32>
    %swap3A_287 = vector.shape_cast %shift_right_logical3A_283 : vector<16xi32> to vector<16xi32>
    tpu.vector_store %arg10[%swap3A_284], %swap3A_287 {strides = array<i32>} : memref<125xi32, #tpu.memory_space<vmem>>, vector<16xi32>,
    %get3A_288 = arith.constant 96 : index
    %get3A_289 = tpu.vector_load %arg6[%get3A_288] {strides = array<i32>} : memref<125xi32, #tpu.memory_space<vmem>>, vector<16xi32>,
    %get3A_290 = vector.shape_cast %get3A_289 : vector<16xi32> to vector<16xi32>
    %and3A_291 = arith.constant 65535 : i32
    %and3A_292 = vector.broadcast %and3A_291 : i32 to vector<16xi32>
    %and3A_293 = arith.andi %get3A_290, %and3A_292 : vector<16xi32>
    %swap3A_294 = arith.constant 96 : index
    %swap3A_295 = tpu.vector_load %arg9[%swap3A_294] {strides = array<i32>} : memref<125xi32, #tpu.memory_space<vmem>>, vector<16xi32>,
    %swap3A_296 = vector.shape_cast %swap3A_295 : vector<16xi32> to vector<16xi32>
    %swap3A_297 = vector.shape_cast %and3A_293 : vector<16xi32> to vector<16xi32>
    tpu.vector_store %arg9[%swap3A_294], %swap3A_297 {strides = array<i32>} : memref<125xi32, #tpu.memory_space<vmem>>, vector<16xi32>,
    %shift_right_logical3A_298 = arith.constant 16 : i32
    %shift_right_logical3A_299 = vector.broadcast %shift_right_logical3A_298 : i32 to vector<16xi32>
    %shift_right_logical3A_300 = arith.shrui %get3A_290, %shift_right_logical3A_299 : vector<16xi32>
    %swap3A_301 = arith.constant 96 : index
    %swap3A_302 = tpu.vector_load %arg10[%swap3A_301] {strides = array<i32>} : memref<125xi32, #tpu.memory_space<vmem>>, vector<16xi32>,
    %swap3A_303 = vector.shape_cast %swap3A_302 : vector<16xi32> to vector<16xi32>
    %swap3A_304 = vector.shape_cast %shift_right_logical3A_300 : vector<16xi32> to vector<16xi32>
    tpu.vector_store %arg10[%swap3A_301], %swap3A_304 {strides = array<i32>} : memref<125xi32, #tpu.memory_space<vmem>>, vector<16xi32>,
    %get3A_305 = arith.constant 109 : index
    %get3A_306 = tpu.vector_load %arg6[%get3A_305] {strides = array<i32>} : memref<125xi32, #tpu.memory_space<vmem>>, vector<16xi32>,
    %get3A_307 = vector.shape_cast %get3A_306 : vector<16xi32> to vector<16xi32>
    %and3A_308 = arith.constant 65535 : i32
    %and3A_309 = vector.broadcast %and3A_308 : i32 to vector<16xi32>
    %and3A_310 = arith.andi %get3A_307, %and3A_309 : vector<16xi32>
    %swap3A_311 = arith.constant 109 : index
    %swap3A_312 = tpu.vector_load %arg9[%swap3A_311] {strides = array<i32>} : memref<125xi32, #tpu.memory_space<vmem>>, vector<16xi32>,
    %swap3A_313 = vector.shape_cast %swap3A_312 : vector<16xi32> to vector<16xi32>
    %swap3A_314 = vector.shape_cast %and3A_310 : vector<16xi32> to vector<16xi32>
    tpu.vector_store %arg9[%swap3A_311], %swap3A_314 {strides = array<i32>} : memref<125xi32, #tpu.memory_space<vmem>>, vector<16xi32>,
    %shift_right_logical3A_315 = arith.constant 16 : i32
    %shift_right_logical3A_316 = vector.broadcast %shift_right_logical3A_315 : i32 to vector<16xi32>
    %shift_right_logical3A_317 = arith.shrui %get3A_307, %shift_right_logical3A_316 : vector<16xi32>
    %swap3A_318 = arith.constant 109 : index
    %swap3A_319 = tpu.vector_load %arg10[%swap3A_318] {strides = array<i32>} : memref<125xi32, #tpu.memory_space<vmem>>, vector<16xi32>,
    %swap3A_320 = vector.shape_cast %swap3A_319 : vector<16xi32> to vector<16xi32>
    %swap3A_321 = vector.shape_cast %shift_right_logical3A_317 : vector<16xi32> to vector<16xi32>
    tpu.vector_store %arg10[%swap3A_318], %swap3A_321 {strides = array<i32>} : memref<125xi32, #tpu.memory_space<vmem>>, vector<16xi32>,
    %dma_start3A_322 = arith.constant 0 : i32
    %dma_start3A_323 = arith.constant 0 : i32
    %dma_start3A_324 = tpu.memref_slice %arg3[%dma_start3A_322, %dma_start3A_323] : memref<10000x128xf32, #tpu.memory_space<hbm>> -> memref<10000x128xf32, #tpu.memory_space<hbm>>
    tpu.enqueue_indirect_dma source(%dma_start3A_324 : memref<10000x128xf32, #tpu.memory_space<hbm>>) target(%arg12 : memref<125x128xf32, #tpu.memory_space<vmem>>) offsets(%arg9 : memref<125xi32, #tpu.memory_space<vmem>>) semaphore(%arg17 : memref<!tpu.dma_semaphore, #tpu.memory_space<semaphore_mem>>)
    %dma_wait3A_325 = arith.constant 0 : i32
    %dma_wait3A_326 = arith.constant 0 : i32
    %dma_wait3A_327 = tpu.memref_slice %arg3[%dma_wait3A_325, %dma_wait3A_326] : memref<10000x128xf32, #tpu.memory_space<hbm>> -> memref<10000x128xf32, #tpu.memory_space<hbm>>
    tpu.wait_indirect_dma semaphore(%arg16 : memref<!tpu.dma_semaphore, #tpu.memory_space<semaphore_mem>>) src(%dma_wait3A_327 : memref<10000x128xf32, #tpu.memory_space<hbm>>) dst(%arg11 : memref<125x128xf32, #tpu.memory_space<vmem>>)
    "tpu.region"() ({
      %run_scoped3A_342 = tpu.sem_alloc : memref<!tpu.dma_semaphore, #tpu.memory_space<semaphore_mem>>
      %dma_start3A_343 = arith.constant 0 : i32
      %dma_start3A_344 = arith.constant 0 : i32
      %dma_start3A_345 = tpu.memref_slice %arg18[%dma_start3A_343, %dma_start3A_344] : memref<10000x128xf32, #tpu.memory_space<vmem_shared>> -> memref<10000x128xf32, #tpu.memory_space<vmem_shared>>
      tpu.enqueue_indirect_dma source(%arg11 : memref<125x128xf32, #tpu.memory_space<vmem>>) target(%dma_start3A_345 : memref<10000x128xf32, #tpu.memory_space<vmem_shared>>) offsets(%arg8 : memref<125xi32, #tpu.memory_space<vmem>>) semaphore(%run_scoped3A_342 : memref<!tpu.dma_semaphore, #tpu.memory_space<semaphore_mem>>) {add = true}
      %dma_wait3A_346 = arith.constant 0 : i32
      %dma_wait3A_347 = arith.constant 0 : i32
      %dma_wait3A_348 = tpu.memref_slice %arg18[%dma_wait3A_346, %dma_wait3A_347] : memref<10000x128xf32, #tpu.memory_space<vmem_shared>> -> memref<10000x128xf32, #tpu.memory_space<vmem_shared>>
      tpu.wait_indirect_dma semaphore(%run_scoped3A_342 : memref<!tpu.dma_semaphore, #tpu.memory_space<semaphore_mem>>) src(%arg11 : memref<125x128xf32, #tpu.memory_space<vmem>>) dst(%dma_wait3A_348 : memref<10000x128xf32, #tpu.memory_space<vmem_shared>>)
      tpu.yield
    }) : () -> ()
    %dma_wait3A_328 = arith.constant 0 : i32
    %dma_wait3A_329 = arith.constant 0 : i32
    %dma_wait3A_330 = tpu.memref_slice %arg3[%dma_wait3A_328, %dma_wait3A_329] : memref<10000x128xf32, #tpu.memory_space<hbm>> -> memref<10000x128xf32, #tpu.memory_space<hbm>>
    tpu.wait_indirect_dma semaphore(%arg17 : memref<!tpu.dma_semaphore, #tpu.memory_space<semaphore_mem>>) src(%dma_wait3A_330 : memref<10000x128xf32, #tpu.memory_space<hbm>>) dst(%arg12 : memref<125x128xf32, #tpu.memory_space<vmem>>)
    "tpu.region"() ({
      %run_scoped3A_342 = tpu.sem_alloc : memref<!tpu.dma_semaphore, #tpu.memory_space<semaphore_mem>>
      %dma_start3A_343 = arith.constant 0 : i32
      %dma_start3A_344 = arith.constant 0 : i32
      %dma_start3A_345 = tpu.memref_slice %arg18[%dma_start3A_343, %dma_start3A_344] : memref<10000x128xf32, #tpu.memory_space<vmem_shared>> -> memref<10000x128xf32, #tpu.memory_space<vmem_shared>>
      tpu.enqueue_indirect_dma source(%arg12 : memref<125x128xf32, #tpu.memory_space<vmem>>) target(%dma_start3A_345 : memref<10000x128xf32, #tpu.memory_space<vmem_shared>>) offsets(%arg10 : memref<125xi32, #tpu.memory_space<vmem>>) semaphore(%run_scoped3A_342 : memref<!tpu.dma_semaphore, #tpu.memory_space<semaphore_mem>>) {add = true}
      %dma_wait3A_346 = arith.constant 0 : i32
      %dma_wait3A_347 = arith.constant 0 : i32
      %dma_wait3A_348 = tpu.memref_slice %arg18[%dma_wait3A_346, %dma_wait3A_347] : memref<10000x128xf32, #tpu.memory_space<vmem_shared>> -> memref<10000x128xf32, #tpu.memory_space<vmem_shared>>
      tpu.wait_indirect_dma semaphore(%run_scoped3A_342 : memref<!tpu.dma_semaphore, #tpu.memory_space<semaphore_mem>>) src(%arg12 : memref<125x128xf32, #tpu.memory_space<vmem>>) dst(%dma_wait3A_348 : memref<10000x128xf32, #tpu.memory_space<vmem_shared>>)
      tpu.yield
    }) : () -> ()
    %barrier3A_331 = arith.constant 0 : index
    tpu.barrier barrier_id(%barrier3A_331)
    %while3A_332 = arith.constant 0 : i32
    %while3A_333 = arith.constant 0 : i32
    %while3A_334 = arith.subi %select_n3A, %while3A_333 : i32
    %while3A_335 = arith.addi %while3A_333, %while3A_334 : i32
    %while3A_336 = arith.constant 1 : i32
    %while3A_337 = arith.divsi %while3A_334, %while3A_336 : i32
    %while3A_338 = arith.muli %while3A_337, %while3A_336 : i32
    %while3A_339 = arith.addi %while3A_333, %while3A_338 : i32
    %while3A_340 = arith.constant 1 : i32
    scf.for %while3A_342 = %while3A_333 to %while3A_339 step %while3A_340  : i32 {
      %mul3A_343 = arith.constant 16 : i32
      %mul3A_344 = arith.muli %mul3A_343, %while3A_342 : i32
      %add3A_345 = arith.addi %arg1, %mul3A_344 : i32
      %mul3A_346 = arith.constant 16 : i32
      %mul3A_347 = arith.muli %add3A_345, %mul3A_346 : i32
      "tpu.region"() ({
        %run_scoped3A_348 = tpu.sem_alloc : memref<!tpu.dma_semaphore, #tpu.memory_space<semaphore_mem>>
        %dma_start3A_349 = arith.constant 0 : i32
        %dma_start3A_350 = arith.constant 0 : i32
        %dma_start3A_351 = tpu.memref_slice %arg4[%arg0, %dma_start3A_349, %dma_start3A_350] : memref<2x10000x128xf32, #tpu.memory_space<hbm>> -> memref<1x10000x128xf32, #tpu.memory_space<hbm>>
        %dma_start3A_352 = tpu.memref_squeeze %dma_start3A_351 : memref<1x10000x128xf32, #tpu.memory_space<hbm>> -> memref<10000x128xf32, #tpu.memory_space<hbm>>
        %dma_start3A_353 = arith.constant 0 : i32
        %dma_start3A_354 = tpu.memref_slice %dma_start3A_352[%mul3A_347, %dma_start3A_353] : memref<10000x128xf32, #tpu.memory_space<hbm>> -> memref<16x128xf32, #tpu.memory_space<hbm>>
        %dma_start3A_355 = arith.constant 0 : i32
        %dma_start3A_356 = tpu.memref_slice %arg18[%mul3A_347, %dma_start3A_355] : memref<10000x128xf32, #tpu.memory_space<vmem_shared>> -> memref<16x128xf32, #tpu.memory_space<vmem_shared>>
        tpu.enqueue_dma source(%dma_start3A_356 : memref<16x128xf32, #tpu.memory_space<vmem_shared>>) target(%dma_start3A_354 : memref<16x128xf32, #tpu.memory_space<hbm>>) target_semaphore(%run_scoped3A_348 : memref<!tpu.dma_semaphore, #tpu.memory_space<semaphore_mem>>)
        %dma_wait3A_357 = arith.constant 0 : i32
        %dma_wait3A_358 = arith.constant 0 : i32
        %dma_wait3A_359 = tpu.memref_slice %arg4[%arg0, %dma_wait3A_357, %dma_wait3A_358] : memref<2x10000x128xf32, #tpu.memory_space<hbm>> -> memref<1x10000x128xf32, #tpu.memory_space<hbm>>
        %dma_wait3A_360 = tpu.memref_squeeze %dma_wait3A_359 : memref<1x10000x128xf32, #tpu.memory_space<hbm>> -> memref<10000x128xf32, #tpu.memory_space<hbm>>
        %dma_wait3A_361 = arith.constant 0 : i32
        %dma_wait3A_362 = tpu.memref_slice %dma_wait3A_360[%mul3A_347, %dma_wait3A_361] : memref<10000x128xf32, #tpu.memory_space<hbm>> -> memref<16x128xf32, #tpu.memory_space<hbm>>
        %dma_wait3A_363 = arith.constant 0 : i32
        %dma_wait3A_364 = tpu.memref_slice %arg18[%mul3A_347, %dma_wait3A_363] : memref<10000x128xf32, #tpu.memory_space<vmem_shared>> -> memref<16x128xf32, #tpu.memory_space<vmem_shared>>
        tpu.wait_dma2 semaphore(%run_scoped3A_348 : memref<!tpu.dma_semaphore, #tpu.memory_space<semaphore_mem>>) src(%dma_wait3A_364 : memref<16x128xf32, #tpu.memory_space<vmem_shared>>) dst(%dma_wait3A_362 : memref<16x128xf32, #tpu.memory_space<hbm>>)
        tpu.yield
      }) : () -> ()
    }
    %while3A_341 = arith.constant 1 : i32
    scf.for %while3A_342 = %while3A_339 to %while3A_335 step %while3A_341  : i32 {
      %mul3A_343 = arith.constant 16 : i32
      %mul3A_344 = arith.muli %mul3A_343, %while3A_342 : i32
      %add3A_345 = arith.addi %arg1, %mul3A_344 : i32
      %mul3A_346 = arith.constant 16 : i32
      %mul3A_347 = arith.muli %add3A_345, %mul3A_346 : i32
      "tpu.region"() ({
        %run_scoped3A_348 = tpu.sem_alloc : memref<!tpu.dma_semaphore, #tpu.memory_space<semaphore_mem>>
        %dma_start3A_349 = arith.constant 0 : i32
        %dma_start3A_350 = arith.constant 0 : i32
        %dma_start3A_351 = tpu.memref_slice %arg4[%arg0, %dma_start3A_349, %dma_start3A_350] : memref<2x10000x128xf32, #tpu.memory_space<hbm>> -> memref<1x10000x128xf32, #tpu.memory_space<hbm>>
        %dma_start3A_352 = tpu.memref_squeeze %dma_start3A_351 : memref<1x10000x128xf32, #tpu.memory_space<hbm>> -> memref<10000x128xf32, #tpu.memory_space<hbm>>
        %dma_start3A_353 = arith.constant 0 : i32
        %dma_start3A_354 = tpu.memref_slice %dma_start3A_352[%mul3A_347, %dma_start3A_353] : memref<10000x128xf32, #tpu.memory_space<hbm>> -> memref<16x128xf32, #tpu.memory_space<hbm>>
        %dma_start3A_355 = arith.constant 0 : i32
        %dma_start3A_356 = tpu.memref_slice %arg18[%mul3A_347, %dma_start3A_355] : memref<10000x128xf32, #tpu.memory_space<vmem_shared>> -> memref<16x128xf32, #tpu.memory_space<vmem_shared>>
        tpu.enqueue_dma source(%dma_start3A_356 : memref<16x128xf32, #tpu.memory_space<vmem_shared>>) target(%dma_start3A_354 : memref<16x128xf32, #tpu.memory_space<hbm>>) target_semaphore(%run_scoped3A_348 : memref<!tpu.dma_semaphore, #tpu.memory_space<semaphore_mem>>)
        %dma_wait3A_357 = arith.constant 0 : i32
        %dma_wait3A_358 = arith.constant 0 : i32
        %dma_wait3A_359 = tpu.memref_slice %arg4[%arg0, %dma_wait3A_357, %dma_wait3A_358] : memref<2x10000x128xf32, #tpu.memory_space<hbm>> -> memref<1x10000x128xf32, #tpu.memory_space<hbm>>
        %dma_wait3A_360 = tpu.memref_squeeze %dma_wait3A_359 : memref<1x10000x128xf32, #tpu.memory_space<hbm>> -> memref<10000x128xf32, #tpu.memory_space<hbm>>
        %dma_wait3A_361 = arith.constant 0 : i32
        %dma_wait3A_362 = tpu.memref_slice %dma_wait3A_360[%mul3A_347, %dma_wait3A_361] : memref<10000x128xf32, #tpu.memory_space<hbm>> -> memref<16x128xf32, #tpu.memory_space<hbm>>
        %dma_wait3A_363 = arith.constant 0 : i32
        %dma_wait3A_364 = tpu.memref_slice %arg18[%mul3A_347, %dma_wait3A_363] : memref<10000x128xf32, #tpu.memory_space<vmem_shared>> -> memref<16x128xf32, #tpu.memory_space<vmem_shared>>
        tpu.wait_dma2 semaphore(%run_scoped3A_348 : memref<!tpu.dma_semaphore, #tpu.memory_space<semaphore_mem>>) src(%dma_wait3A_364 : memref<16x128xf32, #tpu.memory_space<vmem_shared>>) dst(%dma_wait3A_362 : memref<16x128xf32, #tpu.memory_space<hbm>>)
        tpu.yield
      }) : () -> ()
    }
    return
  }
}

#map = affine_map<(d0, d1) -> (0, 0, 0)>
#map1 = affine_map<(d0, d1) -> (0, 0)>
module attributes {stable_mosaic.version = 14 : i64} {
  func.func @_sc_agg_body(%arg0: i32, %arg1: i32, %arg2: memref<32x80x125xi32, #tpu.memory_space<hbm>>, %arg3: memref<10000x128xf32, #tpu.memory_space<hbm>>, %arg4: memref<2x10000x128xf32, #tpu.memory_space<hbm>>, %arg5: memref<125xi32, #tpu.memory_space<vmem>>, %arg6: memref<125xi32, #tpu.memory_space<vmem>>, %arg7: memref<125xi32, #tpu.memory_space<vmem>>, %arg8: memref<125xi32, #tpu.memory_space<vmem>>, %arg9: memref<125xi32, #tpu.memory_space<vmem>>, %arg10: memref<125xi32, #tpu.memory_space<vmem>>, %arg11: memref<125x128xf32, #tpu.memory_space<vmem>>, %arg12: memref<125x128xf32, #tpu.memory_space<vmem>>, %arg13: memref<16x128xf32, #tpu.memory_space<vmem>>, %arg14: memref<!tpu.dma_semaphore, #tpu.memory_space<semaphore_mem>>, %arg15: memref<!tpu.dma_semaphore, #tpu.memory_space<semaphore_mem>>, %arg16: memref<!tpu.dma_semaphore, #tpu.memory_space<semaphore_mem>>, %arg17: memref<!tpu.dma_semaphore, #tpu.memory_space<semaphore_mem>>, %arg18: memref<10000x128xf32, #tpu.memory_space<vmem_shared>>) attributes {dimension_semantics = [#tpu.dimension_semantics<core_parallel>, #tpu.dimension_semantics<subcore_parallel>], iteration_bounds = array<i64: 2, 16>, scalar_prefetch = 0 : i64, scratch_operands = 14 : i64, tpu.core_type = #tpu.core_type<sc_vector_subcore>, window_params = [{transform_indices = #map}, {transform_indices = #map1}, {transform_indices = #map}]} {
    %mul3A = arith.constant 2 : i32
    %mul3A_0 = arith.muli %arg1, %mul3A : i32
    %add3A = arith.addi %mul3A_0, %arg0 : i32
    %scan3A = arith.constant 0 : i32
    %scan3A_1 = arith.constant 0 : i32
    %scan3A_2 = arith.constant 16 : i32
    %scan3A_3 = arith.addi %scan3A_1, %scan3A_2 : i32
    %scan3A_4 = arith.constant 1 : i32
    scf.for %scan3A_342 = %scan3A_1 to %scan3A_3 step %scan3A_4  : i32 {
      %broadcast_in_dim3A = arith.constant 0.000000e+00 : f32
      %broadcast_in_dim3A_343 = vector.broadcast %broadcast_in_dim3A : f32 to vector<16xf32>
      %swap3A_344 = arith.index_cast %scan3A_342 : i32 to index
      %swap3A_345 = arith.constant 0 : index
      %swap3A_346 = tpu.vector_load %arg13[%swap3A_344, %swap3A_345] {strides = array<i32>} : memref<16x128xf32, #tpu.memory_space<vmem>>, vector<1x16xf32>,
      %swap3A_347 = vector.shape_cast %swap3A_346 : vector<1x16xf32> to vector<16xf32>
      %swap3A_348 = vector.shape_cast %broadcast_in_dim3A_343 : vector<16xf32> to vector<1x16xf32>
      tpu.vector_store %arg13[%swap3A_344, %swap3A_345], %swap3A_348 {strides = array<i32>} : memref<16x128xf32, #tpu.memory_space<vmem>>, vector<1x16xf32>,
      %broadcast_in_dim3A_349 = arith.constant 0.000000e+00 : f32
      %broadcast_in_dim3A_350 = vector.broadcast %broadcast_in_dim3A_349 : f32 to vector<16xf32>
      %swap3A_351 = arith.index_cast %scan3A_342 : i32 to index
      %swap3A_352 = arith.constant 16 : index
      %swap3A_353 = tpu.vector_load %arg13[%swap3A_351, %swap3A_352] {strides = array<i32>} : memref<16x128xf32, #tpu.memory_space<vmem>>, vector<1x16xf32>,
      %swap3A_354 = vector.shape_cast %swap3A_353 : vector<1x16xf32> to vector<16xf32>
      %swap3A_355 = vector.shape_cast %broadcast_in_dim3A_350 : vector<16xf32> to vector<1x16xf32>
      tpu.vector_store %arg13[%swap3A_351, %swap3A_352], %swap3A_355 {strides = array<i32>} : memref<16x128xf32, #tpu.memory_space<vmem>>, vector<1x16xf32>,
      %broadcast_in_dim3A_356 = arith.constant 0.000000e+00 : f32
      %broadcast_in_dim3A_357 = vector.broadcast %broadcast_in_dim3A_356 : f32 to vector<16xf32>
      %swap3A_358 = arith.index_cast %scan3A_342 : i32 to index
      %swap3A_359 = arith.constant 32 : index
      %swap3A_360 = tpu.vector_load %arg13[%swap3A_358, %swap3A_359] {strides = array<i32>} : memref<16x128xf32, #tpu.memory_space<vmem>>, vector<1x16xf32>,
      %swap3A_361 = vector.shape_cast %swap3A_360 : vector<1x16xf32> to vector<16xf32>
      %swap3A_362 = vector.shape_cast %broadcast_in_dim3A_357 : vector<16xf32> to vector<1x16xf32>
      tpu.vector_store %arg13[%swap3A_358, %swap3A_359], %swap3A_362 {strides = array<i32>} : memref<16x128xf32, #tpu.memory_space<vmem>>, vector<1x16xf32>,
      %broadcast_in_dim3A_363 = arith.constant 0.000000e+00 : f32
      %broadcast_in_dim3A_364 = vector.broadcast %broadcast_in_dim3A_363 : f32 to vector<16xf32>
      %swap3A_365 = arith.index_cast %scan3A_342 : i32 to index
      %swap3A_366 = arith.constant 48 : index
      %swap3A_367 = tpu.vector_load %arg13[%swap3A_365, %swap3A_366] {strides = array<i32>} : memref<16x128xf32, #tpu.memory_space<vmem>>, vector<1x16xf32>,
      %swap3A_368 = vector.shape_cast %swap3A_367 : vector<1x16xf32> to vector<16xf32>
      %swap3A_369 = vector.shape_cast %broadcast_in_dim3A_364 : vector<16xf32> to vector<1x16xf32>
      tpu.vector_store %arg13[%swap3A_365, %swap3A_366], %swap3A_369 {strides = array<i32>} : memref<16x128xf32, #tpu.memory_space<vmem>>, vector<1x16xf32>,
      %broadcast_in_dim3A_370 = arith.constant 0.000000e+00 : f32
      %broadcast_in_dim3A_371 = vector.broadcast %broadcast_in_dim3A_370 : f32 to vector<16xf32>
      %swap3A_372 = arith.index_cast %scan3A_342 : i32 to index
      %swap3A_373 = arith.constant 64 : index
      %swap3A_374 = tpu.vector_load %arg13[%swap3A_372, %swap3A_373] {strides = array<i32>} : memref<16x128xf32, #tpu.memory_space<vmem>>, vector<1x16xf32>,
      %swap3A_375 = vector.shape_cast %swap3A_374 : vector<1x16xf32> to vector<16xf32>
      %swap3A_376 = vector.shape_cast %broadcast_in_dim3A_371 : vector<16xf32> to vector<1x16xf32>
      tpu.vector_store %arg13[%swap3A_372, %swap3A_373], %swap3A_376 {strides = array<i32>} : memref<16x128xf32, #tpu.memory_space<vmem>>, vector<1x16xf32>,
      %broadcast_in_dim3A_377 = arith.constant 0.000000e+00 : f32
      %broadcast_in_dim3A_378 = vector.broadcast %broadcast_in_dim3A_377 : f32 to vector<16xf32>
      %swap3A_379 = arith.index_cast %scan3A_342 : i32 to index
      %swap3A_380 = arith.constant 80 : index
      %swap3A_381 = tpu.vector_load %arg13[%swap3A_379, %swap3A_380] {strides = array<i32>} : memref<16x128xf32, #tpu.memory_space<vmem>>, vector<1x16xf32>,
      %swap3A_382 = vector.shape_cast %swap3A_381 : vector<1x16xf32> to vector<16xf32>
      %swap3A_383 = vector.shape_cast %broadcast_in_dim3A_378 : vector<16xf32> to vector<1x16xf32>
      tpu.vector_store %arg13[%swap3A_379, %swap3A_380], %swap3A_383 {strides = array<i32>} : memref<16x128xf32, #tpu.memory_space<vmem>>, vector<1x16xf32>,
      %broadcast_in_dim3A_384 = arith.constant 0.000000e+00 : f32
      %broadcast_in_dim3A_385 = vector.broadcast %broadcast_in_dim3A_384 : f32 to vector<16xf32>
      %swap3A_386 = arith.index_cast %scan3A_342 : i32 to index
      %swap3A_387 = arith.constant 96 : index
      %swap3A_388 = tpu.vector_load %arg13[%swap3A_386, %swap3A_387] {strides = array<i32>} : memref<16x128xf32, #tpu.memory_space<vmem>>, vector<1x16xf32>,
      %swap3A_389 = vector.shape_cast %swap3A_388 : vector<1x16xf32> to vector<16xf32>
      %swap3A_390 = vector.shape_cast %broadcast_in_dim3A_385 : vector<16xf32> to vector<1x16xf32>
      tpu.vector_store %arg13[%swap3A_386, %swap3A_387], %swap3A_390 {strides = array<i32>} : memref<16x128xf32, #tpu.memory_space<vmem>>, vector<1x16xf32>,
      %broadcast_in_dim3A_391 = arith.constant 0.000000e+00 : f32
      %broadcast_in_dim3A_392 = vector.broadcast %broadcast_in_dim3A_391 : f32 to vector<16xf32>
      %swap3A_393 = arith.index_cast %scan3A_342 : i32 to index
      %swap3A_394 = arith.constant 112 : index
      %swap3A_395 = tpu.vector_load %arg13[%swap3A_393, %swap3A_394] {strides = array<i32>} : memref<16x128xf32, #tpu.memory_space<vmem>>, vector<1x16xf32>,
      %swap3A_396 = vector.shape_cast %swap3A_395 : vector<1x16xf32> to vector<16xf32>
      %swap3A_397 = vector.shape_cast %broadcast_in_dim3A_392 : vector<16xf32> to vector<1x16xf32>
      tpu.vector_store %arg13[%swap3A_393, %swap3A_394], %swap3A_397 {strides = array<i32>} : memref<16x128xf32, #tpu.memory_space<vmem>>, vector<1x16xf32>,
    }
    %scan3A_5 = arith.constant 16 : i32
    %lt3A = arith.constant 1 : i32
    %lt3A_6 = arith.cmpi slt, %arg1, %lt3A : i32
    %jit3A = arith.constant 40 : i32
    %jit3A_7 = arith.constant 39 : i32
    %select_n3A = arith.select %lt3A_6, %jit3A, %jit3A_7 : i32
    %while3A = arith.constant 0 : i32
    %while3A_8 = arith.constant 0 : i32
    %while3A_9 = arith.subi %select_n3A, %while3A_8 : i32
    %while3A_10 = arith.addi %while3A_8, %while3A_9 : i32
    %while3A_11 = arith.constant 1 : i32
    %while3A_12 = arith.divsi %while3A_9, %while3A_11 : i32
    %while3A_13 = arith.muli %while3A_12, %while3A_11 : i32
    %while3A_14 = arith.addi %while3A_8, %while3A_13 : i32
    %while3A_15 = arith.constant 1 : i32
    scf.for %while3A_342 = %while3A_8 to %while3A_14 step %while3A_15  : i32 {
      %mul3A_343 = arith.constant 16 : i32
      %mul3A_344 = arith.muli %mul3A_343, %while3A_342 : i32
      %add3A_345 = arith.addi %arg1, %mul3A_344 : i32
      %mul3A_346 = arith.constant 16 : i32
      %mul3A_347 = arith.muli %add3A_345, %mul3A_346 : i32
      "tpu.region"() ({
        %run_scoped3A_348 = tpu.sem_alloc : memref<!tpu.dma_semaphore, #tpu.memory_space<semaphore_mem>>
        %dma_start3A_349 = arith.constant 0 : i32
        %dma_start3A_350 = tpu.memref_slice %arg18[%mul3A_347, %dma_start3A_349] : memref<10000x128xf32, #tpu.memory_space<vmem_shared>> -> memref<16x128xf32, #tpu.memory_space<vmem_shared>>
        %dma_start3A_351 = arith.constant 0 : i32
        %dma_start3A_352 = tpu.memref_slice %arg18[%mul3A_347, %dma_start3A_351] : memref<10000x128xf32, #tpu.memory_space<vmem_shared>> -> memref<16x128xf32, #tpu.memory_space<vmem_shared>>
        tpu.enqueue_dma source(%arg13 : memref<16x128xf32, #tpu.memory_space<vmem>>) target(%dma_start3A_352 : memref<16x128xf32, #tpu.memory_space<vmem_shared>>) target_semaphore(%run_scoped3A_348 : memref<!tpu.dma_semaphore, #tpu.memory_space<semaphore_mem>>)
        %dma_wait3A_353 = arith.constant 0 : i32
        %dma_wait3A_354 = tpu.memref_slice %arg18[%mul3A_347, %dma_wait3A_353] : memref<10000x128xf32, #tpu.memory_space<vmem_shared>> -> memref<16x128xf32, #tpu.memory_space<vmem_shared>>
        %dma_wait3A_355 = arith.constant 0 : i32
        %dma_wait3A_356 = tpu.memref_slice %arg18[%mul3A_347, %dma_wait3A_355] : memref<10000x128xf32, #tpu.memory_space<vmem_shared>> -> memref<16x128xf32, #tpu.memory_space<vmem_shared>>
        tpu.wait_dma2 semaphore(%run_scoped3A_348 : memref<!tpu.dma_semaphore, #tpu.memory_space<semaphore_mem>>) src(%arg13 : memref<16x128xf32, #tpu.memory_space<vmem>>) dst(%dma_wait3A_356 : memref<16x128xf32, #tpu.memory_space<vmem_shared>>)
        tpu.yield
      }) : () -> ()
    }
    %while3A_16 = arith.constant 1 : i32
    scf.for %while3A_342 = %while3A_14 to %while3A_10 step %while3A_16  : i32 {
      %mul3A_343 = arith.constant 16 : i32
      %mul3A_344 = arith.muli %mul3A_343, %while3A_342 : i32
      %add3A_345 = arith.addi %arg1, %mul3A_344 : i32
      %mul3A_346 = arith.constant 16 : i32
      %mul3A_347 = arith.muli %add3A_345, %mul3A_346 : i32
      "tpu.region"() ({
        %run_scoped3A_348 = tpu.sem_alloc : memref<!tpu.dma_semaphore, #tpu.memory_space<semaphore_mem>>
        %dma_start3A_349 = arith.constant 0 : i32
        %dma_start3A_350 = tpu.memref_slice %arg18[%mul3A_347, %dma_start3A_349] : memref<10000x128xf32, #tpu.memory_space<vmem_shared>> -> memref<16x128xf32, #tpu.memory_space<vmem_shared>>
        %dma_start3A_351 = arith.constant 0 : i32
        %dma_start3A_352 = tpu.memref_slice %arg18[%mul3A_347, %dma_start3A_351] : memref<10000x128xf32, #tpu.memory_space<vmem_shared>> -> memref<16x128xf32, #tpu.memory_space<vmem_shared>>
        tpu.enqueue_dma source(%arg13 : memref<16x128xf32, #tpu.memory_space<vmem>>) target(%dma_start3A_352 : memref<16x128xf32, #tpu.memory_space<vmem_shared>>) target_semaphore(%run_scoped3A_348 : memref<!tpu.dma_semaphore, #tpu.memory_space<semaphore_mem>>)
        %dma_wait3A_353 = arith.constant 0 : i32
        %dma_wait3A_354 = tpu.memref_slice %arg18[%mul3A_347, %dma_wait3A_353] : memref<10000x128xf32, #tpu.memory_space<vmem_shared>> -> memref<16x128xf32, #tpu.memory_space<vmem_shared>>
        %dma_wait3A_355 = arith.constant 0 : i32
        %dma_wait3A_356 = tpu.memref_slice %arg18[%mul3A_347, %dma_wait3A_355] : memref<10000x128xf32, #tpu.memory_space<vmem_shared>> -> memref<16x128xf32, #tpu.memory_space<vmem_shared>>
        tpu.wait_dma2 semaphore(%run_scoped3A_348 : memref<!tpu.dma_semaphore, #tpu.memory_space<semaphore_mem>>) src(%arg13 : memref<16x128xf32, #tpu.memory_space<vmem>>) dst(%dma_wait3A_356 : memref<16x128xf32, #tpu.memory_space<vmem_shared>>)
        tpu.yield
      }) : () -> ()
    }
    %barrier3A = arith.constant 0 : index
    tpu.barrier barrier_id(%barrier3A)
    %run_scoped3A = arith.constant 0 : i32
    "tpu.region"() ({
      %run_scoped3A_342 = tpu.sem_alloc : memref<!tpu.dma_semaphore, #tpu.memory_space<semaphore_mem>>
      %dma_start3A_343 = arith.constant 0 : i32
      %dma_start3A_344 = arith.constant 0 : i32
      %dma_start3A_345 = tpu.memref_slice %arg2[%add3A, %dma_start3A_343, %dma_start3A_344] : memref<32x80x125xi32, #tpu.memory_space<hbm>> -> memref<1x80x125xi32, #tpu.memory_space<hbm>>
      %dma_start3A_346 = tpu.memref_squeeze %dma_start3A_345 : memref<1x80x125xi32, #tpu.memory_space<hbm>> -> memref<80x125xi32, #tpu.memory_space<hbm>>
      %dma_start3A_347 = arith.constant 0 : i32
      %dma_start3A_348 = tpu.memref_slice %dma_start3A_346[%run_scoped3A, %dma_start3A_347] : memref<80x125xi32, #tpu.memory_space<hbm>> -> memref<1x125xi32, #tpu.memory_space<hbm>>
      %dma_start3A_349 = tpu.memref_squeeze %dma_start3A_348 : memref<1x125xi32, #tpu.memory_space<hbm>> -> memref<125xi32, #tpu.memory_space<hbm>>
      %dma_start3A_350 = arith.constant 0 : i32
      %dma_start3A_351 = arith.constant 0 : i32
      %dma_start3A_352 = tpu.memref_slice %arg2[%add3A, %dma_start3A_350, %dma_start3A_351] : memref<32x80x125xi32, #tpu.memory_space<hbm>> -> memref<1x80x125xi32, #tpu.memory_space<hbm>>
      %dma_start3A_353 = tpu.memref_squeeze %dma_start3A_352 : memref<1x80x125xi32, #tpu.memory_space<hbm>> -> memref<80x125xi32, #tpu.memory_space<hbm>>
      %dma_start3A_354 = arith.constant 0 : i32
      %dma_start3A_355 = tpu.memref_slice %dma_start3A_353[%run_scoped3A, %dma_start3A_354] : memref<80x125xi32, #tpu.memory_space<hbm>> -> memref<1x125xi32, #tpu.memory_space<hbm>>
      %dma_start3A_356 = tpu.memref_squeeze %dma_start3A_355 : memref<1x125xi32, #tpu.memory_space<hbm>> -> memref<125xi32, #tpu.memory_space<hbm>>
      tpu.enqueue_dma source(%dma_start3A_356 : memref<125xi32, #tpu.memory_space<hbm>>) target(%arg5 : memref<125xi32, #tpu.memory_space<vmem>>) target_semaphore(%run_scoped3A_342 : memref<!tpu.dma_semaphore, #tpu.memory_space<semaphore_mem>>)
      %dma_wait3A_357 = arith.constant 0 : i32
      %dma_wait3A_358 = arith.constant 0 : i32
      %dma_wait3A_359 = tpu.memref_slice %arg2[%add3A, %dma_wait3A_357, %dma_wait3A_358] : memref<32x80x125xi32, #tpu.memory_space<hbm>> -> memref<1x80x125xi32, #tpu.memory_space<hbm>>
      %dma_wait3A_360 = tpu.memref_squeeze %dma_wait3A_359 : memref<1x80x125xi32, #tpu.memory_space<hbm>> -> memref<80x125xi32, #tpu.memory_space<hbm>>
      %dma_wait3A_361 = arith.constant 0 : i32
      %dma_wait3A_362 = tpu.memref_slice %dma_wait3A_360[%run_scoped3A, %dma_wait3A_361] : memref<80x125xi32, #tpu.memory_space<hbm>> -> memref<1x125xi32, #tpu.memory_space<hbm>>
      %dma_wait3A_363 = tpu.memref_squeeze %dma_wait3A_362 : memref<1x125xi32, #tpu.memory_space<hbm>> -> memref<125xi32, #tpu.memory_space<hbm>>
      %dma_wait3A_364 = arith.constant 0 : i32
      %dma_wait3A_365 = arith.constant 0 : i32
      %dma_wait3A_366 = tpu.memref_slice %arg2[%add3A, %dma_wait3A_364, %dma_wait3A_365] : memref<32x80x125xi32, #tpu.memory_space<hbm>> -> memref<1x80x125xi32, #tpu.memory_space<hbm>>
      %dma_wait3A_367 = tpu.memref_squeeze %dma_wait3A_366 : memref<1x80x125xi32, #tpu.memory_space<hbm>> -> memref<80x125xi32, #tpu.memory_space<hbm>>
      %dma_wait3A_368 = arith.constant 0 : i32
      %dma_wait3A_369 = tpu.memref_slice %dma_wait3A_367[%run_scoped3A, %dma_wait3A_368] : memref<80x125xi32, #tpu.memory_space<hbm>> -> memref<1x125xi32, #tpu.memory_space<hbm>>
      %dma_wait3A_370 = tpu.memref_squeeze %dma_wait3A_369 : memref<1x125xi32, #tpu.memory_space<hbm>> -> memref<125xi32, #tpu.memory_space<hbm>>
      tpu.wait_dma2 semaphore(%run_scoped3A_342 : memref<!tpu.dma_semaphore, #tpu.memory_space<semaphore_mem>>) src(%dma_wait3A_370 : memref<125xi32, #tpu.memory_space<hbm>>) dst(%arg5 : memref<125xi32, #tpu.memory_space<vmem>>)
      tpu.yield
    }) : () -> ()
    %get3A = arith.constant 0 : index
    %get3A_17 = tpu.vector_load %arg5[%get3A] {strides = array<i32>} : memref<125xi32, #tpu.memory_space<vmem>>, vector<16xi32>,
    %get3A_18 = vector.shape_cast %get3A_17 : vector<16xi32> to vector<16xi32>
    %and3A = arith.constant 65535 : i32
    %and3A_19 = vector.broadcast %and3A : i32 to vector<16xi32>
    %and3A_20 = arith.andi %get3A_18, %and3A_19 : vector<16xi32>
    %swap3A = arith.constant 0 : index
    %swap3A_21 = tpu.vector_load %arg7[%swap3A] {strides = array<i32>} : memref<125xi32, #tpu.memory_space<vmem>>, vector<16xi32>,
    %swap3A_22 = vector.shape_cast %swap3A_21 : vector<16xi32> to vector<16xi32>
    %swap3A_23 = vector.shape_cast %and3A_20 : vector<16xi32> to vector<16xi32>
    tpu.vector_store %arg7[%swap3A], %swap3A_23 {strides = array<i32>} : memref<125xi32, #tpu.memory_space<vmem>>, vector<16xi32>,
    %shift_right_logical3A = arith.constant 16 : i32
    %shift_right_logical3A_24 = vector.broadcast %shift_right_logical3A : i32 to vector<16xi32>
    %shift_right_logical3A_25 = arith.shrui %get3A_18, %shift_right_logical3A_24 : vector<16xi32>
    %swap3A_26 = arith.constant 0 : index
    %swap3A_27 = tpu.vector_load %arg8[%swap3A_26] {strides = array<i32>} : memref<125xi32, #tpu.memory_space<vmem>>, vector<16xi32>,
    %swap3A_28 = vector.shape_cast %swap3A_27 : vector<16xi32> to vector<16xi32>
    %swap3A_29 = vector.shape_cast %shift_right_logical3A_25 : vector<16xi32> to vector<16xi32>
    tpu.vector_store %arg8[%swap3A_26], %swap3A_29 {strides = array<i32>} : memref<125xi32, #tpu.memory_space<vmem>>, vector<16xi32>,
    %get3A_30 = arith.constant 16 : index
    %get3A_31 = tpu.vector_load %arg5[%get3A_30] {strides = array<i32>} : memref<125xi32, #tpu.memory_space<vmem>>, vector<16xi32>,
    %get3A_32 = vector.shape_cast %get3A_31 : vector<16xi32> to vector<16xi32>
    %and3A_33 = arith.constant 65535 : i32
    %and3A_34 = vector.broadcast %and3A_33 : i32 to vector<16xi32>
    %and3A_35 = arith.andi %get3A_32, %and3A_34 : vector<16xi32>
    %swap3A_36 = arith.constant 16 : index
    %swap3A_37 = tpu.vector_load %arg7[%swap3A_36] {strides = array<i32>} : memref<125xi32, #tpu.memory_space<vmem>>, vector<16xi32>,
    %swap3A_38 = vector.shape_cast %swap3A_37 : vector<16xi32> to vector<16xi32>
    %swap3A_39 = vector.shape_cast %and3A_35 : vector<16xi32> to vector<16xi32>
    tpu.vector_store %arg7[%swap3A_36], %swap3A_39 {strides = array<i32>} : memref<125xi32, #tpu.memory_space<vmem>>, vector<16xi32>,
    %shift_right_logical3A_40 = arith.constant 16 : i32
    %shift_right_logical3A_41 = vector.broadcast %shift_right_logical3A_40 : i32 to vector<16xi32>
    %shift_right_logical3A_42 = arith.shrui %get3A_32, %shift_right_logical3A_41 : vector<16xi32>
    %swap3A_43 = arith.constant 16 : index
    %swap3A_44 = tpu.vector_load %arg8[%swap3A_43] {strides = array<i32>} : memref<125xi32, #tpu.memory_space<vmem>>, vector<16xi32>,
    %swap3A_45 = vector.shape_cast %swap3A_44 : vector<16xi32> to vector<16xi32>
    %swap3A_46 = vector.shape_cast %shift_right_logical3A_42 : vector<16xi32> to vector<16xi32>
    tpu.vector_store %arg8[%swap3A_43], %swap3A_46 {strides = array<i32>} : memref<125xi32, #tpu.memory_space<vmem>>, vector<16xi32>,
    %get3A_47 = arith.constant 32 : index
    %get3A_48 = tpu.vector_load %arg5[%get3A_47] {strides = array<i32>} : memref<125xi32, #tpu.memory_space<vmem>>, vector<16xi32>,
    %get3A_49 = vector.shape_cast %get3A_48 : vector<16xi32> to vector<16xi32>
    %and3A_50 = arith.constant 65535 : i32
    %and3A_51 = vector.broadcast %and3A_50 : i32 to vector<16xi32>
    %and3A_52 = arith.andi %get3A_49, %and3A_51 : vector<16xi32>
    %swap3A_53 = arith.constant 32 : index
    %swap3A_54 = tpu.vector_load %arg7[%swap3A_53] {strides = array<i32>} : memref<125xi32, #tpu.memory_space<vmem>>, vector<16xi32>,
    %swap3A_55 = vector.shape_cast %swap3A_54 : vector<16xi32> to vector<16xi32>
    %swap3A_56 = vector.shape_cast %and3A_52 : vector<16xi32> to vector<16xi32>
    tpu.vector_store %arg7[%swap3A_53], %swap3A_56 {strides = array<i32>} : memref<125xi32, #tpu.memory_space<vmem>>, vector<16xi32>,
    %shift_right_logical3A_57 = arith.constant 16 : i32
    %shift_right_logical3A_58 = vector.broadcast %shift_right_logical3A_57 : i32 to vector<16xi32>
    %shift_right_logical3A_59 = arith.shrui %get3A_49, %shift_right_logical3A_58 : vector<16xi32>
    %swap3A_60 = arith.constant 32 : index
    %swap3A_61 = tpu.vector_load %arg8[%swap3A_60] {strides = array<i32>} : memref<125xi32, #tpu.memory_space<vmem>>, vector<16xi32>,
    %swap3A_62 = vector.shape_cast %swap3A_61 : vector<16xi32> to vector<16xi32>
    %swap3A_63 = vector.shape_cast %shift_right_logical3A_59 : vector<16xi32> to vector<16xi32>
    tpu.vector_store %arg8[%swap3A_60], %swap3A_63 {strides = array<i32>} : memref<125xi32, #tpu.memory_space<vmem>>, vector<16xi32>,
    %get3A_64 = arith.constant 48 : index
    %get3A_65 = tpu.vector_load %arg5[%get3A_64] {strides = array<i32>} : memref<125xi32, #tpu.memory_space<vmem>>, vector<16xi32>,
    %get3A_66 = vector.shape_cast %get3A_65 : vector<16xi32> to vector<16xi32>
    %and3A_67 = arith.constant 65535 : i32
    %and3A_68 = vector.broadcast %and3A_67 : i32 to vector<16xi32>
    %and3A_69 = arith.andi %get3A_66, %and3A_68 : vector<16xi32>
    %swap3A_70 = arith.constant 48 : index
    %swap3A_71 = tpu.vector_load %arg7[%swap3A_70] {strides = array<i32>} : memref<125xi32, #tpu.memory_space<vmem>>, vector<16xi32>,
    %swap3A_72 = vector.shape_cast %swap3A_71 : vector<16xi32> to vector<16xi32>
    %swap3A_73 = vector.shape_cast %and3A_69 : vector<16xi32> to vector<16xi32>
    tpu.vector_store %arg7[%swap3A_70], %swap3A_73 {strides = array<i32>} : memref<125xi32, #tpu.memory_space<vmem>>, vector<16xi32>,
    %shift_right_logical3A_74 = arith.constant 16 : i32
    %shift_right_logical3A_75 = vector.broadcast %shift_right_logical3A_74 : i32 to vector<16xi32>
    %shift_right_logical3A_76 = arith.shrui %get3A_66, %shift_right_logical3A_75 : vector<16xi32>
    %swap3A_77 = arith.constant 48 : index
    %swap3A_78 = tpu.vector_load %arg8[%swap3A_77] {strides = array<i32>} : memref<125xi32, #tpu.memory_space<vmem>>, vector<16xi32>,
    %swap3A_79 = vector.shape_cast %swap3A_78 : vector<16xi32> to vector<16xi32>
    %swap3A_80 = vector.shape_cast %shift_right_logical3A_76 : vector<16xi32> to vector<16xi32>
    tpu.vector_store %arg8[%swap3A_77], %swap3A_80 {strides = array<i32>} : memref<125xi32, #tpu.memory_space<vmem>>, vector<16xi32>,
    %get3A_81 = arith.constant 64 : index
    %get3A_82 = tpu.vector_load %arg5[%get3A_81] {strides = array<i32>} : memref<125xi32, #tpu.memory_space<vmem>>, vector<16xi32>,
    %get3A_83 = vector.shape_cast %get3A_82 : vector<16xi32> to vector<16xi32>
    %and3A_84 = arith.constant 65535 : i32
    %and3A_85 = vector.broadcast %and3A_84 : i32 to vector<16xi32>
    %and3A_86 = arith.andi %get3A_83, %and3A_85 : vector<16xi32>
    %swap3A_87 = arith.constant 64 : index
    %swap3A_88 = tpu.vector_load %arg7[%swap3A_87] {strides = array<i32>} : memref<125xi32, #tpu.memory_space<vmem>>, vector<16xi32>,
    %swap3A_89 = vector.shape_cast %swap3A_88 : vector<16xi32> to vector<16xi32>
    %swap3A_90 = vector.shape_cast %and3A_86 : vector<16xi32> to vector<16xi32>
    tpu.vector_store %arg7[%swap3A_87], %swap3A_90 {strides = array<i32>} : memref<125xi32, #tpu.memory_space<vmem>>, vector<16xi32>,
    %shift_right_logical3A_91 = arith.constant 16 : i32
    %shift_right_logical3A_92 = vector.broadcast %shift_right_logical3A_91 : i32 to vector<16xi32>
    %shift_right_logical3A_93 = arith.shrui %get3A_83, %shift_right_logical3A_92 : vector<16xi32>
    %swap3A_94 = arith.constant 64 : index
    %swap3A_95 = tpu.vector_load %arg8[%swap3A_94] {strides = array<i32>} : memref<125xi32, #tpu.memory_space<vmem>>, vector<16xi32>,
    %swap3A_96 = vector.shape_cast %swap3A_95 : vector<16xi32> to vector<16xi32>
    %swap3A_97 = vector.shape_cast %shift_right_logical3A_93 : vector<16xi32> to vector<16xi32>
    tpu.vector_store %arg8[%swap3A_94], %swap3A_97 {strides = array<i32>} : memref<125xi32, #tpu.memory_space<vmem>>, vector<16xi32>,
    %get3A_98 = arith.constant 80 : index
    %get3A_99 = tpu.vector_load %arg5[%get3A_98] {strides = array<i32>} : memref<125xi32, #tpu.memory_space<vmem>>, vector<16xi32>,
    %get3A_100 = vector.shape_cast %get3A_99 : vector<16xi32> to vector<16xi32>
    %and3A_101 = arith.constant 65535 : i32
    %and3A_102 = vector.broadcast %and3A_101 : i32 to vector<16xi32>
    %and3A_103 = arith.andi %get3A_100, %and3A_102 : vector<16xi32>
    %swap3A_104 = arith.constant 80 : index
    %swap3A_105 = tpu.vector_load %arg7[%swap3A_104] {strides = array<i32>} : memref<125xi32, #tpu.memory_space<vmem>>, vector<16xi32>,
    %swap3A_106 = vector.shape_cast %swap3A_105 : vector<16xi32> to vector<16xi32>
    %swap3A_107 = vector.shape_cast %and3A_103 : vector<16xi32> to vector<16xi32>
    tpu.vector_store %arg7[%swap3A_104], %swap3A_107 {strides = array<i32>} : memref<125xi32, #tpu.memory_space<vmem>>, vector<16xi32>,
    %shift_right_logical3A_108 = arith.constant 16 : i32
    %shift_right_logical3A_109 = vector.broadcast %shift_right_logical3A_108 : i32 to vector<16xi32>
    %shift_right_logical3A_110 = arith.shrui %get3A_100, %shift_right_logical3A_109 : vector<16xi32>
    %swap3A_111 = arith.constant 80 : index
    %swap3A_112 = tpu.vector_load %arg8[%swap3A_111] {strides = array<i32>} : memref<125xi32, #tpu.memory_space<vmem>>, vector<16xi32>,
    %swap3A_113 = vector.shape_cast %swap3A_112 : vector<16xi32> to vector<16xi32>
    %swap3A_114 = vector.shape_cast %shift_right_logical3A_110 : vector<16xi32> to vector<16xi32>
    tpu.vector_store %arg8[%swap3A_111], %swap3A_114 {strides = array<i32>} : memref<125xi32, #tpu.memory_space<vmem>>, vector<16xi32>,
    %get3A_115 = arith.constant 96 : index
    %get3A_116 = tpu.vector_load %arg5[%get3A_115] {strides = array<i32>} : memref<125xi32, #tpu.memory_space<vmem>>, vector<16xi32>,
    %get3A_117 = vector.shape_cast %get3A_116 : vector<16xi32> to vector<16xi32>
    %and3A_118 = arith.constant 65535 : i32
    %and3A_119 = vector.broadcast %and3A_118 : i32 to vector<16xi32>
    %and3A_120 = arith.andi %get3A_117, %and3A_119 : vector<16xi32>
    %swap3A_121 = arith.constant 96 : index
    %swap3A_122 = tpu.vector_load %arg7[%swap3A_121] {strides = array<i32>} : memref<125xi32, #tpu.memory_space<vmem>>, vector<16xi32>,
    %swap3A_123 = vector.shape_cast %swap3A_122 : vector<16xi32> to vector<16xi32>
    %swap3A_124 = vector.shape_cast %and3A_120 : vector<16xi32> to vector<16xi32>
    tpu.vector_store %arg7[%swap3A_121], %swap3A_124 {strides = array<i32>} : memref<125xi32, #tpu.memory_space<vmem>>, vector<16xi32>,
    %shift_right_logical3A_125 = arith.constant 16 : i32
    %shift_right_logical3A_126 = vector.broadcast %shift_right_logical3A_125 : i32 to vector<16xi32>
    %shift_right_logical3A_127 = arith.shrui %get3A_117, %shift_right_logical3A_126 : vector<16xi32>
    %swap3A_128 = arith.constant 96 : index
    %swap3A_129 = tpu.vector_load %arg8[%swap3A_128] {strides = array<i32>} : memref<125xi32, #tpu.memory_space<vmem>>, vector<16xi32>,
    %swap3A_130 = vector.shape_cast %swap3A_129 : vector<16xi32> to vector<16xi32>
    %swap3A_131 = vector.shape_cast %shift_right_logical3A_127 : vector<16xi32> to vector<16xi32>
    tpu.vector_store %arg8[%swap3A_128], %swap3A_131 {strides = array<i32>} : memref<125xi32, #tpu.memory_space<vmem>>, vector<16xi32>,
    %get3A_132 = arith.constant 109 : index
    %get3A_133 = tpu.vector_load %arg5[%get3A_132] {strides = array<i32>} : memref<125xi32, #tpu.memory_space<vmem>>, vector<16xi32>,
    %get3A_134 = vector.shape_cast %get3A_133 : vector<16xi32> to vector<16xi32>
    %and3A_135 = arith.constant 65535 : i32
    %and3A_136 = vector.broadcast %and3A_135 : i32 to vector<16xi32>
    %and3A_137 = arith.andi %get3A_134, %and3A_136 : vector<16xi32>
    %swap3A_138 = arith.constant 109 : index
    %swap3A_139 = tpu.vector_load %arg7[%swap3A_138] {strides = array<i32>} : memref<125xi32, #tpu.memory_space<vmem>>, vector<16xi32>,
    %swap3A_140 = vector.shape_cast %swap3A_139 : vector<16xi32> to vector<16xi32>
    %swap3A_141 = vector.shape_cast %and3A_137 : vector<16xi32> to vector<16xi32>
    tpu.vector_store %arg7[%swap3A_138], %swap3A_141 {strides = array<i32>} : memref<125xi32, #tpu.memory_space<vmem>>, vector<16xi32>,
    %shift_right_logical3A_142 = arith.constant 16 : i32
    %shift_right_logical3A_143 = vector.broadcast %shift_right_logical3A_142 : i32 to vector<16xi32>
    %shift_right_logical3A_144 = arith.shrui %get3A_134, %shift_right_logical3A_143 : vector<16xi32>
    %swap3A_145 = arith.constant 109 : index
    %swap3A_146 = tpu.vector_load %arg8[%swap3A_145] {strides = array<i32>} : memref<125xi32, #tpu.memory_space<vmem>>, vector<16xi32>,
    %swap3A_147 = vector.shape_cast %swap3A_146 : vector<16xi32> to vector<16xi32>
    %swap3A_148 = vector.shape_cast %shift_right_logical3A_144 : vector<16xi32> to vector<16xi32>
    tpu.vector_store %arg8[%swap3A_145], %swap3A_148 {strides = array<i32>} : memref<125xi32, #tpu.memory_space<vmem>>, vector<16xi32>,
    %dma_start3A = arith.constant 0 : i32
    %dma_start3A_149 = arith.constant 0 : i32
    %dma_start3A_150 = tpu.memref_slice %arg3[%dma_start3A, %dma_start3A_149] : memref<10000x128xf32, #tpu.memory_space<hbm>> -> memref<10000x128xf32, #tpu.memory_space<hbm>>
    tpu.enqueue_indirect_dma source(%dma_start3A_150 : memref<10000x128xf32, #tpu.memory_space<hbm>>) target(%arg11 : memref<125x128xf32, #tpu.memory_space<vmem>>) offsets(%arg7 : memref<125xi32, #tpu.memory_space<vmem>>) semaphore(%arg16 : memref<!tpu.dma_semaphore, #tpu.memory_space<semaphore_mem>>)
    %dma_start3A_151 = arith.constant 1 : i32
    %dma_start3A_152 = arith.constant 0 : i32
    %dma_start3A_153 = arith.constant 0 : i32
    %dma_start3A_154 = tpu.memref_slice %arg2[%add3A, %dma_start3A_152, %dma_start3A_153] : memref<32x80x125xi32, #tpu.memory_space<hbm>> -> memref<1x80x125xi32, #tpu.memory_space<hbm>>
    %dma_start3A_155 = tpu.memref_squeeze %dma_start3A_154 : memref<1x80x125xi32, #tpu.memory_space<hbm>> -> memref<80x125xi32, #tpu.memory_space<hbm>>
    %dma_start3A_156 = arith.constant 0 : i32
    %dma_start3A_157 = tpu.memref_slice %dma_start3A_155[%dma_start3A_151, %dma_start3A_156] : memref<80x125xi32, #tpu.memory_space<hbm>> -> memref<1x125xi32, #tpu.memory_space<hbm>>
    %dma_start3A_158 = tpu.memref_squeeze %dma_start3A_157 : memref<1x125xi32, #tpu.memory_space<hbm>> -> memref<125xi32, #tpu.memory_space<hbm>>
    %dma_start3A_159 = arith.constant 0 : i32
    %dma_start3A_160 = arith.constant 0 : i32
    %dma_start3A_161 = tpu.memref_slice %arg2[%add3A, %dma_start3A_159, %dma_start3A_160] : memref<32x80x125xi32, #tpu.memory_space<hbm>> -> memref<1x80x125xi32, #tpu.memory_space<hbm>>
    %dma_start3A_162 = tpu.memref_squeeze %dma_start3A_161 : memref<1x80x125xi32, #tpu.memory_space<hbm>> -> memref<80x125xi32, #tpu.memory_space<hbm>>
    %dma_start3A_163 = arith.constant 0 : i32
    %dma_start3A_164 = tpu.memref_slice %dma_start3A_162[%dma_start3A_151, %dma_start3A_163] : memref<80x125xi32, #tpu.memory_space<hbm>> -> memref<1x125xi32, #tpu.memory_space<hbm>>
    %dma_start3A_165 = tpu.memref_squeeze %dma_start3A_164 : memref<1x125xi32, #tpu.memory_space<hbm>> -> memref<125xi32, #tpu.memory_space<hbm>>
    tpu.enqueue_dma source(%dma_start3A_165 : memref<125xi32, #tpu.memory_space<hbm>>) target(%arg6 : memref<125xi32, #tpu.memory_space<vmem>>) target_semaphore(%arg15 : memref<!tpu.dma_semaphore, #tpu.memory_space<semaphore_mem>>)
    %scan3A_166 = arith.constant 0 : i32
    %scan3A_167 = arith.constant 0 : i32
    %scan3A_168 = arith.constant 39 : i32
    %scan3A_169 = arith.addi %scan3A_167, %scan3A_168 : i32
    %scan3A_170 = arith.constant 1 : i32
    scf.for %scan3A_342 = %scan3A_167 to %scan3A_169 step %scan3A_170  : i32 {
      %mul3A_343 = arith.constant 2 : i32
      %mul3A_344 = arith.muli %scan3A_342, %mul3A_343 : i32
      %dma_wait3A_345 = arith.constant 0 : i32
      %dma_wait3A_346 = arith.constant 0 : i32
      %dma_wait3A_347 = arith.constant 0 : i32
      %dma_wait3A_348 = tpu.memref_slice %arg2[%add3A, %dma_wait3A_346, %dma_wait3A_347] : memref<32x80x125xi32, #tpu.memory_space<hbm>> -> memref<1x80x125xi32, #tpu.memory_space<hbm>>
      %dma_wait3A_349 = tpu.memref_squeeze %dma_wait3A_348 : memref<1x80x125xi32, #tpu.memory_space<hbm>> -> memref<80x125xi32, #tpu.memory_space<hbm>>
      %dma_wait3A_350 = arith.constant 0 : i32
      %dma_wait3A_351 = tpu.memref_slice %dma_wait3A_349[%dma_wait3A_345, %dma_wait3A_350] : memref<80x125xi32, #tpu.memory_space<hbm>> -> memref<1x125xi32, #tpu.memory_space<hbm>>
      %dma_wait3A_352 = tpu.memref_squeeze %dma_wait3A_351 : memref<1x125xi32, #tpu.memory_space<hbm>> -> memref<125xi32, #tpu.memory_space<hbm>>
      %dma_wait3A_353 = arith.constant 0 : i32
      %dma_wait3A_354 = arith.constant 0 : i32
      %dma_wait3A_355 = tpu.memref_slice %arg2[%add3A, %dma_wait3A_353, %dma_wait3A_354] : memref<32x80x125xi32, #tpu.memory_space<hbm>> -> memref<1x80x125xi32, #tpu.memory_space<hbm>>
      %dma_wait3A_356 = tpu.memref_squeeze %dma_wait3A_355 : memref<1x80x125xi32, #tpu.memory_space<hbm>> -> memref<80x125xi32, #tpu.memory_space<hbm>>
      %dma_wait3A_357 = arith.constant 0 : i32
      %dma_wait3A_358 = tpu.memref_slice %dma_wait3A_356[%dma_wait3A_345, %dma_wait3A_357] : memref<80x125xi32, #tpu.memory_space<hbm>> -> memref<1x125xi32, #tpu.memory_space<hbm>>
      %dma_wait3A_359 = tpu.memref_squeeze %dma_wait3A_358 : memref<1x125xi32, #tpu.memory_space<hbm>> -> memref<125xi32, #tpu.memory_space<hbm>>
      tpu.wait_dma2 semaphore(%arg15 : memref<!tpu.dma_semaphore, #tpu.memory_space<semaphore_mem>>) src(%dma_wait3A_359 : memref<125xi32, #tpu.memory_space<hbm>>) dst(%arg6 : memref<125xi32, #tpu.memory_space<vmem>>)
      %get3A_360 = arith.constant 0 : index
      %get3A_361 = tpu.vector_load %arg6[%get3A_360] {strides = array<i32>} : memref<125xi32, #tpu.memory_space<vmem>>, vector<16xi32>,
      %get3A_362 = vector.shape_cast %get3A_361 : vector<16xi32> to vector<16xi32>
      %and3A_363 = arith.constant 65535 : i32
      %and3A_364 = vector.broadcast %and3A_363 : i32 to vector<16xi32>
      %and3A_365 = arith.andi %get3A_362, %and3A_364 : vector<16xi32>
      %swap3A_366 = arith.constant 0 : index
      %swap3A_367 = tpu.vector_load %arg9[%swap3A_366] {strides = array<i32>} : memref<125xi32, #tpu.memory_space<vmem>>, vector<16xi32>,
      %swap3A_368 = vector.shape_cast %swap3A_367 : vector<16xi32> to vector<16xi32>
      %swap3A_369 = vector.shape_cast %and3A_365 : vector<16xi32> to vector<16xi32>
      tpu.vector_store %arg9[%swap3A_366], %swap3A_369 {strides = array<i32>} : memref<125xi32, #tpu.memory_space<vmem>>, vector<16xi32>,
      %shift_right_logical3A_370 = arith.constant 16 : i32
      %shift_right_logical3A_371 = vector.broadcast %shift_right_logical3A_370 : i32 to vector<16xi32>
      %shift_right_logical3A_372 = arith.shrui %get3A_362, %shift_right_logical3A_371 : vector<16xi32>
      %swap3A_373 = arith.constant 0 : index
      %swap3A_374 = tpu.vector_load %arg10[%swap3A_373] {strides = array<i32>} : memref<125xi32, #tpu.memory_space<vmem>>, vector<16xi32>,
      %swap3A_375 = vector.shape_cast %swap3A_374 : vector<16xi32> to vector<16xi32>
      %swap3A_376 = vector.shape_cast %shift_right_logical3A_372 : vector<16xi32> to vector<16xi32>
      tpu.vector_store %arg10[%swap3A_373], %swap3A_376 {strides = array<i32>} : memref<125xi32, #tpu.memory_space<vmem>>, vector<16xi32>,
      %get3A_377 = arith.constant 16 : index
      %get3A_378 = tpu.vector_load %arg6[%get3A_377] {strides = array<i32>} : memref<125xi32, #tpu.memory_space<vmem>>, vector<16xi32>,
      %get3A_379 = vector.shape_cast %get3A_378 : vector<16xi32> to vector<16xi32>
      %and3A_380 = arith.constant 65535 : i32
      %and3A_381 = vector.broadcast %and3A_380 : i32 to vector<16xi32>
      %and3A_382 = arith.andi %get3A_379, %and3A_381 : vector<16xi32>
      %swap3A_383 = arith.constant 16 : index
      %swap3A_384 = tpu.vector_load %arg9[%swap3A_383] {strides = array<i32>} : memref<125xi32, #tpu.memory_space<vmem>>, vector<16xi32>,
      %swap3A_385 = vector.shape_cast %swap3A_384 : vector<16xi32> to vector<16xi32>
      %swap3A_386 = vector.shape_cast %and3A_382 : vector<16xi32> to vector<16xi32>
      tpu.vector_store %arg9[%swap3A_383], %swap3A_386 {strides = array<i32>} : memref<125xi32, #tpu.memory_space<vmem>>, vector<16xi32>,
      %shift_right_logical3A_387 = arith.constant 16 : i32
      %shift_right_logical3A_388 = vector.broadcast %shift_right_logical3A_387 : i32 to vector<16xi32>
      %shift_right_logical3A_389 = arith.shrui %get3A_379, %shift_right_logical3A_388 : vector<16xi32>
      %swap3A_390 = arith.constant 16 : index
      %swap3A_391 = tpu.vector_load %arg10[%swap3A_390] {strides = array<i32>} : memref<125xi32, #tpu.memory_space<vmem>>, vector<16xi32>,
      %swap3A_392 = vector.shape_cast %swap3A_391 : vector<16xi32> to vector<16xi32>
      %swap3A_393 = vector.shape_cast %shift_right_logical3A_389 : vector<16xi32> to vector<16xi32>
      tpu.vector_store %arg10[%swap3A_390], %swap3A_393 {strides = array<i32>} : memref<125xi32, #tpu.memory_space<vmem>>, vector<16xi32>,
      %get3A_394 = arith.constant 32 : index
      %get3A_395 = tpu.vector_load %arg6[%get3A_394] {strides = array<i32>} : memref<125xi32, #tpu.memory_space<vmem>>, vector<16xi32>,
      %get3A_396 = vector.shape_cast %get3A_395 : vector<16xi32> to vector<16xi32>
      %and3A_397 = arith.constant 65535 : i32
      %and3A_398 = vector.broadcast %and3A_397 : i32 to vector<16xi32>
      %and3A_399 = arith.andi %get3A_396, %and3A_398 : vector<16xi32>
      %swap3A_400 = arith.constant 32 : index
      %swap3A_401 = tpu.vector_load %arg9[%swap3A_400] {strides = array<i32>} : memref<125xi32, #tpu.memory_space<vmem>>, vector<16xi32>,
      %swap3A_402 = vector.shape_cast %swap3A_401 : vector<16xi32> to vector<16xi32>
      %swap3A_403 = vector.shape_cast %and3A_399 : vector<16xi32> to vector<16xi32>
      tpu.vector_store %arg9[%swap3A_400], %swap3A_403 {strides = array<i32>} : memref<125xi32, #tpu.memory_space<vmem>>, vector<16xi32>,
      %shift_right_logical3A_404 = arith.constant 16 : i32
      %shift_right_logical3A_405 = vector.broadcast %shift_right_logical3A_404 : i32 to vector<16xi32>
      %shift_right_logical3A_406 = arith.shrui %get3A_396, %shift_right_logical3A_405 : vector<16xi32>
      %swap3A_407 = arith.constant 32 : index
      %swap3A_408 = tpu.vector_load %arg10[%swap3A_407] {strides = array<i32>} : memref<125xi32, #tpu.memory_space<vmem>>, vector<16xi32>,
      %swap3A_409 = vector.shape_cast %swap3A_408 : vector<16xi32> to vector<16xi32>
      %swap3A_410 = vector.shape_cast %shift_right_logical3A_406 : vector<16xi32> to vector<16xi32>
      tpu.vector_store %arg10[%swap3A_407], %swap3A_410 {strides = array<i32>} : memref<125xi32, #tpu.memory_space<vmem>>, vector<16xi32>,
      %get3A_411 = arith.constant 48 : index
      %get3A_412 = tpu.vector_load %arg6[%get3A_411] {strides = array<i32>} : memref<125xi32, #tpu.memory_space<vmem>>, vector<16xi32>,
      %get3A_413 = vector.shape_cast %get3A_412 : vector<16xi32> to vector<16xi32>
      %and3A_414 = arith.constant 65535 : i32
      %and3A_415 = vector.broadcast %and3A_414 : i32 to vector<16xi32>
      %and3A_416 = arith.andi %get3A_413, %and3A_415 : vector<16xi32>
      %swap3A_417 = arith.constant 48 : index
      %swap3A_418 = tpu.vector_load %arg9[%swap3A_417] {strides = array<i32>} : memref<125xi32, #tpu.memory_space<vmem>>, vector<16xi32>,
      %swap3A_419 = vector.shape_cast %swap3A_418 : vector<16xi32> to vector<16xi32>
      %swap3A_420 = vector.shape_cast %and3A_416 : vector<16xi32> to vector<16xi32>
      tpu.vector_store %arg9[%swap3A_417], %swap3A_420 {strides = array<i32>} : memref<125xi32, #tpu.memory_space<vmem>>, vector<16xi32>,
      %shift_right_logical3A_421 = arith.constant 16 : i32
      %shift_right_logical3A_422 = vector.broadcast %shift_right_logical3A_421 : i32 to vector<16xi32>
      %shift_right_logical3A_423 = arith.shrui %get3A_413, %shift_right_logical3A_422 : vector<16xi32>
      %swap3A_424 = arith.constant 48 : index
      %swap3A_425 = tpu.vector_load %arg10[%swap3A_424] {strides = array<i32>} : memref<125xi32, #tpu.memory_space<vmem>>, vector<16xi32>,
      %swap3A_426 = vector.shape_cast %swap3A_425 : vector<16xi32> to vector<16xi32>
      %swap3A_427 = vector.shape_cast %shift_right_logical3A_423 : vector<16xi32> to vector<16xi32>
      tpu.vector_store %arg10[%swap3A_424], %swap3A_427 {strides = array<i32>} : memref<125xi32, #tpu.memory_space<vmem>>, vector<16xi32>,
      %get3A_428 = arith.constant 64 : index
      %get3A_429 = tpu.vector_load %arg6[%get3A_428] {strides = array<i32>} : memref<125xi32, #tpu.memory_space<vmem>>, vector<16xi32>,
      %get3A_430 = vector.shape_cast %get3A_429 : vector<16xi32> to vector<16xi32>
      %and3A_431 = arith.constant 65535 : i32
      %and3A_432 = vector.broadcast %and3A_431 : i32 to vector<16xi32>
      %and3A_433 = arith.andi %get3A_430, %and3A_432 : vector<16xi32>
      %swap3A_434 = arith.constant 64 : index
      %swap3A_435 = tpu.vector_load %arg9[%swap3A_434] {strides = array<i32>} : memref<125xi32, #tpu.memory_space<vmem>>, vector<16xi32>,
      %swap3A_436 = vector.shape_cast %swap3A_435 : vector<16xi32> to vector<16xi32>
      %swap3A_437 = vector.shape_cast %and3A_433 : vector<16xi32> to vector<16xi32>
      tpu.vector_store %arg9[%swap3A_434], %swap3A_437 {strides = array<i32>} : memref<125xi32, #tpu.memory_space<vmem>>, vector<16xi32>,
      %shift_right_logical3A_438 = arith.constant 16 : i32
      %shift_right_logical3A_439 = vector.broadcast %shift_right_logical3A_438 : i32 to vector<16xi32>
      %shift_right_logical3A_440 = arith.shrui %get3A_430, %shift_right_logical3A_439 : vector<16xi32>
      %swap3A_441 = arith.constant 64 : index
      %swap3A_442 = tpu.vector_load %arg10[%swap3A_441] {strides = array<i32>} : memref<125xi32, #tpu.memory_space<vmem>>, vector<16xi32>,
      %swap3A_443 = vector.shape_cast %swap3A_442 : vector<16xi32> to vector<16xi32>
      %swap3A_444 = vector.shape_cast %shift_right_logical3A_440 : vector<16xi32> to vector<16xi32>
      tpu.vector_store %arg10[%swap3A_441], %swap3A_444 {strides = array<i32>} : memref<125xi32, #tpu.memory_space<vmem>>, vector<16xi32>,
      %get3A_445 = arith.constant 80 : index
      %get3A_446 = tpu.vector_load %arg6[%get3A_445] {strides = array<i32>} : memref<125xi32, #tpu.memory_space<vmem>>, vector<16xi32>,
      %get3A_447 = vector.shape_cast %get3A_446 : vector<16xi32> to vector<16xi32>
      %and3A_448 = arith.constant 65535 : i32
      %and3A_449 = vector.broadcast %and3A_448 : i32 to vector<16xi32>
      %and3A_450 = arith.andi %get3A_447, %and3A_449 : vector<16xi32>
      %swap3A_451 = arith.constant 80 : index
      %swap3A_452 = tpu.vector_load %arg9[%swap3A_451] {strides = array<i32>} : memref<125xi32, #tpu.memory_space<vmem>>, vector<16xi32>,
      %swap3A_453 = vector.shape_cast %swap3A_452 : vector<16xi32> to vector<16xi32>
      %swap3A_454 = vector.shape_cast %and3A_450 : vector<16xi32> to vector<16xi32>
      tpu.vector_store %arg9[%swap3A_451], %swap3A_454 {strides = array<i32>} : memref<125xi32, #tpu.memory_space<vmem>>, vector<16xi32>,
      %shift_right_logical3A_455 = arith.constant 16 : i32
      %shift_right_logical3A_456 = vector.broadcast %shift_right_logical3A_455 : i32 to vector<16xi32>
      %shift_right_logical3A_457 = arith.shrui %get3A_447, %shift_right_logical3A_456 : vector<16xi32>
      %swap3A_458 = arith.constant 80 : index
      %swap3A_459 = tpu.vector_load %arg10[%swap3A_458] {strides = array<i32>} : memref<125xi32, #tpu.memory_space<vmem>>, vector<16xi32>,
      %swap3A_460 = vector.shape_cast %swap3A_459 : vector<16xi32> to vector<16xi32>
      %swap3A_461 = vector.shape_cast %shift_right_logical3A_457 : vector<16xi32> to vector<16xi32>
      tpu.vector_store %arg10[%swap3A_458], %swap3A_461 {strides = array<i32>} : memref<125xi32, #tpu.memory_space<vmem>>, vector<16xi32>,
      %get3A_462 = arith.constant 96 : index
      %get3A_463 = tpu.vector_load %arg6[%get3A_462] {strides = array<i32>} : memref<125xi32, #tpu.memory_space<vmem>>, vector<16xi32>,
      %get3A_464 = vector.shape_cast %get3A_463 : vector<16xi32> to vector<16xi32>
      %and3A_465 = arith.constant 65535 : i32
      %and3A_466 = vector.broadcast %and3A_465 : i32 to vector<16xi32>
      %and3A_467 = arith.andi %get3A_464, %and3A_466 : vector<16xi32>
      %swap3A_468 = arith.constant 96 : index
      %swap3A_469 = tpu.vector_load %arg9[%swap3A_468] {strides = array<i32>} : memref<125xi32, #tpu.memory_space<vmem>>, vector<16xi32>,
      %swap3A_470 = vector.shape_cast %swap3A_469 : vector<16xi32> to vector<16xi32>
      %swap3A_471 = vector.shape_cast %and3A_467 : vector<16xi32> to vector<16xi32>
      tpu.vector_store %arg9[%swap3A_468], %swap3A_471 {strides = array<i32>} : memref<125xi32, #tpu.memory_space<vmem>>, vector<16xi32>,
      %shift_right_logical3A_472 = arith.constant 16 : i32
      %shift_right_logical3A_473 = vector.broadcast %shift_right_logical3A_472 : i32 to vector<16xi32>
      %shift_right_logical3A_474 = arith.shrui %get3A_464, %shift_right_logical3A_473 : vector<16xi32>
      %swap3A_475 = arith.constant 96 : index
      %swap3A_476 = tpu.vector_load %arg10[%swap3A_475] {strides = array<i32>} : memref<125xi32, #tpu.memory_space<vmem>>, vector<16xi32>,
      %swap3A_477 = vector.shape_cast %swap3A_476 : vector<16xi32> to vector<16xi32>
      %swap3A_478 = vector.shape_cast %shift_right_logical3A_474 : vector<16xi32> to vector<16xi32>
      tpu.vector_store %arg10[%swap3A_475], %swap3A_478 {strides = array<i32>} : memref<125xi32, #tpu.memory_space<vmem>>, vector<16xi32>,
      %get3A_479 = arith.constant 109 : index
      %get3A_480 = tpu.vector_load %arg6[%get3A_479] {strides = array<i32>} : memref<125xi32, #tpu.memory_space<vmem>>, vector<16xi32>,
      %get3A_481 = vector.shape_cast %get3A_480 : vector<16xi32> to vector<16xi32>
      %and3A_482 = arith.constant 65535 : i32
      %and3A_483 = vector.broadcast %and3A_482 : i32 to vector<16xi32>
      %and3A_484 = arith.andi %get3A_481, %and3A_483 : vector<16xi32>
      %swap3A_485 = arith.constant 109 : index
      %swap3A_486 = tpu.vector_load %arg9[%swap3A_485] {strides = array<i32>} : memref<125xi32, #tpu.memory_space<vmem>>, vector<16xi32>,
      %swap3A_487 = vector.shape_cast %swap3A_486 : vector<16xi32> to vector<16xi32>
      %swap3A_488 = vector.shape_cast %and3A_484 : vector<16xi32> to vector<16xi32>
      tpu.vector_store %arg9[%swap3A_485], %swap3A_488 {strides = array<i32>} : memref<125xi32, #tpu.memory_space<vmem>>, vector<16xi32>,
      %shift_right_logical3A_489 = arith.constant 16 : i32
      %shift_right_logical3A_490 = vector.broadcast %shift_right_logical3A_489 : i32 to vector<16xi32>
      %shift_right_logical3A_491 = arith.shrui %get3A_481, %shift_right_logical3A_490 : vector<16xi32>
      %swap3A_492 = arith.constant 109 : index
      %swap3A_493 = tpu.vector_load %arg10[%swap3A_492] {strides = array<i32>} : memref<125xi32, #tpu.memory_space<vmem>>, vector<16xi32>,
      %swap3A_494 = vector.shape_cast %swap3A_493 : vector<16xi32> to vector<16xi32>
      %swap3A_495 = vector.shape_cast %shift_right_logical3A_491 : vector<16xi32> to vector<16xi32>
      tpu.vector_store %arg10[%swap3A_492], %swap3A_495 {strides = array<i32>} : memref<125xi32, #tpu.memory_space<vmem>>, vector<16xi32>,
      %dma_start3A_496 = arith.constant 0 : i32
      %dma_start3A_497 = arith.constant 0 : i32
      %dma_start3A_498 = tpu.memref_slice %arg3[%dma_start3A_496, %dma_start3A_497] : memref<10000x128xf32, #tpu.memory_space<hbm>> -> memref<10000x128xf32, #tpu.memory_space<hbm>>
      tpu.enqueue_indirect_dma source(%dma_start3A_498 : memref<10000x128xf32, #tpu.memory_space<hbm>>) target(%arg12 : memref<125x128xf32, #tpu.memory_space<vmem>>) offsets(%arg9 : memref<125xi32, #tpu.memory_space<vmem>>) semaphore(%arg17 : memref<!tpu.dma_semaphore, #tpu.memory_space<semaphore_mem>>)
      %add3A_499 = arith.constant 2 : i32
      %add3A_500 = arith.addi %mul3A_344, %add3A_499 : i32
      %dma_start3A_501 = arith.constant 0 : i32
      %dma_start3A_502 = arith.constant 0 : i32
      %dma_start3A_503 = tpu.memref_slice %arg2[%add3A, %dma_start3A_501, %dma_start3A_502] : memref<32x80x125xi32, #tpu.memory_space<hbm>> -> memref<1x80x125xi32, #tpu.memory_space<hbm>>
      %dma_start3A_504 = tpu.memref_squeeze %dma_start3A_503 : memref<1x80x125xi32, #tpu.memory_space<hbm>> -> memref<80x125xi32, #tpu.memory_space<hbm>>
      %dma_start3A_505 = arith.constant 0 : i32
      %dma_start3A_506 = tpu.memref_slice %dma_start3A_504[%add3A_500, %dma_start3A_505] : memref<80x125xi32, #tpu.memory_space<hbm>> -> memref<1x125xi32, #tpu.memory_space<hbm>>
      %dma_start3A_507 = tpu.memref_squeeze %dma_start3A_506 : memref<1x125xi32, #tpu.memory_space<hbm>> -> memref<125xi32, #tpu.memory_space<hbm>>
      %dma_start3A_508 = arith.constant 0 : i32
      %dma_start3A_509 = arith.constant 0 : i32
      %dma_start3A_510 = tpu.memref_slice %arg2[%add3A, %dma_start3A_508, %dma_start3A_509] : memref<32x80x125xi32, #tpu.memory_space<hbm>> -> memref<1x80x125xi32, #tpu.memory_space<hbm>>
      %dma_start3A_511 = tpu.memref_squeeze %dma_start3A_510 : memref<1x80x125xi32, #tpu.memory_space<hbm>> -> memref<80x125xi32, #tpu.memory_space<hbm>>
      %dma_start3A_512 = arith.constant 0 : i32
      %dma_start3A_513 = tpu.memref_slice %dma_start3A_511[%add3A_500, %dma_start3A_512] : memref<80x125xi32, #tpu.memory_space<hbm>> -> memref<1x125xi32, #tpu.memory_space<hbm>>
      %dma_start3A_514 = tpu.memref_squeeze %dma_start3A_513 : memref<1x125xi32, #tpu.memory_space<hbm>> -> memref<125xi32, #tpu.memory_space<hbm>>
      tpu.enqueue_dma source(%dma_start3A_514 : memref<125xi32, #tpu.memory_space<hbm>>) target(%arg5 : memref<125xi32, #tpu.memory_space<vmem>>) target_semaphore(%arg14 : memref<!tpu.dma_semaphore, #tpu.memory_space<semaphore_mem>>)
      %dma_wait3A_515 = arith.constant 0 : i32
      %dma_wait3A_516 = arith.constant 0 : i32
      %dma_wait3A_517 = tpu.memref_slice %arg3[%dma_wait3A_515, %dma_wait3A_516] : memref<10000x128xf32, #tpu.memory_space<hbm>> -> memref<10000x128xf32, #tpu.memory_space<hbm>>
      tpu.wait_indirect_dma semaphore(%arg16 : memref<!tpu.dma_semaphore, #tpu.memory_space<semaphore_mem>>) src(%dma_wait3A_517 : memref<10000x128xf32, #tpu.memory_space<hbm>>) dst(%arg11 : memref<125x128xf32, #tpu.memory_space<vmem>>)
      "tpu.region"() ({
        %run_scoped3A_691 = tpu.sem_alloc : memref<!tpu.dma_semaphore, #tpu.memory_space<semaphore_mem>>
        %dma_start3A_692 = arith.constant 0 : i32
        %dma_start3A_693 = arith.constant 0 : i32
        %dma_start3A_694 = tpu.memref_slice %arg18[%dma_start3A_692, %dma_start3A_693] : memref<10000x128xf32, #tpu.memory_space<vmem_shared>> -> memref<10000x128xf32, #tpu.memory_space<vmem_shared>>
        tpu.enqueue_indirect_dma source(%arg11 : memref<125x128xf32, #tpu.memory_space<vmem>>) target(%dma_start3A_694 : memref<10000x128xf32, #tpu.memory_space<vmem_shared>>) offsets(%arg8 : memref<125xi32, #tpu.memory_space<vmem>>) semaphore(%run_scoped3A_691 : memref<!tpu.dma_semaphore, #tpu.memory_space<semaphore_mem>>) {add = true}
        %dma_wait3A_695 = arith.constant 0 : i32
        %dma_wait3A_696 = arith.constant 0 : i32
        %dma_wait3A_697 = tpu.memref_slice %arg18[%dma_wait3A_695, %dma_wait3A_696] : memref<10000x128xf32, #tpu.memory_space<vmem_shared>> -> memref<10000x128xf32, #tpu.memory_space<vmem_shared>>
        tpu.wait_indirect_dma semaphore(%run_scoped3A_691 : memref<!tpu.dma_semaphore, #tpu.memory_space<semaphore_mem>>) src(%arg11 : memref<125x128xf32, #tpu.memory_space<vmem>>) dst(%dma_wait3A_697 : memref<10000x128xf32, #tpu.memory_space<vmem_shared>>)
        tpu.yield
      }) : () -> ()
      %dma_wait3A_518 = arith.constant 0 : i32
      %dma_wait3A_519 = arith.constant 0 : i32
      %dma_wait3A_520 = arith.constant 0 : i32
      %dma_wait3A_521 = tpu.memref_slice %arg2[%add3A, %dma_wait3A_519, %dma_wait3A_520] : memref<32x80x125xi32, #tpu.memory_space<hbm>> -> memref<1x80x125xi32, #tpu.memory_space<hbm>>
      %dma_wait3A_522 = tpu.memref_squeeze %dma_wait3A_521 : memref<1x80x125xi32, #tpu.memory_space<hbm>> -> memref<80x125xi32, #tpu.memory_space<hbm>>
      %dma_wait3A_523 = arith.constant 0 : i32
      %dma_wait3A_524 = tpu.memref_slice %dma_wait3A_522[%dma_wait3A_518, %dma_wait3A_523] : memref<80x125xi32, #tpu.memory_space<hbm>> -> memref<1x125xi32, #tpu.memory_space<hbm>>
      %dma_wait3A_525 = tpu.memref_squeeze %dma_wait3A_524 : memref<1x125xi32, #tpu.memory_space<hbm>> -> memref<125xi32, #tpu.memory_space<hbm>>
      %dma_wait3A_526 = arith.constant 0 : i32
      %dma_wait3A_527 = arith.constant 0 : i32
      %dma_wait3A_528 = tpu.memref_slice %arg2[%add3A, %dma_wait3A_526, %dma_wait3A_527] : memref<32x80x125xi32, #tpu.memory_space<hbm>> -> memref<1x80x125xi32, #tpu.memory_space<hbm>>
      %dma_wait3A_529 = tpu.memref_squeeze %dma_wait3A_528 : memref<1x80x125xi32, #tpu.memory_space<hbm>> -> memref<80x125xi32, #tpu.memory_space<hbm>>
      %dma_wait3A_530 = arith.constant 0 : i32
      %dma_wait3A_531 = tpu.memref_slice %dma_wait3A_529[%dma_wait3A_518, %dma_wait3A_530] : memref<80x125xi32, #tpu.memory_space<hbm>> -> memref<1x125xi32, #tpu.memory_space<hbm>>
      %dma_wait3A_532 = tpu.memref_squeeze %dma_wait3A_531 : memref<1x125xi32, #tpu.memory_space<hbm>> -> memref<125xi32, #tpu.memory_space<hbm>>
      tpu.wait_dma2 semaphore(%arg14 : memref<!tpu.dma_semaphore, #tpu.memory_space<semaphore_mem>>) src(%dma_wait3A_532 : memref<125xi32, #tpu.memory_space<hbm>>) dst(%arg5 : memref<125xi32, #tpu.memory_space<vmem>>)
      %get3A_533 = arith.constant 0 : index
      %get3A_534 = tpu.vector_load %arg5[%get3A_533] {strides = array<i32>} : memref<125xi32, #tpu.memory_space<vmem>>, vector<16xi32>,
      %get3A_535 = vector.shape_cast %get3A_534 : vector<16xi32> to vector<16xi32>
      %and3A_536 = arith.constant 65535 : i32
      %and3A_537 = vector.broadcast %and3A_536 : i32 to vector<16xi32>
      %and3A_538 = arith.andi %get3A_535, %and3A_537 : vector<16xi32>
      %swap3A_539 = arith.constant 0 : index
      %swap3A_540 = tpu.vector_load %arg7[%swap3A_539] {strides = array<i32>} : memref<125xi32, #tpu.memory_space<vmem>>, vector<16xi32>,
      %swap3A_541 = vector.shape_cast %swap3A_540 : vector<16xi32> to vector<16xi32>
      %swap3A_542 = vector.shape_cast %and3A_538 : vector<16xi32> to vector<16xi32>
      tpu.vector_store %arg7[%swap3A_539], %swap3A_542 {strides = array<i32>} : memref<125xi32, #tpu.memory_space<vmem>>, vector<16xi32>,
      %shift_right_logical3A_543 = arith.constant 16 : i32
      %shift_right_logical3A_544 = vector.broadcast %shift_right_logical3A_543 : i32 to vector<16xi32>
      %shift_right_logical3A_545 = arith.shrui %get3A_535, %shift_right_logical3A_544 : vector<16xi32>
      %swap3A_546 = arith.constant 0 : index
      %swap3A_547 = tpu.vector_load %arg8[%swap3A_546] {strides = array<i32>} : memref<125xi32, #tpu.memory_space<vmem>>, vector<16xi32>,
      %swap3A_548 = vector.shape_cast %swap3A_547 : vector<16xi32> to vector<16xi32>
      %swap3A_549 = vector.shape_cast %shift_right_logical3A_545 : vector<16xi32> to vector<16xi32>
      tpu.vector_store %arg8[%swap3A_546], %swap3A_549 {strides = array<i32>} : memref<125xi32, #tpu.memory_space<vmem>>, vector<16xi32>,
      %get3A_550 = arith.constant 16 : index
      %get3A_551 = tpu.vector_load %arg5[%get3A_550] {strides = array<i32>} : memref<125xi32, #tpu.memory_space<vmem>>, vector<16xi32>,
      %get3A_552 = vector.shape_cast %get3A_551 : vector<16xi32> to vector<16xi32>
      %and3A_553 = arith.constant 65535 : i32
      %and3A_554 = vector.broadcast %and3A_553 : i32 to vector<16xi32>
      %and3A_555 = arith.andi %get3A_552, %and3A_554 : vector<16xi32>
      %swap3A_556 = arith.constant 16 : index
      %swap3A_557 = tpu.vector_load %arg7[%swap3A_556] {strides = array<i32>} : memref<125xi32, #tpu.memory_space<vmem>>, vector<16xi32>,
      %swap3A_558 = vector.shape_cast %swap3A_557 : vector<16xi32> to vector<16xi32>
      %swap3A_559 = vector.shape_cast %and3A_555 : vector<16xi32> to vector<16xi32>
      tpu.vector_store %arg7[%swap3A_556], %swap3A_559 {strides = array<i32>} : memref<125xi32, #tpu.memory_space<vmem>>, vector<16xi32>,
      %shift_right_logical3A_560 = arith.constant 16 : i32
      %shift_right_logical3A_561 = vector.broadcast %shift_right_logical3A_560 : i32 to vector<16xi32>
      %shift_right_logical3A_562 = arith.shrui %get3A_552, %shift_right_logical3A_561 : vector<16xi32>
      %swap3A_563 = arith.constant 16 : index
      %swap3A_564 = tpu.vector_load %arg8[%swap3A_563] {strides = array<i32>} : memref<125xi32, #tpu.memory_space<vmem>>, vector<16xi32>,
      %swap3A_565 = vector.shape_cast %swap3A_564 : vector<16xi32> to vector<16xi32>
      %swap3A_566 = vector.shape_cast %shift_right_logical3A_562 : vector<16xi32> to vector<16xi32>
      tpu.vector_store %arg8[%swap3A_563], %swap3A_566 {strides = array<i32>} : memref<125xi32, #tpu.memory_space<vmem>>, vector<16xi32>,
      %get3A_567 = arith.constant 32 : index
      %get3A_568 = tpu.vector_load %arg5[%get3A_567] {strides = array<i32>} : memref<125xi32, #tpu.memory_space<vmem>>, vector<16xi32>,
      %get3A_569 = vector.shape_cast %get3A_568 : vector<16xi32> to vector<16xi32>
      %and3A_570 = arith.constant 65535 : i32
      %and3A_571 = vector.broadcast %and3A_570 : i32 to vector<16xi32>
      %and3A_572 = arith.andi %get3A_569, %and3A_571 : vector<16xi32>
      %swap3A_573 = arith.constant 32 : index
      %swap3A_574 = tpu.vector_load %arg7[%swap3A_573] {strides = array<i32>} : memref<125xi32, #tpu.memory_space<vmem>>, vector<16xi32>,
      %swap3A_575 = vector.shape_cast %swap3A_574 : vector<16xi32> to vector<16xi32>
      %swap3A_576 = vector.shape_cast %and3A_572 : vector<16xi32> to vector<16xi32>
      tpu.vector_store %arg7[%swap3A_573], %swap3A_576 {strides = array<i32>} : memref<125xi32, #tpu.memory_space<vmem>>, vector<16xi32>,
      %shift_right_logical3A_577 = arith.constant 16 : i32
      %shift_right_logical3A_578 = vector.broadcast %shift_right_logical3A_577 : i32 to vector<16xi32>
      %shift_right_logical3A_579 = arith.shrui %get3A_569, %shift_right_logical3A_578 : vector<16xi32>
      %swap3A_580 = arith.constant 32 : index
      %swap3A_581 = tpu.vector_load %arg8[%swap3A_580] {strides = array<i32>} : memref<125xi32, #tpu.memory_space<vmem>>, vector<16xi32>,
      %swap3A_582 = vector.shape_cast %swap3A_581 : vector<16xi32> to vector<16xi32>
      %swap3A_583 = vector.shape_cast %shift_right_logical3A_579 : vector<16xi32> to vector<16xi32>
      tpu.vector_store %arg8[%swap3A_580], %swap3A_583 {strides = array<i32>} : memref<125xi32, #tpu.memory_space<vmem>>, vector<16xi32>,
      %get3A_584 = arith.constant 48 : index
      %get3A_585 = tpu.vector_load %arg5[%get3A_584] {strides = array<i32>} : memref<125xi32, #tpu.memory_space<vmem>>, vector<16xi32>,
      %get3A_586 = vector.shape_cast %get3A_585 : vector<16xi32> to vector<16xi32>
      %and3A_587 = arith.constant 65535 : i32
      %and3A_588 = vector.broadcast %and3A_587 : i32 to vector<16xi32>
      %and3A_589 = arith.andi %get3A_586, %and3A_588 : vector<16xi32>
      %swap3A_590 = arith.constant 48 : index
      %swap3A_591 = tpu.vector_load %arg7[%swap3A_590] {strides = array<i32>} : memref<125xi32, #tpu.memory_space<vmem>>, vector<16xi32>,
      %swap3A_592 = vector.shape_cast %swap3A_591 : vector<16xi32> to vector<16xi32>
      %swap3A_593 = vector.shape_cast %and3A_589 : vector<16xi32> to vector<16xi32>
      tpu.vector_store %arg7[%swap3A_590], %swap3A_593 {strides = array<i32>} : memref<125xi32, #tpu.memory_space<vmem>>, vector<16xi32>,
      %shift_right_logical3A_594 = arith.constant 16 : i32
      %shift_right_logical3A_595 = vector.broadcast %shift_right_logical3A_594 : i32 to vector<16xi32>
      %shift_right_logical3A_596 = arith.shrui %get3A_586, %shift_right_logical3A_595 : vector<16xi32>
      %swap3A_597 = arith.constant 48 : index
      %swap3A_598 = tpu.vector_load %arg8[%swap3A_597] {strides = array<i32>} : memref<125xi32, #tpu.memory_space<vmem>>, vector<16xi32>,
      %swap3A_599 = vector.shape_cast %swap3A_598 : vector<16xi32> to vector<16xi32>
      %swap3A_600 = vector.shape_cast %shift_right_logical3A_596 : vector<16xi32> to vector<16xi32>
      tpu.vector_store %arg8[%swap3A_597], %swap3A_600 {strides = array<i32>} : memref<125xi32, #tpu.memory_space<vmem>>, vector<16xi32>,
      %get3A_601 = arith.constant 64 : index
      %get3A_602 = tpu.vector_load %arg5[%get3A_601] {strides = array<i32>} : memref<125xi32, #tpu.memory_space<vmem>>, vector<16xi32>,
      %get3A_603 = vector.shape_cast %get3A_602 : vector<16xi32> to vector<16xi32>
      %and3A_604 = arith.constant 65535 : i32
      %and3A_605 = vector.broadcast %and3A_604 : i32 to vector<16xi32>
      %and3A_606 = arith.andi %get3A_603, %and3A_605 : vector<16xi32>
      %swap3A_607 = arith.constant 64 : index
      %swap3A_608 = tpu.vector_load %arg7[%swap3A_607] {strides = array<i32>} : memref<125xi32, #tpu.memory_space<vmem>>, vector<16xi32>,
      %swap3A_609 = vector.shape_cast %swap3A_608 : vector<16xi32> to vector<16xi32>
      %swap3A_610 = vector.shape_cast %and3A_606 : vector<16xi32> to vector<16xi32>
      tpu.vector_store %arg7[%swap3A_607], %swap3A_610 {strides = array<i32>} : memref<125xi32, #tpu.memory_space<vmem>>, vector<16xi32>,
      %shift_right_logical3A_611 = arith.constant 16 : i32
      %shift_right_logical3A_612 = vector.broadcast %shift_right_logical3A_611 : i32 to vector<16xi32>
      %shift_right_logical3A_613 = arith.shrui %get3A_603, %shift_right_logical3A_612 : vector<16xi32>
      %swap3A_614 = arith.constant 64 : index
      %swap3A_615 = tpu.vector_load %arg8[%swap3A_614] {strides = array<i32>} : memref<125xi32, #tpu.memory_space<vmem>>, vector<16xi32>,
      %swap3A_616 = vector.shape_cast %swap3A_615 : vector<16xi32> to vector<16xi32>
      %swap3A_617 = vector.shape_cast %shift_right_logical3A_613 : vector<16xi32> to vector<16xi32>
      tpu.vector_store %arg8[%swap3A_614], %swap3A_617 {strides = array<i32>} : memref<125xi32, #tpu.memory_space<vmem>>, vector<16xi32>,
      %get3A_618 = arith.constant 80 : index
      %get3A_619 = tpu.vector_load %arg5[%get3A_618] {strides = array<i32>} : memref<125xi32, #tpu.memory_space<vmem>>, vector<16xi32>,
      %get3A_620 = vector.shape_cast %get3A_619 : vector<16xi32> to vector<16xi32>
      %and3A_621 = arith.constant 65535 : i32
      %and3A_622 = vector.broadcast %and3A_621 : i32 to vector<16xi32>
      %and3A_623 = arith.andi %get3A_620, %and3A_622 : vector<16xi32>
      %swap3A_624 = arith.constant 80 : index
      %swap3A_625 = tpu.vector_load %arg7[%swap3A_624] {strides = array<i32>} : memref<125xi32, #tpu.memory_space<vmem>>, vector<16xi32>,
      %swap3A_626 = vector.shape_cast %swap3A_625 : vector<16xi32> to vector<16xi32>
      %swap3A_627 = vector.shape_cast %and3A_623 : vector<16xi32> to vector<16xi32>
      tpu.vector_store %arg7[%swap3A_624], %swap3A_627 {strides = array<i32>} : memref<125xi32, #tpu.memory_space<vmem>>, vector<16xi32>,
      %shift_right_logical3A_628 = arith.constant 16 : i32
      %shift_right_logical3A_629 = vector.broadcast %shift_right_logical3A_628 : i32 to vector<16xi32>
      %shift_right_logical3A_630 = arith.shrui %get3A_620, %shift_right_logical3A_629 : vector<16xi32>
      %swap3A_631 = arith.constant 80 : index
      %swap3A_632 = tpu.vector_load %arg8[%swap3A_631] {strides = array<i32>} : memref<125xi32, #tpu.memory_space<vmem>>, vector<16xi32>,
      %swap3A_633 = vector.shape_cast %swap3A_632 : vector<16xi32> to vector<16xi32>
      %swap3A_634 = vector.shape_cast %shift_right_logical3A_630 : vector<16xi32> to vector<16xi32>
      tpu.vector_store %arg8[%swap3A_631], %swap3A_634 {strides = array<i32>} : memref<125xi32, #tpu.memory_space<vmem>>, vector<16xi32>,
      %get3A_635 = arith.constant 96 : index
      %get3A_636 = tpu.vector_load %arg5[%get3A_635] {strides = array<i32>} : memref<125xi32, #tpu.memory_space<vmem>>, vector<16xi32>,
      %get3A_637 = vector.shape_cast %get3A_636 : vector<16xi32> to vector<16xi32>
      %and3A_638 = arith.constant 65535 : i32
      %and3A_639 = vector.broadcast %and3A_638 : i32 to vector<16xi32>
      %and3A_640 = arith.andi %get3A_637, %and3A_639 : vector<16xi32>
      %swap3A_641 = arith.constant 96 : index
      %swap3A_642 = tpu.vector_load %arg7[%swap3A_641] {strides = array<i32>} : memref<125xi32, #tpu.memory_space<vmem>>, vector<16xi32>,
      %swap3A_643 = vector.shape_cast %swap3A_642 : vector<16xi32> to vector<16xi32>
      %swap3A_644 = vector.shape_cast %and3A_640 : vector<16xi32> to vector<16xi32>
      tpu.vector_store %arg7[%swap3A_641], %swap3A_644 {strides = array<i32>} : memref<125xi32, #tpu.memory_space<vmem>>, vector<16xi32>,
      %shift_right_logical3A_645 = arith.constant 16 : i32
      %shift_right_logical3A_646 = vector.broadcast %shift_right_logical3A_645 : i32 to vector<16xi32>
      %shift_right_logical3A_647 = arith.shrui %get3A_637, %shift_right_logical3A_646 : vector<16xi32>
      %swap3A_648 = arith.constant 96 : index
      %swap3A_649 = tpu.vector_load %arg8[%swap3A_648] {strides = array<i32>} : memref<125xi32, #tpu.memory_space<vmem>>, vector<16xi32>,
      %swap3A_650 = vector.shape_cast %swap3A_649 : vector<16xi32> to vector<16xi32>
      %swap3A_651 = vector.shape_cast %shift_right_logical3A_647 : vector<16xi32> to vector<16xi32>
      tpu.vector_store %arg8[%swap3A_648], %swap3A_651 {strides = array<i32>} : memref<125xi32, #tpu.memory_space<vmem>>, vector<16xi32>,
      %get3A_652 = arith.constant 109 : index
      %get3A_653 = tpu.vector_load %arg5[%get3A_652] {strides = array<i32>} : memref<125xi32, #tpu.memory_space<vmem>>, vector<16xi32>,
      %get3A_654 = vector.shape_cast %get3A_653 : vector<16xi32> to vector<16xi32>
      %and3A_655 = arith.constant 65535 : i32
      %and3A_656 = vector.broadcast %and3A_655 : i32 to vector<16xi32>
      %and3A_657 = arith.andi %get3A_654, %and3A_656 : vector<16xi32>
      %swap3A_658 = arith.constant 109 : index
      %swap3A_659 = tpu.vector_load %arg7[%swap3A_658] {strides = array<i32>} : memref<125xi32, #tpu.memory_space<vmem>>, vector<16xi32>,
      %swap3A_660 = vector.shape_cast %swap3A_659 : vector<16xi32> to vector<16xi32>
      %swap3A_661 = vector.shape_cast %and3A_657 : vector<16xi32> to vector<16xi32>
      tpu.vector_store %arg7[%swap3A_658], %swap3A_661 {strides = array<i32>} : memref<125xi32, #tpu.memory_space<vmem>>, vector<16xi32>,
      %shift_right_logical3A_662 = arith.constant 16 : i32
      %shift_right_logical3A_663 = vector.broadcast %shift_right_logical3A_662 : i32 to vector<16xi32>
      %shift_right_logical3A_664 = arith.shrui %get3A_654, %shift_right_logical3A_663 : vector<16xi32>
      %swap3A_665 = arith.constant 109 : index
      %swap3A_666 = tpu.vector_load %arg8[%swap3A_665] {strides = array<i32>} : memref<125xi32, #tpu.memory_space<vmem>>, vector<16xi32>,
      %swap3A_667 = vector.shape_cast %swap3A_666 : vector<16xi32> to vector<16xi32>
      %swap3A_668 = vector.shape_cast %shift_right_logical3A_664 : vector<16xi32> to vector<16xi32>
      tpu.vector_store %arg8[%swap3A_665], %swap3A_668 {strides = array<i32>} : memref<125xi32, #tpu.memory_space<vmem>>, vector<16xi32>,
      %dma_start3A_669 = arith.constant 0 : i32
      %dma_start3A_670 = arith.constant 0 : i32
      %dma_start3A_671 = tpu.memref_slice %arg3[%dma_start3A_669, %dma_start3A_670] : memref<10000x128xf32, #tpu.memory_space<hbm>> -> memref<10000x128xf32, #tpu.memory_space<hbm>>
      tpu.enqueue_indirect_dma source(%dma_start3A_671 : memref<10000x128xf32, #tpu.memory_space<hbm>>) target(%arg11 : memref<125x128xf32, #tpu.memory_space<vmem>>) offsets(%arg7 : memref<125xi32, #tpu.memory_space<vmem>>) semaphore(%arg16 : memref<!tpu.dma_semaphore, #tpu.memory_space<semaphore_mem>>)
      %add3A_672 = arith.constant 3 : i32
      %add3A_673 = arith.addi %mul3A_344, %add3A_672 : i32
      %dma_start3A_674 = arith.constant 0 : i32
      %dma_start3A_675 = arith.constant 0 : i32
      %dma_start3A_676 = tpu.memref_slice %arg2[%add3A, %dma_start3A_674, %dma_start3A_675] : memref<32x80x125xi32, #tpu.memory_space<hbm>> -> memref<1x80x125xi32, #tpu.memory_space<hbm>>
      %dma_start3A_677 = tpu.memref_squeeze %dma_start3A_676 : memref<1x80x125xi32, #tpu.memory_space<hbm>> -> memref<80x125xi32, #tpu.memory_space<hbm>>
      %dma_start3A_678 = arith.constant 0 : i32
      %dma_start3A_679 = tpu.memref_slice %dma_start3A_677[%add3A_673, %dma_start3A_678] : memref<80x125xi32, #tpu.memory_space<hbm>> -> memref<1x125xi32, #tpu.memory_space<hbm>>
      %dma_start3A_680 = tpu.memref_squeeze %dma_start3A_679 : memref<1x125xi32, #tpu.memory_space<hbm>> -> memref<125xi32, #tpu.memory_space<hbm>>
      %dma_start3A_681 = arith.constant 0 : i32
      %dma_start3A_682 = arith.constant 0 : i32
      %dma_start3A_683 = tpu.memref_slice %arg2[%add3A, %dma_start3A_681, %dma_start3A_682] : memref<32x80x125xi32, #tpu.memory_space<hbm>> -> memref<1x80x125xi32, #tpu.memory_space<hbm>>
      %dma_start3A_684 = tpu.memref_squeeze %dma_start3A_683 : memref<1x80x125xi32, #tpu.memory_space<hbm>> -> memref<80x125xi32, #tpu.memory_space<hbm>>
      %dma_start3A_685 = arith.constant 0 : i32
      %dma_start3A_686 = tpu.memref_slice %dma_start3A_684[%add3A_673, %dma_start3A_685] : memref<80x125xi32, #tpu.memory_space<hbm>> -> memref<1x125xi32, #tpu.memory_space<hbm>>
      %dma_start3A_687 = tpu.memref_squeeze %dma_start3A_686 : memref<1x125xi32, #tpu.memory_space<hbm>> -> memref<125xi32, #tpu.memory_space<hbm>>
      tpu.enqueue_dma source(%dma_start3A_687 : memref<125xi32, #tpu.memory_space<hbm>>) target(%arg6 : memref<125xi32, #tpu.memory_space<vmem>>) target_semaphore(%arg15 : memref<!tpu.dma_semaphore, #tpu.memory_space<semaphore_mem>>)
      %dma_wait3A_688 = arith.constant 0 : i32
      %dma_wait3A_689 = arith.constant 0 : i32
      %dma_wait3A_690 = tpu.memref_slice %arg3[%dma_wait3A_688, %dma_wait3A_689] : memref<10000x128xf32, #tpu.memory_space<hbm>> -> memref<10000x128xf32, #tpu.memory_space<hbm>>
      tpu.wait_indirect_dma semaphore(%arg17 : memref<!tpu.dma_semaphore, #tpu.memory_space<semaphore_mem>>) src(%dma_wait3A_690 : memref<10000x128xf32, #tpu.memory_space<hbm>>) dst(%arg12 : memref<125x128xf32, #tpu.memory_space<vmem>>)
      "tpu.region"() ({
        %run_scoped3A_691 = tpu.sem_alloc : memref<!tpu.dma_semaphore, #tpu.memory_space<semaphore_mem>>
        %dma_start3A_692 = arith.constant 0 : i32
        %dma_start3A_693 = arith.constant 0 : i32
        %dma_start3A_694 = tpu.memref_slice %arg18[%dma_start3A_692, %dma_start3A_693] : memref<10000x128xf32, #tpu.memory_space<vmem_shared>> -> memref<10000x128xf32, #tpu.memory_space<vmem_shared>>
        tpu.enqueue_indirect_dma source(%arg12 : memref<125x128xf32, #tpu.memory_space<vmem>>) target(%dma_start3A_694 : memref<10000x128xf32, #tpu.memory_space<vmem_shared>>) offsets(%arg10 : memref<125xi32, #tpu.memory_space<vmem>>) semaphore(%run_scoped3A_691 : memref<!tpu.dma_semaphore, #tpu.memory_space<semaphore_mem>>) {add = true}
        %dma_wait3A_695 = arith.constant 0 : i32
        %dma_wait3A_696 = arith.constant 0 : i32
        %dma_wait3A_697 = tpu.memref_slice %arg18[%dma_wait3A_695, %dma_wait3A_696] : memref<10000x128xf32, #tpu.memory_space<vmem_shared>> -> memref<10000x128xf32, #tpu.memory_space<vmem_shared>>
        tpu.wait_indirect_dma semaphore(%run_scoped3A_691 : memref<!tpu.dma_semaphore, #tpu.memory_space<semaphore_mem>>) src(%arg12 : memref<125x128xf32, #tpu.memory_space<vmem>>) dst(%dma_wait3A_697 : memref<10000x128xf32, #tpu.memory_space<vmem_shared>>)
        tpu.yield
      }) : () -> ()
    }
    %scan3A_171 = arith.constant 39 : i32
    %dma_wait3A = arith.constant 0 : i32
    %dma_wait3A_172 = arith.constant 0 : i32
    %dma_wait3A_173 = arith.constant 0 : i32
    %dma_wait3A_174 = tpu.memref_slice %arg2[%add3A, %dma_wait3A_172, %dma_wait3A_173] : memref<32x80x125xi32, #tpu.memory_space<hbm>> -> memref<1x80x125xi32, #tpu.memory_space<hbm>>
    %dma_wait3A_175 = tpu.memref_squeeze %dma_wait3A_174 : memref<1x80x125xi32, #tpu.memory_space<hbm>> -> memref<80x125xi32, #tpu.memory_space<hbm>>
    %dma_wait3A_176 = arith.constant 0 : i32
    %dma_wait3A_177 = tpu.memref_slice %dma_wait3A_175[%dma_wait3A, %dma_wait3A_176] : memref<80x125xi32, #tpu.memory_space<hbm>> -> memref<1x125xi32, #tpu.memory_space<hbm>>
    %dma_wait3A_178 = tpu.memref_squeeze %dma_wait3A_177 : memref<1x125xi32, #tpu.memory_space<hbm>> -> memref<125xi32, #tpu.memory_space<hbm>>
    %dma_wait3A_179 = arith.constant 0 : i32
    %dma_wait3A_180 = arith.constant 0 : i32
    %dma_wait3A_181 = tpu.memref_slice %arg2[%add3A, %dma_wait3A_179, %dma_wait3A_180] : memref<32x80x125xi32, #tpu.memory_space<hbm>> -> memref<1x80x125xi32, #tpu.memory_space<hbm>>
    %dma_wait3A_182 = tpu.memref_squeeze %dma_wait3A_181 : memref<1x80x125xi32, #tpu.memory_space<hbm>> -> memref<80x125xi32, #tpu.memory_space<hbm>>
    %dma_wait3A_183 = arith.constant 0 : i32
    %dma_wait3A_184 = tpu.memref_slice %dma_wait3A_182[%dma_wait3A, %dma_wait3A_183] : memref<80x125xi32, #tpu.memory_space<hbm>> -> memref<1x125xi32, #tpu.memory_space<hbm>>
    %dma_wait3A_185 = tpu.memref_squeeze %dma_wait3A_184 : memref<1x125xi32, #tpu.memory_space<hbm>> -> memref<125xi32, #tpu.memory_space<hbm>>
    tpu.wait_dma2 semaphore(%arg15 : memref<!tpu.dma_semaphore, #tpu.memory_space<semaphore_mem>>) src(%dma_wait3A_185 : memref<125xi32, #tpu.memory_space<hbm>>) dst(%arg6 : memref<125xi32, #tpu.memory_space<vmem>>)
    %get3A_186 = arith.constant 0 : index
    %get3A_187 = tpu.vector_load %arg6[%get3A_186] {strides = array<i32>} : memref<125xi32, #tpu.memory_space<vmem>>, vector<16xi32>,
    %get3A_188 = vector.shape_cast %get3A_187 : vector<16xi32> to vector<16xi32>
    %and3A_189 = arith.constant 65535 : i32
    %and3A_190 = vector.broadcast %and3A_189 : i32 to vector<16xi32>
    %and3A_191 = arith.andi %get3A_188, %and3A_190 : vector<16xi32>
    %swap3A_192 = arith.constant 0 : index
    %swap3A_193 = tpu.vector_load %arg9[%swap3A_192] {strides = array<i32>} : memref<125xi32, #tpu.memory_space<vmem>>, vector<16xi32>,
    %swap3A_194 = vector.shape_cast %swap3A_193 : vector<16xi32> to vector<16xi32>
    %swap3A_195 = vector.shape_cast %and3A_191 : vector<16xi32> to vector<16xi32>
    tpu.vector_store %arg9[%swap3A_192], %swap3A_195 {strides = array<i32>} : memref<125xi32, #tpu.memory_space<vmem>>, vector<16xi32>,
    %shift_right_logical3A_196 = arith.constant 16 : i32
    %shift_right_logical3A_197 = vector.broadcast %shift_right_logical3A_196 : i32 to vector<16xi32>
    %shift_right_logical3A_198 = arith.shrui %get3A_188, %shift_right_logical3A_197 : vector<16xi32>
    %swap3A_199 = arith.constant 0 : index
    %swap3A_200 = tpu.vector_load %arg10[%swap3A_199] {strides = array<i32>} : memref<125xi32, #tpu.memory_space<vmem>>, vector<16xi32>,
    %swap3A_201 = vector.shape_cast %swap3A_200 : vector<16xi32> to vector<16xi32>
    %swap3A_202 = vector.shape_cast %shift_right_logical3A_198 : vector<16xi32> to vector<16xi32>
    tpu.vector_store %arg10[%swap3A_199], %swap3A_202 {strides = array<i32>} : memref<125xi32, #tpu.memory_space<vmem>>, vector<16xi32>,
    %get3A_203 = arith.constant 16 : index
    %get3A_204 = tpu.vector_load %arg6[%get3A_203] {strides = array<i32>} : memref<125xi32, #tpu.memory_space<vmem>>, vector<16xi32>,
    %get3A_205 = vector.shape_cast %get3A_204 : vector<16xi32> to vector<16xi32>
    %and3A_206 = arith.constant 65535 : i32
    %and3A_207 = vector.broadcast %and3A_206 : i32 to vector<16xi32>
    %and3A_208 = arith.andi %get3A_205, %and3A_207 : vector<16xi32>
    %swap3A_209 = arith.constant 16 : index
    %swap3A_210 = tpu.vector_load %arg9[%swap3A_209] {strides = array<i32>} : memref<125xi32, #tpu.memory_space<vmem>>, vector<16xi32>,
    %swap3A_211 = vector.shape_cast %swap3A_210 : vector<16xi32> to vector<16xi32>
    %swap3A_212 = vector.shape_cast %and3A_208 : vector<16xi32> to vector<16xi32>
    tpu.vector_store %arg9[%swap3A_209], %swap3A_212 {strides = array<i32>} : memref<125xi32, #tpu.memory_space<vmem>>, vector<16xi32>,
    %shift_right_logical3A_213 = arith.constant 16 : i32
    %shift_right_logical3A_214 = vector.broadcast %shift_right_logical3A_213 : i32 to vector<16xi32>
    %shift_right_logical3A_215 = arith.shrui %get3A_205, %shift_right_logical3A_214 : vector<16xi32>
    %swap3A_216 = arith.constant 16 : index
    %swap3A_217 = tpu.vector_load %arg10[%swap3A_216] {strides = array<i32>} : memref<125xi32, #tpu.memory_space<vmem>>, vector<16xi32>,
    %swap3A_218 = vector.shape_cast %swap3A_217 : vector<16xi32> to vector<16xi32>
    %swap3A_219 = vector.shape_cast %shift_right_logical3A_215 : vector<16xi32> to vector<16xi32>
    tpu.vector_store %arg10[%swap3A_216], %swap3A_219 {strides = array<i32>} : memref<125xi32, #tpu.memory_space<vmem>>, vector<16xi32>,
    %get3A_220 = arith.constant 32 : index
    %get3A_221 = tpu.vector_load %arg6[%get3A_220] {strides = array<i32>} : memref<125xi32, #tpu.memory_space<vmem>>, vector<16xi32>,
    %get3A_222 = vector.shape_cast %get3A_221 : vector<16xi32> to vector<16xi32>
    %and3A_223 = arith.constant 65535 : i32
    %and3A_224 = vector.broadcast %and3A_223 : i32 to vector<16xi32>
    %and3A_225 = arith.andi %get3A_222, %and3A_224 : vector<16xi32>
    %swap3A_226 = arith.constant 32 : index
    %swap3A_227 = tpu.vector_load %arg9[%swap3A_226] {strides = array<i32>} : memref<125xi32, #tpu.memory_space<vmem>>, vector<16xi32>,
    %swap3A_228 = vector.shape_cast %swap3A_227 : vector<16xi32> to vector<16xi32>
    %swap3A_229 = vector.shape_cast %and3A_225 : vector<16xi32> to vector<16xi32>
    tpu.vector_store %arg9[%swap3A_226], %swap3A_229 {strides = array<i32>} : memref<125xi32, #tpu.memory_space<vmem>>, vector<16xi32>,
    %shift_right_logical3A_230 = arith.constant 16 : i32
    %shift_right_logical3A_231 = vector.broadcast %shift_right_logical3A_230 : i32 to vector<16xi32>
    %shift_right_logical3A_232 = arith.shrui %get3A_222, %shift_right_logical3A_231 : vector<16xi32>
    %swap3A_233 = arith.constant 32 : index
    %swap3A_234 = tpu.vector_load %arg10[%swap3A_233] {strides = array<i32>} : memref<125xi32, #tpu.memory_space<vmem>>, vector<16xi32>,
    %swap3A_235 = vector.shape_cast %swap3A_234 : vector<16xi32> to vector<16xi32>
    %swap3A_236 = vector.shape_cast %shift_right_logical3A_232 : vector<16xi32> to vector<16xi32>
    tpu.vector_store %arg10[%swap3A_233], %swap3A_236 {strides = array<i32>} : memref<125xi32, #tpu.memory_space<vmem>>, vector<16xi32>,
    %get3A_237 = arith.constant 48 : index
    %get3A_238 = tpu.vector_load %arg6[%get3A_237] {strides = array<i32>} : memref<125xi32, #tpu.memory_space<vmem>>, vector<16xi32>,
    %get3A_239 = vector.shape_cast %get3A_238 : vector<16xi32> to vector<16xi32>
    %and3A_240 = arith.constant 65535 : i32
    %and3A_241 = vector.broadcast %and3A_240 : i32 to vector<16xi32>
    %and3A_242 = arith.andi %get3A_239, %and3A_241 : vector<16xi32>
    %swap3A_243 = arith.constant 48 : index
    %swap3A_244 = tpu.vector_load %arg9[%swap3A_243] {strides = array<i32>} : memref<125xi32, #tpu.memory_space<vmem>>, vector<16xi32>,
    %swap3A_245 = vector.shape_cast %swap3A_244 : vector<16xi32> to vector<16xi32>
    %swap3A_246 = vector.shape_cast %and3A_242 : vector<16xi32> to vector<16xi32>
    tpu.vector_store %arg9[%swap3A_243], %swap3A_246 {strides = array<i32>} : memref<125xi32, #tpu.memory_space<vmem>>, vector<16xi32>,
    %shift_right_logical3A_247 = arith.constant 16 : i32
    %shift_right_logical3A_248 = vector.broadcast %shift_right_logical3A_247 : i32 to vector<16xi32>
    %shift_right_logical3A_249 = arith.shrui %get3A_239, %shift_right_logical3A_248 : vector<16xi32>
    %swap3A_250 = arith.constant 48 : index
    %swap3A_251 = tpu.vector_load %arg10[%swap3A_250] {strides = array<i32>} : memref<125xi32, #tpu.memory_space<vmem>>, vector<16xi32>,
    %swap3A_252 = vector.shape_cast %swap3A_251 : vector<16xi32> to vector<16xi32>
    %swap3A_253 = vector.shape_cast %shift_right_logical3A_249 : vector<16xi32> to vector<16xi32>
    tpu.vector_store %arg10[%swap3A_250], %swap3A_253 {strides = array<i32>} : memref<125xi32, #tpu.memory_space<vmem>>, vector<16xi32>,
    %get3A_254 = arith.constant 64 : index
    %get3A_255 = tpu.vector_load %arg6[%get3A_254] {strides = array<i32>} : memref<125xi32, #tpu.memory_space<vmem>>, vector<16xi32>,
    %get3A_256 = vector.shape_cast %get3A_255 : vector<16xi32> to vector<16xi32>
    %and3A_257 = arith.constant 65535 : i32
    %and3A_258 = vector.broadcast %and3A_257 : i32 to vector<16xi32>
    %and3A_259 = arith.andi %get3A_256, %and3A_258 : vector<16xi32>
    %swap3A_260 = arith.constant 64 : index
    %swap3A_261 = tpu.vector_load %arg9[%swap3A_260] {strides = array<i32>} : memref<125xi32, #tpu.memory_space<vmem>>, vector<16xi32>,
    %swap3A_262 = vector.shape_cast %swap3A_261 : vector<16xi32> to vector<16xi32>
    %swap3A_263 = vector.shape_cast %and3A_259 : vector<16xi32> to vector<16xi32>
    tpu.vector_store %arg9[%swap3A_260], %swap3A_263 {strides = array<i32>} : memref<125xi32, #tpu.memory_space<vmem>>, vector<16xi32>,
    %shift_right_logical3A_264 = arith.constant 16 : i32
    %shift_right_logical3A_265 = vector.broadcast %shift_right_logical3A_264 : i32 to vector<16xi32>
    %shift_right_logical3A_266 = arith.shrui %get3A_256, %shift_right_logical3A_265 : vector<16xi32>
    %swap3A_267 = arith.constant 64 : index
    %swap3A_268 = tpu.vector_load %arg10[%swap3A_267] {strides = array<i32>} : memref<125xi32, #tpu.memory_space<vmem>>, vector<16xi32>,
    %swap3A_269 = vector.shape_cast %swap3A_268 : vector<16xi32> to vector<16xi32>
    %swap3A_270 = vector.shape_cast %shift_right_logical3A_266 : vector<16xi32> to vector<16xi32>
    tpu.vector_store %arg10[%swap3A_267], %swap3A_270 {strides = array<i32>} : memref<125xi32, #tpu.memory_space<vmem>>, vector<16xi32>,
    %get3A_271 = arith.constant 80 : index
    %get3A_272 = tpu.vector_load %arg6[%get3A_271] {strides = array<i32>} : memref<125xi32, #tpu.memory_space<vmem>>, vector<16xi32>,
    %get3A_273 = vector.shape_cast %get3A_272 : vector<16xi32> to vector<16xi32>
    %and3A_274 = arith.constant 65535 : i32
    %and3A_275 = vector.broadcast %and3A_274 : i32 to vector<16xi32>
    %and3A_276 = arith.andi %get3A_273, %and3A_275 : vector<16xi32>
    %swap3A_277 = arith.constant 80 : index
    %swap3A_278 = tpu.vector_load %arg9[%swap3A_277] {strides = array<i32>} : memref<125xi32, #tpu.memory_space<vmem>>, vector<16xi32>,
    %swap3A_279 = vector.shape_cast %swap3A_278 : vector<16xi32> to vector<16xi32>
    %swap3A_280 = vector.shape_cast %and3A_276 : vector<16xi32> to vector<16xi32>
    tpu.vector_store %arg9[%swap3A_277], %swap3A_280 {strides = array<i32>} : memref<125xi32, #tpu.memory_space<vmem>>, vector<16xi32>,
    %shift_right_logical3A_281 = arith.constant 16 : i32
    %shift_right_logical3A_282 = vector.broadcast %shift_right_logical3A_281 : i32 to vector<16xi32>
    %shift_right_logical3A_283 = arith.shrui %get3A_273, %shift_right_logical3A_282 : vector<16xi32>
    %swap3A_284 = arith.constant 80 : index
    %swap3A_285 = tpu.vector_load %arg10[%swap3A_284] {strides = array<i32>} : memref<125xi32, #tpu.memory_space<vmem>>, vector<16xi32>,
    %swap3A_286 = vector.shape_cast %swap3A_285 : vector<16xi32> to vector<16xi32>
    %swap3A_287 = vector.shape_cast %shift_right_logical3A_283 : vector<16xi32> to vector<16xi32>
    tpu.vector_store %arg10[%swap3A_284], %swap3A_287 {strides = array<i32>} : memref<125xi32, #tpu.memory_space<vmem>>, vector<16xi32>,
    %get3A_288 = arith.constant 96 : index
    %get3A_289 = tpu.vector_load %arg6[%get3A_288] {strides = array<i32>} : memref<125xi32, #tpu.memory_space<vmem>>, vector<16xi32>,
    %get3A_290 = vector.shape_cast %get3A_289 : vector<16xi32> to vector<16xi32>
    %and3A_291 = arith.constant 65535 : i32
    %and3A_292 = vector.broadcast %and3A_291 : i32 to vector<16xi32>
    %and3A_293 = arith.andi %get3A_290, %and3A_292 : vector<16xi32>
    %swap3A_294 = arith.constant 96 : index
    %swap3A_295 = tpu.vector_load %arg9[%swap3A_294] {strides = array<i32>} : memref<125xi32, #tpu.memory_space<vmem>>, vector<16xi32>,
    %swap3A_296 = vector.shape_cast %swap3A_295 : vector<16xi32> to vector<16xi32>
    %swap3A_297 = vector.shape_cast %and3A_293 : vector<16xi32> to vector<16xi32>
    tpu.vector_store %arg9[%swap3A_294], %swap3A_297 {strides = array<i32>} : memref<125xi32, #tpu.memory_space<vmem>>, vector<16xi32>,
    %shift_right_logical3A_298 = arith.constant 16 : i32
    %shift_right_logical3A_299 = vector.broadcast %shift_right_logical3A_298 : i32 to vector<16xi32>
    %shift_right_logical3A_300 = arith.shrui %get3A_290, %shift_right_logical3A_299 : vector<16xi32>
    %swap3A_301 = arith.constant 96 : index
    %swap3A_302 = tpu.vector_load %arg10[%swap3A_301] {strides = array<i32>} : memref<125xi32, #tpu.memory_space<vmem>>, vector<16xi32>,
    %swap3A_303 = vector.shape_cast %swap3A_302 : vector<16xi32> to vector<16xi32>
    %swap3A_304 = vector.shape_cast %shift_right_logical3A_300 : vector<16xi32> to vector<16xi32>
    tpu.vector_store %arg10[%swap3A_301], %swap3A_304 {strides = array<i32>} : memref<125xi32, #tpu.memory_space<vmem>>, vector<16xi32>,
    %get3A_305 = arith.constant 109 : index
    %get3A_306 = tpu.vector_load %arg6[%get3A_305] {strides = array<i32>} : memref<125xi32, #tpu.memory_space<vmem>>, vector<16xi32>,
    %get3A_307 = vector.shape_cast %get3A_306 : vector<16xi32> to vector<16xi32>
    %and3A_308 = arith.constant 65535 : i32
    %and3A_309 = vector.broadcast %and3A_308 : i32 to vector<16xi32>
    %and3A_310 = arith.andi %get3A_307, %and3A_309 : vector<16xi32>
    %swap3A_311 = arith.constant 109 : index
    %swap3A_312 = tpu.vector_load %arg9[%swap3A_311] {strides = array<i32>} : memref<125xi32, #tpu.memory_space<vmem>>, vector<16xi32>,
    %swap3A_313 = vector.shape_cast %swap3A_312 : vector<16xi32> to vector<16xi32>
    %swap3A_314 = vector.shape_cast %and3A_310 : vector<16xi32> to vector<16xi32>
    tpu.vector_store %arg9[%swap3A_311], %swap3A_314 {strides = array<i32>} : memref<125xi32, #tpu.memory_space<vmem>>, vector<16xi32>,
    %shift_right_logical3A_315 = arith.constant 16 : i32
    %shift_right_logical3A_316 = vector.broadcast %shift_right_logical3A_315 : i32 to vector<16xi32>
    %shift_right_logical3A_317 = arith.shrui %get3A_307, %shift_right_logical3A_316 : vector<16xi32>
    %swap3A_318 = arith.constant 109 : index
    %swap3A_319 = tpu.vector_load %arg10[%swap3A_318] {strides = array<i32>} : memref<125xi32, #tpu.memory_space<vmem>>, vector<16xi32>,
    %swap3A_320 = vector.shape_cast %swap3A_319 : vector<16xi32> to vector<16xi32>
    %swap3A_321 = vector.shape_cast %shift_right_logical3A_317 : vector<16xi32> to vector<16xi32>
    tpu.vector_store %arg10[%swap3A_318], %swap3A_321 {strides = array<i32>} : memref<125xi32, #tpu.memory_space<vmem>>, vector<16xi32>,
    %dma_start3A_322 = arith.constant 0 : i32
    %dma_start3A_323 = arith.constant 0 : i32
    %dma_start3A_324 = tpu.memref_slice %arg3[%dma_start3A_322, %dma_start3A_323] : memref<10000x128xf32, #tpu.memory_space<hbm>> -> memref<10000x128xf32, #tpu.memory_space<hbm>>
    tpu.enqueue_indirect_dma source(%dma_start3A_324 : memref<10000x128xf32, #tpu.memory_space<hbm>>) target(%arg12 : memref<125x128xf32, #tpu.memory_space<vmem>>) offsets(%arg9 : memref<125xi32, #tpu.memory_space<vmem>>) semaphore(%arg17 : memref<!tpu.dma_semaphore, #tpu.memory_space<semaphore_mem>>)
    %dma_wait3A_325 = arith.constant 0 : i32
    %dma_wait3A_326 = arith.constant 0 : i32
    %dma_wait3A_327 = tpu.memref_slice %arg3[%dma_wait3A_325, %dma_wait3A_326] : memref<10000x128xf32, #tpu.memory_space<hbm>> -> memref<10000x128xf32, #tpu.memory_space<hbm>>
    tpu.wait_indirect_dma semaphore(%arg16 : memref<!tpu.dma_semaphore, #tpu.memory_space<semaphore_mem>>) src(%dma_wait3A_327 : memref<10000x128xf32, #tpu.memory_space<hbm>>) dst(%arg11 : memref<125x128xf32, #tpu.memory_space<vmem>>)
    "tpu.region"() ({
      %run_scoped3A_342 = tpu.sem_alloc : memref<!tpu.dma_semaphore, #tpu.memory_space<semaphore_mem>>
      %dma_start3A_343 = arith.constant 0 : i32
      %dma_start3A_344 = arith.constant 0 : i32
      %dma_start3A_345 = tpu.memref_slice %arg18[%dma_start3A_343, %dma_start3A_344] : memref<10000x128xf32, #tpu.memory_space<vmem_shared>> -> memref<10000x128xf32, #tpu.memory_space<vmem_shared>>
      tpu.enqueue_indirect_dma source(%arg11 : memref<125x128xf32, #tpu.memory_space<vmem>>) target(%dma_start3A_345 : memref<10000x128xf32, #tpu.memory_space<vmem_shared>>) offsets(%arg8 : memref<125xi32, #tpu.memory_space<vmem>>) semaphore(%run_scoped3A_342 : memref<!tpu.dma_semaphore, #tpu.memory_space<semaphore_mem>>) {add = true}
      %dma_wait3A_346 = arith.constant 0 : i32
      %dma_wait3A_347 = arith.constant 0 : i32
      %dma_wait3A_348 = tpu.memref_slice %arg18[%dma_wait3A_346, %dma_wait3A_347] : memref<10000x128xf32, #tpu.memory_space<vmem_shared>> -> memref<10000x128xf32, #tpu.memory_space<vmem_shared>>
      tpu.wait_indirect_dma semaphore(%run_scoped3A_342 : memref<!tpu.dma_semaphore, #tpu.memory_space<semaphore_mem>>) src(%arg11 : memref<125x128xf32, #tpu.memory_space<vmem>>) dst(%dma_wait3A_348 : memref<10000x128xf32, #tpu.memory_space<vmem_shared>>)
      tpu.yield
    }) : () -> ()
    %dma_wait3A_328 = arith.constant 0 : i32
    %dma_wait3A_329 = arith.constant 0 : i32
    %dma_wait3A_330 = tpu.memref_slice %arg3[%dma_wait3A_328, %dma_wait3A_329] : memref<10000x128xf32, #tpu.memory_space<hbm>> -> memref<10000x128xf32, #tpu.memory_space<hbm>>
    tpu.wait_indirect_dma semaphore(%arg17 : memref<!tpu.dma_semaphore, #tpu.memory_space<semaphore_mem>>) src(%dma_wait3A_330 : memref<10000x128xf32, #tpu.memory_space<hbm>>) dst(%arg12 : memref<125x128xf32, #tpu.memory_space<vmem>>)
    "tpu.region"() ({
      %run_scoped3A_342 = tpu.sem_alloc : memref<!tpu.dma_semaphore, #tpu.memory_space<semaphore_mem>>
      %dma_start3A_343 = arith.constant 0 : i32
      %dma_start3A_344 = arith.constant 0 : i32
      %dma_start3A_345 = tpu.memref_slice %arg18[%dma_start3A_343, %dma_start3A_344] : memref<10000x128xf32, #tpu.memory_space<vmem_shared>> -> memref<10000x128xf32, #tpu.memory_space<vmem_shared>>
      tpu.enqueue_indirect_dma source(%arg12 : memref<125x128xf32, #tpu.memory_space<vmem>>) target(%dma_start3A_345 : memref<10000x128xf32, #tpu.memory_space<vmem_shared>>) offsets(%arg10 : memref<125xi32, #tpu.memory_space<vmem>>) semaphore(%run_scoped3A_342 : memref<!tpu.dma_semaphore, #tpu.memory_space<semaphore_mem>>) {add = true}
      %dma_wait3A_346 = arith.constant 0 : i32
      %dma_wait3A_347 = arith.constant 0 : i32
      %dma_wait3A_348 = tpu.memref_slice %arg18[%dma_wait3A_346, %dma_wait3A_347] : memref<10000x128xf32, #tpu.memory_space<vmem_shared>> -> memref<10000x128xf32, #tpu.memory_space<vmem_shared>>
      tpu.wait_indirect_dma semaphore(%run_scoped3A_342 : memref<!tpu.dma_semaphore, #tpu.memory_space<semaphore_mem>>) src(%arg12 : memref<125x128xf32, #tpu.memory_space<vmem>>) dst(%dma_wait3A_348 : memref<10000x128xf32, #tpu.memory_space<vmem_shared>>)
      tpu.yield
    }) : () -> ()
    %barrier3A_331 = arith.constant 0 : index
    tpu.barrier barrier_id(%barrier3A_331)
    %while3A_332 = arith.constant 0 : i32
    %while3A_333 = arith.constant 0 : i32
    %while3A_334 = arith.subi %select_n3A, %while3A_333 : i32
    %while3A_335 = arith.addi %while3A_333, %while3A_334 : i32
    %while3A_336 = arith.constant 1 : i32
    %while3A_337 = arith.divsi %while3A_334, %while3A_336 : i32
    %while3A_338 = arith.muli %while3A_337, %while3A_336 : i32
    %while3A_339 = arith.addi %while3A_333, %while3A_338 : i32
    %while3A_340 = arith.constant 1 : i32
    scf.for %while3A_342 = %while3A_333 to %while3A_339 step %while3A_340  : i32 {
      %mul3A_343 = arith.constant 16 : i32
      %mul3A_344 = arith.muli %mul3A_343, %while3A_342 : i32
      %add3A_345 = arith.addi %arg1, %mul3A_344 : i32
      %mul3A_346 = arith.constant 16 : i32
      %mul3A_347 = arith.muli %add3A_345, %mul3A_346 : i32
      "tpu.region"() ({
        %run_scoped3A_348 = tpu.sem_alloc : memref<!tpu.dma_semaphore, #tpu.memory_space<semaphore_mem>>
        %dma_start3A_349 = arith.constant 0 : i32
        %dma_start3A_350 = arith.constant 0 : i32
        %dma_start3A_351 = tpu.memref_slice %arg4[%arg0, %dma_start3A_349, %dma_start3A_350] : memref<2x10000x128xf32, #tpu.memory_space<hbm>> -> memref<1x10000x128xf32, #tpu.memory_space<hbm>>
        %dma_start3A_352 = tpu.memref_squeeze %dma_start3A_351 : memref<1x10000x128xf32, #tpu.memory_space<hbm>> -> memref<10000x128xf32, #tpu.memory_space<hbm>>
        %dma_start3A_353 = arith.constant 0 : i32
        %dma_start3A_354 = tpu.memref_slice %dma_start3A_352[%mul3A_347, %dma_start3A_353] : memref<10000x128xf32, #tpu.memory_space<hbm>> -> memref<16x128xf32, #tpu.memory_space<hbm>>
        %dma_start3A_355 = arith.constant 0 : i32
        %dma_start3A_356 = tpu.memref_slice %arg18[%mul3A_347, %dma_start3A_355] : memref<10000x128xf32, #tpu.memory_space<vmem_shared>> -> memref<16x128xf32, #tpu.memory_space<vmem_shared>>
        tpu.enqueue_dma source(%dma_start3A_356 : memref<16x128xf32, #tpu.memory_space<vmem_shared>>) target(%dma_start3A_354 : memref<16x128xf32, #tpu.memory_space<hbm>>) target_semaphore(%run_scoped3A_348 : memref<!tpu.dma_semaphore, #tpu.memory_space<semaphore_mem>>)
        %dma_wait3A_357 = arith.constant 0 : i32
        %dma_wait3A_358 = arith.constant 0 : i32
        %dma_wait3A_359 = tpu.memref_slice %arg4[%arg0, %dma_wait3A_357, %dma_wait3A_358] : memref<2x10000x128xf32, #tpu.memory_space<hbm>> -> memref<1x10000x128xf32, #tpu.memory_space<hbm>>
        %dma_wait3A_360 = tpu.memref_squeeze %dma_wait3A_359 : memref<1x10000x128xf32, #tpu.memory_space<hbm>> -> memref<10000x128xf32, #tpu.memory_space<hbm>>
        %dma_wait3A_361 = arith.constant 0 : i32
        %dma_wait3A_362 = tpu.memref_slice %dma_wait3A_360[%mul3A_347, %dma_wait3A_361] : memref<10000x128xf32, #tpu.memory_space<hbm>> -> memref<16x128xf32, #tpu.memory_space<hbm>>
        %dma_wait3A_363 = arith.constant 0 : i32
        %dma_wait3A_364 = tpu.memref_slice %arg18[%mul3A_347, %dma_wait3A_363] : memref<10000x128xf32, #tpu.memory_space<vmem_shared>> -> memref<16x128xf32, #tpu.memory_space<vmem_shared>>
        tpu.wait_dma2 semaphore(%run_scoped3A_348 : memref<!tpu.dma_semaphore, #tpu.memory_space<semaphore_mem>>) src(%dma_wait3A_364 : memref<16x128xf32, #tpu.memory_space<vmem_shared>>) dst(%dma_wait3A_362 : memref<16x128xf32, #tpu.memory_space<hbm>>)
        tpu.yield
      }) : () -> ()
    }
    %while3A_341 = arith.constant 1 : i32
    scf.for %while3A_342 = %while3A_339 to %while3A_335 step %while3A_341  : i32 {
      %mul3A_343 = arith.constant 16 : i32
      %mul3A_344 = arith.muli %mul3A_343, %while3A_342 : i32
      %add3A_345 = arith.addi %arg1, %mul3A_344 : i32
      %mul3A_346 = arith.constant 16 : i32
      %mul3A_347 = arith.muli %add3A_345, %mul3A_346 : i32
      "tpu.region"() ({
        %run_scoped3A_348 = tpu.sem_alloc : memref<!tpu.dma_semaphore, #tpu.memory_space<semaphore_mem>>
        %dma_start3A_349 = arith.constant 0 : i32
        %dma_start3A_350 = arith.constant 0 : i32
        %dma_start3A_351 = tpu.memref_slice %arg4[%arg0, %dma_start3A_349, %dma_start3A_350] : memref<2x10000x128xf32, #tpu.memory_space<hbm>> -> memref<1x10000x128xf32, #tpu.memory_space<hbm>>
        %dma_start3A_352 = tpu.memref_squeeze %dma_start3A_351 : memref<1x10000x128xf32, #tpu.memory_space<hbm>> -> memref<10000x128xf32, #tpu.memory_space<hbm>>
        %dma_start3A_353 = arith.constant 0 : i32
        %dma_start3A_354 = tpu.memref_slice %dma_start3A_352[%mul3A_347, %dma_start3A_353] : memref<10000x128xf32, #tpu.memory_space<hbm>> -> memref<16x128xf32, #tpu.memory_space<hbm>>
        %dma_start3A_355 = arith.constant 0 : i32
        %dma_start3A_356 = tpu.memref_slice %arg18[%mul3A_347, %dma_start3A_355] : memref<10000x128xf32, #tpu.memory_space<vmem_shared>> -> memref<16x128xf32, #tpu.memory_space<vmem_shared>>
        tpu.enqueue_dma source(%dma_start3A_356 : memref<16x128xf32, #tpu.memory_space<vmem_shared>>) target(%dma_start3A_354 : memref<16x128xf32, #tpu.memory_space<hbm>>) target_semaphore(%run_scoped3A_348 : memref<!tpu.dma_semaphore, #tpu.memory_space<semaphore_mem>>)
        %dma_wait3A_357 = arith.constant 0 : i32
        %dma_wait3A_358 = arith.constant 0 : i32
        %dma_wait3A_359 = tpu.memref_slice %arg4[%arg0, %dma_wait3A_357, %dma_wait3A_358] : memref<2x10000x128xf32, #tpu.memory_space<hbm>> -> memref<1x10000x128xf32, #tpu.memory_space<hbm>>
        %dma_wait3A_360 = tpu.memref_squeeze %dma_wait3A_359 : memref<1x10000x128xf32, #tpu.memory_space<hbm>> -> memref<10000x128xf32, #tpu.memory_space<hbm>>
        %dma_wait3A_361 = arith.constant 0 : i32
        %dma_wait3A_362 = tpu.memref_slice %dma_wait3A_360[%mul3A_347, %dma_wait3A_361] : memref<10000x128xf32, #tpu.memory_space<hbm>> -> memref<16x128xf32, #tpu.memory_space<hbm>>
        %dma_wait3A_363 = arith.constant 0 : i32
        %dma_wait3A_364 = tpu.memref_slice %arg18[%mul3A_347, %dma_wait3A_363] : memref<10000x128xf32, #tpu.memory_space<vmem_shared>> -> memref<16x128xf32, #tpu.memory_space<vmem_shared>>
        tpu.wait_dma2 semaphore(%run_scoped3A_348 : memref<!tpu.dma_semaphore, #tpu.memory_space<semaphore_mem>>) src(%dma_wait3A_364 : memref<16x128xf32, #tpu.memory_space<vmem_shared>>) dst(%dma_wait3A_362 : memref<16x128xf32, #tpu.memory_space<hbm>>)
        tpu.yield
      }) : () -> ()
    }
    return
  }
}

#map = affine_map<(d0, d1) -> (0, 0, 0)>
#map1 = affine_map<(d0, d1) -> (0, 0)>
module attributes {stable_mosaic.version = 14 : i64} {
  func.func @_sc_agg_body(%arg0: i32, %arg1: i32, %arg2: memref<32x80x125xi32, #tpu.memory_space<hbm>>, %arg3: memref<10000x128xf32, #tpu.memory_space<hbm>>, %arg4: memref<2x10000x128xf32, #tpu.memory_space<hbm>>, %arg5: memref<125xi32, #tpu.memory_space<vmem>>, %arg6: memref<125xi32, #tpu.memory_space<vmem>>, %arg7: memref<125xi32, #tpu.memory_space<vmem>>, %arg8: memref<125xi32, #tpu.memory_space<vmem>>, %arg9: memref<125xi32, #tpu.memory_space<vmem>>, %arg10: memref<125xi32, #tpu.memory_space<vmem>>, %arg11: memref<125x128xf32, #tpu.memory_space<vmem>>, %arg12: memref<125x128xf32, #tpu.memory_space<vmem>>, %arg13: memref<16x128xf32, #tpu.memory_space<vmem>>, %arg14: memref<!tpu.dma_semaphore, #tpu.memory_space<semaphore_mem>>, %arg15: memref<!tpu.dma_semaphore, #tpu.memory_space<semaphore_mem>>, %arg16: memref<!tpu.dma_semaphore, #tpu.memory_space<semaphore_mem>>, %arg17: memref<!tpu.dma_semaphore, #tpu.memory_space<semaphore_mem>>, %arg18: memref<10000x128xf32, #tpu.memory_space<vmem_shared>>) attributes {dimension_semantics = [#tpu.dimension_semantics<core_parallel>, #tpu.dimension_semantics<subcore_parallel>], iteration_bounds = array<i64: 2, 16>, scalar_prefetch = 0 : i64, scratch_operands = 14 : i64, tpu.core_type = #tpu.core_type<sc_vector_subcore>, window_params = [{transform_indices = #map}, {transform_indices = #map1}, {transform_indices = #map}]} {
    %mul3A = arith.constant 2 : i32
    %mul3A_0 = arith.muli %arg1, %mul3A : i32
    %add3A = arith.addi %mul3A_0, %arg0 : i32
    %scan3A = arith.constant 0 : i32
    %scan3A_1 = arith.constant 0 : i32
    %scan3A_2 = arith.constant 16 : i32
    %scan3A_3 = arith.addi %scan3A_1, %scan3A_2 : i32
    %scan3A_4 = arith.constant 1 : i32
    scf.for %scan3A_342 = %scan3A_1 to %scan3A_3 step %scan3A_4  : i32 {
      %broadcast_in_dim3A = arith.constant 0.000000e+00 : f32
      %broadcast_in_dim3A_343 = vector.broadcast %broadcast_in_dim3A : f32 to vector<16xf32>
      %swap3A_344 = arith.index_cast %scan3A_342 : i32 to index
      %swap3A_345 = arith.constant 0 : index
      %swap3A_346 = tpu.vector_load %arg13[%swap3A_344, %swap3A_345] {strides = array<i32>} : memref<16x128xf32, #tpu.memory_space<vmem>>, vector<1x16xf32>,
      %swap3A_347 = vector.shape_cast %swap3A_346 : vector<1x16xf32> to vector<16xf32>
      %swap3A_348 = vector.shape_cast %broadcast_in_dim3A_343 : vector<16xf32> to vector<1x16xf32>
      tpu.vector_store %arg13[%swap3A_344, %swap3A_345], %swap3A_348 {strides = array<i32>} : memref<16x128xf32, #tpu.memory_space<vmem>>, vector<1x16xf32>,
      %broadcast_in_dim3A_349 = arith.constant 0.000000e+00 : f32
      %broadcast_in_dim3A_350 = vector.broadcast %broadcast_in_dim3A_349 : f32 to vector<16xf32>
      %swap3A_351 = arith.index_cast %scan3A_342 : i32 to index
      %swap3A_352 = arith.constant 16 : index
      %swap3A_353 = tpu.vector_load %arg13[%swap3A_351, %swap3A_352] {strides = array<i32>} : memref<16x128xf32, #tpu.memory_space<vmem>>, vector<1x16xf32>,
      %swap3A_354 = vector.shape_cast %swap3A_353 : vector<1x16xf32> to vector<16xf32>
      %swap3A_355 = vector.shape_cast %broadcast_in_dim3A_350 : vector<16xf32> to vector<1x16xf32>
      tpu.vector_store %arg13[%swap3A_351, %swap3A_352], %swap3A_355 {strides = array<i32>} : memref<16x128xf32, #tpu.memory_space<vmem>>, vector<1x16xf32>,
      %broadcast_in_dim3A_356 = arith.constant 0.000000e+00 : f32
      %broadcast_in_dim3A_357 = vector.broadcast %broadcast_in_dim3A_356 : f32 to vector<16xf32>
      %swap3A_358 = arith.index_cast %scan3A_342 : i32 to index
      %swap3A_359 = arith.constant 32 : index
      %swap3A_360 = tpu.vector_load %arg13[%swap3A_358, %swap3A_359] {strides = array<i32>} : memref<16x128xf32, #tpu.memory_space<vmem>>, vector<1x16xf32>,
      %swap3A_361 = vector.shape_cast %swap3A_360 : vector<1x16xf32> to vector<16xf32>
      %swap3A_362 = vector.shape_cast %broadcast_in_dim3A_357 : vector<16xf32> to vector<1x16xf32>
      tpu.vector_store %arg13[%swap3A_358, %swap3A_359], %swap3A_362 {strides = array<i32>} : memref<16x128xf32, #tpu.memory_space<vmem>>, vector<1x16xf32>,
      %broadcast_in_dim3A_363 = arith.constant 0.000000e+00 : f32
      %broadcast_in_dim3A_364 = vector.broadcast %broadcast_in_dim3A_363 : f32 to vector<16xf32>
      %swap3A_365 = arith.index_cast %scan3A_342 : i32 to index
      %swap3A_366 = arith.constant 48 : index
      %swap3A_367 = tpu.vector_load %arg13[%swap3A_365, %swap3A_366] {strides = array<i32>} : memref<16x128xf32, #tpu.memory_space<vmem>>, vector<1x16xf32>,
      %swap3A_368 = vector.shape_cast %swap3A_367 : vector<1x16xf32> to vector<16xf32>
      %swap3A_369 = vector.shape_cast %broadcast_in_dim3A_364 : vector<16xf32> to vector<1x16xf32>
      tpu.vector_store %arg13[%swap3A_365, %swap3A_366], %swap3A_369 {strides = array<i32>} : memref<16x128xf32, #tpu.memory_space<vmem>>, vector<1x16xf32>,
      %broadcast_in_dim3A_370 = arith.constant 0.000000e+00 : f32
      %broadcast_in_dim3A_371 = vector.broadcast %broadcast_in_dim3A_370 : f32 to vector<16xf32>
      %swap3A_372 = arith.index_cast %scan3A_342 : i32 to index
      %swap3A_373 = arith.constant 64 : index
      %swap3A_374 = tpu.vector_load %arg13[%swap3A_372, %swap3A_373] {strides = array<i32>} : memref<16x128xf32, #tpu.memory_space<vmem>>, vector<1x16xf32>,
      %swap3A_375 = vector.shape_cast %swap3A_374 : vector<1x16xf32> to vector<16xf32>
      %swap3A_376 = vector.shape_cast %broadcast_in_dim3A_371 : vector<16xf32> to vector<1x16xf32>
      tpu.vector_store %arg13[%swap3A_372, %swap3A_373], %swap3A_376 {strides = array<i32>} : memref<16x128xf32, #tpu.memory_space<vmem>>, vector<1x16xf32>,
      %broadcast_in_dim3A_377 = arith.constant 0.000000e+00 : f32
      %broadcast_in_dim3A_378 = vector.broadcast %broadcast_in_dim3A_377 : f32 to vector<16xf32>
      %swap3A_379 = arith.index_cast %scan3A_342 : i32 to index
      %swap3A_380 = arith.constant 80 : index
      %swap3A_381 = tpu.vector_load %arg13[%swap3A_379, %swap3A_380] {strides = array<i32>} : memref<16x128xf32, #tpu.memory_space<vmem>>, vector<1x16xf32>,
      %swap3A_382 = vector.shape_cast %swap3A_381 : vector<1x16xf32> to vector<16xf32>
      %swap3A_383 = vector.shape_cast %broadcast_in_dim3A_378 : vector<16xf32> to vector<1x16xf32>
      tpu.vector_store %arg13[%swap3A_379, %swap3A_380], %swap3A_383 {strides = array<i32>} : memref<16x128xf32, #tpu.memory_space<vmem>>, vector<1x16xf32>,
      %broadcast_in_dim3A_384 = arith.constant 0.000000e+00 : f32
      %broadcast_in_dim3A_385 = vector.broadcast %broadcast_in_dim3A_384 : f32 to vector<16xf32>
      %swap3A_386 = arith.index_cast %scan3A_342 : i32 to index
      %swap3A_387 = arith.constant 96 : index
      %swap3A_388 = tpu.vector_load %arg13[%swap3A_386, %swap3A_387] {strides = array<i32>} : memref<16x128xf32, #tpu.memory_space<vmem>>, vector<1x16xf32>,
      %swap3A_389 = vector.shape_cast %swap3A_388 : vector<1x16xf32> to vector<16xf32>
      %swap3A_390 = vector.shape_cast %broadcast_in_dim3A_385 : vector<16xf32> to vector<1x16xf32>
      tpu.vector_store %arg13[%swap3A_386, %swap3A_387], %swap3A_390 {strides = array<i32>} : memref<16x128xf32, #tpu.memory_space<vmem>>, vector<1x16xf32>,
      %broadcast_in_dim3A_391 = arith.constant 0.000000e+00 : f32
      %broadcast_in_dim3A_392 = vector.broadcast %broadcast_in_dim3A_391 : f32 to vector<16xf32>
      %swap3A_393 = arith.index_cast %scan3A_342 : i32 to index
      %swap3A_394 = arith.constant 112 : index
      %swap3A_395 = tpu.vector_load %arg13[%swap3A_393, %swap3A_394] {strides = array<i32>} : memref<16x128xf32, #tpu.memory_space<vmem>>, vector<1x16xf32>,
      %swap3A_396 = vector.shape_cast %swap3A_395 : vector<1x16xf32> to vector<16xf32>
      %swap3A_397 = vector.shape_cast %broadcast_in_dim3A_392 : vector<16xf32> to vector<1x16xf32>
      tpu.vector_store %arg13[%swap3A_393, %swap3A_394], %swap3A_397 {strides = array<i32>} : memref<16x128xf32, #tpu.memory_space<vmem>>, vector<1x16xf32>,
    }
    %scan3A_5 = arith.constant 16 : i32
    %lt3A = arith.constant 1 : i32
    %lt3A_6 = arith.cmpi slt, %arg1, %lt3A : i32
    %jit3A = arith.constant 40 : i32
    %jit3A_7 = arith.constant 39 : i32
    %select_n3A = arith.select %lt3A_6, %jit3A, %jit3A_7 : i32
    %while3A = arith.constant 0 : i32
    %while3A_8 = arith.constant 0 : i32
    %while3A_9 = arith.subi %select_n3A, %while3A_8 : i32
    %while3A_10 = arith.addi %while3A_8, %while3A_9 : i32
    %while3A_11 = arith.constant 1 : i32
    %while3A_12 = arith.divsi %while3A_9, %while3A_11 : i32
    %while3A_13 = arith.muli %while3A_12, %while3A_11 : i32
    %while3A_14 = arith.addi %while3A_8, %while3A_13 : i32
    %while3A_15 = arith.constant 1 : i32
    scf.for %while3A_342 = %while3A_8 to %while3A_14 step %while3A_15  : i32 {
      %mul3A_343 = arith.constant 16 : i32
      %mul3A_344 = arith.muli %mul3A_343, %while3A_342 : i32
      %add3A_345 = arith.addi %arg1, %mul3A_344 : i32
      %mul3A_346 = arith.constant 16 : i32
      %mul3A_347 = arith.muli %add3A_345, %mul3A_346 : i32
      "tpu.region"() ({
        %run_scoped3A_348 = tpu.sem_alloc : memref<!tpu.dma_semaphore, #tpu.memory_space<semaphore_mem>>
        %dma_start3A_349 = arith.constant 0 : i32
        %dma_start3A_350 = tpu.memref_slice %arg18[%mul3A_347, %dma_start3A_349] : memref<10000x128xf32, #tpu.memory_space<vmem_shared>> -> memref<16x128xf32, #tpu.memory_space<vmem_shared>>
        %dma_start3A_351 = arith.constant 0 : i32
        %dma_start3A_352 = tpu.memref_slice %arg18[%mul3A_347, %dma_start3A_351] : memref<10000x128xf32, #tpu.memory_space<vmem_shared>> -> memref<16x128xf32, #tpu.memory_space<vmem_shared>>
        tpu.enqueue_dma source(%arg13 : memref<16x128xf32, #tpu.memory_space<vmem>>) target(%dma_start3A_352 : memref<16x128xf32, #tpu.memory_space<vmem_shared>>) target_semaphore(%run_scoped3A_348 : memref<!tpu.dma_semaphore, #tpu.memory_space<semaphore_mem>>)
        %dma_wait3A_353 = arith.constant 0 : i32
        %dma_wait3A_354 = tpu.memref_slice %arg18[%mul3A_347, %dma_wait3A_353] : memref<10000x128xf32, #tpu.memory_space<vmem_shared>> -> memref<16x128xf32, #tpu.memory_space<vmem_shared>>
        %dma_wait3A_355 = arith.constant 0 : i32
        %dma_wait3A_356 = tpu.memref_slice %arg18[%mul3A_347, %dma_wait3A_355] : memref<10000x128xf32, #tpu.memory_space<vmem_shared>> -> memref<16x128xf32, #tpu.memory_space<vmem_shared>>
        tpu.wait_dma2 semaphore(%run_scoped3A_348 : memref<!tpu.dma_semaphore, #tpu.memory_space<semaphore_mem>>) src(%arg13 : memref<16x128xf32, #tpu.memory_space<vmem>>) dst(%dma_wait3A_356 : memref<16x128xf32, #tpu.memory_space<vmem_shared>>)
        tpu.yield
      }) : () -> ()
    }
    %while3A_16 = arith.constant 1 : i32
    scf.for %while3A_342 = %while3A_14 to %while3A_10 step %while3A_16  : i32 {
      %mul3A_343 = arith.constant 16 : i32
      %mul3A_344 = arith.muli %mul3A_343, %while3A_342 : i32
      %add3A_345 = arith.addi %arg1, %mul3A_344 : i32
      %mul3A_346 = arith.constant 16 : i32
      %mul3A_347 = arith.muli %add3A_345, %mul3A_346 : i32
      "tpu.region"() ({
        %run_scoped3A_348 = tpu.sem_alloc : memref<!tpu.dma_semaphore, #tpu.memory_space<semaphore_mem>>
        %dma_start3A_349 = arith.constant 0 : i32
        %dma_start3A_350 = tpu.memref_slice %arg18[%mul3A_347, %dma_start3A_349] : memref<10000x128xf32, #tpu.memory_space<vmem_shared>> -> memref<16x128xf32, #tpu.memory_space<vmem_shared>>
        %dma_start3A_351 = arith.constant 0 : i32
        %dma_start3A_352 = tpu.memref_slice %arg18[%mul3A_347, %dma_start3A_351] : memref<10000x128xf32, #tpu.memory_space<vmem_shared>> -> memref<16x128xf32, #tpu.memory_space<vmem_shared>>
        tpu.enqueue_dma source(%arg13 : memref<16x128xf32, #tpu.memory_space<vmem>>) target(%dma_start3A_352 : memref<16x128xf32, #tpu.memory_space<vmem_shared>>) target_semaphore(%run_scoped3A_348 : memref<!tpu.dma_semaphore, #tpu.memory_space<semaphore_mem>>)
        %dma_wait3A_353 = arith.constant 0 : i32
        %dma_wait3A_354 = tpu.memref_slice %arg18[%mul3A_347, %dma_wait3A_353] : memref<10000x128xf32, #tpu.memory_space<vmem_shared>> -> memref<16x128xf32, #tpu.memory_space<vmem_shared>>
        %dma_wait3A_355 = arith.constant 0 : i32
        %dma_wait3A_356 = tpu.memref_slice %arg18[%mul3A_347, %dma_wait3A_355] : memref<10000x128xf32, #tpu.memory_space<vmem_shared>> -> memref<16x128xf32, #tpu.memory_space<vmem_shared>>
        tpu.wait_dma2 semaphore(%run_scoped3A_348 : memref<!tpu.dma_semaphore, #tpu.memory_space<semaphore_mem>>) src(%arg13 : memref<16x128xf32, #tpu.memory_space<vmem>>) dst(%dma_wait3A_356 : memref<16x128xf32, #tpu.memory_space<vmem_shared>>)
        tpu.yield
      }) : () -> ()
    }
    %barrier3A = arith.constant 0 : index
    tpu.barrier barrier_id(%barrier3A)
    %run_scoped3A = arith.constant 0 : i32
    "tpu.region"() ({
      %run_scoped3A_342 = tpu.sem_alloc : memref<!tpu.dma_semaphore, #tpu.memory_space<semaphore_mem>>
      %dma_start3A_343 = arith.constant 0 : i32
      %dma_start3A_344 = arith.constant 0 : i32
      %dma_start3A_345 = tpu.memref_slice %arg2[%add3A, %dma_start3A_343, %dma_start3A_344] : memref<32x80x125xi32, #tpu.memory_space<hbm>> -> memref<1x80x125xi32, #tpu.memory_space<hbm>>
      %dma_start3A_346 = tpu.memref_squeeze %dma_start3A_345 : memref<1x80x125xi32, #tpu.memory_space<hbm>> -> memref<80x125xi32, #tpu.memory_space<hbm>>
      %dma_start3A_347 = arith.constant 0 : i32
      %dma_start3A_348 = tpu.memref_slice %dma_start3A_346[%run_scoped3A, %dma_start3A_347] : memref<80x125xi32, #tpu.memory_space<hbm>> -> memref<1x125xi32, #tpu.memory_space<hbm>>
      %dma_start3A_349 = tpu.memref_squeeze %dma_start3A_348 : memref<1x125xi32, #tpu.memory_space<hbm>> -> memref<125xi32, #tpu.memory_space<hbm>>
      %dma_start3A_350 = arith.constant 0 : i32
      %dma_start3A_351 = arith.constant 0 : i32
      %dma_start3A_352 = tpu.memref_slice %arg2[%add3A, %dma_start3A_350, %dma_start3A_351] : memref<32x80x125xi32, #tpu.memory_space<hbm>> -> memref<1x80x125xi32, #tpu.memory_space<hbm>>
      %dma_start3A_353 = tpu.memref_squeeze %dma_start3A_352 : memref<1x80x125xi32, #tpu.memory_space<hbm>> -> memref<80x125xi32, #tpu.memory_space<hbm>>
      %dma_start3A_354 = arith.constant 0 : i32
      %dma_start3A_355 = tpu.memref_slice %dma_start3A_353[%run_scoped3A, %dma_start3A_354] : memref<80x125xi32, #tpu.memory_space<hbm>> -> memref<1x125xi32, #tpu.memory_space<hbm>>
      %dma_start3A_356 = tpu.memref_squeeze %dma_start3A_355 : memref<1x125xi32, #tpu.memory_space<hbm>> -> memref<125xi32, #tpu.memory_space<hbm>>
      tpu.enqueue_dma source(%dma_start3A_356 : memref<125xi32, #tpu.memory_space<hbm>>) target(%arg5 : memref<125xi32, #tpu.memory_space<vmem>>) target_semaphore(%run_scoped3A_342 : memref<!tpu.dma_semaphore, #tpu.memory_space<semaphore_mem>>)
      %dma_wait3A_357 = arith.constant 0 : i32
      %dma_wait3A_358 = arith.constant 0 : i32
      %dma_wait3A_359 = tpu.memref_slice %arg2[%add3A, %dma_wait3A_357, %dma_wait3A_358] : memref<32x80x125xi32, #tpu.memory_space<hbm>> -> memref<1x80x125xi32, #tpu.memory_space<hbm>>
      %dma_wait3A_360 = tpu.memref_squeeze %dma_wait3A_359 : memref<1x80x125xi32, #tpu.memory_space<hbm>> -> memref<80x125xi32, #tpu.memory_space<hbm>>
      %dma_wait3A_361 = arith.constant 0 : i32
      %dma_wait3A_362 = tpu.memref_slice %dma_wait3A_360[%run_scoped3A, %dma_wait3A_361] : memref<80x125xi32, #tpu.memory_space<hbm>> -> memref<1x125xi32, #tpu.memory_space<hbm>>
      %dma_wait3A_363 = tpu.memref_squeeze %dma_wait3A_362 : memref<1x125xi32, #tpu.memory_space<hbm>> -> memref<125xi32, #tpu.memory_space<hbm>>
      %dma_wait3A_364 = arith.constant 0 : i32
      %dma_wait3A_365 = arith.constant 0 : i32
      %dma_wait3A_366 = tpu.memref_slice %arg2[%add3A, %dma_wait3A_364, %dma_wait3A_365] : memref<32x80x125xi32, #tpu.memory_space<hbm>> -> memref<1x80x125xi32, #tpu.memory_space<hbm>>
      %dma_wait3A_367 = tpu.memref_squeeze %dma_wait3A_366 : memref<1x80x125xi32, #tpu.memory_space<hbm>> -> memref<80x125xi32, #tpu.memory_space<hbm>>
      %dma_wait3A_368 = arith.constant 0 : i32
      %dma_wait3A_369 = tpu.memref_slice %dma_wait3A_367[%run_scoped3A, %dma_wait3A_368] : memref<80x125xi32, #tpu.memory_space<hbm>> -> memref<1x125xi32, #tpu.memory_space<hbm>>
      %dma_wait3A_370 = tpu.memref_squeeze %dma_wait3A_369 : memref<1x125xi32, #tpu.memory_space<hbm>> -> memref<125xi32, #tpu.memory_space<hbm>>
      tpu.wait_dma2 semaphore(%run_scoped3A_342 : memref<!tpu.dma_semaphore, #tpu.memory_space<semaphore_mem>>) src(%dma_wait3A_370 : memref<125xi32, #tpu.memory_space<hbm>>) dst(%arg5 : memref<125xi32, #tpu.memory_space<vmem>>)
      tpu.yield
    }) : () -> ()
    %get3A = arith.constant 0 : index
    %get3A_17 = tpu.vector_load %arg5[%get3A] {strides = array<i32>} : memref<125xi32, #tpu.memory_space<vmem>>, vector<16xi32>,
    %get3A_18 = vector.shape_cast %get3A_17 : vector<16xi32> to vector<16xi32>
    %and3A = arith.constant 65535 : i32
    %and3A_19 = vector.broadcast %and3A : i32 to vector<16xi32>
    %and3A_20 = arith.andi %get3A_18, %and3A_19 : vector<16xi32>
    %swap3A = arith.constant 0 : index
    %swap3A_21 = tpu.vector_load %arg7[%swap3A] {strides = array<i32>} : memref<125xi32, #tpu.memory_space<vmem>>, vector<16xi32>,
    %swap3A_22 = vector.shape_cast %swap3A_21 : vector<16xi32> to vector<16xi32>
    %swap3A_23 = vector.shape_cast %and3A_20 : vector<16xi32> to vector<16xi32>
    tpu.vector_store %arg7[%swap3A], %swap3A_23 {strides = array<i32>} : memref<125xi32, #tpu.memory_space<vmem>>, vector<16xi32>,
    %shift_right_logical3A = arith.constant 16 : i32
    %shift_right_logical3A_24 = vector.broadcast %shift_right_logical3A : i32 to vector<16xi32>
    %shift_right_logical3A_25 = arith.shrui %get3A_18, %shift_right_logical3A_24 : vector<16xi32>
    %swap3A_26 = arith.constant 0 : index
    %swap3A_27 = tpu.vector_load %arg8[%swap3A_26] {strides = array<i32>} : memref<125xi32, #tpu.memory_space<vmem>>, vector<16xi32>,
    %swap3A_28 = vector.shape_cast %swap3A_27 : vector<16xi32> to vector<16xi32>
    %swap3A_29 = vector.shape_cast %shift_right_logical3A_25 : vector<16xi32> to vector<16xi32>
    tpu.vector_store %arg8[%swap3A_26], %swap3A_29 {strides = array<i32>} : memref<125xi32, #tpu.memory_space<vmem>>, vector<16xi32>,
    %get3A_30 = arith.constant 16 : index
    %get3A_31 = tpu.vector_load %arg5[%get3A_30] {strides = array<i32>} : memref<125xi32, #tpu.memory_space<vmem>>, vector<16xi32>,
    %get3A_32 = vector.shape_cast %get3A_31 : vector<16xi32> to vector<16xi32>
    %and3A_33 = arith.constant 65535 : i32
    %and3A_34 = vector.broadcast %and3A_33 : i32 to vector<16xi32>
    %and3A_35 = arith.andi %get3A_32, %and3A_34 : vector<16xi32>
    %swap3A_36 = arith.constant 16 : index
    %swap3A_37 = tpu.vector_load %arg7[%swap3A_36] {strides = array<i32>} : memref<125xi32, #tpu.memory_space<vmem>>, vector<16xi32>,
    %swap3A_38 = vector.shape_cast %swap3A_37 : vector<16xi32> to vector<16xi32>
    %swap3A_39 = vector.shape_cast %and3A_35 : vector<16xi32> to vector<16xi32>
    tpu.vector_store %arg7[%swap3A_36], %swap3A_39 {strides = array<i32>} : memref<125xi32, #tpu.memory_space<vmem>>, vector<16xi32>,
    %shift_right_logical3A_40 = arith.constant 16 : i32
    %shift_right_logical3A_41 = vector.broadcast %shift_right_logical3A_40 : i32 to vector<16xi32>
    %shift_right_logical3A_42 = arith.shrui %get3A_32, %shift_right_logical3A_41 : vector<16xi32>
    %swap3A_43 = arith.constant 16 : index
    %swap3A_44 = tpu.vector_load %arg8[%swap3A_43] {strides = array<i32>} : memref<125xi32, #tpu.memory_space<vmem>>, vector<16xi32>,
    %swap3A_45 = vector.shape_cast %swap3A_44 : vector<16xi32> to vector<16xi32>
    %swap3A_46 = vector.shape_cast %shift_right_logical3A_42 : vector<16xi32> to vector<16xi32>
    tpu.vector_store %arg8[%swap3A_43], %swap3A_46 {strides = array<i32>} : memref<125xi32, #tpu.memory_space<vmem>>, vector<16xi32>,
    %get3A_47 = arith.constant 32 : index
    %get3A_48 = tpu.vector_load %arg5[%get3A_47] {strides = array<i32>} : memref<125xi32, #tpu.memory_space<vmem>>, vector<16xi32>,
    %get3A_49 = vector.shape_cast %get3A_48 : vector<16xi32> to vector<16xi32>
    %and3A_50 = arith.constant 65535 : i32
    %and3A_51 = vector.broadcast %and3A_50 : i32 to vector<16xi32>
    %and3A_52 = arith.andi %get3A_49, %and3A_51 : vector<16xi32>
    %swap3A_53 = arith.constant 32 : index
    %swap3A_54 = tpu.vector_load %arg7[%swap3A_53] {strides = array<i32>} : memref<125xi32, #tpu.memory_space<vmem>>, vector<16xi32>,
    %swap3A_55 = vector.shape_cast %swap3A_54 : vector<16xi32> to vector<16xi32>
    %swap3A_56 = vector.shape_cast %and3A_52 : vector<16xi32> to vector<16xi32>
    tpu.vector_store %arg7[%swap3A_53], %swap3A_56 {strides = array<i32>} : memref<125xi32, #tpu.memory_space<vmem>>, vector<16xi32>,
    %shift_right_logical3A_57 = arith.constant 16 : i32
    %shift_right_logical3A_58 = vector.broadcast %shift_right_logical3A_57 : i32 to vector<16xi32>
    %shift_right_logical3A_59 = arith.shrui %get3A_49, %shift_right_logical3A_58 : vector<16xi32>
    %swap3A_60 = arith.constant 32 : index
    %swap3A_61 = tpu.vector_load %arg8[%swap3A_60] {strides = array<i32>} : memref<125xi32, #tpu.memory_space<vmem>>, vector<16xi32>,
    %swap3A_62 = vector.shape_cast %swap3A_61 : vector<16xi32> to vector<16xi32>
    %swap3A_63 = vector.shape_cast %shift_right_logical3A_59 : vector<16xi32> to vector<16xi32>
    tpu.vector_store %arg8[%swap3A_60], %swap3A_63 {strides = array<i32>} : memref<125xi32, #tpu.memory_space<vmem>>, vector<16xi32>,
    %get3A_64 = arith.constant 48 : index
    %get3A_65 = tpu.vector_load %arg5[%get3A_64] {strides = array<i32>} : memref<125xi32, #tpu.memory_space<vmem>>, vector<16xi32>,
    %get3A_66 = vector.shape_cast %get3A_65 : vector<16xi32> to vector<16xi32>
    %and3A_67 = arith.constant 65535 : i32
    %and3A_68 = vector.broadcast %and3A_67 : i32 to vector<16xi32>
    %and3A_69 = arith.andi %get3A_66, %and3A_68 : vector<16xi32>
    %swap3A_70 = arith.constant 48 : index
    %swap3A_71 = tpu.vector_load %arg7[%swap3A_70] {strides = array<i32>} : memref<125xi32, #tpu.memory_space<vmem>>, vector<16xi32>,
    %swap3A_72 = vector.shape_cast %swap3A_71 : vector<16xi32> to vector<16xi32>
    %swap3A_73 = vector.shape_cast %and3A_69 : vector<16xi32> to vector<16xi32>
    tpu.vector_store %arg7[%swap3A_70], %swap3A_73 {strides = array<i32>} : memref<125xi32, #tpu.memory_space<vmem>>, vector<16xi32>,
    %shift_right_logical3A_74 = arith.constant 16 : i32
    %shift_right_logical3A_75 = vector.broadcast %shift_right_logical3A_74 : i32 to vector<16xi32>
    %shift_right_logical3A_76 = arith.shrui %get3A_66, %shift_right_logical3A_75 : vector<16xi32>
    %swap3A_77 = arith.constant 48 : index
    %swap3A_78 = tpu.vector_load %arg8[%swap3A_77] {strides = array<i32>} : memref<125xi32, #tpu.memory_space<vmem>>, vector<16xi32>,
    %swap3A_79 = vector.shape_cast %swap3A_78 : vector<16xi32> to vector<16xi32>
    %swap3A_80 = vector.shape_cast %shift_right_logical3A_76 : vector<16xi32> to vector<16xi32>
    tpu.vector_store %arg8[%swap3A_77], %swap3A_80 {strides = array<i32>} : memref<125xi32, #tpu.memory_space<vmem>>, vector<16xi32>,
    %get3A_81 = arith.constant 64 : index
    %get3A_82 = tpu.vector_load %arg5[%get3A_81] {strides = array<i32>} : memref<125xi32, #tpu.memory_space<vmem>>, vector<16xi32>,
    %get3A_83 = vector.shape_cast %get3A_82 : vector<16xi32> to vector<16xi32>
    %and3A_84 = arith.constant 65535 : i32
    %and3A_85 = vector.broadcast %and3A_84 : i32 to vector<16xi32>
    %and3A_86 = arith.andi %get3A_83, %and3A_85 : vector<16xi32>
    %swap3A_87 = arith.constant 64 : index
    %swap3A_88 = tpu.vector_load %arg7[%swap3A_87] {strides = array<i32>} : memref<125xi32, #tpu.memory_space<vmem>>, vector<16xi32>,
    %swap3A_89 = vector.shape_cast %swap3A_88 : vector<16xi32> to vector<16xi32>
    %swap3A_90 = vector.shape_cast %and3A_86 : vector<16xi32> to vector<16xi32>
    tpu.vector_store %arg7[%swap3A_87], %swap3A_90 {strides = array<i32>} : memref<125xi32, #tpu.memory_space<vmem>>, vector<16xi32>,
    %shift_right_logical3A_91 = arith.constant 16 : i32
    %shift_right_logical3A_92 = vector.broadcast %shift_right_logical3A_91 : i32 to vector<16xi32>
    %shift_right_logical3A_93 = arith.shrui %get3A_83, %shift_right_logical3A_92 : vector<16xi32>
    %swap3A_94 = arith.constant 64 : index
    %swap3A_95 = tpu.vector_load %arg8[%swap3A_94] {strides = array<i32>} : memref<125xi32, #tpu.memory_space<vmem>>, vector<16xi32>,
    %swap3A_96 = vector.shape_cast %swap3A_95 : vector<16xi32> to vector<16xi32>
    %swap3A_97 = vector.shape_cast %shift_right_logical3A_93 : vector<16xi32> to vector<16xi32>
    tpu.vector_store %arg8[%swap3A_94], %swap3A_97 {strides = array<i32>} : memref<125xi32, #tpu.memory_space<vmem>>, vector<16xi32>,
    %get3A_98 = arith.constant 80 : index
    %get3A_99 = tpu.vector_load %arg5[%get3A_98] {strides = array<i32>} : memref<125xi32, #tpu.memory_space<vmem>>, vector<16xi32>,
    %get3A_100 = vector.shape_cast %get3A_99 : vector<16xi32> to vector<16xi32>
    %and3A_101 = arith.constant 65535 : i32
    %and3A_102 = vector.broadcast %and3A_101 : i32 to vector<16xi32>
    %and3A_103 = arith.andi %get3A_100, %and3A_102 : vector<16xi32>
    %swap3A_104 = arith.constant 80 : index
    %swap3A_105 = tpu.vector_load %arg7[%swap3A_104] {strides = array<i32>} : memref<125xi32, #tpu.memory_space<vmem>>, vector<16xi32>,
    %swap3A_106 = vector.shape_cast %swap3A_105 : vector<16xi32> to vector<16xi32>
    %swap3A_107 = vector.shape_cast %and3A_103 : vector<16xi32> to vector<16xi32>
    tpu.vector_store %arg7[%swap3A_104], %swap3A_107 {strides = array<i32>} : memref<125xi32, #tpu.memory_space<vmem>>, vector<16xi32>,
    %shift_right_logical3A_108 = arith.constant 16 : i32
    %shift_right_logical3A_109 = vector.broadcast %shift_right_logical3A_108 : i32 to vector<16xi32>
    %shift_right_logical3A_110 = arith.shrui %get3A_100, %shift_right_logical3A_109 : vector<16xi32>
    %swap3A_111 = arith.constant 80 : index
    %swap3A_112 = tpu.vector_load %arg8[%swap3A_111] {strides = array<i32>} : memref<125xi32, #tpu.memory_space<vmem>>, vector<16xi32>,
    %swap3A_113 = vector.shape_cast %swap3A_112 : vector<16xi32> to vector<16xi32>
    %swap3A_114 = vector.shape_cast %shift_right_logical3A_110 : vector<16xi32> to vector<16xi32>
    tpu.vector_store %arg8[%swap3A_111], %swap3A_114 {strides = array<i32>} : memref<125xi32, #tpu.memory_space<vmem>>, vector<16xi32>,
    %get3A_115 = arith.constant 96 : index
    %get3A_116 = tpu.vector_load %arg5[%get3A_115] {strides = array<i32>} : memref<125xi32, #tpu.memory_space<vmem>>, vector<16xi32>,
    %get3A_117 = vector.shape_cast %get3A_116 : vector<16xi32> to vector<16xi32>
    %and3A_118 = arith.constant 65535 : i32
    %and3A_119 = vector.broadcast %and3A_118 : i32 to vector<16xi32>
    %and3A_120 = arith.andi %get3A_117, %and3A_119 : vector<16xi32>
    %swap3A_121 = arith.constant 96 : index
    %swap3A_122 = tpu.vector_load %arg7[%swap3A_121] {strides = array<i32>} : memref<125xi32, #tpu.memory_space<vmem>>, vector<16xi32>,
    %swap3A_123 = vector.shape_cast %swap3A_122 : vector<16xi32> to vector<16xi32>
    %swap3A_124 = vector.shape_cast %and3A_120 : vector<16xi32> to vector<16xi32>
    tpu.vector_store %arg7[%swap3A_121], %swap3A_124 {strides = array<i32>} : memref<125xi32, #tpu.memory_space<vmem>>, vector<16xi32>,
    %shift_right_logical3A_125 = arith.constant 16 : i32
    %shift_right_logical3A_126 = vector.broadcast %shift_right_logical3A_125 : i32 to vector<16xi32>
    %shift_right_logical3A_127 = arith.shrui %get3A_117, %shift_right_logical3A_126 : vector<16xi32>
    %swap3A_128 = arith.constant 96 : index
    %swap3A_129 = tpu.vector_load %arg8[%swap3A_128] {strides = array<i32>} : memref<125xi32, #tpu.memory_space<vmem>>, vector<16xi32>,
    %swap3A_130 = vector.shape_cast %swap3A_129 : vector<16xi32> to vector<16xi32>
    %swap3A_131 = vector.shape_cast %shift_right_logical3A_127 : vector<16xi32> to vector<16xi32>
    tpu.vector_store %arg8[%swap3A_128], %swap3A_131 {strides = array<i32>} : memref<125xi32, #tpu.memory_space<vmem>>, vector<16xi32>,
    %get3A_132 = arith.constant 109 : index
    %get3A_133 = tpu.vector_load %arg5[%get3A_132] {strides = array<i32>} : memref<125xi32, #tpu.memory_space<vmem>>, vector<16xi32>,
    %get3A_134 = vector.shape_cast %get3A_133 : vector<16xi32> to vector<16xi32>
    %and3A_135 = arith.constant 65535 : i32
    %and3A_136 = vector.broadcast %and3A_135 : i32 to vector<16xi32>
    %and3A_137 = arith.andi %get3A_134, %and3A_136 : vector<16xi32>
    %swap3A_138 = arith.constant 109 : index
    %swap3A_139 = tpu.vector_load %arg7[%swap3A_138] {strides = array<i32>} : memref<125xi32, #tpu.memory_space<vmem>>, vector<16xi32>,
    %swap3A_140 = vector.shape_cast %swap3A_139 : vector<16xi32> to vector<16xi32>
    %swap3A_141 = vector.shape_cast %and3A_137 : vector<16xi32> to vector<16xi32>
    tpu.vector_store %arg7[%swap3A_138], %swap3A_141 {strides = array<i32>} : memref<125xi32, #tpu.memory_space<vmem>>, vector<16xi32>,
    %shift_right_logical3A_142 = arith.constant 16 : i32
    %shift_right_logical3A_143 = vector.broadcast %shift_right_logical3A_142 : i32 to vector<16xi32>
    %shift_right_logical3A_144 = arith.shrui %get3A_134, %shift_right_logical3A_143 : vector<16xi32>
    %swap3A_145 = arith.constant 109 : index
    %swap3A_146 = tpu.vector_load %arg8[%swap3A_145] {strides = array<i32>} : memref<125xi32, #tpu.memory_space<vmem>>, vector<16xi32>,
    %swap3A_147 = vector.shape_cast %swap3A_146 : vector<16xi32> to vector<16xi32>
    %swap3A_148 = vector.shape_cast %shift_right_logical3A_144 : vector<16xi32> to vector<16xi32>
    tpu.vector_store %arg8[%swap3A_145], %swap3A_148 {strides = array<i32>} : memref<125xi32, #tpu.memory_space<vmem>>, vector<16xi32>,
    %dma_start3A = arith.constant 0 : i32
    %dma_start3A_149 = arith.constant 0 : i32
    %dma_start3A_150 = tpu.memref_slice %arg3[%dma_start3A, %dma_start3A_149] : memref<10000x128xf32, #tpu.memory_space<hbm>> -> memref<10000x128xf32, #tpu.memory_space<hbm>>
    tpu.enqueue_indirect_dma source(%dma_start3A_150 : memref<10000x128xf32, #tpu.memory_space<hbm>>) target(%arg11 : memref<125x128xf32, #tpu.memory_space<vmem>>) offsets(%arg7 : memref<125xi32, #tpu.memory_space<vmem>>) semaphore(%arg16 : memref<!tpu.dma_semaphore, #tpu.memory_space<semaphore_mem>>)
    %dma_start3A_151 = arith.constant 1 : i32
    %dma_start3A_152 = arith.constant 0 : i32
    %dma_start3A_153 = arith.constant 0 : i32
    %dma_start3A_154 = tpu.memref_slice %arg2[%add3A, %dma_start3A_152, %dma_start3A_153] : memref<32x80x125xi32, #tpu.memory_space<hbm>> -> memref<1x80x125xi32, #tpu.memory_space<hbm>>
    %dma_start3A_155 = tpu.memref_squeeze %dma_start3A_154 : memref<1x80x125xi32, #tpu.memory_space<hbm>> -> memref<80x125xi32, #tpu.memory_space<hbm>>
    %dma_start3A_156 = arith.constant 0 : i32
    %dma_start3A_157 = tpu.memref_slice %dma_start3A_155[%dma_start3A_151, %dma_start3A_156] : memref<80x125xi32, #tpu.memory_space<hbm>> -> memref<1x125xi32, #tpu.memory_space<hbm>>
    %dma_start3A_158 = tpu.memref_squeeze %dma_start3A_157 : memref<1x125xi32, #tpu.memory_space<hbm>> -> memref<125xi32, #tpu.memory_space<hbm>>
    %dma_start3A_159 = arith.constant 0 : i32
    %dma_start3A_160 = arith.constant 0 : i32
    %dma_start3A_161 = tpu.memref_slice %arg2[%add3A, %dma_start3A_159, %dma_start3A_160] : memref<32x80x125xi32, #tpu.memory_space<hbm>> -> memref<1x80x125xi32, #tpu.memory_space<hbm>>
    %dma_start3A_162 = tpu.memref_squeeze %dma_start3A_161 : memref<1x80x125xi32, #tpu.memory_space<hbm>> -> memref<80x125xi32, #tpu.memory_space<hbm>>
    %dma_start3A_163 = arith.constant 0 : i32
    %dma_start3A_164 = tpu.memref_slice %dma_start3A_162[%dma_start3A_151, %dma_start3A_163] : memref<80x125xi32, #tpu.memory_space<hbm>> -> memref<1x125xi32, #tpu.memory_space<hbm>>
    %dma_start3A_165 = tpu.memref_squeeze %dma_start3A_164 : memref<1x125xi32, #tpu.memory_space<hbm>> -> memref<125xi32, #tpu.memory_space<hbm>>
    tpu.enqueue_dma source(%dma_start3A_165 : memref<125xi32, #tpu.memory_space<hbm>>) target(%arg6 : memref<125xi32, #tpu.memory_space<vmem>>) target_semaphore(%arg15 : memref<!tpu.dma_semaphore, #tpu.memory_space<semaphore_mem>>)
    %scan3A_166 = arith.constant 0 : i32
    %scan3A_167 = arith.constant 0 : i32
    %scan3A_168 = arith.constant 39 : i32
    %scan3A_169 = arith.addi %scan3A_167, %scan3A_168 : i32
    %scan3A_170 = arith.constant 1 : i32
    scf.for %scan3A_342 = %scan3A_167 to %scan3A_169 step %scan3A_170  : i32 {
      %mul3A_343 = arith.constant 2 : i32
      %mul3A_344 = arith.muli %scan3A_342, %mul3A_343 : i32
      %dma_wait3A_345 = arith.constant 0 : i32
      %dma_wait3A_346 = arith.constant 0 : i32
      %dma_wait3A_347 = arith.constant 0 : i32
      %dma_wait3A_348 = tpu.memref_slice %arg2[%add3A, %dma_wait3A_346, %dma_wait3A_347] : memref<32x80x125xi32, #tpu.memory_space<hbm>> -> memref<1x80x125xi32, #tpu.memory_space<hbm>>
      %dma_wait3A_349 = tpu.memref_squeeze %dma_wait3A_348 : memref<1x80x125xi32, #tpu.memory_space<hbm>> -> memref<80x125xi32, #tpu.memory_space<hbm>>
      %dma_wait3A_350 = arith.constant 0 : i32
      %dma_wait3A_351 = tpu.memref_slice %dma_wait3A_349[%dma_wait3A_345, %dma_wait3A_350] : memref<80x125xi32, #tpu.memory_space<hbm>> -> memref<1x125xi32, #tpu.memory_space<hbm>>
      %dma_wait3A_352 = tpu.memref_squeeze %dma_wait3A_351 : memref<1x125xi32, #tpu.memory_space<hbm>> -> memref<125xi32, #tpu.memory_space<hbm>>
      %dma_wait3A_353 = arith.constant 0 : i32
      %dma_wait3A_354 = arith.constant 0 : i32
      %dma_wait3A_355 = tpu.memref_slice %arg2[%add3A, %dma_wait3A_353, %dma_wait3A_354] : memref<32x80x125xi32, #tpu.memory_space<hbm>> -> memref<1x80x125xi32, #tpu.memory_space<hbm>>
      %dma_wait3A_356 = tpu.memref_squeeze %dma_wait3A_355 : memref<1x80x125xi32, #tpu.memory_space<hbm>> -> memref<80x125xi32, #tpu.memory_space<hbm>>
      %dma_wait3A_357 = arith.constant 0 : i32
      %dma_wait3A_358 = tpu.memref_slice %dma_wait3A_356[%dma_wait3A_345, %dma_wait3A_357] : memref<80x125xi32, #tpu.memory_space<hbm>> -> memref<1x125xi32, #tpu.memory_space<hbm>>
      %dma_wait3A_359 = tpu.memref_squeeze %dma_wait3A_358 : memref<1x125xi32, #tpu.memory_space<hbm>> -> memref<125xi32, #tpu.memory_space<hbm>>
      tpu.wait_dma2 semaphore(%arg15 : memref<!tpu.dma_semaphore, #tpu.memory_space<semaphore_mem>>) src(%dma_wait3A_359 : memref<125xi32, #tpu.memory_space<hbm>>) dst(%arg6 : memref<125xi32, #tpu.memory_space<vmem>>)
      %get3A_360 = arith.constant 0 : index
      %get3A_361 = tpu.vector_load %arg6[%get3A_360] {strides = array<i32>} : memref<125xi32, #tpu.memory_space<vmem>>, vector<16xi32>,
      %get3A_362 = vector.shape_cast %get3A_361 : vector<16xi32> to vector<16xi32>
      %and3A_363 = arith.constant 65535 : i32
      %and3A_364 = vector.broadcast %and3A_363 : i32 to vector<16xi32>
      %and3A_365 = arith.andi %get3A_362, %and3A_364 : vector<16xi32>
      %swap3A_366 = arith.constant 0 : index
      %swap3A_367 = tpu.vector_load %arg9[%swap3A_366] {strides = array<i32>} : memref<125xi32, #tpu.memory_space<vmem>>, vector<16xi32>,
      %swap3A_368 = vector.shape_cast %swap3A_367 : vector<16xi32> to vector<16xi32>
      %swap3A_369 = vector.shape_cast %and3A_365 : vector<16xi32> to vector<16xi32>
      tpu.vector_store %arg9[%swap3A_366], %swap3A_369 {strides = array<i32>} : memref<125xi32, #tpu.memory_space<vmem>>, vector<16xi32>,
      %shift_right_logical3A_370 = arith.constant 16 : i32
      %shift_right_logical3A_371 = vector.broadcast %shift_right_logical3A_370 : i32 to vector<16xi32>
      %shift_right_logical3A_372 = arith.shrui %get3A_362, %shift_right_logical3A_371 : vector<16xi32>
      %swap3A_373 = arith.constant 0 : index
      %swap3A_374 = tpu.vector_load %arg10[%swap3A_373] {strides = array<i32>} : memref<125xi32, #tpu.memory_space<vmem>>, vector<16xi32>,
      %swap3A_375 = vector.shape_cast %swap3A_374 : vector<16xi32> to vector<16xi32>
      %swap3A_376 = vector.shape_cast %shift_right_logical3A_372 : vector<16xi32> to vector<16xi32>
      tpu.vector_store %arg10[%swap3A_373], %swap3A_376 {strides = array<i32>} : memref<125xi32, #tpu.memory_space<vmem>>, vector<16xi32>,
      %get3A_377 = arith.constant 16 : index
      %get3A_378 = tpu.vector_load %arg6[%get3A_377] {strides = array<i32>} : memref<125xi32, #tpu.memory_space<vmem>>, vector<16xi32>,
      %get3A_379 = vector.shape_cast %get3A_378 : vector<16xi32> to vector<16xi32>
      %and3A_380 = arith.constant 65535 : i32
      %and3A_381 = vector.broadcast %and3A_380 : i32 to vector<16xi32>
      %and3A_382 = arith.andi %get3A_379, %and3A_381 : vector<16xi32>
      %swap3A_383 = arith.constant 16 : index
      %swap3A_384 = tpu.vector_load %arg9[%swap3A_383] {strides = array<i32>} : memref<125xi32, #tpu.memory_space<vmem>>, vector<16xi32>,
      %swap3A_385 = vector.shape_cast %swap3A_384 : vector<16xi32> to vector<16xi32>
      %swap3A_386 = vector.shape_cast %and3A_382 : vector<16xi32> to vector<16xi32>
      tpu.vector_store %arg9[%swap3A_383], %swap3A_386 {strides = array<i32>} : memref<125xi32, #tpu.memory_space<vmem>>, vector<16xi32>,
      %shift_right_logical3A_387 = arith.constant 16 : i32
      %shift_right_logical3A_388 = vector.broadcast %shift_right_logical3A_387 : i32 to vector<16xi32>
      %shift_right_logical3A_389 = arith.shrui %get3A_379, %shift_right_logical3A_388 : vector<16xi32>
      %swap3A_390 = arith.constant 16 : index
      %swap3A_391 = tpu.vector_load %arg10[%swap3A_390] {strides = array<i32>} : memref<125xi32, #tpu.memory_space<vmem>>, vector<16xi32>,
      %swap3A_392 = vector.shape_cast %swap3A_391 : vector<16xi32> to vector<16xi32>
      %swap3A_393 = vector.shape_cast %shift_right_logical3A_389 : vector<16xi32> to vector<16xi32>
      tpu.vector_store %arg10[%swap3A_390], %swap3A_393 {strides = array<i32>} : memref<125xi32, #tpu.memory_space<vmem>>, vector<16xi32>,
      %get3A_394 = arith.constant 32 : index
      %get3A_395 = tpu.vector_load %arg6[%get3A_394] {strides = array<i32>} : memref<125xi32, #tpu.memory_space<vmem>>, vector<16xi32>,
      %get3A_396 = vector.shape_cast %get3A_395 : vector<16xi32> to vector<16xi32>
      %and3A_397 = arith.constant 65535 : i32
      %and3A_398 = vector.broadcast %and3A_397 : i32 to vector<16xi32>
      %and3A_399 = arith.andi %get3A_396, %and3A_398 : vector<16xi32>
      %swap3A_400 = arith.constant 32 : index
      %swap3A_401 = tpu.vector_load %arg9[%swap3A_400] {strides = array<i32>} : memref<125xi32, #tpu.memory_space<vmem>>, vector<16xi32>,
      %swap3A_402 = vector.shape_cast %swap3A_401 : vector<16xi32> to vector<16xi32>
      %swap3A_403 = vector.shape_cast %and3A_399 : vector<16xi32> to vector<16xi32>
      tpu.vector_store %arg9[%swap3A_400], %swap3A_403 {strides = array<i32>} : memref<125xi32, #tpu.memory_space<vmem>>, vector<16xi32>,
      %shift_right_logical3A_404 = arith.constant 16 : i32
      %shift_right_logical3A_405 = vector.broadcast %shift_right_logical3A_404 : i32 to vector<16xi32>
      %shift_right_logical3A_406 = arith.shrui %get3A_396, %shift_right_logical3A_405 : vector<16xi32>
      %swap3A_407 = arith.constant 32 : index
      %swap3A_408 = tpu.vector_load %arg10[%swap3A_407] {strides = array<i32>} : memref<125xi32, #tpu.memory_space<vmem>>, vector<16xi32>,
      %swap3A_409 = vector.shape_cast %swap3A_408 : vector<16xi32> to vector<16xi32>
      %swap3A_410 = vector.shape_cast %shift_right_logical3A_406 : vector<16xi32> to vector<16xi32>
      tpu.vector_store %arg10[%swap3A_407], %swap3A_410 {strides = array<i32>} : memref<125xi32, #tpu.memory_space<vmem>>, vector<16xi32>,
      %get3A_411 = arith.constant 48 : index
      %get3A_412 = tpu.vector_load %arg6[%get3A_411] {strides = array<i32>} : memref<125xi32, #tpu.memory_space<vmem>>, vector<16xi32>,
      %get3A_413 = vector.shape_cast %get3A_412 : vector<16xi32> to vector<16xi32>
      %and3A_414 = arith.constant 65535 : i32
      %and3A_415 = vector.broadcast %and3A_414 : i32 to vector<16xi32>
      %and3A_416 = arith.andi %get3A_413, %and3A_415 : vector<16xi32>
      %swap3A_417 = arith.constant 48 : index
      %swap3A_418 = tpu.vector_load %arg9[%swap3A_417] {strides = array<i32>} : memref<125xi32, #tpu.memory_space<vmem>>, vector<16xi32>,
      %swap3A_419 = vector.shape_cast %swap3A_418 : vector<16xi32> to vector<16xi32>
      %swap3A_420 = vector.shape_cast %and3A_416 : vector<16xi32> to vector<16xi32>
      tpu.vector_store %arg9[%swap3A_417], %swap3A_420 {strides = array<i32>} : memref<125xi32, #tpu.memory_space<vmem>>, vector<16xi32>,
      %shift_right_logical3A_421 = arith.constant 16 : i32
      %shift_right_logical3A_422 = vector.broadcast %shift_right_logical3A_421 : i32 to vector<16xi32>
      %shift_right_logical3A_423 = arith.shrui %get3A_413, %shift_right_logical3A_422 : vector<16xi32>
      %swap3A_424 = arith.constant 48 : index
      %swap3A_425 = tpu.vector_load %arg10[%swap3A_424] {strides = array<i32>} : memref<125xi32, #tpu.memory_space<vmem>>, vector<16xi32>,
      %swap3A_426 = vector.shape_cast %swap3A_425 : vector<16xi32> to vector<16xi32>
      %swap3A_427 = vector.shape_cast %shift_right_logical3A_423 : vector<16xi32> to vector<16xi32>
      tpu.vector_store %arg10[%swap3A_424], %swap3A_427 {strides = array<i32>} : memref<125xi32, #tpu.memory_space<vmem>>, vector<16xi32>,
      %get3A_428 = arith.constant 64 : index
      %get3A_429 = tpu.vector_load %arg6[%get3A_428] {strides = array<i32>} : memref<125xi32, #tpu.memory_space<vmem>>, vector<16xi32>,
      %get3A_430 = vector.shape_cast %get3A_429 : vector<16xi32> to vector<16xi32>
      %and3A_431 = arith.constant 65535 : i32
      %and3A_432 = vector.broadcast %and3A_431 : i32 to vector<16xi32>
      %and3A_433 = arith.andi %get3A_430, %and3A_432 : vector<16xi32>
      %swap3A_434 = arith.constant 64 : index
      %swap3A_435 = tpu.vector_load %arg9[%swap3A_434] {strides = array<i32>} : memref<125xi32, #tpu.memory_space<vmem>>, vector<16xi32>,
      %swap3A_436 = vector.shape_cast %swap3A_435 : vector<16xi32> to vector<16xi32>
      %swap3A_437 = vector.shape_cast %and3A_433 : vector<16xi32> to vector<16xi32>
      tpu.vector_store %arg9[%swap3A_434], %swap3A_437 {strides = array<i32>} : memref<125xi32, #tpu.memory_space<vmem>>, vector<16xi32>,
      %shift_right_logical3A_438 = arith.constant 16 : i32
      %shift_right_logical3A_439 = vector.broadcast %shift_right_logical3A_438 : i32 to vector<16xi32>
      %shift_right_logical3A_440 = arith.shrui %get3A_430, %shift_right_logical3A_439 : vector<16xi32>
      %swap3A_441 = arith.constant 64 : index
      %swap3A_442 = tpu.vector_load %arg10[%swap3A_441] {strides = array<i32>} : memref<125xi32, #tpu.memory_space<vmem>>, vector<16xi32>,
      %swap3A_443 = vector.shape_cast %swap3A_442 : vector<16xi32> to vector<16xi32>
      %swap3A_444 = vector.shape_cast %shift_right_logical3A_440 : vector<16xi32> to vector<16xi32>
      tpu.vector_store %arg10[%swap3A_441], %swap3A_444 {strides = array<i32>} : memref<125xi32, #tpu.memory_space<vmem>>, vector<16xi32>,
      %get3A_445 = arith.constant 80 : index
      %get3A_446 = tpu.vector_load %arg6[%get3A_445] {strides = array<i32>} : memref<125xi32, #tpu.memory_space<vmem>>, vector<16xi32>,
      %get3A_447 = vector.shape_cast %get3A_446 : vector<16xi32> to vector<16xi32>
      %and3A_448 = arith.constant 65535 : i32
      %and3A_449 = vector.broadcast %and3A_448 : i32 to vector<16xi32>
      %and3A_450 = arith.andi %get3A_447, %and3A_449 : vector<16xi32>
      %swap3A_451 = arith.constant 80 : index
      %swap3A_452 = tpu.vector_load %arg9[%swap3A_451] {strides = array<i32>} : memref<125xi32, #tpu.memory_space<vmem>>, vector<16xi32>,
      %swap3A_453 = vector.shape_cast %swap3A_452 : vector<16xi32> to vector<16xi32>
      %swap3A_454 = vector.shape_cast %and3A_450 : vector<16xi32> to vector<16xi32>
      tpu.vector_store %arg9[%swap3A_451], %swap3A_454 {strides = array<i32>} : memref<125xi32, #tpu.memory_space<vmem>>, vector<16xi32>,
      %shift_right_logical3A_455 = arith.constant 16 : i32
      %shift_right_logical3A_456 = vector.broadcast %shift_right_logical3A_455 : i32 to vector<16xi32>
      %shift_right_logical3A_457 = arith.shrui %get3A_447, %shift_right_logical3A_456 : vector<16xi32>
      %swap3A_458 = arith.constant 80 : index
      %swap3A_459 = tpu.vector_load %arg10[%swap3A_458] {strides = array<i32>} : memref<125xi32, #tpu.memory_space<vmem>>, vector<16xi32>,
      %swap3A_460 = vector.shape_cast %swap3A_459 : vector<16xi32> to vector<16xi32>
      %swap3A_461 = vector.shape_cast %shift_right_logical3A_457 : vector<16xi32> to vector<16xi32>
      tpu.vector_store %arg10[%swap3A_458], %swap3A_461 {strides = array<i32>} : memref<125xi32, #tpu.memory_space<vmem>>, vector<16xi32>,
      %get3A_462 = arith.constant 96 : index
      %get3A_463 = tpu.vector_load %arg6[%get3A_462] {strides = array<i32>} : memref<125xi32, #tpu.memory_space<vmem>>, vector<16xi32>,
      %get3A_464 = vector.shape_cast %get3A_463 : vector<16xi32> to vector<16xi32>
      %and3A_465 = arith.constant 65535 : i32
      %and3A_466 = vector.broadcast %and3A_465 : i32 to vector<16xi32>
      %and3A_467 = arith.andi %get3A_464, %and3A_466 : vector<16xi32>
      %swap3A_468 = arith.constant 96 : index
      %swap3A_469 = tpu.vector_load %arg9[%swap3A_468] {strides = array<i32>} : memref<125xi32, #tpu.memory_space<vmem>>, vector<16xi32>,
      %swap3A_470 = vector.shape_cast %swap3A_469 : vector<16xi32> to vector<16xi32>
      %swap3A_471 = vector.shape_cast %and3A_467 : vector<16xi32> to vector<16xi32>
      tpu.vector_store %arg9[%swap3A_468], %swap3A_471 {strides = array<i32>} : memref<125xi32, #tpu.memory_space<vmem>>, vector<16xi32>,
      %shift_right_logical3A_472 = arith.constant 16 : i32
      %shift_right_logical3A_473 = vector.broadcast %shift_right_logical3A_472 : i32 to vector<16xi32>
      %shift_right_logical3A_474 = arith.shrui %get3A_464, %shift_right_logical3A_473 : vector<16xi32>
      %swap3A_475 = arith.constant 96 : index
      %swap3A_476 = tpu.vector_load %arg10[%swap3A_475] {strides = array<i32>} : memref<125xi32, #tpu.memory_space<vmem>>, vector<16xi32>,
      %swap3A_477 = vector.shape_cast %swap3A_476 : vector<16xi32> to vector<16xi32>
      %swap3A_478 = vector.shape_cast %shift_right_logical3A_474 : vector<16xi32> to vector<16xi32>
      tpu.vector_store %arg10[%swap3A_475], %swap3A_478 {strides = array<i32>} : memref<125xi32, #tpu.memory_space<vmem>>, vector<16xi32>,
      %get3A_479 = arith.constant 109 : index
      %get3A_480 = tpu.vector_load %arg6[%get3A_479] {strides = array<i32>} : memref<125xi32, #tpu.memory_space<vmem>>, vector<16xi32>,
      %get3A_481 = vector.shape_cast %get3A_480 : vector<16xi32> to vector<16xi32>
      %and3A_482 = arith.constant 65535 : i32
      %and3A_483 = vector.broadcast %and3A_482 : i32 to vector<16xi32>
      %and3A_484 = arith.andi %get3A_481, %and3A_483 : vector<16xi32>
      %swap3A_485 = arith.constant 109 : index
      %swap3A_486 = tpu.vector_load %arg9[%swap3A_485] {strides = array<i32>} : memref<125xi32, #tpu.memory_space<vmem>>, vector<16xi32>,
      %swap3A_487 = vector.shape_cast %swap3A_486 : vector<16xi32> to vector<16xi32>
      %swap3A_488 = vector.shape_cast %and3A_484 : vector<16xi32> to vector<16xi32>
      tpu.vector_store %arg9[%swap3A_485], %swap3A_488 {strides = array<i32>} : memref<125xi32, #tpu.memory_space<vmem>>, vector<16xi32>,
      %shift_right_logical3A_489 = arith.constant 16 : i32
      %shift_right_logical3A_490 = vector.broadcast %shift_right_logical3A_489 : i32 to vector<16xi32>
      %shift_right_logical3A_491 = arith.shrui %get3A_481, %shift_right_logical3A_490 : vector<16xi32>
      %swap3A_492 = arith.constant 109 : index
      %swap3A_493 = tpu.vector_load %arg10[%swap3A_492] {strides = array<i32>} : memref<125xi32, #tpu.memory_space<vmem>>, vector<16xi32>,
      %swap3A_494 = vector.shape_cast %swap3A_493 : vector<16xi32> to vector<16xi32>
      %swap3A_495 = vector.shape_cast %shift_right_logical3A_491 : vector<16xi32> to vector<16xi32>
      tpu.vector_store %arg10[%swap3A_492], %swap3A_495 {strides = array<i32>} : memref<125xi32, #tpu.memory_space<vmem>>, vector<16xi32>,
      %dma_start3A_496 = arith.constant 0 : i32
      %dma_start3A_497 = arith.constant 0 : i32
      %dma_start3A_498 = tpu.memref_slice %arg3[%dma_start3A_496, %dma_start3A_497] : memref<10000x128xf32, #tpu.memory_space<hbm>> -> memref<10000x128xf32, #tpu.memory_space<hbm>>
      tpu.enqueue_indirect_dma source(%dma_start3A_498 : memref<10000x128xf32, #tpu.memory_space<hbm>>) target(%arg12 : memref<125x128xf32, #tpu.memory_space<vmem>>) offsets(%arg9 : memref<125xi32, #tpu.memory_space<vmem>>) semaphore(%arg17 : memref<!tpu.dma_semaphore, #tpu.memory_space<semaphore_mem>>)
      %add3A_499 = arith.constant 2 : i32
      %add3A_500 = arith.addi %mul3A_344, %add3A_499 : i32
      %dma_start3A_501 = arith.constant 0 : i32
      %dma_start3A_502 = arith.constant 0 : i32
      %dma_start3A_503 = tpu.memref_slice %arg2[%add3A, %dma_start3A_501, %dma_start3A_502] : memref<32x80x125xi32, #tpu.memory_space<hbm>> -> memref<1x80x125xi32, #tpu.memory_space<hbm>>
      %dma_start3A_504 = tpu.memref_squeeze %dma_start3A_503 : memref<1x80x125xi32, #tpu.memory_space<hbm>> -> memref<80x125xi32, #tpu.memory_space<hbm>>
      %dma_start3A_505 = arith.constant 0 : i32
      %dma_start3A_506 = tpu.memref_slice %dma_start3A_504[%add3A_500, %dma_start3A_505] : memref<80x125xi32, #tpu.memory_space<hbm>> -> memref<1x125xi32, #tpu.memory_space<hbm>>
      %dma_start3A_507 = tpu.memref_squeeze %dma_start3A_506 : memref<1x125xi32, #tpu.memory_space<hbm>> -> memref<125xi32, #tpu.memory_space<hbm>>
      %dma_start3A_508 = arith.constant 0 : i32
      %dma_start3A_509 = arith.constant 0 : i32
      %dma_start3A_510 = tpu.memref_slice %arg2[%add3A, %dma_start3A_508, %dma_start3A_509] : memref<32x80x125xi32, #tpu.memory_space<hbm>> -> memref<1x80x125xi32, #tpu.memory_space<hbm>>
      %dma_start3A_511 = tpu.memref_squeeze %dma_start3A_510 : memref<1x80x125xi32, #tpu.memory_space<hbm>> -> memref<80x125xi32, #tpu.memory_space<hbm>>
      %dma_start3A_512 = arith.constant 0 : i32
      %dma_start3A_513 = tpu.memref_slice %dma_start3A_511[%add3A_500, %dma_start3A_512] : memref<80x125xi32, #tpu.memory_space<hbm>> -> memref<1x125xi32, #tpu.memory_space<hbm>>
      %dma_start3A_514 = tpu.memref_squeeze %dma_start3A_513 : memref<1x125xi32, #tpu.memory_space<hbm>> -> memref<125xi32, #tpu.memory_space<hbm>>
      tpu.enqueue_dma source(%dma_start3A_514 : memref<125xi32, #tpu.memory_space<hbm>>) target(%arg5 : memref<125xi32, #tpu.memory_space<vmem>>) target_semaphore(%arg14 : memref<!tpu.dma_semaphore, #tpu.memory_space<semaphore_mem>>)
      %dma_wait3A_515 = arith.constant 0 : i32
      %dma_wait3A_516 = arith.constant 0 : i32
      %dma_wait3A_517 = tpu.memref_slice %arg3[%dma_wait3A_515, %dma_wait3A_516] : memref<10000x128xf32, #tpu.memory_space<hbm>> -> memref<10000x128xf32, #tpu.memory_space<hbm>>
      tpu.wait_indirect_dma semaphore(%arg16 : memref<!tpu.dma_semaphore, #tpu.memory_space<semaphore_mem>>) src(%dma_wait3A_517 : memref<10000x128xf32, #tpu.memory_space<hbm>>) dst(%arg11 : memref<125x128xf32, #tpu.memory_space<vmem>>)
      "tpu.region"() ({
        %run_scoped3A_691 = tpu.sem_alloc : memref<!tpu.dma_semaphore, #tpu.memory_space<semaphore_mem>>
        %dma_start3A_692 = arith.constant 0 : i32
        %dma_start3A_693 = arith.constant 0 : i32
        %dma_start3A_694 = tpu.memref_slice %arg18[%dma_start3A_692, %dma_start3A_693] : memref<10000x128xf32, #tpu.memory_space<vmem_shared>> -> memref<10000x128xf32, #tpu.memory_space<vmem_shared>>
        tpu.enqueue_indirect_dma source(%arg11 : memref<125x128xf32, #tpu.memory_space<vmem>>) target(%dma_start3A_694 : memref<10000x128xf32, #tpu.memory_space<vmem_shared>>) offsets(%arg8 : memref<125xi32, #tpu.memory_space<vmem>>) semaphore(%run_scoped3A_691 : memref<!tpu.dma_semaphore, #tpu.memory_space<semaphore_mem>>) {add = true}
        %dma_wait3A_695 = arith.constant 0 : i32
        %dma_wait3A_696 = arith.constant 0 : i32
        %dma_wait3A_697 = tpu.memref_slice %arg18[%dma_wait3A_695, %dma_wait3A_696] : memref<10000x128xf32, #tpu.memory_space<vmem_shared>> -> memref<10000x128xf32, #tpu.memory_space<vmem_shared>>
        tpu.wait_indirect_dma semaphore(%run_scoped3A_691 : memref<!tpu.dma_semaphore, #tpu.memory_space<semaphore_mem>>) src(%arg11 : memref<125x128xf32, #tpu.memory_space<vmem>>) dst(%dma_wait3A_697 : memref<10000x128xf32, #tpu.memory_space<vmem_shared>>)
        tpu.yield
      }) : () -> ()
      %dma_wait3A_518 = arith.constant 0 : i32
      %dma_wait3A_519 = arith.constant 0 : i32
      %dma_wait3A_520 = arith.constant 0 : i32
      %dma_wait3A_521 = tpu.memref_slice %arg2[%add3A, %dma_wait3A_519, %dma_wait3A_520] : memref<32x80x125xi32, #tpu.memory_space<hbm>> -> memref<1x80x125xi32, #tpu.memory_space<hbm>>
      %dma_wait3A_522 = tpu.memref_squeeze %dma_wait3A_521 : memref<1x80x125xi32, #tpu.memory_space<hbm>> -> memref<80x125xi32, #tpu.memory_space<hbm>>
      %dma_wait3A_523 = arith.constant 0 : i32
      %dma_wait3A_524 = tpu.memref_slice %dma_wait3A_522[%dma_wait3A_518, %dma_wait3A_523] : memref<80x125xi32, #tpu.memory_space<hbm>> -> memref<1x125xi32, #tpu.memory_space<hbm>>
      %dma_wait3A_525 = tpu.memref_squeeze %dma_wait3A_524 : memref<1x125xi32, #tpu.memory_space<hbm>> -> memref<125xi32, #tpu.memory_space<hbm>>
      %dma_wait3A_526 = arith.constant 0 : i32
      %dma_wait3A_527 = arith.constant 0 : i32
      %dma_wait3A_528 = tpu.memref_slice %arg2[%add3A, %dma_wait3A_526, %dma_wait3A_527] : memref<32x80x125xi32, #tpu.memory_space<hbm>> -> memref<1x80x125xi32, #tpu.memory_space<hbm>>
      %dma_wait3A_529 = tpu.memref_squeeze %dma_wait3A_528 : memref<1x80x125xi32, #tpu.memory_space<hbm>> -> memref<80x125xi32, #tpu.memory_space<hbm>>
      %dma_wait3A_530 = arith.constant 0 : i32
      %dma_wait3A_531 = tpu.memref_slice %dma_wait3A_529[%dma_wait3A_518, %dma_wait3A_530] : memref<80x125xi32, #tpu.memory_space<hbm>> -> memref<1x125xi32, #tpu.memory_space<hbm>>
      %dma_wait3A_532 = tpu.memref_squeeze %dma_wait3A_531 : memref<1x125xi32, #tpu.memory_space<hbm>> -> memref<125xi32, #tpu.memory_space<hbm>>
      tpu.wait_dma2 semaphore(%arg14 : memref<!tpu.dma_semaphore, #tpu.memory_space<semaphore_mem>>) src(%dma_wait3A_532 : memref<125xi32, #tpu.memory_space<hbm>>) dst(%arg5 : memref<125xi32, #tpu.memory_space<vmem>>)
      %get3A_533 = arith.constant 0 : index
      %get3A_534 = tpu.vector_load %arg5[%get3A_533] {strides = array<i32>} : memref<125xi32, #tpu.memory_space<vmem>>, vector<16xi32>,
      %get3A_535 = vector.shape_cast %get3A_534 : vector<16xi32> to vector<16xi32>
      %and3A_536 = arith.constant 65535 : i32
      %and3A_537 = vector.broadcast %and3A_536 : i32 to vector<16xi32>
      %and3A_538 = arith.andi %get3A_535, %and3A_537 : vector<16xi32>
      %swap3A_539 = arith.constant 0 : index
      %swap3A_540 = tpu.vector_load %arg7[%swap3A_539] {strides = array<i32>} : memref<125xi32, #tpu.memory_space<vmem>>, vector<16xi32>,
      %swap3A_541 = vector.shape_cast %swap3A_540 : vector<16xi32> to vector<16xi32>
      %swap3A_542 = vector.shape_cast %and3A_538 : vector<16xi32> to vector<16xi32>
      tpu.vector_store %arg7[%swap3A_539], %swap3A_542 {strides = array<i32>} : memref<125xi32, #tpu.memory_space<vmem>>, vector<16xi32>,
      %shift_right_logical3A_543 = arith.constant 16 : i32
      %shift_right_logical3A_544 = vector.broadcast %shift_right_logical3A_543 : i32 to vector<16xi32>
      %shift_right_logical3A_545 = arith.shrui %get3A_535, %shift_right_logical3A_544 : vector<16xi32>
      %swap3A_546 = arith.constant 0 : index
      %swap3A_547 = tpu.vector_load %arg8[%swap3A_546] {strides = array<i32>} : memref<125xi32, #tpu.memory_space<vmem>>, vector<16xi32>,
      %swap3A_548 = vector.shape_cast %swap3A_547 : vector<16xi32> to vector<16xi32>
      %swap3A_549 = vector.shape_cast %shift_right_logical3A_545 : vector<16xi32> to vector<16xi32>
      tpu.vector_store %arg8[%swap3A_546], %swap3A_549 {strides = array<i32>} : memref<125xi32, #tpu.memory_space<vmem>>, vector<16xi32>,
      %get3A_550 = arith.constant 16 : index
      %get3A_551 = tpu.vector_load %arg5[%get3A_550] {strides = array<i32>} : memref<125xi32, #tpu.memory_space<vmem>>, vector<16xi32>,
      %get3A_552 = vector.shape_cast %get3A_551 : vector<16xi32> to vector<16xi32>
      %and3A_553 = arith.constant 65535 : i32
      %and3A_554 = vector.broadcast %and3A_553 : i32 to vector<16xi32>
      %and3A_555 = arith.andi %get3A_552, %and3A_554 : vector<16xi32>
      %swap3A_556 = arith.constant 16 : index
      %swap3A_557 = tpu.vector_load %arg7[%swap3A_556] {strides = array<i32>} : memref<125xi32, #tpu.memory_space<vmem>>, vector<16xi32>,
      %swap3A_558 = vector.shape_cast %swap3A_557 : vector<16xi32> to vector<16xi32>
      %swap3A_559 = vector.shape_cast %and3A_555 : vector<16xi32> to vector<16xi32>
      tpu.vector_store %arg7[%swap3A_556], %swap3A_559 {strides = array<i32>} : memref<125xi32, #tpu.memory_space<vmem>>, vector<16xi32>,
      %shift_right_logical3A_560 = arith.constant 16 : i32
      %shift_right_logical3A_561 = vector.broadcast %shift_right_logical3A_560 : i32 to vector<16xi32>
      %shift_right_logical3A_562 = arith.shrui %get3A_552, %shift_right_logical3A_561 : vector<16xi32>
      %swap3A_563 = arith.constant 16 : index
      %swap3A_564 = tpu.vector_load %arg8[%swap3A_563] {strides = array<i32>} : memref<125xi32, #tpu.memory_space<vmem>>, vector<16xi32>,
      %swap3A_565 = vector.shape_cast %swap3A_564 : vector<16xi32> to vector<16xi32>
      %swap3A_566 = vector.shape_cast %shift_right_logical3A_562 : vector<16xi32> to vector<16xi32>
      tpu.vector_store %arg8[%swap3A_563], %swap3A_566 {strides = array<i32>} : memref<125xi32, #tpu.memory_space<vmem>>, vector<16xi32>,
      %get3A_567 = arith.constant 32 : index
      %get3A_568 = tpu.vector_load %arg5[%get3A_567] {strides = array<i32>} : memref<125xi32, #tpu.memory_space<vmem>>, vector<16xi32>,
      %get3A_569 = vector.shape_cast %get3A_568 : vector<16xi32> to vector<16xi32>
      %and3A_570 = arith.constant 65535 : i32
      %and3A_571 = vector.broadcast %and3A_570 : i32 to vector<16xi32>
      %and3A_572 = arith.andi %get3A_569, %and3A_571 : vector<16xi32>
      %swap3A_573 = arith.constant 32 : index
      %swap3A_574 = tpu.vector_load %arg7[%swap3A_573] {strides = array<i32>} : memref<125xi32, #tpu.memory_space<vmem>>, vector<16xi32>,
      %swap3A_575 = vector.shape_cast %swap3A_574 : vector<16xi32> to vector<16xi32>
      %swap3A_576 = vector.shape_cast %and3A_572 : vector<16xi32> to vector<16xi32>
      tpu.vector_store %arg7[%swap3A_573], %swap3A_576 {strides = array<i32>} : memref<125xi32, #tpu.memory_space<vmem>>, vector<16xi32>,
      %shift_right_logical3A_577 = arith.constant 16 : i32
      %shift_right_logical3A_578 = vector.broadcast %shift_right_logical3A_577 : i32 to vector<16xi32>
      %shift_right_logical3A_579 = arith.shrui %get3A_569, %shift_right_logical3A_578 : vector<16xi32>
      %swap3A_580 = arith.constant 32 : index
      %swap3A_581 = tpu.vector_load %arg8[%swap3A_580] {strides = array<i32>} : memref<125xi32, #tpu.memory_space<vmem>>, vector<16xi32>,
      %swap3A_582 = vector.shape_cast %swap3A_581 : vector<16xi32> to vector<16xi32>
      %swap3A_583 = vector.shape_cast %shift_right_logical3A_579 : vector<16xi32> to vector<16xi32>
      tpu.vector_store %arg8[%swap3A_580], %swap3A_583 {strides = array<i32>} : memref<125xi32, #tpu.memory_space<vmem>>, vector<16xi32>,
      %get3A_584 = arith.constant 48 : index
      %get3A_585 = tpu.vector_load %arg5[%get3A_584] {strides = array<i32>} : memref<125xi32, #tpu.memory_space<vmem>>, vector<16xi32>,
      %get3A_586 = vector.shape_cast %get3A_585 : vector<16xi32> to vector<16xi32>
      %and3A_587 = arith.constant 65535 : i32
      %and3A_588 = vector.broadcast %and3A_587 : i32 to vector<16xi32>
      %and3A_589 = arith.andi %get3A_586, %and3A_588 : vector<16xi32>
      %swap3A_590 = arith.constant 48 : index
      %swap3A_591 = tpu.vector_load %arg7[%swap3A_590] {strides = array<i32>} : memref<125xi32, #tpu.memory_space<vmem>>, vector<16xi32>,
      %swap3A_592 = vector.shape_cast %swap3A_591 : vector<16xi32> to vector<16xi32>
      %swap3A_593 = vector.shape_cast %and3A_589 : vector<16xi32> to vector<16xi32>
      tpu.vector_store %arg7[%swap3A_590], %swap3A_593 {strides = array<i32>} : memref<125xi32, #tpu.memory_space<vmem>>, vector<16xi32>,
      %shift_right_logical3A_594 = arith.constant 16 : i32
      %shift_right_logical3A_595 = vector.broadcast %shift_right_logical3A_594 : i32 to vector<16xi32>
      %shift_right_logical3A_596 = arith.shrui %get3A_586, %shift_right_logical3A_595 : vector<16xi32>
      %swap3A_597 = arith.constant 48 : index
      %swap3A_598 = tpu.vector_load %arg8[%swap3A_597] {strides = array<i32>} : memref<125xi32, #tpu.memory_space<vmem>>, vector<16xi32>,
      %swap3A_599 = vector.shape_cast %swap3A_598 : vector<16xi32> to vector<16xi32>
      %swap3A_600 = vector.shape_cast %shift_right_logical3A_596 : vector<16xi32> to vector<16xi32>
      tpu.vector_store %arg8[%swap3A_597], %swap3A_600 {strides = array<i32>} : memref<125xi32, #tpu.memory_space<vmem>>, vector<16xi32>,
      %get3A_601 = arith.constant 64 : index
      %get3A_602 = tpu.vector_load %arg5[%get3A_601] {strides = array<i32>} : memref<125xi32, #tpu.memory_space<vmem>>, vector<16xi32>,
      %get3A_603 = vector.shape_cast %get3A_602 : vector<16xi32> to vector<16xi32>
      %and3A_604 = arith.constant 65535 : i32
      %and3A_605 = vector.broadcast %and3A_604 : i32 to vector<16xi32>
      %and3A_606 = arith.andi %get3A_603, %and3A_605 : vector<16xi32>
      %swap3A_607 = arith.constant 64 : index
      %swap3A_608 = tpu.vector_load %arg7[%swap3A_607] {strides = array<i32>} : memref<125xi32, #tpu.memory_space<vmem>>, vector<16xi32>,
      %swap3A_609 = vector.shape_cast %swap3A_608 : vector<16xi32> to vector<16xi32>
      %swap3A_610 = vector.shape_cast %and3A_606 : vector<16xi32> to vector<16xi32>
      tpu.vector_store %arg7[%swap3A_607], %swap3A_610 {strides = array<i32>} : memref<125xi32, #tpu.memory_space<vmem>>, vector<16xi32>,
      %shift_right_logical3A_611 = arith.constant 16 : i32
      %shift_right_logical3A_612 = vector.broadcast %shift_right_logical3A_611 : i32 to vector<16xi32>
      %shift_right_logical3A_613 = arith.shrui %get3A_603, %shift_right_logical3A_612 : vector<16xi32>
      %swap3A_614 = arith.constant 64 : index
      %swap3A_615 = tpu.vector_load %arg8[%swap3A_614] {strides = array<i32>} : memref<125xi32, #tpu.memory_space<vmem>>, vector<16xi32>,
      %swap3A_616 = vector.shape_cast %swap3A_615 : vector<16xi32> to vector<16xi32>
      %swap3A_617 = vector.shape_cast %shift_right_logical3A_613 : vector<16xi32> to vector<16xi32>
      tpu.vector_store %arg8[%swap3A_614], %swap3A_617 {strides = array<i32>} : memref<125xi32, #tpu.memory_space<vmem>>, vector<16xi32>,
      %get3A_618 = arith.constant 80 : index
      %get3A_619 = tpu.vector_load %arg5[%get3A_618] {strides = array<i32>} : memref<125xi32, #tpu.memory_space<vmem>>, vector<16xi32>,
      %get3A_620 = vector.shape_cast %get3A_619 : vector<16xi32> to vector<16xi32>
      %and3A_621 = arith.constant 65535 : i32
      %and3A_622 = vector.broadcast %and3A_621 : i32 to vector<16xi32>
      %and3A_623 = arith.andi %get3A_620, %and3A_622 : vector<16xi32>
      %swap3A_624 = arith.constant 80 : index
      %swap3A_625 = tpu.vector_load %arg7[%swap3A_624] {strides = array<i32>} : memref<125xi32, #tpu.memory_space<vmem>>, vector<16xi32>,
      %swap3A_626 = vector.shape_cast %swap3A_625 : vector<16xi32> to vector<16xi32>
      %swap3A_627 = vector.shape_cast %and3A_623 : vector<16xi32> to vector<16xi32>
      tpu.vector_store %arg7[%swap3A_624], %swap3A_627 {strides = array<i32>} : memref<125xi32, #tpu.memory_space<vmem>>, vector<16xi32>,
      %shift_right_logical3A_628 = arith.constant 16 : i32
      %shift_right_logical3A_629 = vector.broadcast %shift_right_logical3A_628 : i32 to vector<16xi32>
      %shift_right_logical3A_630 = arith.shrui %get3A_620, %shift_right_logical3A_629 : vector<16xi32>
      %swap3A_631 = arith.constant 80 : index
      %swap3A_632 = tpu.vector_load %arg8[%swap3A_631] {strides = array<i32>} : memref<125xi32, #tpu.memory_space<vmem>>, vector<16xi32>,
      %swap3A_633 = vector.shape_cast %swap3A_632 : vector<16xi32> to vector<16xi32>
      %swap3A_634 = vector.shape_cast %shift_right_logical3A_630 : vector<16xi32> to vector<16xi32>
      tpu.vector_store %arg8[%swap3A_631], %swap3A_634 {strides = array<i32>} : memref<125xi32, #tpu.memory_space<vmem>>, vector<16xi32>,
      %get3A_635 = arith.constant 96 : index
      %get3A_636 = tpu.vector_load %arg5[%get3A_635] {strides = array<i32>} : memref<125xi32, #tpu.memory_space<vmem>>, vector<16xi32>,
      %get3A_637 = vector.shape_cast %get3A_636 : vector<16xi32> to vector<16xi32>
      %and3A_638 = arith.constant 65535 : i32
      %and3A_639 = vector.broadcast %and3A_638 : i32 to vector<16xi32>
      %and3A_640 = arith.andi %get3A_637, %and3A_639 : vector<16xi32>
      %swap3A_641 = arith.constant 96 : index
      %swap3A_642 = tpu.vector_load %arg7[%swap3A_641] {strides = array<i32>} : memref<125xi32, #tpu.memory_space<vmem>>, vector<16xi32>,
      %swap3A_643 = vector.shape_cast %swap3A_642 : vector<16xi32> to vector<16xi32>
      %swap3A_644 = vector.shape_cast %and3A_640 : vector<16xi32> to vector<16xi32>
      tpu.vector_store %arg7[%swap3A_641], %swap3A_644 {strides = array<i32>} : memref<125xi32, #tpu.memory_space<vmem>>, vector<16xi32>,
      %shift_right_logical3A_645 = arith.constant 16 : i32
      %shift_right_logical3A_646 = vector.broadcast %shift_right_logical3A_645 : i32 to vector<16xi32>
      %shift_right_logical3A_647 = arith.shrui %get3A_637, %shift_right_logical3A_646 : vector<16xi32>
      %swap3A_648 = arith.constant 96 : index
      %swap3A_649 = tpu.vector_load %arg8[%swap3A_648] {strides = array<i32>} : memref<125xi32, #tpu.memory_space<vmem>>, vector<16xi32>,
      %swap3A_650 = vector.shape_cast %swap3A_649 : vector<16xi32> to vector<16xi32>
      %swap3A_651 = vector.shape_cast %shift_right_logical3A_647 : vector<16xi32> to vector<16xi32>
      tpu.vector_store %arg8[%swap3A_648], %swap3A_651 {strides = array<i32>} : memref<125xi32, #tpu.memory_space<vmem>>, vector<16xi32>,
      %get3A_652 = arith.constant 109 : index
      %get3A_653 = tpu.vector_load %arg5[%get3A_652] {strides = array<i32>} : memref<125xi32, #tpu.memory_space<vmem>>, vector<16xi32>,
      %get3A_654 = vector.shape_cast %get3A_653 : vector<16xi32> to vector<16xi32>
      %and3A_655 = arith.constant 65535 : i32
      %and3A_656 = vector.broadcast %and3A_655 : i32 to vector<16xi32>
      %and3A_657 = arith.andi %get3A_654, %and3A_656 : vector<16xi32>
      %swap3A_658 = arith.constant 109 : index
      %swap3A_659 = tpu.vector_load %arg7[%swap3A_658] {strides = array<i32>} : memref<125xi32, #tpu.memory_space<vmem>>, vector<16xi32>,
      %swap3A_660 = vector.shape_cast %swap3A_659 : vector<16xi32> to vector<16xi32>
      %swap3A_661 = vector.shape_cast %and3A_657 : vector<16xi32> to vector<16xi32>
      tpu.vector_store %arg7[%swap3A_658], %swap3A_661 {strides = array<i32>} : memref<125xi32, #tpu.memory_space<vmem>>, vector<16xi32>,
      %shift_right_logical3A_662 = arith.constant 16 : i32
      %shift_right_logical3A_663 = vector.broadcast %shift_right_logical3A_662 : i32 to vector<16xi32>
      %shift_right_logical3A_664 = arith.shrui %get3A_654, %shift_right_logical3A_663 : vector<16xi32>
      %swap3A_665 = arith.constant 109 : index
      %swap3A_666 = tpu.vector_load %arg8[%swap3A_665] {strides = array<i32>} : memref<125xi32, #tpu.memory_space<vmem>>, vector<16xi32>,
      %swap3A_667 = vector.shape_cast %swap3A_666 : vector<16xi32> to vector<16xi32>
      %swap3A_668 = vector.shape_cast %shift_right_logical3A_664 : vector<16xi32> to vector<16xi32>
      tpu.vector_store %arg8[%swap3A_665], %swap3A_668 {strides = array<i32>} : memref<125xi32, #tpu.memory_space<vmem>>, vector<16xi32>,
      %dma_start3A_669 = arith.constant 0 : i32
      %dma_start3A_670 = arith.constant 0 : i32
      %dma_start3A_671 = tpu.memref_slice %arg3[%dma_start3A_669, %dma_start3A_670] : memref<10000x128xf32, #tpu.memory_space<hbm>> -> memref<10000x128xf32, #tpu.memory_space<hbm>>
      tpu.enqueue_indirect_dma source(%dma_start3A_671 : memref<10000x128xf32, #tpu.memory_space<hbm>>) target(%arg11 : memref<125x128xf32, #tpu.memory_space<vmem>>) offsets(%arg7 : memref<125xi32, #tpu.memory_space<vmem>>) semaphore(%arg16 : memref<!tpu.dma_semaphore, #tpu.memory_space<semaphore_mem>>)
      %add3A_672 = arith.constant 3 : i32
      %add3A_673 = arith.addi %mul3A_344, %add3A_672 : i32
      %dma_start3A_674 = arith.constant 0 : i32
      %dma_start3A_675 = arith.constant 0 : i32
      %dma_start3A_676 = tpu.memref_slice %arg2[%add3A, %dma_start3A_674, %dma_start3A_675] : memref<32x80x125xi32, #tpu.memory_space<hbm>> -> memref<1x80x125xi32, #tpu.memory_space<hbm>>
      %dma_start3A_677 = tpu.memref_squeeze %dma_start3A_676 : memref<1x80x125xi32, #tpu.memory_space<hbm>> -> memref<80x125xi32, #tpu.memory_space<hbm>>
      %dma_start3A_678 = arith.constant 0 : i32
      %dma_start3A_679 = tpu.memref_slice %dma_start3A_677[%add3A_673, %dma_start3A_678] : memref<80x125xi32, #tpu.memory_space<hbm>> -> memref<1x125xi32, #tpu.memory_space<hbm>>
      %dma_start3A_680 = tpu.memref_squeeze %dma_start3A_679 : memref<1x125xi32, #tpu.memory_space<hbm>> -> memref<125xi32, #tpu.memory_space<hbm>>
      %dma_start3A_681 = arith.constant 0 : i32
      %dma_start3A_682 = arith.constant 0 : i32
      %dma_start3A_683 = tpu.memref_slice %arg2[%add3A, %dma_start3A_681, %dma_start3A_682] : memref<32x80x125xi32, #tpu.memory_space<hbm>> -> memref<1x80x125xi32, #tpu.memory_space<hbm>>
      %dma_start3A_684 = tpu.memref_squeeze %dma_start3A_683 : memref<1x80x125xi32, #tpu.memory_space<hbm>> -> memref<80x125xi32, #tpu.memory_space<hbm>>
      %dma_start3A_685 = arith.constant 0 : i32
      %dma_start3A_686 = tpu.memref_slice %dma_start3A_684[%add3A_673, %dma_start3A_685] : memref<80x125xi32, #tpu.memory_space<hbm>> -> memref<1x125xi32, #tpu.memory_space<hbm>>
      %dma_start3A_687 = tpu.memref_squeeze %dma_start3A_686 : memref<1x125xi32, #tpu.memory_space<hbm>> -> memref<125xi32, #tpu.memory_space<hbm>>
      tpu.enqueue_dma source(%dma_start3A_687 : memref<125xi32, #tpu.memory_space<hbm>>) target(%arg6 : memref<125xi32, #tpu.memory_space<vmem>>) target_semaphore(%arg15 : memref<!tpu.dma_semaphore, #tpu.memory_space<semaphore_mem>>)
      %dma_wait3A_688 = arith.constant 0 : i32
      %dma_wait3A_689 = arith.constant 0 : i32
      %dma_wait3A_690 = tpu.memref_slice %arg3[%dma_wait3A_688, %dma_wait3A_689] : memref<10000x128xf32, #tpu.memory_space<hbm>> -> memref<10000x128xf32, #tpu.memory_space<hbm>>
      tpu.wait_indirect_dma semaphore(%arg17 : memref<!tpu.dma_semaphore, #tpu.memory_space<semaphore_mem>>) src(%dma_wait3A_690 : memref<10000x128xf32, #tpu.memory_space<hbm>>) dst(%arg12 : memref<125x128xf32, #tpu.memory_space<vmem>>)
      "tpu.region"() ({
        %run_scoped3A_691 = tpu.sem_alloc : memref<!tpu.dma_semaphore, #tpu.memory_space<semaphore_mem>>
        %dma_start3A_692 = arith.constant 0 : i32
        %dma_start3A_693 = arith.constant 0 : i32
        %dma_start3A_694 = tpu.memref_slice %arg18[%dma_start3A_692, %dma_start3A_693] : memref<10000x128xf32, #tpu.memory_space<vmem_shared>> -> memref<10000x128xf32, #tpu.memory_space<vmem_shared>>
        tpu.enqueue_indirect_dma source(%arg12 : memref<125x128xf32, #tpu.memory_space<vmem>>) target(%dma_start3A_694 : memref<10000x128xf32, #tpu.memory_space<vmem_shared>>) offsets(%arg10 : memref<125xi32, #tpu.memory_space<vmem>>) semaphore(%run_scoped3A_691 : memref<!tpu.dma_semaphore, #tpu.memory_space<semaphore_mem>>) {add = true}
        %dma_wait3A_695 = arith.constant 0 : i32
        %dma_wait3A_696 = arith.constant 0 : i32
        %dma_wait3A_697 = tpu.memref_slice %arg18[%dma_wait3A_695, %dma_wait3A_696] : memref<10000x128xf32, #tpu.memory_space<vmem_shared>> -> memref<10000x128xf32, #tpu.memory_space<vmem_shared>>
        tpu.wait_indirect_dma semaphore(%run_scoped3A_691 : memref<!tpu.dma_semaphore, #tpu.memory_space<semaphore_mem>>) src(%arg12 : memref<125x128xf32, #tpu.memory_space<vmem>>) dst(%dma_wait3A_697 : memref<10000x128xf32, #tpu.memory_space<vmem_shared>>)
        tpu.yield
      }) : () -> ()
    }
    %scan3A_171 = arith.constant 39 : i32
    %dma_wait3A = arith.constant 0 : i32
    %dma_wait3A_172 = arith.constant 0 : i32
    %dma_wait3A_173 = arith.constant 0 : i32
    %dma_wait3A_174 = tpu.memref_slice %arg2[%add3A, %dma_wait3A_172, %dma_wait3A_173] : memref<32x80x125xi32, #tpu.memory_space<hbm>> -> memref<1x80x125xi32, #tpu.memory_space<hbm>>
    %dma_wait3A_175 = tpu.memref_squeeze %dma_wait3A_174 : memref<1x80x125xi32, #tpu.memory_space<hbm>> -> memref<80x125xi32, #tpu.memory_space<hbm>>
    %dma_wait3A_176 = arith.constant 0 : i32
    %dma_wait3A_177 = tpu.memref_slice %dma_wait3A_175[%dma_wait3A, %dma_wait3A_176] : memref<80x125xi32, #tpu.memory_space<hbm>> -> memref<1x125xi32, #tpu.memory_space<hbm>>
    %dma_wait3A_178 = tpu.memref_squeeze %dma_wait3A_177 : memref<1x125xi32, #tpu.memory_space<hbm>> -> memref<125xi32, #tpu.memory_space<hbm>>
    %dma_wait3A_179 = arith.constant 0 : i32
    %dma_wait3A_180 = arith.constant 0 : i32
    %dma_wait3A_181 = tpu.memref_slice %arg2[%add3A, %dma_wait3A_179, %dma_wait3A_180] : memref<32x80x125xi32, #tpu.memory_space<hbm>> -> memref<1x80x125xi32, #tpu.memory_space<hbm>>
    %dma_wait3A_182 = tpu.memref_squeeze %dma_wait3A_181 : memref<1x80x125xi32, #tpu.memory_space<hbm>> -> memref<80x125xi32, #tpu.memory_space<hbm>>
    %dma_wait3A_183 = arith.constant 0 : i32
    %dma_wait3A_184 = tpu.memref_slice %dma_wait3A_182[%dma_wait3A, %dma_wait3A_183] : memref<80x125xi32, #tpu.memory_space<hbm>> -> memref<1x125xi32, #tpu.memory_space<hbm>>
    %dma_wait3A_185 = tpu.memref_squeeze %dma_wait3A_184 : memref<1x125xi32, #tpu.memory_space<hbm>> -> memref<125xi32, #tpu.memory_space<hbm>>
    tpu.wait_dma2 semaphore(%arg15 : memref<!tpu.dma_semaphore, #tpu.memory_space<semaphore_mem>>) src(%dma_wait3A_185 : memref<125xi32, #tpu.memory_space<hbm>>) dst(%arg6 : memref<125xi32, #tpu.memory_space<vmem>>)
    %get3A_186 = arith.constant 0 : index
    %get3A_187 = tpu.vector_load %arg6[%get3A_186] {strides = array<i32>} : memref<125xi32, #tpu.memory_space<vmem>>, vector<16xi32>,
    %get3A_188 = vector.shape_cast %get3A_187 : vector<16xi32> to vector<16xi32>
    %and3A_189 = arith.constant 65535 : i32
    %and3A_190 = vector.broadcast %and3A_189 : i32 to vector<16xi32>
    %and3A_191 = arith.andi %get3A_188, %and3A_190 : vector<16xi32>
    %swap3A_192 = arith.constant 0 : index
    %swap3A_193 = tpu.vector_load %arg9[%swap3A_192] {strides = array<i32>} : memref<125xi32, #tpu.memory_space<vmem>>, vector<16xi32>,
    %swap3A_194 = vector.shape_cast %swap3A_193 : vector<16xi32> to vector<16xi32>
    %swap3A_195 = vector.shape_cast %and3A_191 : vector<16xi32> to vector<16xi32>
    tpu.vector_store %arg9[%swap3A_192], %swap3A_195 {strides = array<i32>} : memref<125xi32, #tpu.memory_space<vmem>>, vector<16xi32>,
    %shift_right_logical3A_196 = arith.constant 16 : i32
    %shift_right_logical3A_197 = vector.broadcast %shift_right_logical3A_196 : i32 to vector<16xi32>
    %shift_right_logical3A_198 = arith.shrui %get3A_188, %shift_right_logical3A_197 : vector<16xi32>
    %swap3A_199 = arith.constant 0 : index
    %swap3A_200 = tpu.vector_load %arg10[%swap3A_199] {strides = array<i32>} : memref<125xi32, #tpu.memory_space<vmem>>, vector<16xi32>,
    %swap3A_201 = vector.shape_cast %swap3A_200 : vector<16xi32> to vector<16xi32>
    %swap3A_202 = vector.shape_cast %shift_right_logical3A_198 : vector<16xi32> to vector<16xi32>
    tpu.vector_store %arg10[%swap3A_199], %swap3A_202 {strides = array<i32>} : memref<125xi32, #tpu.memory_space<vmem>>, vector<16xi32>,
    %get3A_203 = arith.constant 16 : index
    %get3A_204 = tpu.vector_load %arg6[%get3A_203] {strides = array<i32>} : memref<125xi32, #tpu.memory_space<vmem>>, vector<16xi32>,
    %get3A_205 = vector.shape_cast %get3A_204 : vector<16xi32> to vector<16xi32>
    %and3A_206 = arith.constant 65535 : i32
    %and3A_207 = vector.broadcast %and3A_206 : i32 to vector<16xi32>
    %and3A_208 = arith.andi %get3A_205, %and3A_207 : vector<16xi32>
    %swap3A_209 = arith.constant 16 : index
    %swap3A_210 = tpu.vector_load %arg9[%swap3A_209] {strides = array<i32>} : memref<125xi32, #tpu.memory_space<vmem>>, vector<16xi32>,
    %swap3A_211 = vector.shape_cast %swap3A_210 : vector<16xi32> to vector<16xi32>
    %swap3A_212 = vector.shape_cast %and3A_208 : vector<16xi32> to vector<16xi32>
    tpu.vector_store %arg9[%swap3A_209], %swap3A_212 {strides = array<i32>} : memref<125xi32, #tpu.memory_space<vmem>>, vector<16xi32>,
    %shift_right_logical3A_213 = arith.constant 16 : i32
    %shift_right_logical3A_214 = vector.broadcast %shift_right_logical3A_213 : i32 to vector<16xi32>
    %shift_right_logical3A_215 = arith.shrui %get3A_205, %shift_right_logical3A_214 : vector<16xi32>
    %swap3A_216 = arith.constant 16 : index
    %swap3A_217 = tpu.vector_load %arg10[%swap3A_216] {strides = array<i32>} : memref<125xi32, #tpu.memory_space<vmem>>, vector<16xi32>,
    %swap3A_218 = vector.shape_cast %swap3A_217 : vector<16xi32> to vector<16xi32>
    %swap3A_219 = vector.shape_cast %shift_right_logical3A_215 : vector<16xi32> to vector<16xi32>
    tpu.vector_store %arg10[%swap3A_216], %swap3A_219 {strides = array<i32>} : memref<125xi32, #tpu.memory_space<vmem>>, vector<16xi32>,
    %get3A_220 = arith.constant 32 : index
    %get3A_221 = tpu.vector_load %arg6[%get3A_220] {strides = array<i32>} : memref<125xi32, #tpu.memory_space<vmem>>, vector<16xi32>,
    %get3A_222 = vector.shape_cast %get3A_221 : vector<16xi32> to vector<16xi32>
    %and3A_223 = arith.constant 65535 : i32
    %and3A_224 = vector.broadcast %and3A_223 : i32 to vector<16xi32>
    %and3A_225 = arith.andi %get3A_222, %and3A_224 : vector<16xi32>
    %swap3A_226 = arith.constant 32 : index
    %swap3A_227 = tpu.vector_load %arg9[%swap3A_226] {strides = array<i32>} : memref<125xi32, #tpu.memory_space<vmem>>, vector<16xi32>,
    %swap3A_228 = vector.shape_cast %swap3A_227 : vector<16xi32> to vector<16xi32>
    %swap3A_229 = vector.shape_cast %and3A_225 : vector<16xi32> to vector<16xi32>
    tpu.vector_store %arg9[%swap3A_226], %swap3A_229 {strides = array<i32>} : memref<125xi32, #tpu.memory_space<vmem>>, vector<16xi32>,
    %shift_right_logical3A_230 = arith.constant 16 : i32
    %shift_right_logical3A_231 = vector.broadcast %shift_right_logical3A_230 : i32 to vector<16xi32>
    %shift_right_logical3A_232 = arith.shrui %get3A_222, %shift_right_logical3A_231 : vector<16xi32>
    %swap3A_233 = arith.constant 32 : index
    %swap3A_234 = tpu.vector_load %arg10[%swap3A_233] {strides = array<i32>} : memref<125xi32, #tpu.memory_space<vmem>>, vector<16xi32>,
    %swap3A_235 = vector.shape_cast %swap3A_234 : vector<16xi32> to vector<16xi32>
    %swap3A_236 = vector.shape_cast %shift_right_logical3A_232 : vector<16xi32> to vector<16xi32>
    tpu.vector_store %arg10[%swap3A_233], %swap3A_236 {strides = array<i32>} : memref<125xi32, #tpu.memory_space<vmem>>, vector<16xi32>,
    %get3A_237 = arith.constant 48 : index
    %get3A_238 = tpu.vector_load %arg6[%get3A_237] {strides = array<i32>} : memref<125xi32, #tpu.memory_space<vmem>>, vector<16xi32>,
    %get3A_239 = vector.shape_cast %get3A_238 : vector<16xi32> to vector<16xi32>
    %and3A_240 = arith.constant 65535 : i32
    %and3A_241 = vector.broadcast %and3A_240 : i32 to vector<16xi32>
    %and3A_242 = arith.andi %get3A_239, %and3A_241 : vector<16xi32>
    %swap3A_243 = arith.constant 48 : index
    %swap3A_244 = tpu.vector_load %arg9[%swap3A_243] {strides = array<i32>} : memref<125xi32, #tpu.memory_space<vmem>>, vector<16xi32>,
    %swap3A_245 = vector.shape_cast %swap3A_244 : vector<16xi32> to vector<16xi32>
    %swap3A_246 = vector.shape_cast %and3A_242 : vector<16xi32> to vector<16xi32>
    tpu.vector_store %arg9[%swap3A_243], %swap3A_246 {strides = array<i32>} : memref<125xi32, #tpu.memory_space<vmem>>, vector<16xi32>,
    %shift_right_logical3A_247 = arith.constant 16 : i32
    %shift_right_logical3A_248 = vector.broadcast %shift_right_logical3A_247 : i32 to vector<16xi32>
    %shift_right_logical3A_249 = arith.shrui %get3A_239, %shift_right_logical3A_248 : vector<16xi32>
    %swap3A_250 = arith.constant 48 : index
    %swap3A_251 = tpu.vector_load %arg10[%swap3A_250] {strides = array<i32>} : memref<125xi32, #tpu.memory_space<vmem>>, vector<16xi32>,
    %swap3A_252 = vector.shape_cast %swap3A_251 : vector<16xi32> to vector<16xi32>
    %swap3A_253 = vector.shape_cast %shift_right_logical3A_249 : vector<16xi32> to vector<16xi32>
    tpu.vector_store %arg10[%swap3A_250], %swap3A_253 {strides = array<i32>} : memref<125xi32, #tpu.memory_space<vmem>>, vector<16xi32>,
    %get3A_254 = arith.constant 64 : index
    %get3A_255 = tpu.vector_load %arg6[%get3A_254] {strides = array<i32>} : memref<125xi32, #tpu.memory_space<vmem>>, vector<16xi32>,
    %get3A_256 = vector.shape_cast %get3A_255 : vector<16xi32> to vector<16xi32>
    %and3A_257 = arith.constant 65535 : i32
    %and3A_258 = vector.broadcast %and3A_257 : i32 to vector<16xi32>
    %and3A_259 = arith.andi %get3A_256, %and3A_258 : vector<16xi32>
    %swap3A_260 = arith.constant 64 : index
    %swap3A_261 = tpu.vector_load %arg9[%swap3A_260] {strides = array<i32>} : memref<125xi32, #tpu.memory_space<vmem>>, vector<16xi32>,
    %swap3A_262 = vector.shape_cast %swap3A_261 : vector<16xi32> to vector<16xi32>
    %swap3A_263 = vector.shape_cast %and3A_259 : vector<16xi32> to vector<16xi32>
    tpu.vector_store %arg9[%swap3A_260], %swap3A_263 {strides = array<i32>} : memref<125xi32, #tpu.memory_space<vmem>>, vector<16xi32>,
    %shift_right_logical3A_264 = arith.constant 16 : i32
    %shift_right_logical3A_265 = vector.broadcast %shift_right_logical3A_264 : i32 to vector<16xi32>
    %shift_right_logical3A_266 = arith.shrui %get3A_256, %shift_right_logical3A_265 : vector<16xi32>
    %swap3A_267 = arith.constant 64 : index
    %swap3A_268 = tpu.vector_load %arg10[%swap3A_267] {strides = array<i32>} : memref<125xi32, #tpu.memory_space<vmem>>, vector<16xi32>,
    %swap3A_269 = vector.shape_cast %swap3A_268 : vector<16xi32> to vector<16xi32>
    %swap3A_270 = vector.shape_cast %shift_right_logical3A_266 : vector<16xi32> to vector<16xi32>
    tpu.vector_store %arg10[%swap3A_267], %swap3A_270 {strides = array<i32>} : memref<125xi32, #tpu.memory_space<vmem>>, vector<16xi32>,
    %get3A_271 = arith.constant 80 : index
    %get3A_272 = tpu.vector_load %arg6[%get3A_271] {strides = array<i32>} : memref<125xi32, #tpu.memory_space<vmem>>, vector<16xi32>,
    %get3A_273 = vector.shape_cast %get3A_272 : vector<16xi32> to vector<16xi32>
    %and3A_274 = arith.constant 65535 : i32
    %and3A_275 = vector.broadcast %and3A_274 : i32 to vector<16xi32>
    %and3A_276 = arith.andi %get3A_273, %and3A_275 : vector<16xi32>
    %swap3A_277 = arith.constant 80 : index
    %swap3A_278 = tpu.vector_load %arg9[%swap3A_277] {strides = array<i32>} : memref<125xi32, #tpu.memory_space<vmem>>, vector<16xi32>,
    %swap3A_279 = vector.shape_cast %swap3A_278 : vector<16xi32> to vector<16xi32>
    %swap3A_280 = vector.shape_cast %and3A_276 : vector<16xi32> to vector<16xi32>
    tpu.vector_store %arg9[%swap3A_277], %swap3A_280 {strides = array<i32>} : memref<125xi32, #tpu.memory_space<vmem>>, vector<16xi32>,
    %shift_right_logical3A_281 = arith.constant 16 : i32
    %shift_right_logical3A_282 = vector.broadcast %shift_right_logical3A_281 : i32 to vector<16xi32>
    %shift_right_logical3A_283 = arith.shrui %get3A_273, %shift_right_logical3A_282 : vector<16xi32>
    %swap3A_284 = arith.constant 80 : index
    %swap3A_285 = tpu.vector_load %arg10[%swap3A_284] {strides = array<i32>} : memref<125xi32, #tpu.memory_space<vmem>>, vector<16xi32>,
    %swap3A_286 = vector.shape_cast %swap3A_285 : vector<16xi32> to vector<16xi32>
    %swap3A_287 = vector.shape_cast %shift_right_logical3A_283 : vector<16xi32> to vector<16xi32>
    tpu.vector_store %arg10[%swap3A_284], %swap3A_287 {strides = array<i32>} : memref<125xi32, #tpu.memory_space<vmem>>, vector<16xi32>,
    %get3A_288 = arith.constant 96 : index
    %get3A_289 = tpu.vector_load %arg6[%get3A_288] {strides = array<i32>} : memref<125xi32, #tpu.memory_space<vmem>>, vector<16xi32>,
    %get3A_290 = vector.shape_cast %get3A_289 : vector<16xi32> to vector<16xi32>
    %and3A_291 = arith.constant 65535 : i32
    %and3A_292 = vector.broadcast %and3A_291 : i32 to vector<16xi32>
    %and3A_293 = arith.andi %get3A_290, %and3A_292 : vector<16xi32>
    %swap3A_294 = arith.constant 96 : index
    %swap3A_295 = tpu.vector_load %arg9[%swap3A_294] {strides = array<i32>} : memref<125xi32, #tpu.memory_space<vmem>>, vector<16xi32>,
    %swap3A_296 = vector.shape_cast %swap3A_295 : vector<16xi32> to vector<16xi32>
    %swap3A_297 = vector.shape_cast %and3A_293 : vector<16xi32> to vector<16xi32>
    tpu.vector_store %arg9[%swap3A_294], %swap3A_297 {strides = array<i32>} : memref<125xi32, #tpu.memory_space<vmem>>, vector<16xi32>,
    %shift_right_logical3A_298 = arith.constant 16 : i32
    %shift_right_logical3A_299 = vector.broadcast %shift_right_logical3A_298 : i32 to vector<16xi32>
    %shift_right_logical3A_300 = arith.shrui %get3A_290, %shift_right_logical3A_299 : vector<16xi32>
    %swap3A_301 = arith.constant 96 : index
    %swap3A_302 = tpu.vector_load %arg10[%swap3A_301] {strides = array<i32>} : memref<125xi32, #tpu.memory_space<vmem>>, vector<16xi32>,
    %swap3A_303 = vector.shape_cast %swap3A_302 : vector<16xi32> to vector<16xi32>
    %swap3A_304 = vector.shape_cast %shift_right_logical3A_300 : vector<16xi32> to vector<16xi32>
    tpu.vector_store %arg10[%swap3A_301], %swap3A_304 {strides = array<i32>} : memref<125xi32, #tpu.memory_space<vmem>>, vector<16xi32>,
    %get3A_305 = arith.constant 109 : index
    %get3A_306 = tpu.vector_load %arg6[%get3A_305] {strides = array<i32>} : memref<125xi32, #tpu.memory_space<vmem>>, vector<16xi32>,
    %get3A_307 = vector.shape_cast %get3A_306 : vector<16xi32> to vector<16xi32>
    %and3A_308 = arith.constant 65535 : i32
    %and3A_309 = vector.broadcast %and3A_308 : i32 to vector<16xi32>
    %and3A_310 = arith.andi %get3A_307, %and3A_309 : vector<16xi32>
    %swap3A_311 = arith.constant 109 : index
    %swap3A_312 = tpu.vector_load %arg9[%swap3A_311] {strides = array<i32>} : memref<125xi32, #tpu.memory_space<vmem>>, vector<16xi32>,
    %swap3A_313 = vector.shape_cast %swap3A_312 : vector<16xi32> to vector<16xi32>
    %swap3A_314 = vector.shape_cast %and3A_310 : vector<16xi32> to vector<16xi32>
    tpu.vector_store %arg9[%swap3A_311], %swap3A_314 {strides = array<i32>} : memref<125xi32, #tpu.memory_space<vmem>>, vector<16xi32>,
    %shift_right_logical3A_315 = arith.constant 16 : i32
    %shift_right_logical3A_316 = vector.broadcast %shift_right_logical3A_315 : i32 to vector<16xi32>
    %shift_right_logical3A_317 = arith.shrui %get3A_307, %shift_right_logical3A_316 : vector<16xi32>
    %swap3A_318 = arith.constant 109 : index
    %swap3A_319 = tpu.vector_load %arg10[%swap3A_318] {strides = array<i32>} : memref<125xi32, #tpu.memory_space<vmem>>, vector<16xi32>,
    %swap3A_320 = vector.shape_cast %swap3A_319 : vector<16xi32> to vector<16xi32>
    %swap3A_321 = vector.shape_cast %shift_right_logical3A_317 : vector<16xi32> to vector<16xi32>
    tpu.vector_store %arg10[%swap3A_318], %swap3A_321 {strides = array<i32>} : memref<125xi32, #tpu.memory_space<vmem>>, vector<16xi32>,
    %dma_start3A_322 = arith.constant 0 : i32
    %dma_start3A_323 = arith.constant 0 : i32
    %dma_start3A_324 = tpu.memref_slice %arg3[%dma_start3A_322, %dma_start3A_323] : memref<10000x128xf32, #tpu.memory_space<hbm>> -> memref<10000x128xf32, #tpu.memory_space<hbm>>
    tpu.enqueue_indirect_dma source(%dma_start3A_324 : memref<10000x128xf32, #tpu.memory_space<hbm>>) target(%arg12 : memref<125x128xf32, #tpu.memory_space<vmem>>) offsets(%arg9 : memref<125xi32, #tpu.memory_space<vmem>>) semaphore(%arg17 : memref<!tpu.dma_semaphore, #tpu.memory_space<semaphore_mem>>)
    %dma_wait3A_325 = arith.constant 0 : i32
    %dma_wait3A_326 = arith.constant 0 : i32
    %dma_wait3A_327 = tpu.memref_slice %arg3[%dma_wait3A_325, %dma_wait3A_326] : memref<10000x128xf32, #tpu.memory_space<hbm>> -> memref<10000x128xf32, #tpu.memory_space<hbm>>
    tpu.wait_indirect_dma semaphore(%arg16 : memref<!tpu.dma_semaphore, #tpu.memory_space<semaphore_mem>>) src(%dma_wait3A_327 : memref<10000x128xf32, #tpu.memory_space<hbm>>) dst(%arg11 : memref<125x128xf32, #tpu.memory_space<vmem>>)
    "tpu.region"() ({
      %run_scoped3A_342 = tpu.sem_alloc : memref<!tpu.dma_semaphore, #tpu.memory_space<semaphore_mem>>
      %dma_start3A_343 = arith.constant 0 : i32
      %dma_start3A_344 = arith.constant 0 : i32
      %dma_start3A_345 = tpu.memref_slice %arg18[%dma_start3A_343, %dma_start3A_344] : memref<10000x128xf32, #tpu.memory_space<vmem_shared>> -> memref<10000x128xf32, #tpu.memory_space<vmem_shared>>
      tpu.enqueue_indirect_dma source(%arg11 : memref<125x128xf32, #tpu.memory_space<vmem>>) target(%dma_start3A_345 : memref<10000x128xf32, #tpu.memory_space<vmem_shared>>) offsets(%arg8 : memref<125xi32, #tpu.memory_space<vmem>>) semaphore(%run_scoped3A_342 : memref<!tpu.dma_semaphore, #tpu.memory_space<semaphore_mem>>) {add = true}
      %dma_wait3A_346 = arith.constant 0 : i32
      %dma_wait3A_347 = arith.constant 0 : i32
      %dma_wait3A_348 = tpu.memref_slice %arg18[%dma_wait3A_346, %dma_wait3A_347] : memref<10000x128xf32, #tpu.memory_space<vmem_shared>> -> memref<10000x128xf32, #tpu.memory_space<vmem_shared>>
      tpu.wait_indirect_dma semaphore(%run_scoped3A_342 : memref<!tpu.dma_semaphore, #tpu.memory_space<semaphore_mem>>) src(%arg11 : memref<125x128xf32, #tpu.memory_space<vmem>>) dst(%dma_wait3A_348 : memref<10000x128xf32, #tpu.memory_space<vmem_shared>>)
      tpu.yield
    }) : () -> ()
    %dma_wait3A_328 = arith.constant 0 : i32
    %dma_wait3A_329 = arith.constant 0 : i32
    %dma_wait3A_330 = tpu.memref_slice %arg3[%dma_wait3A_328, %dma_wait3A_329] : memref<10000x128xf32, #tpu.memory_space<hbm>> -> memref<10000x128xf32, #tpu.memory_space<hbm>>
    tpu.wait_indirect_dma semaphore(%arg17 : memref<!tpu.dma_semaphore, #tpu.memory_space<semaphore_mem>>) src(%dma_wait3A_330 : memref<10000x128xf32, #tpu.memory_space<hbm>>) dst(%arg12 : memref<125x128xf32, #tpu.memory_space<vmem>>)
    "tpu.region"() ({
      %run_scoped3A_342 = tpu.sem_alloc : memref<!tpu.dma_semaphore, #tpu.memory_space<semaphore_mem>>
      %dma_start3A_343 = arith.constant 0 : i32
      %dma_start3A_344 = arith.constant 0 : i32
      %dma_start3A_345 = tpu.memref_slice %arg18[%dma_start3A_343, %dma_start3A_344] : memref<10000x128xf32, #tpu.memory_space<vmem_shared>> -> memref<10000x128xf32, #tpu.memory_space<vmem_shared>>
      tpu.enqueue_indirect_dma source(%arg12 : memref<125x128xf32, #tpu.memory_space<vmem>>) target(%dma_start3A_345 : memref<10000x128xf32, #tpu.memory_space<vmem_shared>>) offsets(%arg10 : memref<125xi32, #tpu.memory_space<vmem>>) semaphore(%run_scoped3A_342 : memref<!tpu.dma_semaphore, #tpu.memory_space<semaphore_mem>>) {add = true}
      %dma_wait3A_346 = arith.constant 0 : i32
      %dma_wait3A_347 = arith.constant 0 : i32
      %dma_wait3A_348 = tpu.memref_slice %arg18[%dma_wait3A_346, %dma_wait3A_347] : memref<10000x128xf32, #tpu.memory_space<vmem_shared>> -> memref<10000x128xf32, #tpu.memory_space<vmem_shared>>
      tpu.wait_indirect_dma semaphore(%run_scoped3A_342 : memref<!tpu.dma_semaphore, #tpu.memory_space<semaphore_mem>>) src(%arg12 : memref<125x128xf32, #tpu.memory_space<vmem>>) dst(%dma_wait3A_348 : memref<10000x128xf32, #tpu.memory_space<vmem_shared>>)
      tpu.yield
    }) : () -> ()
    %barrier3A_331 = arith.constant 0 : index
    tpu.barrier barrier_id(%barrier3A_331)
    %while3A_332 = arith.constant 0 : i32
    %while3A_333 = arith.constant 0 : i32
    %while3A_334 = arith.subi %select_n3A, %while3A_333 : i32
    %while3A_335 = arith.addi %while3A_333, %while3A_334 : i32
    %while3A_336 = arith.constant 1 : i32
    %while3A_337 = arith.divsi %while3A_334, %while3A_336 : i32
    %while3A_338 = arith.muli %while3A_337, %while3A_336 : i32
    %while3A_339 = arith.addi %while3A_333, %while3A_338 : i32
    %while3A_340 = arith.constant 1 : i32
    scf.for %while3A_342 = %while3A_333 to %while3A_339 step %while3A_340  : i32 {
      %mul3A_343 = arith.constant 16 : i32
      %mul3A_344 = arith.muli %mul3A_343, %while3A_342 : i32
      %add3A_345 = arith.addi %arg1, %mul3A_344 : i32
      %mul3A_346 = arith.constant 16 : i32
      %mul3A_347 = arith.muli %add3A_345, %mul3A_346 : i32
      "tpu.region"() ({
        %run_scoped3A_348 = tpu.sem_alloc : memref<!tpu.dma_semaphore, #tpu.memory_space<semaphore_mem>>
        %dma_start3A_349 = arith.constant 0 : i32
        %dma_start3A_350 = arith.constant 0 : i32
        %dma_start3A_351 = tpu.memref_slice %arg4[%arg0, %dma_start3A_349, %dma_start3A_350] : memref<2x10000x128xf32, #tpu.memory_space<hbm>> -> memref<1x10000x128xf32, #tpu.memory_space<hbm>>
        %dma_start3A_352 = tpu.memref_squeeze %dma_start3A_351 : memref<1x10000x128xf32, #tpu.memory_space<hbm>> -> memref<10000x128xf32, #tpu.memory_space<hbm>>
        %dma_start3A_353 = arith.constant 0 : i32
        %dma_start3A_354 = tpu.memref_slice %dma_start3A_352[%mul3A_347, %dma_start3A_353] : memref<10000x128xf32, #tpu.memory_space<hbm>> -> memref<16x128xf32, #tpu.memory_space<hbm>>
        %dma_start3A_355 = arith.constant 0 : i32
        %dma_start3A_356 = tpu.memref_slice %arg18[%mul3A_347, %dma_start3A_355] : memref<10000x128xf32, #tpu.memory_space<vmem_shared>> -> memref<16x128xf32, #tpu.memory_space<vmem_shared>>
        tpu.enqueue_dma source(%dma_start3A_356 : memref<16x128xf32, #tpu.memory_space<vmem_shared>>) target(%dma_start3A_354 : memref<16x128xf32, #tpu.memory_space<hbm>>) target_semaphore(%run_scoped3A_348 : memref<!tpu.dma_semaphore, #tpu.memory_space<semaphore_mem>>)
        %dma_wait3A_357 = arith.constant 0 : i32
        %dma_wait3A_358 = arith.constant 0 : i32
        %dma_wait3A_359 = tpu.memref_slice %arg4[%arg0, %dma_wait3A_357, %dma_wait3A_358] : memref<2x10000x128xf32, #tpu.memory_space<hbm>> -> memref<1x10000x128xf32, #tpu.memory_space<hbm>>
        %dma_wait3A_360 = tpu.memref_squeeze %dma_wait3A_359 : memref<1x10000x128xf32, #tpu.memory_space<hbm>> -> memref<10000x128xf32, #tpu.memory_space<hbm>>
        %dma_wait3A_361 = arith.constant 0 : i32
        %dma_wait3A_362 = tpu.memref_slice %dma_wait3A_360[%mul3A_347, %dma_wait3A_361] : memref<10000x128xf32, #tpu.memory_space<hbm>> -> memref<16x128xf32, #tpu.memory_space<hbm>>
        %dma_wait3A_363 = arith.constant 0 : i32
        %dma_wait3A_364 = tpu.memref_slice %arg18[%mul3A_347, %dma_wait3A_363] : memref<10000x128xf32, #tpu.memory_space<vmem_shared>> -> memref<16x128xf32, #tpu.memory_space<vmem_shared>>
        tpu.wait_dma2 semaphore(%run_scoped3A_348 : memref<!tpu.dma_semaphore, #tpu.memory_space<semaphore_mem>>) src(%dma_wait3A_364 : memref<16x128xf32, #tpu.memory_space<vmem_shared>>) dst(%dma_wait3A_362 : memref<16x128xf32, #tpu.memory_space<hbm>>)
        tpu.yield
      }) : () -> ()
    }
    %while3A_341 = arith.constant 1 : i32
    scf.for %while3A_342 = %while3A_339 to %while3A_335 step %while3A_341  : i32 {
      %mul3A_343 = arith.constant 16 : i32
      %mul3A_344 = arith.muli %mul3A_343, %while3A_342 : i32
      %add3A_345 = arith.addi %arg1, %mul3A_344 : i32
      %mul3A_346 = arith.constant 16 : i32
      %mul3A_347 = arith.muli %add3A_345, %mul3A_346 : i32
      "tpu.region"() ({
        %run_scoped3A_348 = tpu.sem_alloc : memref<!tpu.dma_semaphore, #tpu.memory_space<semaphore_mem>>
        %dma_start3A_349 = arith.constant 0 : i32
        %dma_start3A_350 = arith.constant 0 : i32
        %dma_start3A_351 = tpu.memref_slice %arg4[%arg0, %dma_start3A_349, %dma_start3A_350] : memref<2x10000x128xf32, #tpu.memory_space<hbm>> -> memref<1x10000x128xf32, #tpu.memory_space<hbm>>
        %dma_start3A_352 = tpu.memref_squeeze %dma_start3A_351 : memref<1x10000x128xf32, #tpu.memory_space<hbm>> -> memref<10000x128xf32, #tpu.memory_space<hbm>>
        %dma_start3A_353 = arith.constant 0 : i32
        %dma_start3A_354 = tpu.memref_slice %dma_start3A_352[%mul3A_347, %dma_start3A_353] : memref<10000x128xf32, #tpu.memory_space<hbm>> -> memref<16x128xf32, #tpu.memory_space<hbm>>
        %dma_start3A_355 = arith.constant 0 : i32
        %dma_start3A_356 = tpu.memref_slice %arg18[%mul3A_347, %dma_start3A_355] : memref<10000x128xf32, #tpu.memory_space<vmem_shared>> -> memref<16x128xf32, #tpu.memory_space<vmem_shared>>
        tpu.enqueue_dma source(%dma_start3A_356 : memref<16x128xf32, #tpu.memory_space<vmem_shared>>) target(%dma_start3A_354 : memref<16x128xf32, #tpu.memory_space<hbm>>) target_semaphore(%run_scoped3A_348 : memref<!tpu.dma_semaphore, #tpu.memory_space<semaphore_mem>>)
        %dma_wait3A_357 = arith.constant 0 : i32
        %dma_wait3A_358 = arith.constant 0 : i32
        %dma_wait3A_359 = tpu.memref_slice %arg4[%arg0, %dma_wait3A_357, %dma_wait3A_358] : memref<2x10000x128xf32, #tpu.memory_space<hbm>> -> memref<1x10000x128xf32, #tpu.memory_space<hbm>>
        %dma_wait3A_360 = tpu.memref_squeeze %dma_wait3A_359 : memref<1x10000x128xf32, #tpu.memory_space<hbm>> -> memref<10000x128xf32, #tpu.memory_space<hbm>>
        %dma_wait3A_361 = arith.constant 0 : i32
        %dma_wait3A_362 = tpu.memref_slice %dma_wait3A_360[%mul3A_347, %dma_wait3A_361] : memref<10000x128xf32, #tpu.memory_space<hbm>> -> memref<16x128xf32, #tpu.memory_space<hbm>>
        %dma_wait3A_363 = arith.constant 0 : i32
        %dma_wait3A_364 = tpu.memref_slice %arg18[%mul3A_347, %dma_wait3A_363] : memref<10000x128xf32, #tpu.memory_space<vmem_shared>> -> memref<16x128xf32, #tpu.memory_space<vmem_shared>>
        tpu.wait_dma2 semaphore(%run_scoped3A_348 : memref<!tpu.dma_semaphore, #tpu.memory_space<semaphore_mem>>) src(%dma_wait3A_364 : memref<16x128xf32, #tpu.memory_space<vmem_shared>>) dst(%dma_wait3A_362 : memref<16x128xf32, #tpu.memory_space<hbm>>)
        tpu.yield
      }) : () -> ()
    }
    return
  }
}

module attributes {stable_mosaic.version = 14 : i64} {
  func.func @_emb_body(%arg0: memref<10000x1xi32, #tpu.memory_space<vmem>>, %arg1: memref<2x128xf32, #tpu.memory_space<vmem>>, %arg2: memref<10000x128xf32, #tpu.memory_space<vmem>>) attributes {dimension_semantics = [], scalar_prefetch = 0 : i64, scratch_operands = 0 : i64, tpu.core_type = #tpu.core_type<tc>} {
    %get3A = arith.constant 0 : index
    %get3A_0 = arith.constant 0 : index
    %get3A_1 = vector.load %arg0[%get3A, %get3A_0] : memref<10000x1xi32, #tpu.memory_space<vmem>>, vector<10000x1xi32>
    %get3A_2 = arith.constant 0 : index
    %get3A_3 = arith.constant 0 : index
    %get3A_4 = vector.load %arg1[%get3A_2, %get3A_3] : memref<2x128xf32, #tpu.memory_space<vmem>>, vector<1x128xf32>
    %get3A_5 = arith.constant 1 : index
    %get3A_6 = arith.constant 0 : index
    %get3A_7 = vector.load %arg1[%get3A_5, %get3A_6] : memref<2x128xf32, #tpu.memory_space<vmem>>, vector<1x128xf32>
    %eq3A = arith.constant 1 : i32
    %eq3A_8 = vector.broadcast %eq3A : i32 to vector<10000x1xi32>
    %eq3A_9 = arith.cmpi eq, %get3A_1, %eq3A_8 : vector<10000x1xi32>
    %broadcast_in_dim3A = vector.shape_cast %eq3A_9 : vector<10000x1xi1> to vector<10000x1xi1>
    %broadcast_in_dim3A_10 = vector.broadcast %broadcast_in_dim3A : vector<10000x1xi1> to vector<10000x128xi1>
    %broadcast_in_dim3A_11 = vector.shape_cast %get3A_7 : vector<1x128xf32> to vector<1x128xf32>
    %broadcast_in_dim3A_12 = vector.broadcast %broadcast_in_dim3A_11 : vector<1x128xf32> to vector<10000x128xf32>
    %broadcast_in_dim3A_13 = vector.shape_cast %get3A_4 : vector<1x128xf32> to vector<1x128xf32>
    %broadcast_in_dim3A_14 = vector.broadcast %broadcast_in_dim3A_13 : vector<1x128xf32> to vector<10000x128xf32>
    %select_n3A = arith.select %broadcast_in_dim3A_10, %broadcast_in_dim3A_12, %broadcast_in_dim3A_14 : vector<10000x128xi1>, vector<10000x128xf32>
    %swap3A = arith.constant 0 : index
    %swap3A_15 = arith.constant 0 : index
    %swap3A_16 = vector.load %arg2[%swap3A, %swap3A_15] : memref<10000x128xf32, #tpu.memory_space<vmem>>, vector<10000x128xf32>
    tpu.vector_store %arg2[%swap3A, %swap3A_15], %select_n3A {strides = array<i32>} : memref<10000x128xf32, #tpu.memory_space<vmem>>, vector<10000x128xf32>,
    return
  }
}

module attributes {stable_mosaic.version = 14 : i64} {
  func.func @_layer_body(%arg0: memref<10000x128xf32, #tpu.memory_space<vmem>>, %arg1: memref<2x10000x128xf32, #tpu.memory_space<vmem>>, %arg2: memref<128x128xf32, #tpu.memory_space<vmem>>, %arg3: memref<128x128xf32, #tpu.memory_space<vmem>>, %arg4: memref<1x128xf32, #tpu.memory_space<vmem>>, %arg5: memref<1x128xf32, #tpu.memory_space<vmem>>, %arg6: memref<1x128xf32, #tpu.memory_space<vmem>>, %arg7: memref<1x128xf32, #tpu.memory_space<vmem>>, %arg8: memref<10000x128xf32, #tpu.memory_space<vmem>>) attributes {dimension_semantics = [], scalar_prefetch = 0 : i64, scratch_operands = 0 : i64, tpu.core_type = #tpu.core_type<tc>} {
    %get3A = arith.constant 0 : index
    %get3A_0 = arith.constant 0 : index
    %get3A_1 = vector.load %arg0[%get3A, %get3A_0] : memref<10000x128xf32, #tpu.memory_space<vmem>>, vector<10000x128xf32>
    %get3A_2 = arith.constant 0 : index
    %get3A_3 = arith.constant 0 : index
    %get3A_4 = arith.constant 0 : index
    %get3A_5 = vector.load %arg1[%get3A_2, %get3A_3, %get3A_4] : memref<2x10000x128xf32, #tpu.memory_space<vmem>>, vector<1x10000x128xf32>
    %get3A_6 = vector.shape_cast %get3A_5 : vector<1x10000x128xf32> to vector<10000x128xf32>
    %add3A = arith.addf %get3A_1, %get3A_6 : vector<10000x128xf32>
    %get3A_7 = arith.constant 1 : index
    %get3A_8 = arith.constant 0 : index
    %get3A_9 = arith.constant 0 : index
    %get3A_10 = vector.load %arg1[%get3A_7, %get3A_8, %get3A_9] : memref<2x10000x128xf32, #tpu.memory_space<vmem>>, vector<1x10000x128xf32>
    %get3A_11 = vector.shape_cast %get3A_10 : vector<1x10000x128xf32> to vector<10000x128xf32>
    %add3A_12 = arith.addf %add3A, %get3A_11 : vector<10000x128xf32>
    %get3A_13 = arith.constant 0 : index
    %get3A_14 = arith.constant 0 : index
    %get3A_15 = vector.load %arg2[%get3A_13, %get3A_14] : memref<128x128xf32, #tpu.memory_space<vmem>>, vector<128x128xf32>
    %dot_general3A = arith.constant dense<0.000000e+00> : vector<10000x128xf32>
    %dot_general3A_16 = tpu.matmul %add3A_12, %get3A_15, %dot_general3A {dimension_numbers = #tpu.dot_dimension_numbers<[1], [0], [0], [1], [0, 0, 1, 1], [], []>, transpose_lhs_hint = false} : vector<10000x128xf32>, vector<128x128xf32>, vector<10000x128xf32> -> vector<10000x128xf32>
    %reduce_sum3A = arith.constant dense<0.000000e+00> : vector<128xf32>
    %reduce_sum3A_17 = vector.multi_reduction <add>, %dot_general3A_16, %reduce_sum3A [0] : vector<10000x128xf32> to vector<128xf32>
    %broadcast_in_dim3A = vector.shape_cast %reduce_sum3A_17 : vector<128xf32> to vector<1x128xf32>
    %div3A = arith.constant 1.000000e+04 : f32
    %div3A_18 = vector.broadcast %div3A : f32 to vector<1x128xf32>
    %div3A_19 = arith.divf %broadcast_in_dim3A, %div3A_18 : vector<1x128xf32>
    %sub3A = vector.broadcast %div3A_19 : vector<1x128xf32> to vector<10000x128xf32>
    %sub3A_20 = arith.subf %dot_general3A_16, %sub3A : vector<10000x128xf32>
    %sub3A_21 = vector.broadcast %div3A_19 : vector<1x128xf32> to vector<10000x128xf32>
    %sub3A_22 = arith.subf %dot_general3A_16, %sub3A_21 : vector<10000x128xf32>
    %mul3A = arith.mulf %sub3A_20, %sub3A_22 : vector<10000x128xf32>
    %reduce_sum3A_23 = arith.constant dense<0.000000e+00> : vector<128xf32>
    %reduce_sum3A_24 = vector.multi_reduction <add>, %mul3A, %reduce_sum3A_23 [0] : vector<10000x128xf32> to vector<128xf32>
    %broadcast_in_dim3A_25 = vector.shape_cast %reduce_sum3A_24 : vector<128xf32> to vector<1x128xf32>
    %div3A_26 = arith.constant 1.000000e+04 : f32
    %div3A_27 = vector.broadcast %div3A_26 : f32 to vector<1x128xf32>
    %div3A_28 = arith.divf %broadcast_in_dim3A_25, %div3A_27 : vector<1x128xf32>
    %sub3A_29 = vector.broadcast %div3A_19 : vector<1x128xf32> to vector<10000x128xf32>
    %sub3A_30 = arith.subf %dot_general3A_16, %sub3A_29 : vector<10000x128xf32>
    %add3A_31 = arith.constant 9.99999974E-6 : f32
    %add3A_32 = vector.broadcast %add3A_31 : f32 to vector<1x128xf32>
    %add3A_33 = arith.addf %div3A_28, %add3A_32 : vector<1x128xf32>
    %sqrt3A = math.sqrt %add3A_33 : vector<1x128xf32>
    %div3A_34 = vector.broadcast %sqrt3A : vector<1x128xf32> to vector<10000x128xf32>
    %div3A_35 = arith.divf %sub3A_30, %div3A_34 : vector<10000x128xf32>
    %get3A_36 = arith.constant 0 : index
    %get3A_37 = arith.constant 0 : index
    %get3A_38 = vector.load %arg4[%get3A_36, %get3A_37] : memref<1x128xf32, #tpu.memory_space<vmem>>, vector<1x128xf32>
    %mul3A_39 = vector.broadcast %get3A_38 : vector<1x128xf32> to vector<10000x128xf32>
    %mul3A_40 = arith.mulf %div3A_35, %mul3A_39 : vector<10000x128xf32>
    %get3A_41 = arith.constant 0 : index
    %get3A_42 = arith.constant 0 : index
    %get3A_43 = vector.load %arg5[%get3A_41, %get3A_42] : memref<1x128xf32, #tpu.memory_space<vmem>>, vector<1x128xf32>
    %add3A_44 = vector.broadcast %get3A_43 : vector<1x128xf32> to vector<10000x128xf32>
    %add3A_45 = arith.addf %mul3A_40, %add3A_44 : vector<10000x128xf32>
    %max3A = arith.constant 0.000000e+00 : f32
    %max3A_46 = vector.broadcast %max3A : f32 to vector<10000x128xf32>
    %max3A_47 = arith.maximumf %add3A_45, %max3A_46 : vector<10000x128xf32>
    %get3A_48 = arith.constant 0 : index
    %get3A_49 = arith.constant 0 : index
    %get3A_50 = vector.load %arg3[%get3A_48, %get3A_49] : memref<128x128xf32, #tpu.memory_space<vmem>>, vector<128x128xf32>
    %dot_general3A_51 = arith.constant dense<0.000000e+00> : vector<10000x128xf32>
    %dot_general3A_52 = tpu.matmul %max3A_47, %get3A_50, %dot_general3A_51 {dimension_numbers = #tpu.dot_dimension_numbers<[1], [0], [0], [1], [0, 0, 1, 1], [], []>, transpose_lhs_hint = false} : vector<10000x128xf32>, vector<128x128xf32>, vector<10000x128xf32> -> vector<10000x128xf32>
    %reduce_sum3A_53 = arith.constant dense<0.000000e+00> : vector<128xf32>
    %reduce_sum3A_54 = vector.multi_reduction <add>, %dot_general3A_52, %reduce_sum3A_53 [0] : vector<10000x128xf32> to vector<128xf32>
    %broadcast_in_dim3A_55 = vector.shape_cast %reduce_sum3A_54 : vector<128xf32> to vector<1x128xf32>
    %div3A_56 = arith.constant 1.000000e+04 : f32
    %div3A_57 = vector.broadcast %div3A_56 : f32 to vector<1x128xf32>
    %div3A_58 = arith.divf %broadcast_in_dim3A_55, %div3A_57 : vector<1x128xf32>
    %sub3A_59 = vector.broadcast %div3A_58 : vector<1x128xf32> to vector<10000x128xf32>
    %sub3A_60 = arith.subf %dot_general3A_52, %sub3A_59 : vector<10000x128xf32>
    %sub3A_61 = vector.broadcast %div3A_58 : vector<1x128xf32> to vector<10000x128xf32>
    %sub3A_62 = arith.subf %dot_general3A_52, %sub3A_61 : vector<10000x128xf32>
    %mul3A_63 = arith.mulf %sub3A_60, %sub3A_62 : vector<10000x128xf32>
    %reduce_sum3A_64 = arith.constant dense<0.000000e+00> : vector<128xf32>
    %reduce_sum3A_65 = vector.multi_reduction <add>, %mul3A_63, %reduce_sum3A_64 [0] : vector<10000x128xf32> to vector<128xf32>
    %broadcast_in_dim3A_66 = vector.shape_cast %reduce_sum3A_65 : vector<128xf32> to vector<1x128xf32>
    %div3A_67 = arith.constant 1.000000e+04 : f32
    %div3A_68 = vector.broadcast %div3A_67 : f32 to vector<1x128xf32>
    %div3A_69 = arith.divf %broadcast_in_dim3A_66, %div3A_68 : vector<1x128xf32>
    %sub3A_70 = vector.broadcast %div3A_58 : vector<1x128xf32> to vector<10000x128xf32>
    %sub3A_71 = arith.subf %dot_general3A_52, %sub3A_70 : vector<10000x128xf32>
    %add3A_72 = arith.constant 9.99999974E-6 : f32
    %add3A_73 = vector.broadcast %add3A_72 : f32 to vector<1x128xf32>
    %add3A_74 = arith.addf %div3A_69, %add3A_73 : vector<1x128xf32>
    %sqrt3A_75 = math.sqrt %add3A_74 : vector<1x128xf32>
    %div3A_76 = vector.broadcast %sqrt3A_75 : vector<1x128xf32> to vector<10000x128xf32>
    %div3A_77 = arith.divf %sub3A_71, %div3A_76 : vector<10000x128xf32>
    %get3A_78 = arith.constant 0 : index
    %get3A_79 = arith.constant 0 : index
    %get3A_80 = vector.load %arg6[%get3A_78, %get3A_79] : memref<1x128xf32, #tpu.memory_space<vmem>>, vector<1x128xf32>
    %mul3A_81 = vector.broadcast %get3A_80 : vector<1x128xf32> to vector<10000x128xf32>
    %mul3A_82 = arith.mulf %div3A_77, %mul3A_81 : vector<10000x128xf32>
    %get3A_83 = arith.constant 0 : index
    %get3A_84 = arith.constant 0 : index
    %get3A_85 = vector.load %arg7[%get3A_83, %get3A_84] : memref<1x128xf32, #tpu.memory_space<vmem>>, vector<1x128xf32>
    %add3A_86 = vector.broadcast %get3A_85 : vector<1x128xf32> to vector<10000x128xf32>
    %add3A_87 = arith.addf %mul3A_82, %add3A_86 : vector<10000x128xf32>
    %gt3A = arith.constant 0.000000e+00 : f32
    %gt3A_88 = vector.broadcast %gt3A : f32 to vector<10000x128xf32>
    %gt3A_89 = arith.cmpf ogt, %add3A_87, %gt3A_88 : vector<10000x128xf32>
    %min3A = arith.constant 0.000000e+00 : f32
    %min3A_90 = vector.broadcast %min3A : f32 to vector<10000x128xf32>
    %min3A_91 = arith.minimumf %add3A_87, %min3A_90 : vector<10000x128xf32>
    %exp3A = math.exp %min3A_91 : vector<10000x128xf32>
    %sub3A_92 = arith.constant 1.000000e+00 : f32
    %sub3A_93 = vector.broadcast %sub3A_92 : f32 to vector<10000x128xf32>
    %sub3A_94 = arith.subf %exp3A, %sub3A_93 : vector<10000x128xf32>
    %select_n3A = arith.select %gt3A_89, %add3A_87, %sub3A_94 : vector<10000x128xi1>, vector<10000x128xf32>
    %swap3A = arith.constant 0 : index
    %swap3A_95 = arith.constant 0 : index
    %swap3A_96 = vector.load %arg8[%swap3A, %swap3A_95] : memref<10000x128xf32, #tpu.memory_space<vmem>>, vector<10000x128xf32>
    tpu.vector_store %arg8[%swap3A, %swap3A_95], %select_n3A {strides = array<i32>} : memref<10000x128xf32, #tpu.memory_space<vmem>>, vector<10000x128xf32>,
    return
  }
}

module attributes {stable_mosaic.version = 14 : i64} {
  func.func @_readout_body(%arg0: i32, %arg1: memref<1000x128xf32, #tpu.memory_space<vmem>>, %arg2: memref<1000x128xf32, #tpu.memory_space<vmem>>, %arg3: memref<1000x128xf32, #tpu.memory_space<vmem>>, %arg4: memref<1000x128xf32, #tpu.memory_space<vmem>>, %arg5: memref<4x128x128xf32, #tpu.memory_space<vmem>>, %arg6: memref<1x128xf32, #tpu.memory_space<vmem>>, %arg7: memref<128x1xf32, #tpu.memory_space<vmem>>, %arg8: memref<1x1xf32, #tpu.memory_space<vmem>>, %arg9: memref<1000x1xf32, #tpu.memory_space<vmem>>) attributes {dimension_semantics = [#tpu.dimension_semantics<arbitrary>], iteration_bounds = array<i64: 10>, scalar_prefetch = 0 : i64, scratch_operands = 0 : i64, tpu.core_type = #tpu.core_type<tc>, window_params = [{transform_indices = @transform_0, window_bounds = array<i64: 1000, 128>}, {transform_indices = @transform_1, window_bounds = array<i64: 1000, 128>}, {transform_indices = @transform_2, window_bounds = array<i64: 1000, 128>}, {transform_indices = @transform_3, window_bounds = array<i64: 1000, 128>}, {pipeline_mode = #tpu.pipeline_mode<synchronous>, transform_indices = @transform_4, window_bounds = array<i64: 4, 128, 128>}, {pipeline_mode = #tpu.pipeline_mode<synchronous>, transform_indices = @transform_5, window_bounds = array<i64: 1, 128>}, {pipeline_mode = #tpu.pipeline_mode<synchronous>, transform_indices = @transform_6, window_bounds = array<i64: 128, 1>}, {pipeline_mode = #tpu.pipeline_mode<synchronous>, transform_indices = @transform_7, window_bounds = array<i64: 1, 1>}, {transform_indices = @transform_8, window_bounds = array<i64: 1000, 1>}]} {
    %get3A = arith.constant 0 : index
    %get3A_0 = arith.constant 0 : index
    %get3A_1 = vector.load %arg1[%get3A, %get3A_0] : memref<1000x128xf32, #tpu.memory_space<vmem>>, vector<1000x128xf32>
    %get3A_2 = arith.constant 0 : index
    %get3A_3 = arith.constant 0 : index
    %get3A_4 = arith.constant 0 : index
    %get3A_5 = vector.load %arg5[%get3A_2, %get3A_3, %get3A_4] : memref<4x128x128xf32, #tpu.memory_space<vmem>>, vector<1x128x128xf32>
    %get3A_6 = vector.shape_cast %get3A_5 : vector<1x128x128xf32> to vector<128x128xf32>
    %dot_general3A = arith.constant dense<0.000000e+00> : vector<1000x128xf32>
    %dot_general3A_7 = tpu.matmul %get3A_1, %get3A_6, %dot_general3A {dimension_numbers = #tpu.dot_dimension_numbers<[1], [0], [0], [1], [0, 0, 1, 1], [], []>, transpose_lhs_hint = false} : vector<1000x128xf32>, vector<128x128xf32>, vector<1000x128xf32> -> vector<1000x128xf32>
    %get3A_8 = arith.constant 0 : index
    %get3A_9 = arith.constant 0 : index
    %get3A_10 = vector.load %arg2[%get3A_8, %get3A_9] : memref<1000x128xf32, #tpu.memory_space<vmem>>, vector<1000x128xf32>
    %get3A_11 = arith.constant 1 : index
    %get3A_12 = arith.constant 0 : index
    %get3A_13 = arith.constant 0 : index
    %get3A_14 = vector.load %arg5[%get3A_11, %get3A_12, %get3A_13] : memref<4x128x128xf32, #tpu.memory_space<vmem>>, vector<1x128x128xf32>
    %get3A_15 = vector.shape_cast %get3A_14 : vector<1x128x128xf32> to vector<128x128xf32>
    %dot_general3A_16 = arith.constant dense<0.000000e+00> : vector<1000x128xf32>
    %dot_general3A_17 = tpu.matmul %get3A_10, %get3A_15, %dot_general3A_16 {dimension_numbers = #tpu.dot_dimension_numbers<[1], [0], [0], [1], [0, 0, 1, 1], [], []>, transpose_lhs_hint = false} : vector<1000x128xf32>, vector<128x128xf32>, vector<1000x128xf32> -> vector<1000x128xf32>
    %add3A = arith.addf %dot_general3A_7, %dot_general3A_17 : vector<1000x128xf32>
    %get3A_18 = arith.constant 0 : index
    %get3A_19 = arith.constant 0 : index
    %get3A_20 = vector.load %arg3[%get3A_18, %get3A_19] : memref<1000x128xf32, #tpu.memory_space<vmem>>, vector<1000x128xf32>
    %get3A_21 = arith.constant 2 : index
    %get3A_22 = arith.constant 0 : index
    %get3A_23 = arith.constant 0 : index
    %get3A_24 = vector.load %arg5[%get3A_21, %get3A_22, %get3A_23] : memref<4x128x128xf32, #tpu.memory_space<vmem>>, vector<1x128x128xf32>
    %get3A_25 = vector.shape_cast %get3A_24 : vector<1x128x128xf32> to vector<128x128xf32>
    %dot_general3A_26 = arith.constant dense<0.000000e+00> : vector<1000x128xf32>
    %dot_general3A_27 = tpu.matmul %get3A_20, %get3A_25, %dot_general3A_26 {dimension_numbers = #tpu.dot_dimension_numbers<[1], [0], [0], [1], [0, 0, 1, 1], [], []>, transpose_lhs_hint = false} : vector<1000x128xf32>, vector<128x128xf32>, vector<1000x128xf32> -> vector<1000x128xf32>
    %add3A_28 = arith.addf %add3A, %dot_general3A_27 : vector<1000x128xf32>
    %get3A_29 = arith.constant 0 : index
    %get3A_30 = arith.constant 0 : index
    %get3A_31 = vector.load %arg4[%get3A_29, %get3A_30] : memref<1000x128xf32, #tpu.memory_space<vmem>>, vector<1000x128xf32>
    %get3A_32 = arith.constant 3 : index
    %get3A_33 = arith.constant 0 : index
    %get3A_34 = arith.constant 0 : index
    %get3A_35 = vector.load %arg5[%get3A_32, %get3A_33, %get3A_34] : memref<4x128x128xf32, #tpu.memory_space<vmem>>, vector<1x128x128xf32>
    %get3A_36 = vector.shape_cast %get3A_35 : vector<1x128x128xf32> to vector<128x128xf32>
    %dot_general3A_37 = arith.constant dense<0.000000e+00> : vector<1000x128xf32>
    %dot_general3A_38 = tpu.matmul %get3A_31, %get3A_36, %dot_general3A_37 {dimension_numbers = #tpu.dot_dimension_numbers<[1], [0], [0], [1], [0, 0, 1, 1], [], []>, transpose_lhs_hint = false} : vector<1000x128xf32>, vector<128x128xf32>, vector<1000x128xf32> -> vector<1000x128xf32>
    %add3A_39 = arith.addf %add3A_28, %dot_general3A_38 : vector<1000x128xf32>
    %get3A_40 = arith.constant 0 : index
    %get3A_41 = arith.constant 0 : index
    %get3A_42 = vector.load %arg6[%get3A_40, %get3A_41] : memref<1x128xf32, #tpu.memory_space<vmem>>, vector<1x128xf32>
    %add3A_43 = vector.broadcast %get3A_42 : vector<1x128xf32> to vector<1000x128xf32>
    %add3A_44 = arith.addf %add3A_39, %add3A_43 : vector<1000x128xf32>
    %max3A = arith.constant 0.000000e+00 : f32
    %max3A_45 = vector.broadcast %max3A : f32 to vector<1000x128xf32>
    %max3A_46 = arith.maximumf %add3A_44, %max3A_45 : vector<1000x128xf32>
    %get3A_47 = arith.constant 0 : index
    %get3A_48 = arith.constant 0 : index
    %get3A_49 = vector.load %arg7[%get3A_47, %get3A_48] : memref<128x1xf32, #tpu.memory_space<vmem>>, vector<128x1xf32>
    %dot_general3A_50 = arith.constant dense<0.000000e+00> : vector<1000x1xf32>
    %dot_general3A_51 = tpu.matmul %max3A_46, %get3A_49, %dot_general3A_50 {dimension_numbers = #tpu.dot_dimension_numbers<[1], [0], [0], [1], [0, 0, 1, 1], [], []>, transpose_lhs_hint = false} : vector<1000x128xf32>, vector<128x1xf32>, vector<1000x1xf32> -> vector<1000x1xf32>
    %get3A_52 = arith.constant 0 : index
    %get3A_53 = arith.constant 0 : index
    %get3A_54 = vector.load %arg8[%get3A_52, %get3A_53] : memref<1x1xf32, #tpu.memory_space<vmem>>, vector<1x1xf32>
    %add3A_55 = vector.broadcast %get3A_54 : vector<1x1xf32> to vector<1000x1xf32>
    %add3A_56 = arith.addf %dot_general3A_51, %add3A_55 : vector<1000x1xf32>
    %swap3A = arith.constant 0 : index
    %swap3A_57 = arith.constant 0 : index
    %swap3A_58 = vector.load %arg9[%swap3A, %swap3A_57] : memref<1000x1xf32, #tpu.memory_space<vmem>>, vector<1000x1xf32>
    tpu.vector_store %arg9[%swap3A, %swap3A_57], %add3A_56 {strides = array<i32>} : memref<1000x1xf32, #tpu.memory_space<vmem>>, vector<1000x1xf32>,
    return
  }
  func.func @transform_0(%arg0: i32) -> (i32, i32) {
    %c0_i32 = arith.constant 0 : i32
    %c0_i32_0 = arith.constant 0 : i32
    return %arg0, %c0_i32 : i32, i32
  }
  func.func @transform_1(%arg0: i32) -> (i32, i32) {
    %c0_i32 = arith.constant 0 : i32
    %c0_i32_0 = arith.constant 0 : i32
    return %arg0, %c0_i32 : i32, i32
  }
  func.func @transform_2(%arg0: i32) -> (i32, i32) {
    %c0_i32 = arith.constant 0 : i32
    %c0_i32_0 = arith.constant 0 : i32
    return %arg0, %c0_i32 : i32, i32
  }
  func.func @transform_3(%arg0: i32) -> (i32, i32) {
    %c0_i32 = arith.constant 0 : i32
    %c0_i32_0 = arith.constant 0 : i32
    return %arg0, %c0_i32 : i32, i32
  }
  func.func @transform_4(%arg0: i32) -> (i32, i32, i32) {
    %c0_i32 = arith.constant 0 : i32
    %c0_i32_0 = arith.constant 0 : i32
    %c0_i32_1 = arith.constant 0 : i32
    %c0_i32_2 = arith.constant 0 : i32
    return %c0_i32, %c0_i32_0, %c0_i32_1 : i32, i32, i32
  }
  func.func @transform_5(%arg0: i32) -> (i32, i32) {
    %c0_i32 = arith.constant 0 : i32
    %c0_i32_0 = arith.constant 0 : i32
    %c0_i32_1 = arith.constant 0 : i32
    return %c0_i32, %c0_i32_0 : i32, i32
  }
  func.func @transform_6(%arg0: i32) -> (i32, i32) {
    %c0_i32 = arith.constant 0 : i32
    %c0_i32_0 = arith.constant 0 : i32
    %c0_i32_1 = arith.constant 0 : i32
    return %c0_i32, %c0_i32_0 : i32, i32
  }
  func.func @transform_7(%arg0: i32) -> (i32, i32) {
    %c0_i32 = arith.constant 0 : i32
    %c0_i32_0 = arith.constant 0 : i32
    %c0_i32_1 = arith.constant 0 : i32
    return %c0_i32, %c0_i32_0 : i32, i32
  }
  func.func @transform_8(%arg0: i32) -> (i32, i32) {
    %c0_i32 = arith.constant 0 : i32
    %c0_i32_0 = arith.constant 0 : i32
    return %arg0, %c0_i32 : i32, i32
  }
}

</mosaic_0001>

<sc_bundles>
// kernel: kernel.10.cloned.1.call-start
scs
__scs_entry_jumppad:
0x0: {  	(pc) =	sbr.rel $0x88, $3  }
0x1: {  	(tag) =	ssettag $0x0;
	lr =	simm.s32 $0x1  }
0x2: {  	[smem:$0x3F94] =	sst lr;
	_ =	strace $0xD0000000  }
0x3: {  	_ = 	snop  }
0x4: {  	_ = 	snop  }
0x5: {  	_ = 	snop  }
0x6: {  	_ = 	snop  }
0x7: {  	_ = 	snop  }
__scs_overlays_trampoline_lowered:
0x8: {  	[smem:$0x3FA3] =	sst s0  }
0x9: {  	[smem:$0x3FA4] =	sst s1  }
0xa: {  	[smem:$0x3FA5] =	sst s2  }
0xb: {  	[smem:$0x3FA6] =	sst s3  }
0xc: {  	[smem:$0x3FA7] =	sst s4  }
0xd: {  	[smem:$0x3FA8] =	sst s5  }
0xe: {  	[smem:$0x3FA9] =	sst s6  }
0xf: {  	[smem:$0x3FAA] =	sst s7  }
0x10: {  	[smem:$0x3FAB] =	sst s8  }
0x11: {  	[smem:$0x3FAC] =	sst s9;
	s0 =	simm.s32 @!p0 $0x0  }
0x12: {  	s1 =	sld [smem:$0x3F92];
	s0 =	simm.s32 @p0 $0x1  }
0x13: {  	[smem:$0x3FAD] =	sst s0;
	s0 =	simm.s32 @!p1 $0x0  }
0x14: {  	s2 =	sld [smem:$0x3F91];
	s0 =	simm.s32 @p1 $0x1  }
0x15: {  	[smem:$0x3FAE] =	sst s0;
	s0 =	simm.s32 @!p2 $0x0  }
0x16: {  	s3 =	sld [smem:$0x3FDB];
	s0 =	simm.s32 @p2 $0x1  }
0x17: {  	s4 =	simm.s32 $0x1BF5;
	[smem:$0x3FB0] =	sst s0  }
0x18: {  	s0 =	sld [smem:$0x3F93];
	_ =	swait.ge [sflag:s4], $0x0  }
0x19: {  	s7 =	sld [smem:$0x3F94]  }
0x1a: {  	s8 =	sadd.s32 $0xFFFFE003, lr  }
0x1b: {  	s9 =	sadd.s32 $0xFFFFFEF7, lr;
	s5 =	simm.s32 $0xFFFFFFFF;
	p2 =	slt.u32 s8, $0xFFFFF086  }
0x1c: {  	p1 =	slt.u32 s9, $0xF7A;
	s5 =	simm.s32 @!p2 $0x0  }
0x1d: {  	s5 =	simm.s32 @p1 $0x1;
	p0 =	seq.s32 s7, s2  }
0x1e: {  	s7 =	smul.u32 @!p0 $0xF7A, s2;
	p2 =	seq.s32 @!p0 s5, $0x0  }
0x1f: {  	s9 =	smul.u32 $0xF7A, s1;
	s8 =	simm.s32 @!p0 $0x1BF5;
	p2 =	por !p2, p0  }
0x20: {  	[sflag:s8] =	ssyncset.s32 @!p0 $0xFFFFF086;
	s6 =	sadd.s32 @!p0 s3, s7;
	s7 =	simm.s32 @!p0 $0x108  }
0x21: {  	s3 =	sadd.s32 s3, s9;
	s6 =	sadd.s32 @!p0 $0x88, s6;
	s7 =	simm.s32 @p2 $0x1082  }
0x22: {  	[simem:s7], [sflag:s8] =	dma.local @!p0 [hbm:s6], $0xF7A  }
0x23: {  	s9 =	sor.u32 $0xD0000000, s2;
	s6 =	simm.s32 $0x108;
	_ =	swait.ge @!p0 [sflag:s8], $0x0  }
0x24: {  	s3 =	sadd.s32 $0x88, s3;
	s6 =	simm.s32 @!p1 $0x1082;
	[sflag:s4] =	ssyncset.s32 $0xFFFFF086  }
0x25: {  	[simem:s6], [sflag:s4] =	dma.local [hbm:s3], $0xF7A  }
0x26: {  	[smem:$0x3F94] =	sst s1;
	(tag) =	ssettag s2;
	_ =	strace s9  }
0x27: {  	s1 =	sld [smem:$0x3FA4]  }
0x28: {  	s2 =	sld [smem:$0x3FA5]  }
0x29: {  	s4 =	sld [smem:$0x3FA7]  }
0x2a: {  	p0 =	seq.s32 s5, $0x0;
	s5 =	sld [smem:$0x3FA8]  }
0x2b: {  	s6 =	sld [smem:$0x3FA9]  }
0x2c: {  	s7 =	sld [smem:$0x3FAA]  }
0x2d: {  	s3 =	simm.s32 $0x108;
	s8 =	sld [smem:$0x3FAB]  }
0x2e: {  	s3 =	simm.s32 @!p0 $0x1082;
	s9 =	sld [smem:$0x3FAC]  }
0x2f: {  	lr =	sadd.s32 s0, s3;
	s0 =	sld [smem:$0x3FA3]  }
0x30: {  	s3 =	sld [smem:$0x3FA6]  }
0x31: {  	[smem:$0x3FAF] =	sst s10  }
0x32: {  	s10 =	sld [smem:$0x3FAD];
	_ =	sdelay $0x3  }
0x33: {  	p0 =	seq.s32 s10, $0x1;
	s10 =	sld [smem:$0x3FAF];
	_ =	sdelay $0x3  }
0x34: {  	[smem:$0x3FAF] =	sst s10  }
0x35: {  	s10 =	sld [smem:$0x3FAE];
	_ =	sdelay $0x3  }
0x36: {  	p1 =	seq.s32 s10, $0x1;
	s10 =	sld [smem:$0x3FAF];
	_ =	sdelay $0x3  }
0x37: {  	[smem:$0x3FAF] =	sst s10  }
0x38: {  	s10 =	sld [smem:$0x3FB0]  }
0x39: {  	_ = 	snop;
	(pc) =	sbr.ind lr, $3  }
0x3a: {  	_ = 	snop  }
0x3b: {  	_ = 	snop  }
0x3c: {  	p2 =	seq.s32 s10, $0x1;
	s10 =	sld [smem:$0x3FAF]  }
0x3d: {  	_ =	shalt  }
0x3e: {  	_ =	shalt  }
0x3f: {  	_ =	shalt  }
0x40: {  	_ =	shalt  }
0x41: {  	_ =	shalt  }
0x42: {  	_ =	shalt  }
0x43: {  	_ =	shalt  }
0x44: {  	_ =	shalt  }
0x45: {  	_ =	shalt  }
0x46: {  	_ =	shalt  }
0x47: {  	_ =	shalt  }
0x48: {  	_ =	shalt  }
0x49: {  	_ =	shalt  }
0x4a: {  	_ =	shalt  }
0x4b: {  	_ =	shalt  }
0x4c: {  	_ =	shalt  }
0x4d: {  	_ =	shalt  }
0x4e: {  	_ =	shalt  }
0x4f: {  	_ =	shalt  }
0x50: {  	_ =	shalt  }
0x51: {  	_ =	shalt  }
0x52: {  	_ =	shalt  }
0x53: {  	_ =	shalt  }
0x54: {  	_ =	shalt  }
0x55: {  	_ =	shalt  }
0x56: {  	_ =	shalt  }
0x57: {  	_ =	shalt  }
0x58: {  	_ =	shalt  }
0x59: {  	_ =	shalt  }
0x5a: {  	_ =	shalt  }
0x5b: {  	_ =	shalt  }
0x5c: {  	_ =	shalt  }
0x5d: {  	_ =	shalt  }
0x5e: {  	_ =	shalt  }
0x5f: {  	_ =	shalt  }
0x60: {  	_ =	shalt  }
0x61: {  	_ =	shalt  }
0x62: {  	_ =	shalt  }
0x63: {  	_ =	shalt  }
0x64: {  	_ =	shalt  }
0x65: {  	_ =	shalt  }
0x66: {  	_ =	shalt  }
0x67: {  	_ =	shalt  }
0x68: {  	_ =	shalt  }
0x69: {  	_ =	shalt  }
0x6a: {  	_ =	shalt  }
0x6b: {  	_ =	shalt  }
0x6c: {  	_ =	shalt  }
0x6d: {  	_ =	shalt  }
0x6e: {  	_ =	shalt  }
0x6f: {  	_ =	shalt  }
0x70: {  	_ =	shalt  }
0x71: {  	_ =	shalt  }
0x72: {  	_ =	shalt  }
0x73: {  	_ =	shalt  }
0x74: {  	_ =	shalt  }
0x75: {  	_ =	shalt  }
0x76: {  	_ =	shalt  }
0x77: {  	_ =	shalt  }
0x78: {  	_ =	shalt  }
0x79: {  	_ =	shalt  }
0x7a: {  	_ =	shalt  }
0x7b: {  	_ =	shalt  }
0x7c: {  	_ =	shalt  }
0x7d: {  	_ =	shalt  }
0x7e: {  	_ =	shalt  }
0x7f: {  	_ =	shalt  }
0x80: {  	_ =	shalt  }
0x81: {  	_ =	shalt  }
0x82: {  	_ =	shalt  }
0x83: {  	_ =	shalt  }
0x84: {  	_ =	shalt  }
0x85: {  	_ =	shalt  }
0x86: {  	_ =	shalt  }
0x87: {  	_ =	shalt  }
.Lfunc_end0:
.L_simem_size_0:
called_computation_lowered:
.L_overlay_start_0:
0x88: {  	s2 =	sld [smem:$0x3FD9]  }
0x89: {  	s3 =	sld [smem:$0x3FFE];
	_ =	sdelay $0x1  }
0x8a: {  	s1 =	srdreg.scid  }
0x8b: {  	s0 =	sand.u32 $0x1, s1  }
0x8c: {  	s16 =	sshll.u32 s0, $0xA;
	s2 =	sadd.s32 s3, s2  }
0x8d: {  	s2 =	sadd.s32 s2, s16  }
0x8e: {  	[smem:$0x3FBB] =	sst s2  }
0x8f: {  	_ = 	snop  }
0x90: {  	(tm) =	ssettm $0x1  }
0x91: {  	s17 =	sld [smem:$0x3FFB];
	_ =	sdelay $0x3  }
0x92: {  	_ =	strace s17  }
0x93: {  	s2 =	sld [smem:$0x3FFC];
	_ =	sdelay $0x3  }
0x94: {  	_ =	strace s2  }
0x95: {  	s2 =	sld [smem:$0x3FFD];
	_ =	sdelay $0x3  }
0x96: {  	_ =	strace s2  }
0x97: {  	_ =	strace $0x8FFFFFFF  }
0x98: {  	s18 =	sld [smem:$0x3FDB];
	_ =	sdelay $0x1  }
0x99: {  	s19 =	simm.s32 $_scs_section_size  }
0x9a: {  	s4 =	simm.s32 $_size__tile_overlayer_lowered;
	s5 =	simm.s32 $_tile_overlayer_lowered  }
0x9b: {  	s22 =	simm.s32 $0x1BFF;
	s21 =	sshll.u32 s5, $0x1;
	s2 =	sadd.s32 s19, s18  }
0x9c: {  	s6 =	simm.s32 $0x0;
	s20 =	sshll.u32 s4, $0x1;
	s4 =	sadd.s32 s21, s2  }
0x9d: {  	[timem:s6], [sflag:s22] =	dma.local [hbm:s4], s20  }
0x9e: {  	_ =	swait.ge [sflag:s22], s20  }
0x9f: {  	s3 =	ssub.s32 $0x0, s20;
	[sflag:s22] =	ssyncset.done $0x0  }
0xa0: {  	[sflag:s22] =	ssyncadd.s32 s3;
	_ =	sdelay $0x1  }
0xa1: {  	s23 =	simm.s32 $0x1B8B  }
0xa2: {  	_ =	swait.ge [sflag:s23], $0x1  }
0xa3: {  	[sflag:s23] =	ssyncset.done $0x0  }
0xa4: {  	s25 =	simm.s32 $0x1B8E;
	s24 =	sld [smem:$0x3FFE];
	[sflag:s23] =	ssyncadd.s32 $0xFFFFFFFF  }
0xa5: {  	s26 =	simm.s32 $execute0_lowered;
	[smem:$0x3FD2] =	sst s25  }
0xa6: {  	s4 =	sshll.u32 s26, $0x1;
	_ =	strace $0x80000046;
	[dreg:$0x1] =	wrdreg $0xFFFFFFFF  }
0xa7: {  	s28 =	simm.s32 $_size_execute0_lowered;
	s2 =	sadd.s32 s2, s4;
	[dreg:$0x0] =	wrdreg $0x0  }
0xa8: {  	s4 =	sshll.u32 s28, $0x1;
	[dreg:$0x2] =	wrdreg s2  }
0xa9: {  	[dreg:$0x3] =	wrdreg s4  }
0xaa: {  	[dreg:$0x4] =	wrdreg $0xC0  }
0xab: {  	_ =	task [dreg:s6], $0x5FFFF  }
0xac: {  	[dreg:$0x1] =	wrdreg $0xFFFFFFFF  }
0xad: {  	[dreg:$0x0] =	wrdreg $0x60  }
0xae: {  	[dreg:$0x2] =	wrdreg s24  }
0xaf: {  	[dreg:$0x3] =	wrdreg $0x8B000  }
0xb0: {  	[dreg:$0x4] =	wrdreg $0x9  }
0xb1: {  	_ =	task.clear_ibuf [dreg:s6], $0x5FFFF;
	_ =	strace $0x90000046  }
0xb2: {  	s29 =	simm.s32 $0x9;
	_ =	strace $0x80000048  }
0xb3: {  	_ =	swait.ge [sflag:s29], $0x1  }
0xb4: {  	[sflag:s29] =	ssyncadd.s32 $0xFFFFFFFF  }
0xb5: {  	_ =	strace $0x90000048  }
0xb6: {  	_ =	sfence  }
0xb7: {  	s30 =	sld [smem:$0x0];
	_ =	sdelay $0x2  }
0xb8: {  	s31 =	sshll.u32 s1, $0xD;
	s1 =	sshrl.u32 s1, $0x2  }
0xb9: {  	s3 =	sand.u32 $0x4000, s31;
	s1 =	sadd.s32 s1, s30  }
0xba: {  	s0 =	sor.u32 s3, s0;
	s1 =	sshll.u32 s1, $0x11  }
0xbb: {  	s0 =	sor.u32 s1, s0  }
0xbc: {  	s0 =	sadd.s32 $0x8F2B, s0  }
0xbd: {  	[sflag:s0] =	ssyncadd.remote.s32 $0x1  }
0xbe: {  	_ =	sfence.sel $0xFFFF  }
0xbf: {  	[dreg:$0x0] =	wrdreg $0xFFFFFFFF;
	(pc) =	sbr.abs _section_cstart, $3  }
0xc0: {  	[dreg:$0x1] =	wrdreg $0xFFFFFFFF  }
0xc1: {  	_ =	task.clear_ibuf [dreg:s6], $0x2FFFF;
	_ =	strace $0x9FFFFFFF  }
0xc2: {  	(tm) =	ssettm $0x7FFFFFFF  }
0xc3: {  	_ =	shalt  }
tec
execute0_lowered:
.L_overlay_start_1:
0x0: {  	(tag) =	ssettag $0x1  }
0x1: {  	s1 =	srdreg.scid  }
0x2: {  	s0 =	stileid.u32;
	s5 =	rddreg [dreg:$0x0]  }
0x3: {  	s2 =	rddreg [dreg:$0x1];
	s3 =	simm.s32 $0x0;
	s12 =	simm.s32 $0x100  }
0x4: {  	s13 =	simm.s32 $0x300;
	s15 =	simm.s32 $0x80;
	s16 =	simm.s32 $0x2  }
0x5: {  	s17 =	simm.s32 $0x200;
	s18 =	simm.s32 $0x4300;
	s19 =	simm.s32 $0x3  }
0x6: {  	s20 =	simm.s32 $0x180;
	s21 =	simm.s32 $0x1;
	s22 =	simm.s32 $0x4  }
0x7: {  	s23 =	simm.s32 $0x280;
	s4 =	sand.u32 $0x1, s1;
	s1 =	rddreg [dreg:$0x2]  }
0x8: {  	s29 =	sshll.u32 s0, $0x1;
	[smem:$0x7FF] =	sst s3;
	p0 =	seq.s32 s0, $0x0  }
0x9: {  	s10 =	sshll.u32 s0, $0xB;
	s6 =	sor.u32 s4, s29;
	s7 =	smul.u32 $0x27100, s4  }
0xa: {  	s25 =	sshll.u32 s0, $0x8;
	s30 =	ssub.s32 $0x2, s4;
	s6 =	smul.u32 $0x500, s6  }
0xb: {  	_ =	strace $0x80000047;
	s4 =	sadd.s32 $0xD800, s5;
	s31 =	sshrl.u32 s30, $0x1  }
0xc: {  	s9 =	sadd.s32 s7, s5;
	s11 =	ssub.s32 s30, s31;
	s8 =	sadd.s32 s6, s5  }
0xd: {  	s5 =	simm.s32 $0x28;
	s6 =	sadd.s32 s10, s2;
	s24 =	sadd.s32 $0x34A00, s9  }
0xe: {  	s9 =	simm.s32 $0x8300;
	s10 =	simm.s32 $0x5;
	s5 =	simm.s32 @!p0 $0x27  }
0xf: {  	s7 =	sadd.s32 $0x3800, s8;
	s8 =	smax.u32 s11, $0x1;
	s11 =	simm.s32 $0x7D  }
0x10: {  	v0 =	vimm.f32 $0.0e+00;
	s24 =	sadd.s32 s24, s25;
	s25 =	simm.s32 $0x0;
	s14 =	sadd.s32 $0x10, s7  }
.LBB2_1:
0x11: {  	s26 =	simm.s32 $0x0;
	s28 =	simm.s32 $0x200  }
.LBB2_2:
0x12: {  	p0 =	sne.s32 s28, $0x1E00;
	[tilespmem:s26+$0x8370] =	vst v0  }
0x13: {  	[tilespmem:s26+$0x8300] =	vst v0  }
0x14: {  	[tilespmem:s26+$0x8310] =	vst v0  }
.Ltmp0:
0x15: {  	[tilespmem:s26+$0x8320] =	vst v0;
	(pc) =	sbr.rel @p0 .LBB2_2-.Ltmp0, $4  }
0x16: {  	[tilespmem:s26+$0x8330] =	vst v0  }
0x17: {  	[tilespmem:s26+$0x8340] =	vst v0  }
0x18: {  	[tilespmem:s26+$0x8350] =	vst v0  }
0x19: {  	[tilespmem:s26+$0x8360] =	vst v0;
	s26 =	sshra.s32 s28, $0x2;
	s28 =	sadd.s32 $0x200, s28  }
0x1a: {  	[tilespmem:s26+$0x8370] =	vst v0  }
0x1b: {  	[tilespmem:s26+$0x8300] =	vst v0  }
0x1c: {  	[tilespmem:s26+$0x8310] =	vst v0  }
0x1d: {  	[tilespmem:s26+$0x8320] =	vst v0  }
0x1e: {  	[tilespmem:s26+$0x8330] =	vst v0  }
0x1f: {  	[tilespmem:s26+$0x8340] =	vst v0;
	p0 =	sne.s32 s5, $0x1  }
.Ltmp1:
0x20: {  	[tilespmem:s26+$0x8350] =	vst v0;
	(pc) =	sbr.rel @!p0 .LBB2_5-.Ltmp1, $4  }
0x21: {  	[tilespmem:s26+$0x8360] =	vst v0  }
0x22: {  	[spmem:s6] =	stream.linear.scatter [tilespmem:s9], [sflag:$0x5], $0x800, $0x38;
	[tilespmem:$0x1C380] =	vst v63  }
0x23: {  	_ =	swait.ge [sflag:s10], $0x800  }
0x24: {  	s26 =	sadd.s32 $0xFFFFFFFF, s5;
	s28 =	smov.u32 s6;
	[sflag:s10] =	ssyncset.done $0x0  }
.LBB2_4:
0x25: {  	p1 =	sne.s32 s26, $0x1;
	[sflag:s10] =	ssyncadd.s32 $0xFFFFF800;
	s28 =	sadd.s32 $0x8000, s28  }
.Ltmp2:
0x26: {  	s26 =	sadd.s32 $0xFFFFFFFF, s26;
	(pc) =	sbr.rel @p1 .LBB2_4-.Ltmp2, $4  }
0x27: {  	_ = 	snop  }
0x28: {  	[spmem:s28] =	stream.linear.scatter [tilespmem:s9], [sflag:$0x5], $0x800, $0x38;
	[tilespmem:$0x1C380] =	vst v63  }
0x29: {  	_ =	swait.ge [sflag:s10], $0x800  }
0x2a: {  	[sflag:s10] =	ssyncset.done $0x0  }
.LBB2_5:
0x2b: {  	[sflag:s10] =	ssyncadd.s32 $0xFFFFF800  }
0x2c: {  	[bflag:$0x0] =	sbarrier.arrive $0xFFFF  }
0x2d: {  	[tilespmem:s3], [sflag:$0x5] =	stream.linear.gather [hbm4b:s7+s3], $0x80, $0x38;
	[tilespmem:$0x1C380] =	vst v63  }
0x2e: {  	_ =	swait.ge [sflag:s10], $0x80  }
0x2f: {  	[sflag:s10] =	ssyncset.done $0x0  }
0x30: {  	[sflag:s10] =	ssyncadd.s32 $0xFFFFFF80  }
0x31: {  	v1 =	vld [tilespmem:$0x0];
	_ =	sdelay $0x1  }
0x32: {  	v2 =	vld [tilespmem:$0x10];
	_ =	sdelay $0x1  }
0x33: {  	v3 =	vld [tilespmem:$0x20]  }
0x34: {  	v4 =	vand.u32 $0xFFFF, v1  }
0x35: {  	v62 =	vld [tilespmem:$0x30];
	v1 =	vshrl.u32 v1, $0x10;
	[tilespmem:$0x100] =	vst v4  }
0x36: {  	[tilespmem:$0x180] =	vst v1;
	v1 =	vand.u32 $0xFFFF, v2  }
0x37: {  	[tilespmem:$0x110] =	vst v1;
	v1 =	vshrl.u32 v2, $0x10;
	v2 =	vld [tilespmem:$0x40]  }
0x38: {  	[tilespmem:$0x190] =	vst v1;
	v1 =	vand.u32 $0xFFFF, v3  }
0x39: {  	[tilespmem:$0x120] =	vst v1;
	v1 =	vshrl.u32 v3, $0x10;
	v3 =	vld [tilespmem:$0x50]  }
0x3a: {  	[tilespmem:$0x1A0] =	vst v1;
	v1 =	vand.u32 $0xFFFF, v62  }
0x3b: {  	v63 =	vld [tilespmem:$0x60];
	[tilespmem:$0x130] =	vst v1;
	v1 =	vshrl.u32 v62, $0x10  }
0x3c: {  	[tilespmem:$0x1B0] =	vst v1;
	v1 =	vand.u32 $0xFFFF, v2  }
0x3d: {  	[tilespmem:$0x140] =	vst v1;
	v1 =	vshrl.u32 v2, $0x10;
	v2 =	vld [tilespmem:$0x6D]  }
0x3e: {  	[tilespmem:$0x1C0] =	vst v1;
	v1 =	vand.u32 $0xFFFF, v3  }
0x3f: {  	[tilespmem:$0x150] =	vst v1;
	v1 =	vshrl.u32 v3, $0x10  }
0x40: {  	[tilespmem:$0x1D0] =	vst v1;
	v1 =	vand.u32 $0xFFFF, v63  }
0x41: {  	[tilespmem:$0x160] =	vst v1;
	v1 =	vshrl.u32 v63, $0x10  }
0x42: {  	[tilespmem:$0x1E0] =	vst v1;
	v1 =	vand.u32 $0xFFFF, v2  }
0x43: {  	[tilespmem:$0x16D] =	vst v1;
	v1 =	vshrl.u32 v2, $0x10  }
0x44: {  	[tilespmem:$0x1ED] =	vst v1  }
0x45: {  	[tilespmem:s13], [sflag:$0x3] =	stream.indirect.gather [hbm4b:s4+s11], $0x80, s12, s11, $0xb8;
	[tilespmem:$0x1C380] =	vst v63  }
0x46: {  	s26 =	simm.s32 $0xFFFFFB20  }
0x47: {  	[tilespmem:s15], [sflag:$0x2] =	stream.linear.gather [hbm4b:s14+s3], $0x80, $0x38;
	[tilespmem:$0x1C380] =	vst v63  }
.LBB2_6:
0x48: {  	_ =	swait.ge [sflag:s16], $0x80  }
0x49: {  	[sflag:s16] =	ssyncset.done $0x0  }
0x4a: {  	[sflag:s16] =	ssyncadd.s32 $0xFFFFFF80  }
0x4b: {  	v1 =	vld [tilespmem:$0x80];
	_ =	sdelay $0x1  }
0x4c: {  	v2 =	vld [tilespmem:$0x90];
	_ =	sdelay $0x1  }
0x4d: {  	v3 =	vld [tilespmem:$0xA0]  }
0x4e: {  	v4 =	vand.u32 $0xFFFF, v1  }
0x4f: {  	v59 =	vld [tilespmem:$0xB0];
	v1 =	vshrl.u32 v1, $0x10;
	[tilespmem:$0x200] =	vst v4  }
0x50: {  	[tilespmem:$0x280] =	vst v1;
	v1 =	vand.u32 $0xFFFF, v2  }
0x51: {  	[tilespmem:$0x210] =	vst v1;
	v1 =	vshrl.u32 v2, $0x10;
	v2 =	vld [tilespmem:$0xC0]  }
0x52: {  	[tilespmem:$0x290] =	vst v1;
	v1 =	vand.u32 $0xFFFF, v3  }
0x53: {  	[tilespmem:$0x220] =	vst v1;
	v1 =	vshrl.u32 v3, $0x10;
	v3 =	vld [tilespmem:$0xD0]  }
0x54: {  	[tilespmem:$0x2A0] =	vst v1;
	v1 =	vand.u32 $0xFFFF, v59  }
0x55: {  	v60 =	vld [tilespmem:$0xE0];
	[tilespmem:$0x230] =	vst v1;
	v1 =	vshrl.u32 v59, $0x10  }
0x56: {  	[tilespmem:$0x2B0] =	vst v1;
	v1 =	vand.u32 $0xFFFF, v2  }
0x57: {  	[tilespmem:$0x240] =	vst v1;
	v1 =	vshrl.u32 v2, $0x10;
	v2 =	vld [tilespmem:$0xED]  }
0x58: {  	[tilespmem:$0x2C0] =	vst v1;
	v1 =	vand.u32 $0xFFFF, v3  }
0x59: {  	[tilespmem:$0x250] =	vst v1;
	v1 =	vshrl.u32 v3, $0x10  }
0x5a: {  	[tilespmem:$0x2D0] =	vst v1;
	v1 =	vand.u32 $0xFFFF, v60  }
0x5b: {  	[tilespmem:$0x260] =	vst v1;
	v1 =	vshrl.u32 v60, $0x10  }
0x5c: {  	[tilespmem:$0x2E0] =	vst v1;
	v1 =	vand.u32 $0xFFFF, v2  }
0x5d: {  	[tilespmem:$0x26D] =	vst v1;
	v1 =	vshrl.u32 v2, $0x10  }
0x5e: {  	s28 =	sadd.s32 s26, s7;
	[tilespmem:$0x2ED] =	vst v1  }
0x5f: {  	[tilespmem:s18], [sflag:$0x4] =	stream.indirect.gather [hbm4b:s4+s11], $0x80, s17, s11, $0xb8;
	[tilespmem:$0x1C380] =	vst v63  }
0x60: {  	s29 =	sadd.s32 $0x500, s28  }
0x61: {  	[tilespmem:s3], [sflag:$0x1] =	stream.linear.gather [hbm4b:s29+s3], $0x80, $0x38;
	[tilespmem:$0x1C380] =	vst v63  }
0x62: {  	_ =	swait.ge [sflag:s19], $0x3E80  }
0x63: {  	[sflag:s19] =	ssyncset.done $0x0  }
0x64: {  	[sflag:s19] =	ssyncadd.s32 $0xFFFFC180  }
0x65: {  	[spmem:s2] =	stream.indirect.scatter.add.f32 [tilespmem:s13], [sflag:$0x5], $0x80, s20, s11, $0xb8;
	[tilespmem:$0x1C380] =	vst v63  }
0x66: {  	_ =	swait.ge [sflag:s10], $0x3E80  }
0x67: {  	[sflag:s10] =	ssyncset.done $0x0  }
0x68: {  	[sflag:s10] =	ssyncadd.s32 $0xFFFFC180  }
0x69: {  	_ =	swait.ge [sflag:s21], $0x80  }
0x6a: {  	[sflag:s21] =	ssyncset.done $0x0  }
0x6b: {  	[sflag:s21] =	ssyncadd.s32 $0xFFFFFF80  }
0x6c: {  	v1 =	vld [tilespmem:$0x0];
	_ =	sdelay $0x1  }
0x6d: {  	v2 =	vld [tilespmem:$0x10];
	_ =	sdelay $0x1  }
0x6e: {  	v3 =	vld [tilespmem:$0x20]  }
0x6f: {  	v61 =	vand.u32 $0xFFFF, v1  }
0x70: {  	v62 =	vld [tilespmem:$0x30];
	v1 =	vshrl.u32 v1, $0x10;
	[tilespmem:$0x100] =	vst v61  }
0x71: {  	[tilespmem:$0x180] =	vst v1;
	v1 =	vand.u32 $0xFFFF, v2  }
0x72: {  	[tilespmem:$0x110] =	vst v1;
	v1 =	vshrl.u32 v2, $0x10;
	v2 =	vld [tilespmem:$0x40]  }
0x73: {  	[tilespmem:$0x190] =	vst v1;
	v1 =	vand.u32 $0xFFFF, v3  }
0x74: {  	[tilespmem:$0x120] =	vst v1;
	v1 =	vshrl.u32 v3, $0x10;
	v3 =	vld [tilespmem:$0x50]  }
0x75: {  	[tilespmem:$0x1A0] =	vst v1;
	v1 =	vand.u32 $0xFFFF, v62  }
0x76: {  	v63 =	vld [tilespmem:$0x60];
	[tilespmem:$0x130] =	vst v1;
	v1 =	vshrl.u32 v62, $0x10  }
0x77: {  	[tilespmem:$0x1B0] =	vst v1;
	v1 =	vand.u32 $0xFFFF, v2  }
0x78: {  	[tilespmem:$0x140] =	vst v1;
	v1 =	vshrl.u32 v2, $0x10;
	v2 =	vld [tilespmem:$0x6D]  }
0x79: {  	[tilespmem:$0x1C0] =	vst v1;
	v1 =	vand.u32 $0xFFFF, v3  }
0x7a: {  	[tilespmem:$0x150] =	vst v1;
	v1 =	vshrl.u32 v3, $0x10  }
0x7b: {  	[tilespmem:$0x1D0] =	vst v1;
	v1 =	vand.u32 $0xFFFF, v63  }
0x7c: {  	[tilespmem:$0x160] =	vst v1;
	v1 =	vshrl.u32 v63, $0x10  }
0x7d: {  	[tilespmem:$0x1E0] =	vst v1;
	v1 =	vand.u32 $0xFFFF, v2  }
0x7e: {  	[tilespmem:$0x16D] =	vst v1;
	v1 =	vshrl.u32 v2, $0x10  }
0x7f: {  	[tilespmem:$0x1ED] =	vst v1  }
0x80: {  	[tilespmem:s13], [sflag:$0x3] =	stream.indirect.gather [hbm4b:s4+s11], $0x80, s12, s11, $0xb8;
	[tilespmem:$0x1C380] =	vst v63  }
0x81: {  	s28 =	sadd.s32 $0x510, s28  }
0x82: {  	[tilespmem:s15], [sflag:$0x2] =	stream.linear.gather [hbm4b:s28+s3], $0x80, $0x38;
	[tilespmem:$0x1C380] =	vst v63  }
0x83: {  	_ =	swait.ge [sflag:s22], $0x3E80  }
0x84: {  	p1 =	sne.s32 s26, $0xFFFFFFE0;
	[sflag:s22] =	ssyncset.done $0x0  }
.Ltmp3:
0x85: {  	[sflag:s22] =	ssyncadd.s32 $0xFFFFC180;
	(pc) =	sbr.rel @p1 .LBB2_6-.Ltmp3, $4  }
0x86: {  	[spmem:s2] =	stream.indirect.scatter.add.f32 [tilespmem:s18], [sflag:$0x5], $0x80, s23, s11, $0xb8;
	[tilespmem:$0x1C380] =	vst v63  }
0x87: {  	_ =	swait.ge [sflag:s10], $0x3E80  }
0x88: {  	[sflag:s10] =	ssyncset.done $0x0  }
0x89: {  	s26 =	sadd.s32 $0x20, s26;
	[sflag:s10] =	ssyncadd.s32 $0xFFFFC180  }
0x8a: {  	_ =	swait.ge [sflag:s16], $0x80  }
0x8b: {  	[sflag:s16] =	ssyncset.done $0x0  }
0x8c: {  	[sflag:s16] =	ssyncadd.s32 $0xFFFFFF80  }
0x8d: {  	v1 =	vld [tilespmem:$0x80];
	_ =	sdelay $0x1  }
0x8e: {  	v2 =	vld [tilespmem:$0x90];
	_ =	sdelay $0x1  }
0x8f: {  	v3 =	vld [tilespmem:$0xA0]  }
0x90: {  	v4 =	vand.u32 $0xFFFF, v1  }
0x91: {  	v62 =	vld [tilespmem:$0xB0];
	v1 =	vshrl.u32 v1, $0x10;
	[tilespmem:$0x200] =	vst v4  }
0x92: {  	[tilespmem:$0x280] =	vst v1;
	v1 =	vand.u32 $0xFFFF, v2  }
0x93: {  	[tilespmem:$0x210] =	vst v1;
	v1 =	vshrl.u32 v2, $0x10;
	v2 =	vld [tilespmem:$0xC0]  }
0x94: {  	[tilespmem:$0x290] =	vst v1;
	v1 =	vand.u32 $0xFFFF, v3  }
0x95: {  	[tilespmem:$0x220] =	vst v1;
	v1 =	vshrl.u32 v3, $0x10;
	v3 =	vld [tilespmem:$0xD0]  }
0x96: {  	[tilespmem:$0x2A0] =	vst v1;
	v1 =	vand.u32 $0xFFFF, v62  }
0x97: {  	v63 =	vld [tilespmem:$0xE0];
	[tilespmem:$0x230] =	vst v1;
	v1 =	vshrl.u32 v62, $0x10  }
0x98: {  	[tilespmem:$0x2B0] =	vst v1;
	v1 =	vand.u32 $0xFFFF, v2  }
0x99: {  	[tilespmem:$0x240] =	vst v1;
	v1 =	vshrl.u32 v2, $0x10;
	v2 =	vld [tilespmem:$0xED]  }
0x9a: {  	[tilespmem:$0x2C0] =	vst v1;
	v1 =	vand.u32 $0xFFFF, v3  }
0x9b: {  	[tilespmem:$0x250] =	vst v1;
	v1 =	vshrl.u32 v3, $0x10  }
0x9c: {  	[tilespmem:$0x2D0] =	vst v1;
	v1 =	vand.u32 $0xFFFF, v63  }
0x9d: {  	[tilespmem:$0x260] =	vst v1;
	v1 =	vshrl.u32 v63, $0x10  }
0x9e: {  	[tilespmem:$0x2E0] =	vst v1;
	v1 =	vand.u32 $0xFFFF, v2  }
0x9f: {  	[tilespmem:$0x26D] =	vst v1;
	v1 =	vshrl.u32 v2, $0x10  }
0xa0: {  	[tilespmem:$0x2ED] =	vst v1  }
0xa1: {  	[tilespmem:s18], [sflag:$0x4] =	stream.indirect.gather [hbm4b:s4+s11], $0x80, s17, s11, $0xb8;
	[tilespmem:$0x1C380] =	vst v63  }
0xa2: {  	_ =	swait.ge [sflag:s19], $0x3E80  }
0xa3: {  	[sflag:s19] =	ssyncset.done $0x0  }
0xa4: {  	[sflag:s19] =	ssyncadd.s32 $0xFFFFC180  }
0xa5: {  	[spmem:s2] =	stream.indirect.scatter.add.f32 [tilespmem:s13], [sflag:$0x5], $0x80, s20, s11, $0xb8;
	[tilespmem:$0x1C380] =	vst v63  }
0xa6: {  	_ =	swait.ge [sflag:s10], $0x3E80  }
0xa7: {  	[sflag:s10] =	ssyncset.done $0x0  }
0xa8: {  	[sflag:s10] =	ssyncadd.s32 $0xFFFFC180  }
0xa9: {  	_ =	swait.ge [sflag:s22], $0x3E80  }
0xaa: {  	[sflag:s22] =	ssyncset.done $0x0  }
0xab: {  	[sflag:s22] =	ssyncadd.s32 $0xFFFFC180  }
0xac: {  	[spmem:s2] =	stream.indirect.scatter.add.f32 [tilespmem:s18], [sflag:$0x5], $0x80, s23, s11, $0xb8;
	[tilespmem:$0x1C380] =	vst v63  }
0xad: {  	_ =	swait.ge [sflag:s10], $0x3E80  }
.Ltmp4:
0xae: {  	[sflag:s10] =	ssyncset.done $0x0;
	(pc) =	sbr.rel @!p0 .LBB2_9-.Ltmp4, $4  }
0xaf: {  	s26 =	sshll.u32 s0, $0x6;
	s28 =	sshrl.u32 s6, $0x3;
	[sflag:s10] =	ssyncadd.s32 $0xFFFFC180  }
0xb0: {  	s29 =	sadd.s32 $0x1000, s24;
	s26 =	sor.u32 $0x1C05, s26;
	[bflag:$0x0] =	sbarrier.arrive $0xFFFF  }
0xb1: {  	[hbm:s24], [sflag:s26] =	dma.local [spmem:s28], $0x100  }
0xb2: {  	s30 =	smov.u32 s6;
	s28 =	sadd.s32 $0xFFFFFFFF, s5;
	_ =	swait.ge [sflag:s10], $0x100  }
.LBB2_8:
0xb3: {  	[sflag:s10] =	ssyncset.done $0x0;
	s30 =	sadd.s32 $0x8000, s30;
	p0 =	sne.s32 s28, $0x1  }
.Ltmp5:
0xb4: {  	s31 =	sshrl.u32 s30, $0x3;
	[sflag:s10] =	ssyncadd.s32 $0xFFFFFF00;
	(pc) =	sbr.rel @p0 .LBB2_8-.Ltmp5, $3  }
0xb5: {  	[hbm:s29], [sflag:s26] =	dma.local [spmem:s31], $0x100  }
0xb6: {  	s28 =	sadd.s32 $0xFFFFFFFF, s28;
	_ =	sdelay $0x1  }
0xb7: {  	s29 =	sadd.s32 $0x1000, s29;
	_ =	swait.ge [sflag:s10], $0x100  }
.LBB2_9:
0xb8: {  	s25 =	sadd.s32 $0x1, s25  }
0xb9: {  	p0 =	sne.s32 s25, s8  }
.Ltmp6:
0xba: {  	_ = 	snop;
	(pc) =	sbr.rel @p0 .LBB2_1-.Ltmp6, $3  }
0xbb: {  	_ =	sdelay $0x1  }
0xbc: {  	[sflag:s10] =	ssyncset.done $0x0  }
0xbd: {  	[sflag:s10] =	ssyncadd.s32 $0xFFFFFF00  }
0xbe: {  	_ =	sfence.sel $0x180000  }
0xbf: {  	[bflag:$0x0] =	sbarrier.arrive $0xFFFF  }
0xc0: {  	p0 =	sne.s32 s0, $0x0;
	_ =	strace $0x90000047  }
0xc1: {  	s0 =	sadd.s32 @!p0 $0x100000, s1;
	[bflag:$0x2] =	sbarrier.arrive $0xFFFF  }
0xc2: {  	[sflag:s0] =	ssyncadd.tile.s32 @!p0 $0x1;
	_ =	shalt  }
.Lfunc_end2:
_tile_overlayer_lowered:
.L_overlay_start_2:
0xc3: {  	(tag) =	ssettag $0x2  }
0xc4: {  	s0 =	rddreg [dreg:$0x0];
	s2 =	stileid.u32  }
0xc5: {  	s1 =	rddreg [dreg:$0x1];
	p0 =	sne.s32 s2, $0x0  }
0xc6: {  	s3 =	rddreg [dreg:$0x2];
	[bflag:$0x3] =	sbarrier.arrive $0xFFFF;
	s2 =	simm.s32 @!p0 $0x1C05  }
0xc7: {  	[timem:s3], [sflag:s2] =	dma.local @!p0 [hbm:s0], s1  }
0xc8: {  	s0 =	simm.s32 @!p0 $0x5  }
0xc9: {  	_ =	swait.ge @!p0 [sflag:s0], s1  }
0xca: {  	s1 =	ssub.s32 @!p0 $0x0, s1;
	[sflag:s0] =	ssyncset.done @!p0 $0x0  }
0xcb: {  	[sflag:s0] =	ssyncadd.s32 @!p0 s1  }
0xcc: {  	[bflag:$0x3] =	sbarrier.arrive $0xFFFF  }
0xcd: {  	_ =	shalt  }

// kernel: kernel.13.cloned.1.call-start
scs
__scs_entry_jumppad:
0x0: {  	(pc) =	sbr.rel $0x88, $3  }
0x1: {  	(tag) =	ssettag $0x0;
	lr =	simm.s32 $0x1  }
0x2: {  	[smem:$0x3F94] =	sst lr;
	_ =	strace $0xD0000000  }
0x3: {  	_ = 	snop  }
0x4: {  	_ = 	snop  }
0x5: {  	_ = 	snop  }
0x6: {  	_ = 	snop  }
0x7: {  	_ = 	snop  }
__scs_overlays_trampoline_lowered:
0x8: {  	[smem:$0x3FA3] =	sst s0  }
0x9: {  	[smem:$0x3FA4] =	sst s1  }
0xa: {  	[smem:$0x3FA5] =	sst s2  }
0xb: {  	[smem:$0x3FA6] =	sst s3  }
0xc: {  	[smem:$0x3FA7] =	sst s4  }
0xd: {  	[smem:$0x3FA8] =	sst s5  }
0xe: {  	[smem:$0x3FA9] =	sst s6  }
0xf: {  	[smem:$0x3FAA] =	sst s7  }
0x10: {  	[smem:$0x3FAB] =	sst s8  }
0x11: {  	[smem:$0x3FAC] =	sst s9;
	s0 =	simm.s32 @!p0 $0x0  }
0x12: {  	s1 =	sld [smem:$0x3F92];
	s0 =	simm.s32 @p0 $0x1  }
0x13: {  	[smem:$0x3FAD] =	sst s0;
	s0 =	simm.s32 @!p1 $0x0  }
0x14: {  	s2 =	sld [smem:$0x3F91];
	s0 =	simm.s32 @p1 $0x1  }
0x15: {  	[smem:$0x3FAE] =	sst s0;
	s0 =	simm.s32 @!p2 $0x0  }
0x16: {  	s3 =	sld [smem:$0x3FDB];
	s0 =	simm.s32 @p2 $0x1  }
0x17: {  	s4 =	simm.s32 $0x1BF5;
	[smem:$0x3FB0] =	sst s0  }
0x18: {  	s0 =	sld [smem:$0x3F93];
	_ =	swait.ge [sflag:s4], $0x0  }
0x19: {  	s7 =	sld [smem:$0x3F94]  }
0x1a: {  	s8 =	sadd.s32 $0xFFFFE003, lr  }
0x1b: {  	s9 =	sadd.s32 $0xFFFFFEF7, lr;
	s5 =	simm.s32 $0xFFFFFFFF;
	p2 =	slt.u32 s8, $0xFFFFF086  }
0x1c: {  	p1 =	slt.u32 s9, $0xF7A;
	s5 =	simm.s32 @!p2 $0x0  }
0x1d: {  	s5 =	simm.s32 @p1 $0x1;
	p0 =	seq.s32 s7, s2  }
0x1e: {  	s7 =	smul.u32 @!p0 $0xF7A, s2;
	p2 =	seq.s32 @!p0 s5, $0x0  }
0x1f: {  	s9 =	smul.u32 $0xF7A, s1;
	s8 =	simm.s32 @!p0 $0x1BF5;
	p2 =	por !p2, p0  }
0x20: {  	[sflag:s8] =	ssyncset.s32 @!p0 $0xFFFFF086;
	s6 =	sadd.s32 @!p0 s3, s7;
	s7 =	simm.s32 @!p0 $0x108  }
0x21: {  	s3 =	sadd.s32 s3, s9;
	s6 =	sadd.s32 @!p0 $0x88, s6;
	s7 =	simm.s32 @p2 $0x1082  }
0x22: {  	[simem:s7], [sflag:s8] =	dma.local @!p0 [hbm:s6], $0xF7A  }
0x23: {  	s9 =	sor.u32 $0xD0000000, s2;
	s6 =	simm.s32 $0x108;
	_ =	swait.ge @!p0 [sflag:s8], $0x0  }
0x24: {  	s3 =	sadd.s32 $0x88, s3;
	s6 =	simm.s32 @!p1 $0x1082;
	[sflag:s4] =	ssyncset.s32 $0xFFFFF086  }
0x25: {  	[simem:s6], [sflag:s4] =	dma.local [hbm:s3], $0xF7A  }
0x26: {  	[smem:$0x3F94] =	sst s1;
	(tag) =	ssettag s2;
	_ =	strace s9  }
0x27: {  	s1 =	sld [smem:$0x3FA4]  }
0x28: {  	s2 =	sld [smem:$0x3FA5]  }
0x29: {  	s4 =	sld [smem:$0x3FA7]  }
0x2a: {  	p0 =	seq.s32 s5, $0x0;
	s5 =	sld [smem:$0x3FA8]  }
0x2b: {  	s6 =	sld [smem:$0x3FA9]  }
0x2c: {  	s7 =	sld [smem:$0x3FAA]  }
0x2d: {  	s3 =	simm.s32 $0x108;
	s8 =	sld [smem:$0x3FAB]  }
0x2e: {  	s3 =	simm.s32 @!p0 $0x1082;
	s9 =	sld [smem:$0x3FAC]  }
0x2f: {  	lr =	sadd.s32 s0, s3;
	s0 =	sld [smem:$0x3FA3]  }
0x30: {  	s3 =	sld [smem:$0x3FA6]  }
0x31: {  	[smem:$0x3FAF] =	sst s10  }
0x32: {  	s10 =	sld [smem:$0x3FAD];
	_ =	sdelay $0x3  }
0x33: {  	p0 =	seq.s32 s10, $0x1;
	s10 =	sld [smem:$0x3FAF];
	_ =	sdelay $0x3  }
0x34: {  	[smem:$0x3FAF] =	sst s10  }
0x35: {  	s10 =	sld [smem:$0x3FAE];
	_ =	sdelay $0x3  }
0x36: {  	p1 =	seq.s32 s10, $0x1;
	s10 =	sld [smem:$0x3FAF];
	_ =	sdelay $0x3  }
0x37: {  	[smem:$0x3FAF] =	sst s10  }
0x38: {  	s10 =	sld [smem:$0x3FB0]  }
0x39: {  	_ = 	snop;
	(pc) =	sbr.ind lr, $3  }
0x3a: {  	_ = 	snop  }
0x3b: {  	_ = 	snop  }
0x3c: {  	p2 =	seq.s32 s10, $0x1;
	s10 =	sld [smem:$0x3FAF]  }
0x3d: {  	_ =	shalt  }
0x3e: {  	_ =	shalt  }
0x3f: {  	_ =	shalt  }
0x40: {  	_ =	shalt  }
0x41: {  	_ =	shalt  }
0x42: {  	_ =	shalt  }
0x43: {  	_ =	shalt  }
0x44: {  	_ =	shalt  }
0x45: {  	_ =	shalt  }
0x46: {  	_ =	shalt  }
0x47: {  	_ =	shalt  }
0x48: {  	_ =	shalt  }
0x49: {  	_ =	shalt  }
0x4a: {  	_ =	shalt  }
0x4b: {  	_ =	shalt  }
0x4c: {  	_ =	shalt  }
0x4d: {  	_ =	shalt  }
0x4e: {  	_ =	shalt  }
0x4f: {  	_ =	shalt  }
0x50: {  	_ =	shalt  }
0x51: {  	_ =	shalt  }
0x52: {  	_ =	shalt  }
0x53: {  	_ =	shalt  }
0x54: {  	_ =	shalt  }
0x55: {  	_ =	shalt  }
0x56: {  	_ =	shalt  }
0x57: {  	_ =	shalt  }
0x58: {  	_ =	shalt  }
0x59: {  	_ =	shalt  }
0x5a: {  	_ =	shalt  }
0x5b: {  	_ =	shalt  }
0x5c: {  	_ =	shalt  }
0x5d: {  	_ =	shalt  }
0x5e: {  	_ =	shalt  }
0x5f: {  	_ =	shalt  }
0x60: {  	_ =	shalt  }
0x61: {  	_ =	shalt  }
0x62: {  	_ =	shalt  }
0x63: {  	_ =	shalt  }
0x64: {  	_ =	shalt  }
0x65: {  	_ =	shalt  }
0x66: {  	_ =	shalt  }
0x67: {  	_ =	shalt  }
0x68: {  	_ =	shalt  }
0x69: {  	_ =	shalt  }
0x6a: {  	_ =	shalt  }
0x6b: {  	_ =	shalt  }
0x6c: {  	_ =	shalt  }
0x6d: {  	_ =	shalt  }
0x6e: {  	_ =	shalt  }
0x6f: {  	_ =	shalt  }
0x70: {  	_ =	shalt  }
0x71: {  	_ =	shalt  }
0x72: {  	_ =	shalt  }
0x73: {  	_ =	shalt  }
0x74: {  	_ =	shalt  }
0x75: {  	_ =	shalt  }
0x76: {  	_ =	shalt  }
0x77: {  	_ =	shalt  }
0x78: {  	_ =	shalt  }
0x79: {  	_ =	shalt  }
0x7a: {  	_ =	shalt  }
0x7b: {  	_ =	shalt  }
0x7c: {  	_ =	shalt  }
0x7d: {  	_ =	shalt  }
0x7e: {  	_ =	shalt  }
0x7f: {  	_ =	shalt  }
0x80: {  	_ =	shalt  }
0x81: {  	_ =	shalt  }
0x82: {  	_ =	shalt  }
0x83: {  	_ =	shalt  }
0x84: {  	_ =	shalt  }
0x85: {  	_ =	shalt  }
0x86: {  	_ =	shalt  }
0x87: {  	_ =	shalt  }
.Lfunc_end0:
.L_simem_size_0:
called_computation.1_lowered:
.L_overlay_start_0:
0x88: {  	s2 =	sld [smem:$0x3FD9]  }
0x89: {  	s3 =	sld [smem:$0x3FFE];
	_ =	sdelay $0x1  }
0x8a: {  	s1 =	srdreg.scid  }
0x8b: {  	s0 =	sand.u32 $0x1, s1  }
0x8c: {  	s16 =	sshll.u32 s0, $0xA;
	s2 =	sadd.s32 s3, s2  }
0x8d: {  	s2 =	sadd.s32 s2, s16  }
0x8e: {  	[smem:$0x3FBB] =	sst s2  }
0x8f: {  	_ = 	snop  }
0x90: {  	(tm) =	ssettm $0x1  }
0x91: {  	s17 =	sld [smem:$0x3FFB];
	_ =	sdelay $0x3  }
0x92: {  	_ =	strace s17  }
0x93: {  	s2 =	sld [smem:$0x3FFC];
	_ =	sdelay $0x3  }
0x94: {  	_ =	strace s2  }
0x95: {  	s2 =	sld [smem:$0x3FFD];
	_ =	sdelay $0x3  }
0x96: {  	_ =	strace s2  }
0x97: {  	_ =	strace $0x8FFFFFFF  }
0x98: {  	s18 =	sld [smem:$0x3FDB];
	_ =	sdelay $0x1  }
0x99: {  	s19 =	simm.s32 $_scs_section_size  }
0x9a: {  	s4 =	simm.s32 $_size__tile_overlayer_lowered;
	s5 =	simm.s32 $_tile_overlayer_lowered  }
0x9b: {  	s22 =	simm.s32 $0x1BFF;
	s21 =	sshll.u32 s5, $0x1;
	s2 =	sadd.s32 s19, s18  }
0x9c: {  	s6 =	simm.s32 $0x0;
	s20 =	sshll.u32 s4, $0x1;
	s4 =	sadd.s32 s21, s2  }
0x9d: {  	[timem:s6], [sflag:s22] =	dma.local [hbm:s4], s20  }
0x9e: {  	_ =	swait.ge [sflag:s22], s20  }
0x9f: {  	s3 =	ssub.s32 $0x0, s20;
	[sflag:s22] =	ssyncset.done $0x0  }
0xa0: {  	[sflag:s22] =	ssyncadd.s32 s3;
	_ =	sdelay $0x1  }
0xa1: {  	s23 =	simm.s32 $0x1B8B  }
0xa2: {  	_ =	swait.ge [sflag:s23], $0x1  }
0xa3: {  	[sflag:s23] =	ssyncset.done $0x0  }
0xa4: {  	s25 =	simm.s32 $0x1B8E;
	s24 =	sld [smem:$0x3FFE];
	[sflag:s23] =	ssyncadd.s32 $0xFFFFFFFF  }
0xa5: {  	s26 =	simm.s32 $execute0_lowered;
	[smem:$0x3FD2] =	sst s25  }
0xa6: {  	s4 =	sshll.u32 s26, $0x1;
	_ =	strace $0x80000049;
	[dreg:$0x1] =	wrdreg $0xFFFFFFFF  }
0xa7: {  	s28 =	simm.s32 $_size_execute0_lowered;
	s2 =	sadd.s32 s2, s4;
	[dreg:$0x0] =	wrdreg $0x0  }
0xa8: {  	s4 =	sshll.u32 s28, $0x1;
	[dreg:$0x2] =	wrdreg s2  }
0xa9: {  	[dreg:$0x3] =	wrdreg s4  }
0xaa: {  	[dreg:$0x4] =	wrdreg $0xC0  }
0xab: {  	_ =	task [dreg:s6], $0x5FFFF  }
0xac: {  	[dreg:$0x1] =	wrdreg $0xFFFFFFFF  }
0xad: {  	[dreg:$0x0] =	wrdreg $0x60  }
0xae: {  	[dreg:$0x2] =	wrdreg s24  }
0xaf: {  	[dreg:$0x3] =	wrdreg $0x8B000  }
0xb0: {  	[dreg:$0x4] =	wrdreg $0x9  }
0xb1: {  	_ =	task.clear_ibuf [dreg:s6], $0x5FFFF;
	_ =	strace $0x90000049  }
0xb2: {  	s29 =	simm.s32 $0x9;
	_ =	strace $0x8000004B  }
0xb3: {  	_ =	swait.ge [sflag:s29], $0x1  }
0xb4: {  	[sflag:s29] =	ssyncadd.s32 $0xFFFFFFFF  }
0xb5: {  	_ =	strace $0x9000004B  }
0xb6: {  	_ =	sfence  }
0xb7: {  	s30 =	sld [smem:$0x0];
	_ =	sdelay $0x2  }
0xb8: {  	s31 =	sshll.u32 s1, $0xD;
	s1 =	sshrl.u32 s1, $0x2  }
0xb9: {  	s3 =	sand.u32 $0x4000, s31;
	s1 =	sadd.s32 s1, s30  }
0xba: {  	s0 =	sor.u32 s3, s0;
	s1 =	sshll.u32 s1, $0x11  }
0xbb: {  	s0 =	sor.u32 s1, s0  }
0xbc: {  	s0 =	sadd.s32 $0x8F2B, s0  }
0xbd: {  	[sflag:s0] =	ssyncadd.remote.s32 $0x1  }
0xbe: {  	_ =	sfence.sel $0xFFFF  }
0xbf: {  	[dreg:$0x0] =	wrdreg $0xFFFFFFFF;
	(pc) =	sbr.abs _section_cstart, $3  }
0xc0: {  	[dreg:$0x1] =	wrdreg $0xFFFFFFFF  }
0xc1: {  	_ =	task.clear_ibuf [dreg:s6], $0x2FFFF;
	_ =	strace $0x9FFFFFFF  }
0xc2: {  	(tm) =	ssettm $0x7FFFFFFF  }
0xc3: {  	_ =	shalt  }
tec
execute0_lowered:
.L_overlay_start_1:
0x0: {  	(tag) =	ssettag $0x1  }
0x1: {  	s1 =	srdreg.scid  }
0x2: {  	s0 =	stileid.u32;
	s5 =	rddreg [dreg:$0x0]  }
0x3: {  	s2 =	rddreg [dreg:$0x1];
	s3 =	simm.s32 $0x0;
	s12 =	simm.s32 $0x100  }
0x4: {  	s13 =	simm.s32 $0x300;
	s15 =	simm.s32 $0x80;
	s16 =	simm.s32 $0x2  }
0x5: {  	s17 =	simm.s32 $0x200;
	s18 =	simm.s32 $0x4300;
	s19 =	simm.s32 $0x3  }
0x6: {  	s20 =	simm.s32 $0x180;
	s21 =	simm.s32 $0x1;
	s22 =	simm.s32 $0x4  }
0x7: {  	s23 =	simm.s32 $0x280;
	s4 =	sand.u32 $0x1, s1;
	s1 =	rddreg [dreg:$0x2]  }
0x8: {  	s29 =	sshll.u32 s0, $0x1;
	[smem:$0x7FF] =	sst s3;
	p0 =	seq.s32 s0, $0x0  }
0x9: {  	s10 =	sshll.u32 s0, $0xB;
	s6 =	sor.u32 s4, s29;
	s7 =	smul.u32 $0x27100, s4  }
0xa: {  	s25 =	sshll.u32 s0, $0x8;
	s30 =	ssub.s32 $0x2, s4;
	s6 =	smul.u32 $0x500, s6  }
0xb: {  	_ =	strace $0x8000004A;
	s4 =	sadd.s32 $0xD800, s5;
	s31 =	sshrl.u32 s30, $0x1  }
0xc: {  	s9 =	sadd.s32 s7, s5;
	s11 =	ssub.s32 s30, s31;
	s8 =	sadd.s32 s6, s5  }
0xd: {  	s5 =	simm.s32 $0x28;
	s6 =	sadd.s32 s10, s2;
	s24 =	sadd.s32 $0x34A00, s9  }
0xe: {  	s9 =	simm.s32 $0x8300;
	s10 =	simm.s32 $0x5;
	s5 =	simm.s32 @!p0 $0x27  }
0xf: {  	s7 =	sadd.s32 $0x3800, s8;
	s8 =	smax.u32 s11, $0x1;
	s11 =	simm.s32 $0x7D  }
0x10: {  	v0 =	vimm.f32 $0.0e+00;
	s24 =	sadd.s32 s24, s25;
	s25 =	simm.s32 $0x0;
	s14 =	sadd.s32 $0x10, s7  }
.LBB2_1:
0x11: {  	s26 =	simm.s32 $0x0;
	s28 =	simm.s32 $0x200  }
.LBB2_2:
0x12: {  	p0 =	sne.s32 s28, $0x1E00;
	[tilespmem:s26+$0x8370] =	vst v0  }
0x13: {  	[tilespmem:s26+$0x8300] =	vst v0  }
0x14: {  	[tilespmem:s26+$0x8310] =	vst v0  }
.Ltmp0:
0x15: {  	[tilespmem:s26+$0x8320] =	vst v0;
	(pc) =	sbr.rel @p0 .LBB2_2-.Ltmp0, $4  }
0x16: {  	[tilespmem:s26+$0x8330] =	vst v0  }
0x17: {  	[tilespmem:s26+$0x8340] =	vst v0  }
0x18: {  	[tilespmem:s26+$0x8350] =	vst v0  }
0x19: {  	[tilespmem:s26+$0x8360] =	vst v0;
	s26 =	sshra.s32 s28, $0x2;
	s28 =	sadd.s32 $0x200, s28  }
0x1a: {  	[tilespmem:s26+$0x8370] =	vst v0  }
0x1b: {  	[tilespmem:s26+$0x8300] =	vst v0  }
0x1c: {  	[tilespmem:s26+$0x8310] =	vst v0  }
0x1d: {  	[tilespmem:s26+$0x8320] =	vst v0  }
0x1e: {  	[tilespmem:s26+$0x8330] =	vst v0  }
0x1f: {  	[tilespmem:s26+$0x8340] =	vst v0;
	p0 =	sne.s32 s5, $0x1  }
.Ltmp1:
0x20: {  	[tilespmem:s26+$0x8350] =	vst v0;
	(pc) =	sbr.rel @!p0 .LBB2_5-.Ltmp1, $4  }
0x21: {  	[tilespmem:s26+$0x8360] =	vst v0  }
0x22: {  	[spmem:s6] =	stream.linear.scatter [tilespmem:s9], [sflag:$0x5], $0x800, $0x38;
	[tilespmem:$0x1C380] =	vst v63  }
0x23: {  	_ =	swait.ge [sflag:s10], $0x800  }
0x24: {  	s26 =	sadd.s32 $0xFFFFFFFF, s5;
	s28 =	smov.u32 s6;
	[sflag:s10] =	ssyncset.done $0x0  }
.LBB2_4:
0x25: {  	p1 =	sne.s32 s26, $0x1;
	[sflag:s10] =	ssyncadd.s32 $0xFFFFF800;
	s28 =	sadd.s32 $0x8000, s28  }
.Ltmp2:
0x26: {  	s26 =	sadd.s32 $0xFFFFFFFF, s26;
	(pc) =	sbr.rel @p1 .LBB2_4-.Ltmp2, $4  }
0x27: {  	_ = 	snop  }
0x28: {  	[spmem:s28] =	stream.linear.scatter [tilespmem:s9], [sflag:$0x5], $0x800, $0x38;
	[tilespmem:$0x1C380] =	vst v63  }
0x29: {  	_ =	swait.ge [sflag:s10], $0x800  }
0x2a: {  	[sflag:s10] =	ssyncset.done $0x0  }
.LBB2_5:
0x2b: {  	[sflag:s10] =	ssyncadd.s32 $0xFFFFF800  }
0x2c: {  	[bflag:$0x0] =	sbarrier.arrive $0xFFFF  }
0x2d: {  	[tilespmem:s3], [sflag:$0x5] =	stream.linear.gather [hbm4b:s7+s3], $0x80, $0x38;
	[tilespmem:$0x1C380] =	vst v63  }
0x2e: {  	_ =	swait.ge [sflag:s10], $0x80  }
0x2f: {  	[sflag:s10] =	ssyncset.done $0x0  }
0x30: {  	[sflag:s10] =	ssyncadd.s32 $0xFFFFFF80  }
0x31: {  	v1 =	vld [tilespmem:$0x0];
	_ =	sdelay $0x1  }
0x32: {  	v2 =	vld [tilespmem:$0x10];
	_ =	sdelay $0x1  }
0x33: {  	v3 =	vld [tilespmem:$0x20]  }
0x34: {  	v4 =	vand.u32 $0xFFFF, v1  }
0x35: {  	v62 =	vld [tilespmem:$0x30];
	v1 =	vshrl.u32 v1, $0x10;
	[tilespmem:$0x100] =	vst v4  }
0x36: {  	[tilespmem:$0x180] =	vst v1;
	v1 =	vand.u32 $0xFFFF, v2  }
0x37: {  	[tilespmem:$0x110] =	vst v1;
	v1 =	vshrl.u32 v2, $0x10;
	v2 =	vld [tilespmem:$0x40]  }
0x38: {  	[tilespmem:$0x190] =	vst v1;
	v1 =	vand.u32 $0xFFFF, v3  }
0x39: {  	[tilespmem:$0x120] =	vst v1;
	v1 =	vshrl.u32 v3, $0x10;
	v3 =	vld [tilespmem:$0x50]  }
0x3a: {  	[tilespmem:$0x1A0] =	vst v1;
	v1 =	vand.u32 $0xFFFF, v62  }
0x3b: {  	v63 =	vld [tilespmem:$0x60];
	[tilespmem:$0x130] =	vst v1;
	v1 =	vshrl.u32 v62, $0x10  }
0x3c: {  	[tilespmem:$0x1B0] =	vst v1;
	v1 =	vand.u32 $0xFFFF, v2  }
0x3d: {  	[tilespmem:$0x140] =	vst v1;
	v1 =	vshrl.u32 v2, $0x10;
	v2 =	vld [tilespmem:$0x6D]  }
0x3e: {  	[tilespmem:$0x1C0] =	vst v1;
	v1 =	vand.u32 $0xFFFF, v3  }
0x3f: {  	[tilespmem:$0x150] =	vst v1;
	v1 =	vshrl.u32 v3, $0x10  }
0x40: {  	[tilespmem:$0x1D0] =	vst v1;
	v1 =	vand.u32 $0xFFFF, v63  }
0x41: {  	[tilespmem:$0x160] =	vst v1;
	v1 =	vshrl.u32 v63, $0x10  }
0x42: {  	[tilespmem:$0x1E0] =	vst v1;
	v1 =	vand.u32 $0xFFFF, v2  }
0x43: {  	[tilespmem:$0x16D] =	vst v1;
	v1 =	vshrl.u32 v2, $0x10  }
0x44: {  	[tilespmem:$0x1ED] =	vst v1  }
0x45: {  	[tilespmem:s13], [sflag:$0x3] =	stream.indirect.gather [hbm4b:s4+s11], $0x80, s12, s11, $0xb8;
	[tilespmem:$0x1C380] =	vst v63  }
0x46: {  	s26 =	simm.s32 $0xFFFFFB20  }
0x47: {  	[tilespmem:s15], [sflag:$0x2] =	stream.linear.gather [hbm4b:s14+s3], $0x80, $0x38;
	[tilespmem:$0x1C380] =	vst v63  }
.LBB2_6:
0x48: {  	_ =	swait.ge [sflag:s16], $0x80  }
0x49: {  	[sflag:s16] =	ssyncset.done $0x0  }
0x4a: {  	[sflag:s16] =	ssyncadd.s32 $0xFFFFFF80  }
0x4b: {  	v1 =	vld [tilespmem:$0x80];
	_ =	sdelay $0x1  }
0x4c: {  	v2 =	vld [tilespmem:$0x90];
	_ =	sdelay $0x1  }
0x4d: {  	v3 =	vld [tilespmem:$0xA0]  }
0x4e: {  	v4 =	vand.u32 $0xFFFF, v1  }
0x4f: {  	v59 =	vld [tilespmem:$0xB0];
	v1 =	vshrl.u32 v1, $0x10;
	[tilespmem:$0x200] =	vst v4  }
0x50: {  	[tilespmem:$0x280] =	vst v1;
	v1 =	vand.u32 $0xFFFF, v2  }
0x51: {  	[tilespmem:$0x210] =	vst v1;
	v1 =	vshrl.u32 v2, $0x10;
	v2 =	vld [tilespmem:$0xC0]  }
0x52: {  	[tilespmem:$0x290] =	vst v1;
	v1 =	vand.u32 $0xFFFF, v3  }
0x53: {  	[tilespmem:$0x220] =	vst v1;
	v1 =	vshrl.u32 v3, $0x10;
	v3 =	vld [tilespmem:$0xD0]  }
0x54: {  	[tilespmem:$0x2A0] =	vst v1;
	v1 =	vand.u32 $0xFFFF, v59  }
0x55: {  	v60 =	vld [tilespmem:$0xE0];
	[tilespmem:$0x230] =	vst v1;
	v1 =	vshrl.u32 v59, $0x10  }
0x56: {  	[tilespmem:$0x2B0] =	vst v1;
	v1 =	vand.u32 $0xFFFF, v2  }
0x57: {  	[tilespmem:$0x240] =	vst v1;
	v1 =	vshrl.u32 v2, $0x10;
	v2 =	vld [tilespmem:$0xED]  }
0x58: {  	[tilespmem:$0x2C0] =	vst v1;
	v1 =	vand.u32 $0xFFFF, v3  }
0x59: {  	[tilespmem:$0x250] =	vst v1;
	v1 =	vshrl.u32 v3, $0x10  }
0x5a: {  	[tilespmem:$0x2D0] =	vst v1;
	v1 =	vand.u32 $0xFFFF, v60  }
0x5b: {  	[tilespmem:$0x260] =	vst v1;
	v1 =	vshrl.u32 v60, $0x10  }
0x5c: {  	[tilespmem:$0x2E0] =	vst v1;
	v1 =	vand.u32 $0xFFFF, v2  }
0x5d: {  	[tilespmem:$0x26D] =	vst v1;
	v1 =	vshrl.u32 v2, $0x10  }
0x5e: {  	s28 =	sadd.s32 s26, s7;
	[tilespmem:$0x2ED] =	vst v1  }
0x5f: {  	[tilespmem:s18], [sflag:$0x4] =	stream.indirect.gather [hbm4b:s4+s11], $0x80, s17, s11, $0xb8;
	[tilespmem:$0x1C380] =	vst v63  }
0x60: {  	s29 =	sadd.s32 $0x500, s28  }
0x61: {  	[tilespmem:s3], [sflag:$0x1] =	stream.linear.gather [hbm4b:s29+s3], $0x80, $0x38;
	[tilespmem:$0x1C380] =	vst v63  }
0x62: {  	_ =	swait.ge [sflag:s19], $0x3E80  }
0x63: {  	[sflag:s19] =	ssyncset.done $0x0  }
0x64: {  	[sflag:s19] =	ssyncadd.s32 $0xFFFFC180  }
0x65: {  	[spmem:s2] =	stream.indirect.scatter.add.f32 [tilespmem:s13], [sflag:$0x5], $0x80, s20, s11, $0xb8;
	[tilespmem:$0x1C380] =	vst v63  }
0x66: {  	_ =	swait.ge [sflag:s10], $0x3E80  }
0x67: {  	[sflag:s10] =	ssyncset.done $0x0  }
0x68: {  	[sflag:s10] =	ssyncadd.s32 $0xFFFFC180  }
0x69: {  	_ =	swait.ge [sflag:s21], $0x80  }
0x6a: {  	[sflag:s21] =	ssyncset.done $0x0  }
0x6b: {  	[sflag:s21] =	ssyncadd.s32 $0xFFFFFF80  }
0x6c: {  	v1 =	vld [tilespmem:$0x0];
	_ =	sdelay $0x1  }
0x6d: {  	v2 =	vld [tilespmem:$0x10];
	_ =	sdelay $0x1  }
0x6e: {  	v3 =	vld [tilespmem:$0x20]  }
0x6f: {  	v61 =	vand.u32 $0xFFFF, v1  }
0x70: {  	v62 =	vld [tilespmem:$0x30];
	v1 =	vshrl.u32 v1, $0x10;
	[tilespmem:$0x100] =	vst v61  }
0x71: {  	[tilespmem:$0x180] =	vst v1;
	v1 =	vand.u32 $0xFFFF, v2  }
0x72: {  	[tilespmem:$0x110] =	vst v1;
	v1 =	vshrl.u32 v2, $0x10;
	v2 =	vld [tilespmem:$0x40]  }
0x73: {  	[tilespmem:$0x190] =	vst v1;
	v1 =	vand.u32 $0xFFFF, v3  }
0x74: {  	[tilespmem:$0x120] =	vst v1;
	v1 =	vshrl.u32 v3, $0x10;
	v3 =	vld [tilespmem:$0x50]  }
0x75: {  	[tilespmem:$0x1A0] =	vst v1;
	v1 =	vand.u32 $0xFFFF, v62  }
0x76: {  	v63 =	vld [tilespmem:$0x60];
	[tilespmem:$0x130] =	vst v1;
	v1 =	vshrl.u32 v62, $0x10  }
0x77: {  	[tilespmem:$0x1B0] =	vst v1;
	v1 =	vand.u32 $0xFFFF, v2  }
0x78: {  	[tilespmem:$0x140] =	vst v1;
	v1 =	vshrl.u32 v2, $0x10;
	v2 =	vld [tilespmem:$0x6D]  }
0x79: {  	[tilespmem:$0x1C0] =	vst v1;
	v1 =	vand.u32 $0xFFFF, v3  }
0x7a: {  	[tilespmem:$0x150] =	vst v1;
	v1 =	vshrl.u32 v3, $0x10  }
0x7b: {  	[tilespmem:$0x1D0] =	vst v1;
	v1 =	vand.u32 $0xFFFF, v63  }
0x7c: {  	[tilespmem:$0x160] =	vst v1;
	v1 =	vshrl.u32 v63, $0x10  }
0x7d: {  	[tilespmem:$0x1E0] =	vst v1;
	v1 =	vand.u32 $0xFFFF, v2  }
0x7e: {  	[tilespmem:$0x16D] =	vst v1;
	v1 =	vshrl.u32 v2, $0x10  }
0x7f: {  	[tilespmem:$0x1ED] =	vst v1  }
0x80: {  	[tilespmem:s13], [sflag:$0x3] =	stream.indirect.gather [hbm4b:s4+s11], $0x80, s12, s11, $0xb8;
	[tilespmem:$0x1C380] =	vst v63  }
0x81: {  	s28 =	sadd.s32 $0x510, s28  }
0x82: {  	[tilespmem:s15], [sflag:$0x2] =	stream.linear.gather [hbm4b:s28+s3], $0x80, $0x38;
	[tilespmem:$0x1C380] =	vst v63  }
0x83: {  	_ =	swait.ge [sflag:s22], $0x3E80  }
0x84: {  	p1 =	sne.s32 s26, $0xFFFFFFE0;
	[sflag:s22] =	ssyncset.done $0x0  }
.Ltmp3:
0x85: {  	[sflag:s22] =	ssyncadd.s32 $0xFFFFC180;
	(pc) =	sbr.rel @p1 .LBB2_6-.Ltmp3, $4  }
0x86: {  	[spmem:s2] =	stream.indirect.scatter.add.f32 [tilespmem:s18], [sflag:$0x5], $0x80, s23, s11, $0xb8;
	[tilespmem:$0x1C380] =	vst v63  }
0x87: {  	_ =	swait.ge [sflag:s10], $0x3E80  }
0x88: {  	[sflag:s10] =	ssyncset.done $0x0  }
0x89: {  	s26 =	sadd.s32 $0x20, s26;
	[sflag:s10] =	ssyncadd.s32 $0xFFFFC180  }
0x8a: {  	_ =	swait.ge [sflag:s16], $0x80  }
0x8b: {  	[sflag:s16] =	ssyncset.done $0x0  }
0x8c: {  	[sflag:s16] =	ssyncadd.s32 $0xFFFFFF80  }
0x8d: {  	v1 =	vld [tilespmem:$0x80];
	_ =	sdelay $0x1  }
0x8e: {  	v2 =	vld [tilespmem:$0x90];
	_ =	sdelay $0x1  }
0x8f: {  	v3 =	vld [tilespmem:$0xA0]  }
0x90: {  	v4 =	vand.u32 $0xFFFF, v1  }
0x91: {  	v62 =	vld [tilespmem:$0xB0];
	v1 =	vshrl.u32 v1, $0x10;
	[tilespmem:$0x200] =	vst v4  }
0x92: {  	[tilespmem:$0x280] =	vst v1;
	v1 =	vand.u32 $0xFFFF, v2  }
0x93: {  	[tilespmem:$0x210] =	vst v1;
	v1 =	vshrl.u32 v2, $0x10;
	v2 =	vld [tilespmem:$0xC0]  }
0x94: {  	[tilespmem:$0x290] =	vst v1;
	v1 =	vand.u32 $0xFFFF, v3  }
0x95: {  	[tilespmem:$0x220] =	vst v1;
	v1 =	vshrl.u32 v3, $0x10;
	v3 =	vld [tilespmem:$0xD0]  }
0x96: {  	[tilespmem:$0x2A0] =	vst v1;
	v1 =	vand.u32 $0xFFFF, v62  }
0x97: {  	v63 =	vld [tilespmem:$0xE0];
	[tilespmem:$0x230] =	vst v1;
	v1 =	vshrl.u32 v62, $0x10  }
0x98: {  	[tilespmem:$0x2B0] =	vst v1;
	v1 =	vand.u32 $0xFFFF, v2  }
0x99: {  	[tilespmem:$0x240] =	vst v1;
	v1 =	vshrl.u32 v2, $0x10;
	v2 =	vld [tilespmem:$0xED]  }
0x9a: {  	[tilespmem:$0x2C0] =	vst v1;
	v1 =	vand.u32 $0xFFFF, v3  }
0x9b: {  	[tilespmem:$0x250] =	vst v1;
	v1 =	vshrl.u32 v3, $0x10  }
0x9c: {  	[tilespmem:$0x2D0] =	vst v1;
	v1 =	vand.u32 $0xFFFF, v63  }
0x9d: {  	[tilespmem:$0x260] =	vst v1;
	v1 =	vshrl.u32 v63, $0x10  }
0x9e: {  	[tilespmem:$0x2E0] =	vst v1;
	v1 =	vand.u32 $0xFFFF, v2  }
0x9f: {  	[tilespmem:$0x26D] =	vst v1;
	v1 =	vshrl.u32 v2, $0x10  }
0xa0: {  	[tilespmem:$0x2ED] =	vst v1  }
0xa1: {  	[tilespmem:s18], [sflag:$0x4] =	stream.indirect.gather [hbm4b:s4+s11], $0x80, s17, s11, $0xb8;
	[tilespmem:$0x1C380] =	vst v63  }
0xa2: {  	_ =	swait.ge [sflag:s19], $0x3E80  }
0xa3: {  	[sflag:s19] =	ssyncset.done $0x0  }
0xa4: {  	[sflag:s19] =	ssyncadd.s32 $0xFFFFC180  }
0xa5: {  	[spmem:s2] =	stream.indirect.scatter.add.f32 [tilespmem:s13], [sflag:$0x5], $0x80, s20, s11, $0xb8;
	[tilespmem:$0x1C380] =	vst v63  }
0xa6: {  	_ =	swait.ge [sflag:s10], $0x3E80  }
0xa7: {  	[sflag:s10] =	ssyncset.done $0x0  }
0xa8: {  	[sflag:s10] =	ssyncadd.s32 $0xFFFFC180  }
0xa9: {  	_ =	swait.ge [sflag:s22], $0x3E80  }
0xaa: {  	[sflag:s22] =	ssyncset.done $0x0  }
0xab: {  	[sflag:s22] =	ssyncadd.s32 $0xFFFFC180  }
0xac: {  	[spmem:s2] =	stream.indirect.scatter.add.f32 [tilespmem:s18], [sflag:$0x5], $0x80, s23, s11, $0xb8;
	[tilespmem:$0x1C380] =	vst v63  }
0xad: {  	_ =	swait.ge [sflag:s10], $0x3E80  }
.Ltmp4:
0xae: {  	[sflag:s10] =	ssyncset.done $0x0;
	(pc) =	sbr.rel @!p0 .LBB2_9-.Ltmp4, $4  }
0xaf: {  	s26 =	sshll.u32 s0, $0x6;
	s28 =	sshrl.u32 s6, $0x3;
	[sflag:s10] =	ssyncadd.s32 $0xFFFFC180  }
0xb0: {  	s29 =	sadd.s32 $0x1000, s24;
	s26 =	sor.u32 $0x1C05, s26;
	[bflag:$0x0] =	sbarrier.arrive $0xFFFF  }
0xb1: {  	[hbm:s24], [sflag:s26] =	dma.local [spmem:s28], $0x100  }
0xb2: {  	s30 =	smov.u32 s6;
	s28 =	sadd.s32 $0xFFFFFFFF, s5;
	_ =	swait.ge [sflag:s10], $0x100  }
.LBB2_8:
0xb3: {  	[sflag:s10] =	ssyncset.done $0x0;
	s30 =	sadd.s32 $0x8000, s30;
	p0 =	sne.s32 s28, $0x1  }
.Ltmp5:
0xb4: {  	s31 =	sshrl.u32 s30, $0x3;
	[sflag:s10] =	ssyncadd.s32 $0xFFFFFF00;
	(pc) =	sbr.rel @p0 .LBB2_8-.Ltmp5, $3  }
0xb5: {  	[hbm:s29], [sflag:s26] =	dma.local [spmem:s31], $0x100  }
0xb6: {  	s28 =	sadd.s32 $0xFFFFFFFF, s28;
	_ =	sdelay $0x1  }
0xb7: {  	s29 =	sadd.s32 $0x1000, s29;
	_ =	swait.ge [sflag:s10], $0x100  }
.LBB2_9:
0xb8: {  	s25 =	sadd.s32 $0x1, s25  }
0xb9: {  	p0 =	sne.s32 s25, s8  }
.Ltmp6:
0xba: {  	_ = 	snop;
	(pc) =	sbr.rel @p0 .LBB2_1-.Ltmp6, $3  }
0xbb: {  	_ =	sdelay $0x1  }
0xbc: {  	[sflag:s10] =	ssyncset.done $0x0  }
0xbd: {  	[sflag:s10] =	ssyncadd.s32 $0xFFFFFF00  }
0xbe: {  	_ =	sfence.sel $0x180000  }
0xbf: {  	[bflag:$0x0] =	sbarrier.arrive $0xFFFF  }
0xc0: {  	p0 =	sne.s32 s0, $0x0;
	_ =	strace $0x9000004A  }
0xc1: {  	s0 =	sadd.s32 @!p0 $0x100000, s1;
	[bflag:$0x2] =	sbarrier.arrive $0xFFFF  }
0xc2: {  	[sflag:s0] =	ssyncadd.tile.s32 @!p0 $0x1;
	_ =	shalt  }
.Lfunc_end2:
_tile_overlayer_lowered:
.L_overlay_start_2:
0xc3: {  	(tag) =	ssettag $0x2  }
0xc4: {  	s0 =	rddreg [dreg:$0x0];
	s2 =	stileid.u32  }
0xc5: {  	s1 =	rddreg [dreg:$0x1];
	p0 =	sne.s32 s2, $0x0  }
0xc6: {  	s3 =	rddreg [dreg:$0x2];
	[bflag:$0x3] =	sbarrier.arrive $0xFFFF;
	s2 =	simm.s32 @!p0 $0x1C05  }
0xc7: {  	[timem:s3], [sflag:s2] =	dma.local @!p0 [hbm:s0], s1  }
0xc8: {  	s0 =	simm.s32 @!p0 $0x5  }
0xc9: {  	_ =	swait.ge @!p0 [sflag:s0], s1  }
0xca: {  	s1 =	ssub.s32 @!p0 $0x0, s1;
	[sflag:s0] =	ssyncset.done @!p0 $0x0  }
0xcb: {  	[sflag:s0] =	ssyncadd.s32 @!p0 s1  }
0xcc: {  	[bflag:$0x3] =	sbarrier.arrive $0xFFFF  }
0xcd: {  	_ =	shalt  }

// kernel: kernel.16.cloned.1.call-start
scs
__scs_entry_jumppad:
0x0: {  	(pc) =	sbr.rel $0x88, $3  }
0x1: {  	(tag) =	ssettag $0x0;
	lr =	simm.s32 $0x1  }
0x2: {  	[smem:$0x3F94] =	sst lr;
	_ =	strace $0xD0000000  }
0x3: {  	_ = 	snop  }
0x4: {  	_ = 	snop  }
0x5: {  	_ = 	snop  }
0x6: {  	_ = 	snop  }
0x7: {  	_ = 	snop  }
__scs_overlays_trampoline_lowered:
0x8: {  	[smem:$0x3FA3] =	sst s0  }
0x9: {  	[smem:$0x3FA4] =	sst s1  }
0xa: {  	[smem:$0x3FA5] =	sst s2  }
0xb: {  	[smem:$0x3FA6] =	sst s3  }
0xc: {  	[smem:$0x3FA7] =	sst s4  }
0xd: {  	[smem:$0x3FA8] =	sst s5  }
0xe: {  	[smem:$0x3FA9] =	sst s6  }
0xf: {  	[smem:$0x3FAA] =	sst s7  }
0x10: {  	[smem:$0x3FAB] =	sst s8  }
0x11: {  	[smem:$0x3FAC] =	sst s9;
	s0 =	simm.s32 @!p0 $0x0  }
0x12: {  	s1 =	sld [smem:$0x3F92];
	s0 =	simm.s32 @p0 $0x1  }
0x13: {  	[smem:$0x3FAD] =	sst s0;
	s0 =	simm.s32 @!p1 $0x0  }
0x14: {  	s2 =	sld [smem:$0x3F91];
	s0 =	simm.s32 @p1 $0x1  }
0x15: {  	[smem:$0x3FAE] =	sst s0;
	s0 =	simm.s32 @!p2 $0x0  }
0x16: {  	s3 =	sld [smem:$0x3FDB];
	s0 =	simm.s32 @p2 $0x1  }
0x17: {  	s4 =	simm.s32 $0x1BF5;
	[smem:$0x3FB0] =	sst s0  }
0x18: {  	s0 =	sld [smem:$0x3F93];
	_ =	swait.ge [sflag:s4], $0x0  }
0x19: {  	s7 =	sld [smem:$0x3F94]  }
0x1a: {  	s8 =	sadd.s32 $0xFFFFE003, lr  }
0x1b: {  	s9 =	sadd.s32 $0xFFFFFEF7, lr;
	s5 =	simm.s32 $0xFFFFFFFF;
	p2 =	slt.u32 s8, $0xFFFFF086  }
0x1c: {  	p1 =	slt.u32 s9, $0xF7A;
	s5 =	simm.s32 @!p2 $0x0  }
0x1d: {  	s5 =	simm.s32 @p1 $0x1;
	p0 =	seq.s32 s7, s2  }
0x1e: {  	s7 =	smul.u32 @!p0 $0xF7A, s2;
	p2 =	seq.s32 @!p0 s5, $0x0  }
0x1f: {  	s9 =	smul.u32 $0xF7A, s1;
	s8 =	simm.s32 @!p0 $0x1BF5;
	p2 =	por !p2, p0  }
0x20: {  	[sflag:s8] =	ssyncset.s32 @!p0 $0xFFFFF086;
	s6 =	sadd.s32 @!p0 s3, s7;
	s7 =	simm.s32 @!p0 $0x108  }
0x21: {  	s3 =	sadd.s32 s3, s9;
	s6 =	sadd.s32 @!p0 $0x88, s6;
	s7 =	simm.s32 @p2 $0x1082  }
0x22: {  	[simem:s7], [sflag:s8] =	dma.local @!p0 [hbm:s6], $0xF7A  }
0x23: {  	s9 =	sor.u32 $0xD0000000, s2;
	s6 =	simm.s32 $0x108;
	_ =	swait.ge @!p0 [sflag:s8], $0x0  }
0x24: {  	s3 =	sadd.s32 $0x88, s3;
	s6 =	simm.s32 @!p1 $0x1082;
	[sflag:s4] =	ssyncset.s32 $0xFFFFF086  }
0x25: {  	[simem:s6], [sflag:s4] =	dma.local [hbm:s3], $0xF7A  }
0x26: {  	[smem:$0x3F94] =	sst s1;
	(tag) =	ssettag s2;
	_ =	strace s9  }
0x27: {  	s1 =	sld [smem:$0x3FA4]  }
0x28: {  	s2 =	sld [smem:$0x3FA5]  }
0x29: {  	s4 =	sld [smem:$0x3FA7]  }
0x2a: {  	p0 =	seq.s32 s5, $0x0;
	s5 =	sld [smem:$0x3FA8]  }
0x2b: {  	s6 =	sld [smem:$0x3FA9]  }
0x2c: {  	s7 =	sld [smem:$0x3FAA]  }
0x2d: {  	s3 =	simm.s32 $0x108;
	s8 =	sld [smem:$0x3FAB]  }
0x2e: {  	s3 =	simm.s32 @!p0 $0x1082;
	s9 =	sld [smem:$0x3FAC]  }
0x2f: {  	lr =	sadd.s32 s0, s3;
	s0 =	sld [smem:$0x3FA3]  }
0x30: {  	s3 =	sld [smem:$0x3FA6]  }
0x31: {  	[smem:$0x3FAF] =	sst s10  }
0x32: {  	s10 =	sld [smem:$0x3FAD];
	_ =	sdelay $0x3  }
0x33: {  	p0 =	seq.s32 s10, $0x1;
	s10 =	sld [smem:$0x3FAF];
	_ =	sdelay $0x3  }
0x34: {  	[smem:$0x3FAF] =	sst s10  }
0x35: {  	s10 =	sld [smem:$0x3FAE];
	_ =	sdelay $0x3  }
0x36: {  	p1 =	seq.s32 s10, $0x1;
	s10 =	sld [smem:$0x3FAF];
	_ =	sdelay $0x3  }
0x37: {  	[smem:$0x3FAF] =	sst s10  }
0x38: {  	s10 =	sld [smem:$0x3FB0]  }
0x39: {  	_ = 	snop;
	(pc) =	sbr.ind lr, $3  }
0x3a: {  	_ = 	snop  }
0x3b: {  	_ = 	snop  }
0x3c: {  	p2 =	seq.s32 s10, $0x1;
	s10 =	sld [smem:$0x3FAF]  }
0x3d: {  	_ =	shalt  }
0x3e: {  	_ =	shalt  }
0x3f: {  	_ =	shalt  }
0x40: {  	_ =	shalt  }
0x41: {  	_ =	shalt  }
0x42: {  	_ =	shalt  }
0x43: {  	_ =	shalt  }
0x44: {  	_ =	shalt  }
0x45: {  	_ =	shalt  }
0x46: {  	_ =	shalt  }
0x47: {  	_ =	shalt  }
0x48: {  	_ =	shalt  }
0x49: {  	_ =	shalt  }
0x4a: {  	_ =	shalt  }
0x4b: {  	_ =	shalt  }
0x4c: {  	_ =	shalt  }
0x4d: {  	_ =	shalt  }
0x4e: {  	_ =	shalt  }
0x4f: {  	_ =	shalt  }
0x50: {  	_ =	shalt  }
0x51: {  	_ =	shalt  }
0x52: {  	_ =	shalt  }
0x53: {  	_ =	shalt  }
0x54: {  	_ =	shalt  }
0x55: {  	_ =	shalt  }
0x56: {  	_ =	shalt  }
0x57: {  	_ =	shalt  }
0x58: {  	_ =	shalt  }
0x59: {  	_ =	shalt  }
0x5a: {  	_ =	shalt  }
0x5b: {  	_ =	shalt  }
0x5c: {  	_ =	shalt  }
0x5d: {  	_ =	shalt  }
0x5e: {  	_ =	shalt  }
0x5f: {  	_ =	shalt  }
0x60: {  	_ =	shalt  }
0x61: {  	_ =	shalt  }
0x62: {  	_ =	shalt  }
0x63: {  	_ =	shalt  }
0x64: {  	_ =	shalt  }
0x65: {  	_ =	shalt  }
0x66: {  	_ =	shalt  }
0x67: {  	_ =	shalt  }
0x68: {  	_ =	shalt  }
0x69: {  	_ =	shalt  }
0x6a: {  	_ =	shalt  }
0x6b: {  	_ =	shalt  }
0x6c: {  	_ =	shalt  }
0x6d: {  	_ =	shalt  }
0x6e: {  	_ =	shalt  }
0x6f: {  	_ =	shalt  }
0x70: {  	_ =	shalt  }
0x71: {  	_ =	shalt  }
0x72: {  	_ =	shalt  }
0x73: {  	_ =	shalt  }
0x74: {  	_ =	shalt  }
0x75: {  	_ =	shalt  }
0x76: {  	_ =	shalt  }
0x77: {  	_ =	shalt  }
0x78: {  	_ =	shalt  }
0x79: {  	_ =	shalt  }
0x7a: {  	_ =	shalt  }
0x7b: {  	_ =	shalt  }
0x7c: {  	_ =	shalt  }
0x7d: {  	_ =	shalt  }
0x7e: {  	_ =	shalt  }
0x7f: {  	_ =	shalt  }
0x80: {  	_ =	shalt  }
0x81: {  	_ =	shalt  }
0x82: {  	_ =	shalt  }
0x83: {  	_ =	shalt  }
0x84: {  	_ =	shalt  }
0x85: {  	_ =	shalt  }
0x86: {  	_ =	shalt  }
0x87: {  	_ =	shalt  }
.Lfunc_end0:
.L_simem_size_0:
called_computation.2_lowered:
.L_overlay_start_0:
0x88: {  	s2 =	sld [smem:$0x3FD9]  }
0x89: {  	s3 =	sld [smem:$0x3FFE];
	_ =	sdelay $0x1  }
0x8a: {  	s1 =	srdreg.scid  }
0x8b: {  	s0 =	sand.u32 $0x1, s1  }
0x8c: {  	s16 =	sshll.u32 s0, $0xA;
	s2 =	sadd.s32 s3, s2  }
0x8d: {  	s2 =	sadd.s32 s2, s16  }
0x8e: {  	[smem:$0x3FBB] =	sst s2  }
0x8f: {  	_ = 	snop  }
0x90: {  	(tm) =	ssettm $0x1  }
0x91: {  	s17 =	sld [smem:$0x3FFB];
	_ =	sdelay $0x3  }
0x92: {  	_ =	strace s17  }
0x93: {  	s2 =	sld [smem:$0x3FFC];
	_ =	sdelay $0x3  }
0x94: {  	_ =	strace s2  }
0x95: {  	s2 =	sld [smem:$0x3FFD];
	_ =	sdelay $0x3  }
0x96: {  	_ =	strace s2  }
0x97: {  	_ =	strace $0x8FFFFFFF  }
0x98: {  	s18 =	sld [smem:$0x3FDB];
	_ =	sdelay $0x1  }
0x99: {  	s19 =	simm.s32 $_scs_section_size  }
0x9a: {  	s4 =	simm.s32 $_size__tile_overlayer_lowered;
	s5 =	simm.s32 $_tile_overlayer_lowered  }
0x9b: {  	s22 =	simm.s32 $0x1BFF;
	s21 =	sshll.u32 s5, $0x1;
	s2 =	sadd.s32 s19, s18  }
0x9c: {  	s6 =	simm.s32 $0x0;
	s20 =	sshll.u32 s4, $0x1;
	s4 =	sadd.s32 s21, s2  }
0x9d: {  	[timem:s6], [sflag:s22] =	dma.local [hbm:s4], s20  }
0x9e: {  	_ =	swait.ge [sflag:s22], s20  }
0x9f: {  	s3 =	ssub.s32 $0x0, s20;
	[sflag:s22] =	ssyncset.done $0x0  }
0xa0: {  	[sflag:s22] =	ssyncadd.s32 s3;
	_ =	sdelay $0x1  }
0xa1: {  	s23 =	simm.s32 $0x1B8B  }
0xa2: {  	_ =	swait.ge [sflag:s23], $0x1  }
0xa3: {  	[sflag:s23] =	ssyncset.done $0x0  }
0xa4: {  	s25 =	simm.s32 $0x1B8E;
	s24 =	sld [smem:$0x3FFE];
	[sflag:s23] =	ssyncadd.s32 $0xFFFFFFFF  }
0xa5: {  	s26 =	simm.s32 $execute0_lowered;
	[smem:$0x3FD2] =	sst s25  }
0xa6: {  	s4 =	sshll.u32 s26, $0x1;
	_ =	strace $0x8000004C;
	[dreg:$0x1] =	wrdreg $0xFFFFFFFF  }
0xa7: {  	s28 =	simm.s32 $_size_execute0_lowered;
	s2 =	sadd.s32 s2, s4;
	[dreg:$0x0] =	wrdreg $0x0  }
0xa8: {  	s4 =	sshll.u32 s28, $0x1;
	[dreg:$0x2] =	wrdreg s2  }
0xa9: {  	[dreg:$0x3] =	wrdreg s4  }
0xaa: {  	[dreg:$0x4] =	wrdreg $0xC0  }
0xab: {  	_ =	task [dreg:s6], $0x5FFFF  }
0xac: {  	[dreg:$0x1] =	wrdreg $0xFFFFFFFF  }
0xad: {  	[dreg:$0x0] =	wrdreg $0x60  }
0xae: {  	[dreg:$0x2] =	wrdreg s24  }
0xaf: {  	[dreg:$0x3] =	wrdreg $0x8B000  }
0xb0: {  	[dreg:$0x4] =	wrdreg $0x9  }
0xb1: {  	_ =	task.clear_ibuf [dreg:s6], $0x5FFFF;
	_ =	strace $0x9000004C  }
0xb2: {  	s29 =	simm.s32 $0x9;
	_ =	strace $0x8000004E  }
0xb3: {  	_ =	swait.ge [sflag:s29], $0x1  }
0xb4: {  	[sflag:s29] =	ssyncadd.s32 $0xFFFFFFFF  }
0xb5: {  	_ =	strace $0x9000004E  }
0xb6: {  	_ =	sfence  }
0xb7: {  	s30 =	sld [smem:$0x0];
	_ =	sdelay $0x2  }
0xb8: {  	s31 =	sshll.u32 s1, $0xD;
	s1 =	sshrl.u32 s1, $0x2  }
0xb9: {  	s3 =	sand.u32 $0x4000, s31;
	s1 =	sadd.s32 s1, s30  }
0xba: {  	s0 =	sor.u32 s3, s0;
	s1 =	sshll.u32 s1, $0x11  }
0xbb: {  	s0 =	sor.u32 s1, s0  }
0xbc: {  	s0 =	sadd.s32 $0x8F2B, s0  }
0xbd: {  	[sflag:s0] =	ssyncadd.remote.s32 $0x1  }
0xbe: {  	_ =	sfence.sel $0xFFFF  }
0xbf: {  	[dreg:$0x0] =	wrdreg $0xFFFFFFFF;
	(pc) =	sbr.abs _section_cstart, $3  }
0xc0: {  	[dreg:$0x1] =	wrdreg $0xFFFFFFFF  }
0xc1: {  	_ =	task.clear_ibuf [dreg:s6], $0x2FFFF;
	_ =	strace $0x9FFFFFFF  }
0xc2: {  	(tm) =	ssettm $0x7FFFFFFF  }
0xc3: {  	_ =	shalt  }
tec
execute0_lowered:
.L_overlay_start_1:
0x0: {  	(tag) =	ssettag $0x1  }
0x1: {  	s1 =	srdreg.scid  }
0x2: {  	s0 =	stileid.u32;
	s5 =	rddreg [dreg:$0x0]  }
0x3: {  	s2 =	rddreg [dreg:$0x1];
	s3 =	simm.s32 $0x0;
	s12 =	simm.s32 $0x100  }
0x4: {  	s13 =	simm.s32 $0x300;
	s15 =	simm.s32 $0x80;
	s16 =	simm.s32 $0x2  }
0x5: {  	s17 =	simm.s32 $0x200;
	s18 =	simm.s32 $0x4300;
	s19 =	simm.s32 $0x3  }
0x6: {  	s20 =	simm.s32 $0x180;
	s21 =	simm.s32 $0x1;
	s22 =	simm.s32 $0x4  }
0x7: {  	s23 =	simm.s32 $0x280;
	s4 =	sand.u32 $0x1, s1;
	s1 =	rddreg [dreg:$0x2]  }
0x8: {  	s29 =	sshll.u32 s0, $0x1;
	[smem:$0x7FF] =	sst s3;
	p0 =	seq.s32 s0, $0x0  }
0x9: {  	s10 =	sshll.u32 s0, $0xB;
	s6 =	sor.u32 s4, s29;
	s7 =	smul.u32 $0x27100, s4  }
0xa: {  	s25 =	sshll.u32 s0, $0x8;
	s30 =	ssub.s32 $0x2, s4;
	s6 =	smul.u32 $0x500, s6  }
0xb: {  	_ =	strace $0x8000004D;
	s4 =	sadd.s32 $0xD800, s5;
	s31 =	sshrl.u32 s30, $0x1  }
0xc: {  	s9 =	sadd.s32 s7, s5;
	s11 =	ssub.s32 s30, s31;
	s8 =	sadd.s32 s6, s5  }
0xd: {  	s5 =	simm.s32 $0x28;
	s6 =	sadd.s32 s10, s2;
	s24 =	sadd.s32 $0x34A00, s9  }
0xe: {  	s9 =	simm.s32 $0x8300;
	s10 =	simm.s32 $0x5;
	s5 =	simm.s32 @!p0 $0x27  }
0xf: {  	s7 =	sadd.s32 $0x3800, s8;
	s8 =	smax.u32 s11, $0x1;
	s11 =	simm.s32 $0x7D  }
0x10: {  	v0 =	vimm.f32 $0.0e+00;
	s24 =	sadd.s32 s24, s25;
	s25 =	simm.s32 $0x0;
	s14 =	sadd.s32 $0x10, s7  }
.LBB2_1:
0x11: {  	s26 =	simm.s32 $0x0;
	s28 =	simm.s32 $0x200  }
.LBB2_2:
0x12: {  	p0 =	sne.s32 s28, $0x1E00;
	[tilespmem:s26+$0x8370] =	vst v0  }
0x13: {  	[tilespmem:s26+$0x8300] =	vst v0  }
0x14: {  	[tilespmem:s26+$0x8310] =	vst v0  }
.Ltmp0:
0x15: {  	[tilespmem:s26+$0x8320] =	vst v0;
	(pc) =	sbr.rel @p0 .LBB2_2-.Ltmp0, $4  }
0x16: {  	[tilespmem:s26+$0x8330] =	vst v0  }
0x17: {  	[tilespmem:s26+$0x8340] =	vst v0  }
0x18: {  	[tilespmem:s26+$0x8350] =	vst v0  }
0x19: {  	[tilespmem:s26+$0x8360] =	vst v0;
	s26 =	sshra.s32 s28, $0x2;
	s28 =	sadd.s32 $0x200, s28  }
0x1a: {  	[tilespmem:s26+$0x8370] =	vst v0  }
0x1b: {  	[tilespmem:s26+$0x8300] =	vst v0  }
0x1c: {  	[tilespmem:s26+$0x8310] =	vst v0  }
0x1d: {  	[tilespmem:s26+$0x8320] =	vst v0  }
0x1e: {  	[tilespmem:s26+$0x8330] =	vst v0  }
0x1f: {  	[tilespmem:s26+$0x8340] =	vst v0;
	p0 =	sne.s32 s5, $0x1  }
.Ltmp1:
0x20: {  	[tilespmem:s26+$0x8350] =	vst v0;
	(pc) =	sbr.rel @!p0 .LBB2_5-.Ltmp1, $4  }
0x21: {  	[tilespmem:s26+$0x8360] =	vst v0  }
0x22: {  	[spmem:s6] =	stream.linear.scatter [tilespmem:s9], [sflag:$0x5], $0x800, $0x38;
	[tilespmem:$0x1C380] =	vst v63  }
0x23: {  	_ =	swait.ge [sflag:s10], $0x800  }
0x24: {  	s26 =	sadd.s32 $0xFFFFFFFF, s5;
	s28 =	smov.u32 s6;
	[sflag:s10] =	ssyncset.done $0x0  }
.LBB2_4:
0x25: {  	p1 =	sne.s32 s26, $0x1;
	[sflag:s10] =	ssyncadd.s32 $0xFFFFF800;
	s28 =	sadd.s32 $0x8000, s28  }
.Ltmp2:
0x26: {  	s26 =	sadd.s32 $0xFFFFFFFF, s26;
	(pc) =	sbr.rel @p1 .LBB2_4-.Ltmp2, $4  }
0x27: {  	_ = 	snop  }
0x28: {  	[spmem:s28] =	stream.linear.scatter [tilespmem:s9], [sflag:$0x5], $0x800, $0x38;
	[tilespmem:$0x1C380] =	vst v63  }
0x29: {  	_ =	swait.ge [sflag:s10], $0x800  }
0x2a: {  	[sflag:s10] =	ssyncset.done $0x0  }
.LBB2_5:
0x2b: {  	[sflag:s10] =	ssyncadd.s32 $0xFFFFF800  }
0x2c: {  	[bflag:$0x0] =	sbarrier.arrive $0xFFFF  }
0x2d: {  	[tilespmem:s3], [sflag:$0x5] =	stream.linear.gather [hbm4b:s7+s3], $0x80, $0x38;
	[tilespmem:$0x1C380] =	vst v63  }
0x2e: {  	_ =	swait.ge [sflag:s10], $0x80  }
0x2f: {  	[sflag:s10] =	ssyncset.done $0x0  }
0x30: {  	[sflag:s10] =	ssyncadd.s32 $0xFFFFFF80  }
0x31: {  	v1 =	vld [tilespmem:$0x0];
	_ =	sdelay $0x1  }
0x32: {  	v2 =	vld [tilespmem:$0x10];
	_ =	sdelay $0x1  }
0x33: {  	v3 =	vld [tilespmem:$0x20]  }
0x34: {  	v4 =	vand.u32 $0xFFFF, v1  }
0x35: {  	v62 =	vld [tilespmem:$0x30];
	v1 =	vshrl.u32 v1, $0x10;
	[tilespmem:$0x100] =	vst v4  }
0x36: {  	[tilespmem:$0x180] =	vst v1;
	v1 =	vand.u32 $0xFFFF, v2  }
0x37: {  	[tilespmem:$0x110] =	vst v1;
	v1 =	vshrl.u32 v2, $0x10;
	v2 =	vld [tilespmem:$0x40]  }
0x38: {  	[tilespmem:$0x190] =	vst v1;
	v1 =	vand.u32 $0xFFFF, v3  }
0x39: {  	[tilespmem:$0x120] =	vst v1;
	v1 =	vshrl.u32 v3, $0x10;
	v3 =	vld [tilespmem:$0x50]  }
0x3a: {  	[tilespmem:$0x1A0] =	vst v1;
	v1 =	vand.u32 $0xFFFF, v62  }
0x3b: {  	v63 =	vld [tilespmem:$0x60];
	[tilespmem:$0x130] =	vst v1;
	v1 =	vshrl.u32 v62, $0x10  }
0x3c: {  	[tilespmem:$0x1B0] =	vst v1;
	v1 =	vand.u32 $0xFFFF, v2  }
0x3d: {  	[tilespmem:$0x140] =	vst v1;
	v1 =	vshrl.u32 v2, $0x10;
	v2 =	vld [tilespmem:$0x6D]  }
0x3e: {  	[tilespmem:$0x1C0] =	vst v1;
	v1 =	vand.u32 $0xFFFF, v3  }
0x3f: {  	[tilespmem:$0x150] =	vst v1;
	v1 =	vshrl.u32 v3, $0x10  }
0x40: {  	[tilespmem:$0x1D0] =	vst v1;
	v1 =	vand.u32 $0xFFFF, v63  }
0x41: {  	[tilespmem:$0x160] =	vst v1;
	v1 =	vshrl.u32 v63, $0x10  }
0x42: {  	[tilespmem:$0x1E0] =	vst v1;
	v1 =	vand.u32 $0xFFFF, v2  }
0x43: {  	[tilespmem:$0x16D] =	vst v1;
	v1 =	vshrl.u32 v2, $0x10  }
0x44: {  	[tilespmem:$0x1ED] =	vst v1  }
0x45: {  	[tilespmem:s13], [sflag:$0x3] =	stream.indirect.gather [hbm4b:s4+s11], $0x80, s12, s11, $0xb8;
	[tilespmem:$0x1C380] =	vst v63  }
0x46: {  	s26 =	simm.s32 $0xFFFFFB20  }
0x47: {  	[tilespmem:s15], [sflag:$0x2] =	stream.linear.gather [hbm4b:s14+s3], $0x80, $0x38;
	[tilespmem:$0x1C380] =	vst v63  }
.LBB2_6:
0x48: {  	_ =	swait.ge [sflag:s16], $0x80  }
0x49: {  	[sflag:s16] =	ssyncset.done $0x0  }
0x4a: {  	[sflag:s16] =	ssyncadd.s32 $0xFFFFFF80  }
0x4b: {  	v1 =	vld [tilespmem:$0x80];
	_ =	sdelay $0x1  }
0x4c: {  	v2 =	vld [tilespmem:$0x90];
	_ =	sdelay $0x1  }
0x4d: {  	v3 =	vld [tilespmem:$0xA0]  }
0x4e: {  	v4 =	vand.u32 $0xFFFF, v1  }
0x4f: {  	v59 =	vld [tilespmem:$0xB0];
	v1 =	vshrl.u32 v1, $0x10;
	[tilespmem:$0x200] =	vst v4  }
0x50: {  	[tilespmem:$0x280] =	vst v1;
	v1 =	vand.u32 $0xFFFF, v2  }
0x51: {  	[tilespmem:$0x210] =	vst v1;
	v1 =	vshrl.u32 v2, $0x10;
	v2 =	vld [tilespmem:$0xC0]  }
0x52: {  	[tilespmem:$0x290] =	vst v1;
	v1 =	vand.u32 $0xFFFF, v3  }
0x53: {  	[tilespmem:$0x220] =	vst v1;
	v1 =	vshrl.u32 v3, $0x10;
	v3 =	vld [tilespmem:$0xD0]  }
0x54: {  	[tilespmem:$0x2A0] =	vst v1;
	v1 =	vand.u32 $0xFFFF, v59  }
0x55: {  	v60 =	vld [tilespmem:$0xE0];
	[tilespmem:$0x230] =	vst v1;
	v1 =	vshrl.u32 v59, $0x10  }
0x56: {  	[tilespmem:$0x2B0] =	vst v1;
	v1 =	vand.u32 $0xFFFF, v2  }
0x57: {  	[tilespmem:$0x240] =	vst v1;
	v1 =	vshrl.u32 v2, $0x10;
	v2 =	vld [tilespmem:$0xED]  }
0x58: {  	[tilespmem:$0x2C0] =	vst v1;
	v1 =	vand.u32 $0xFFFF, v3  }
0x59: {  	[tilespmem:$0x250] =	vst v1;
	v1 =	vshrl.u32 v3, $0x10  }
0x5a: {  	[tilespmem:$0x2D0] =	vst v1;
	v1 =	vand.u32 $0xFFFF, v60  }
0x5b: {  	[tilespmem:$0x260] =	vst v1;
	v1 =	vshrl.u32 v60, $0x10  }
0x5c: {  	[tilespmem:$0x2E0] =	vst v1;
	v1 =	vand.u32 $0xFFFF, v2  }
0x5d: {  	[tilespmem:$0x26D] =	vst v1;
	v1 =	vshrl.u32 v2, $0x10  }
0x5e: {  	s28 =	sadd.s32 s26, s7;
	[tilespmem:$0x2ED] =	vst v1  }
0x5f: {  	[tilespmem:s18], [sflag:$0x4] =	stream.indirect.gather [hbm4b:s4+s11], $0x80, s17, s11, $0xb8;
	[tilespmem:$0x1C380] =	vst v63  }
0x60: {  	s29 =	sadd.s32 $0x500, s28  }
0x61: {  	[tilespmem:s3], [sflag:$0x1] =	stream.linear.gather [hbm4b:s29+s3], $0x80, $0x38;
	[tilespmem:$0x1C380] =	vst v63  }
0x62: {  	_ =	swait.ge [sflag:s19], $0x3E80  }
0x63: {  	[sflag:s19] =	ssyncset.done $0x0  }
0x64: {  	[sflag:s19] =	ssyncadd.s32 $0xFFFFC180  }
0x65: {  	[spmem:s2] =	stream.indirect.scatter.add.f32 [tilespmem:s13], [sflag:$0x5], $0x80, s20, s11, $0xb8;
	[tilespmem:$0x1C380] =	vst v63  }
0x66: {  	_ =	swait.ge [sflag:s10], $0x3E80  }
0x67: {  	[sflag:s10] =	ssyncset.done $0x0  }
0x68: {  	[sflag:s10] =	ssyncadd.s32 $0xFFFFC180  }
0x69: {  	_ =	swait.ge [sflag:s21], $0x80  }
0x6a: {  	[sflag:s21] =	ssyncset.done $0x0  }
0x6b: {  	[sflag:s21] =	ssyncadd.s32 $0xFFFFFF80  }
0x6c: {  	v1 =	vld [tilespmem:$0x0];
	_ =	sdelay $0x1  }
0x6d: {  	v2 =	vld [tilespmem:$0x10];
	_ =	sdelay $0x1  }
0x6e: {  	v3 =	vld [tilespmem:$0x20]  }
0x6f: {  	v61 =	vand.u32 $0xFFFF, v1  }
0x70: {  	v62 =	vld [tilespmem:$0x30];
	v1 =	vshrl.u32 v1, $0x10;
	[tilespmem:$0x100] =	vst v61  }
0x71: {  	[tilespmem:$0x180] =	vst v1;
	v1 =	vand.u32 $0xFFFF, v2  }
0x72: {  	[tilespmem:$0x110] =	vst v1;
	v1 =	vshrl.u32 v2, $0x10;
	v2 =	vld [tilespmem:$0x40]  }
0x73: {  	[tilespmem:$0x190] =	vst v1;
	v1 =	vand.u32 $0xFFFF, v3  }
0x74: {  	[tilespmem:$0x120] =	vst v1;
	v1 =	vshrl.u32 v3, $0x10;
	v3 =	vld [tilespmem:$0x50]  }
0x75: {  	[tilespmem:$0x1A0] =	vst v1;
	v1 =	vand.u32 $0xFFFF, v62  }
0x76: {  	v63 =	vld [tilespmem:$0x60];
	[tilespmem:$0x130] =	vst v1;
	v1 =	vshrl.u32 v62, $0x10  }
0x77: {  	[tilespmem:$0x1B0] =	vst v1;
	v1 =	vand.u32 $0xFFFF, v2  }
0x78: {  	[tilespmem:$0x140] =	vst v1;
	v1 =	vshrl.u32 v2, $0x10;
	v2 =	vld [tilespmem:$0x6D]  }
0x79: {  	[tilespmem:$0x1C0] =	vst v1;
	v1 =	vand.u32 $0xFFFF, v3  }
0x7a: {  	[tilespmem:$0x150] =	vst v1;
	v1 =	vshrl.u32 v3, $0x10  }
0x7b: {  	[tilespmem:$0x1D0] =	vst v1;
	v1 =	vand.u32 $0xFFFF, v63  }
0x7c: {  	[tilespmem:$0x160] =	vst v1;
	v1 =	vshrl.u32 v63, $0x10  }
0x7d: {  	[tilespmem:$0x1E0] =	vst v1;
	v1 =	vand.u32 $0xFFFF, v2  }
0x7e: {  	[tilespmem:$0x16D] =	vst v1;
	v1 =	vshrl.u32 v2, $0x10  }
0x7f: {  	[tilespmem:$0x1ED] =	vst v1  }
0x80: {  	[tilespmem:s13], [sflag:$0x3] =	stream.indirect.gather [hbm4b:s4+s11], $0x80, s12, s11, $0xb8;
	[tilespmem:$0x1C380] =	vst v63  }
0x81: {  	s28 =	sadd.s32 $0x510, s28  }
0x82: {  	[tilespmem:s15], [sflag:$0x2] =	stream.linear.gather [hbm4b:s28+s3], $0x80, $0x38;
	[tilespmem:$0x1C380] =	vst v63  }
0x83: {  	_ =	swait.ge [sflag:s22], $0x3E80  }
0x84: {  	p1 =	sne.s32 s26, $0xFFFFFFE0;
	[sflag:s22] =	ssyncset.done $0x0  }
.Ltmp3:
0x85: {  	[sflag:s22] =	ssyncadd.s32 $0xFFFFC180;
	(pc) =	sbr.rel @p1 .LBB2_6-.Ltmp3, $4  }
0x86: {  	[spmem:s2] =	stream.indirect.scatter.add.f32 [tilespmem:s18], [sflag:$0x5], $0x80, s23, s11, $0xb8;
	[tilespmem:$0x1C380] =	vst v63  }
0x87: {  	_ =	swait.ge [sflag:s10], $0x3E80  }
0x88: {  	[sflag:s10] =	ssyncset.done $0x0  }
0x89: {  	s26 =	sadd.s32 $0x20, s26;
	[sflag:s10] =	ssyncadd.s32 $0xFFFFC180  }
0x8a: {  	_ =	swait.ge [sflag:s16], $0x80  }
0x8b: {  	[sflag:s16] =	ssyncset.done $0x0  }
0x8c: {  	[sflag:s16] =	ssyncadd.s32 $0xFFFFFF80  }
0x8d: {  	v1 =	vld [tilespmem:$0x80];
	_ =	sdelay $0x1  }
0x8e: {  	v2 =	vld [tilespmem:$0x90];
	_ =	sdelay $0x1  }
0x8f: {  	v3 =	vld [tilespmem:$0xA0]  }
0x90: {  	v4 =	vand.u32 $0xFFFF, v1  }
0x91: {  	v62 =	vld [tilespmem:$0xB0];
	v1 =	vshrl.u32 v1, $0x10;
	[tilespmem:$0x200] =	vst v4  }
0x92: {  	[tilespmem:$0x280] =	vst v1;
	v1 =	vand.u32 $0xFFFF, v2  }
0x93: {  	[tilespmem:$0x210] =	vst v1;
	v1 =	vshrl.u32 v2, $0x10;
	v2 =	vld [tilespmem:$0xC0]  }
0x94: {  	[tilespmem:$0x290] =	vst v1;
	v1 =	vand.u32 $0xFFFF, v3  }
0x95: {  	[tilespmem:$0x220] =	vst v1;
	v1 =	vshrl.u32 v3, $0x10;
	v3 =	vld [tilespmem:$0xD0]  }
0x96: {  	[tilespmem:$0x2A0] =	vst v1;
	v1 =	vand.u32 $0xFFFF, v62  }
0x97: {  	v63 =	vld [tilespmem:$0xE0];
	[tilespmem:$0x230] =	vst v1;
	v1 =	vshrl.u32 v62, $0x10  }
0x98: {  	[tilespmem:$0x2B0] =	vst v1;
	v1 =	vand.u32 $0xFFFF, v2  }
0x99: {  	[tilespmem:$0x240] =	vst v1;
	v1 =	vshrl.u32 v2, $0x10;
	v2 =	vld [tilespmem:$0xED]  }
0x9a: {  	[tilespmem:$0x2C0] =	vst v1;
	v1 =	vand.u32 $0xFFFF, v3  }
0x9b: {  	[tilespmem:$0x250] =	vst v1;
	v1 =	vshrl.u32 v3, $0x10  }
0x9c: {  	[tilespmem:$0x2D0] =	vst v1;
	v1 =	vand.u32 $0xFFFF, v63  }
0x9d: {  	[tilespmem:$0x260] =	vst v1;
	v1 =	vshrl.u32 v63, $0x10  }
0x9e: {  	[tilespmem:$0x2E0] =	vst v1;
	v1 =	vand.u32 $0xFFFF, v2  }
0x9f: {  	[tilespmem:$0x26D] =	vst v1;
	v1 =	vshrl.u32 v2, $0x10  }
0xa0: {  	[tilespmem:$0x2ED] =	vst v1  }
0xa1: {  	[tilespmem:s18], [sflag:$0x4] =	stream.indirect.gather [hbm4b:s4+s11], $0x80, s17, s11, $0xb8;
	[tilespmem:$0x1C380] =	vst v63  }
0xa2: {  	_ =	swait.ge [sflag:s19], $0x3E80  }
0xa3: {  	[sflag:s19] =	ssyncset.done $0x0  }
0xa4: {  	[sflag:s19] =	ssyncadd.s32 $0xFFFFC180  }
0xa5: {  	[spmem:s2] =	stream.indirect.scatter.add.f32 [tilespmem:s13], [sflag:$0x5], $0x80, s20, s11, $0xb8;
	[tilespmem:$0x1C380] =	vst v63  }
0xa6: {  	_ =	swait.ge [sflag:s10], $0x3E80  }
0xa7: {  	[sflag:s10] =	ssyncset.done $0x0  }
0xa8: {  	[sflag:s10] =	ssyncadd.s32 $0xFFFFC180  }
0xa9: {  	_ =	swait.ge [sflag:s22], $0x3E80  }
0xaa: {  	[sflag:s22] =	ssyncset.done $0x0  }
0xab: {  	[sflag:s22] =	ssyncadd.s32 $0xFFFFC180  }
0xac: {  	[spmem:s2] =	stream.indirect.scatter.add.f32 [tilespmem:s18], [sflag:$0x5], $0x80, s23, s11, $0xb8;
	[tilespmem:$0x1C380] =	vst v63  }
0xad: {  	_ =	swait.ge [sflag:s10], $0x3E80  }
.Ltmp4:
0xae: {  	[sflag:s10] =	ssyncset.done $0x0;
	(pc) =	sbr.rel @!p0 .LBB2_9-.Ltmp4, $4  }
0xaf: {  	s26 =	sshll.u32 s0, $0x6;
	s28 =	sshrl.u32 s6, $0x3;
	[sflag:s10] =	ssyncadd.s32 $0xFFFFC180  }
0xb0: {  	s29 =	sadd.s32 $0x1000, s24;
	s26 =	sor.u32 $0x1C05, s26;
	[bflag:$0x0] =	sbarrier.arrive $0xFFFF  }
0xb1: {  	[hbm:s24], [sflag:s26] =	dma.local [spmem:s28], $0x100  }
0xb2: {  	s30 =	smov.u32 s6;
	s28 =	sadd.s32 $0xFFFFFFFF, s5;
	_ =	swait.ge [sflag:s10], $0x100  }
.LBB2_8:
0xb3: {  	[sflag:s10] =	ssyncset.done $0x0;
	s30 =	sadd.s32 $0x8000, s30;
	p0 =	sne.s32 s28, $0x1  }
.Ltmp5:
0xb4: {  	s31 =	sshrl.u32 s30, $0x3;
	[sflag:s10] =	ssyncadd.s32 $0xFFFFFF00;
	(pc) =	sbr.rel @p0 .LBB2_8-.Ltmp5, $3  }
0xb5: {  	[hbm:s29], [sflag:s26] =	dma.local [spmem:s31], $0x100  }
0xb6: {  	s28 =	sadd.s32 $0xFFFFFFFF, s28;
	_ =	sdelay $0x1  }
0xb7: {  	s29 =	sadd.s32 $0x1000, s29;
	_ =	swait.ge [sflag:s10], $0x100  }
.LBB2_9:
0xb8: {  	s25 =	sadd.s32 $0x1, s25  }
0xb9: {  	p0 =	sne.s32 s25, s8  }
.Ltmp6:
0xba: {  	_ = 	snop;
	(pc) =	sbr.rel @p0 .LBB2_1-.Ltmp6, $3  }
0xbb: {  	_ =	sdelay $0x1  }
0xbc: {  	[sflag:s10] =	ssyncset.done $0x0  }
0xbd: {  	[sflag:s10] =	ssyncadd.s32 $0xFFFFFF00  }
0xbe: {  	_ =	sfence.sel $0x180000  }
0xbf: {  	[bflag:$0x0] =	sbarrier.arrive $0xFFFF  }
0xc0: {  	p0 =	sne.s32 s0, $0x0;
	_ =	strace $0x9000004D  }
0xc1: {  	s0 =	sadd.s32 @!p0 $0x100000, s1;
	[bflag:$0x2] =	sbarrier.arrive $0xFFFF  }
0xc2: {  	[sflag:s0] =	ssyncadd.tile.s32 @!p0 $0x1;
	_ =	shalt  }
.Lfunc_end2:
_tile_overlayer_lowered:
.L_overlay_start_2:
0xc3: {  	(tag) =	ssettag $0x2  }
0xc4: {  	s0 =	rddreg [dreg:$0x0];
	s2 =	stileid.u32  }
0xc5: {  	s1 =	rddreg [dreg:$0x1];
	p0 =	sne.s32 s2, $0x0  }
0xc6: {  	s3 =	rddreg [dreg:$0x2];
	[bflag:$0x3] =	sbarrier.arrive $0xFFFF;
	s2 =	simm.s32 @!p0 $0x1C05  }
0xc7: {  	[timem:s3], [sflag:s2] =	dma.local @!p0 [hbm:s0], s1  }
0xc8: {  	s0 =	simm.s32 @!p0 $0x5  }
0xc9: {  	_ =	swait.ge @!p0 [sflag:s0], s1  }
0xca: {  	s1 =	ssub.s32 @!p0 $0x0, s1;
	[sflag:s0] =	ssyncset.done @!p0 $0x0  }
0xcb: {  	[sflag:s0] =	ssyncadd.s32 @!p0 s1  }
0xcc: {  	[bflag:$0x3] =	sbarrier.arrive $0xFFFF  }
0xcd: {  	_ =	shalt  }

</sc_bundles>
